<compile_context>
chip_gen: v7x
topology: tpu7x:2x2x1
jax: 0.10.2.dev20260603
libtpu: 0.0.44.dev20260713+nightly
codegen_flags: <defaults>
</compile_context>

<pallas_src>
import functools

import jax
import jax.numpy as jnp
from jax import lax
from jax.experimental import pallas as pl
from jax.experimental.pallas import tpu as pltpu
from jax.experimental.pallas import tpu_sc as plsc

N_DEMAND = 2000
N_MEAS = 10000
H = 128
NC = 2
NS = 16
NW = NC * NS
L = 16

E_MD = 320000
E_MM = 320000
E_LABEL = 100000

CH = 128
EPW = 10240
E_PAD = EPW * NW
NCHUNK = EPW // CH
LPW = 3200
EL_PAD = LPW * NW
LCHUNK = LPW // CH

AGG_ROWS = 2048
SUM_ROWS = 10240
DPW = 64

_f32 = jnp.float32
_i32 = jnp.int32

_SC_PARAMS = pltpu.CompilerParams(use_tc_tiling_on_sc=False,
                                  needs_layout_passes=False)
_SC_MESH = plsc.VectorSubcoreMesh(core_axis_name="c", subcore_axis_name="s")


def _zeros16():
    return jnp.zeros((L,), _f32)


def _zero_rows(rows):
    def zb(i, _):
        for j in range(H // L):
            rows[i, pl.ds(j * L, L)] = _zeros16()
        return 0
    lax.fori_loop(0, CH, zb, 0)


def _sc_md_body(x_aug, src_md, dst_md, w_md, xdem, uemb,
                aggd_out, xd_out,
                aggd_sh, sidx, didx, wbuf, rows, dem_idx, dem_rows, sem):
    c = lax.axis_index("c")
    s = lax.axis_index("s")
    tid = c * NS + s

    _zero_rows(rows)
    pltpu.sync_copy(rows, aggd_sh.at[pl.ds(s * (AGG_ROWS // NS), CH)])
    plsc.subcore_barrier()

    base_e = tid * EPW

    def md_chunk(k, _):
        off = base_e + k * CH
        pltpu.sync_copy(src_md.at[pl.ds(off, CH)], sidx)
        pltpu.sync_copy(dst_md.at[pl.ds(off, CH)], didx)
        pltpu.sync_copy(w_md.at[pl.ds(off, CH)], wbuf)
        pltpu.async_copy(x_aug.at[sidx], rows, sem).wait()

        def scale(g, _):
            wv16 = wbuf[pl.ds(g * L, L)]
            for e2 in range(L):
                wsp = jnp.broadcast_to(wv16[e2], (L,))
                row = g * L + e2
                for j in range(H // L):
                    rows[row, pl.ds(j * L, L)] = rows[row, pl.ds(j * L, L)] * wsp
            return 0
        lax.fori_loop(0, CH // L, scale, 0)

        pltpu.sync_copy(rows, aggd_sh.at[didx], add=True)
        return 0
    lax.fori_loop(0, NCHUNK, md_chunk, 0)

    doff = tid * DPW
    pltpu.sync_copy(xdem.at[pl.ds(doff, DPW)], dem_idx)
    pltpu.async_copy(uemb.at[dem_idx], dem_rows, sem).wait()
    pltpu.sync_copy(dem_rows, xd_out.at[pl.ds(doff, DPW)])

    plsc.subcore_barrier()
    pltpu.sync_copy(aggd_sh.at[pl.ds(s * (AGG_ROWS // NS), AGG_ROWS // NS)],
                    aggd_out.at[c, pl.ds(s * (AGG_ROWS // NS), AGG_ROWS // NS)])


_sc_md = functools.partial(
    pl.kernel,
    _sc_md_body,
    out_type=(
        jax.ShapeDtypeStruct((NC, AGG_ROWS, H), _f32),
        jax.ShapeDtypeStruct((NW * DPW, H), _f32),
    ),
    mesh=_SC_MESH,
    compiler_params=_SC_PARAMS,
    scratch_types=[
        pltpu.VMEM_SHARED((AGG_ROWS, H), _f32),
        pltpu.VMEM((CH,), _i32),
        pltpu.VMEM((CH,), _i32),
        pltpu.VMEM((CH,), _f32),
        pltpu.VMEM((CH, H), _f32),
        pltpu.VMEM((DPW,), _i32),
        pltpu.VMEM((DPW, H), _f32),
        pltpu.SemaphoreType.DMA,
    ],
)


def _sc_mm_body(x_aug, s2, d2,
                summ_out, cnt_out,
                summ_sh, cnt_sh, sidx, didx, rows, ones_buf, czbuf, sem):
    c = lax.axis_index("c")
    s = lax.axis_index("s")
    tid = c * NS + s

    _zero_rows(rows)
    for t in range(SUM_ROWS // NS // CH):
        pltpu.sync_copy(rows, summ_sh.at[pl.ds(s * (SUM_ROWS // NS) + t * CH, CH)])

    def zc(i, _):
        czbuf[i, :] = _zeros16()
        ones_buf[i, :] = jnp.ones((L,), _f32)
        return 0
    lax.fori_loop(0, CH, zc, 0)
    for t in range(SUM_ROWS // NS // CH):
        pltpu.sync_copy(czbuf, cnt_sh.at[pl.ds(s * (SUM_ROWS // NS) + t * CH, CH)])
    plsc.subcore_barrier()

    base_e = tid * EPW

    def mm_chunk(k, _):
        off = base_e + k * CH
        pltpu.sync_copy(s2.at[pl.ds(off, CH)], sidx)
        pltpu.sync_copy(d2.at[pl.ds(off, CH)], didx)
        pltpu.async_copy(x_aug.at[sidx], rows, sem).wait()
        pltpu.sync_copy(rows, summ_sh.at[didx], add=True)
        pltpu.sync_copy(ones_buf, cnt_sh.at[didx], add=True)
        return 0
    lax.fori_loop(0, NCHUNK, mm_chunk, 0)

    plsc.subcore_barrier()
    pltpu.sync_copy(summ_sh.at[pl.ds(s * (SUM_ROWS // NS), SUM_ROWS // NS)],
                    summ_out.at[c, pl.ds(s * (SUM_ROWS // NS), SUM_ROWS // NS)])
    pltpu.sync_copy(cnt_sh.at[pl.ds(s * (SUM_ROWS // NS), SUM_ROWS // NS)],
                    cnt_out.at[c, pl.ds(s * (SUM_ROWS // NS), SUM_ROWS // NS)])


_sc_mm = functools.partial(
    pl.kernel,
    _sc_mm_body,
    out_type=(
        jax.ShapeDtypeStruct((NC, SUM_ROWS, H), _f32),
        jax.ShapeDtypeStruct((NC, SUM_ROWS, L), _f32),
    ),
    mesh=_SC_MESH,
    compiler_params=_SC_PARAMS,
    scratch_types=[
        pltpu.VMEM_SHARED((SUM_ROWS, H), _f32),
        pltpu.VMEM_SHARED((SUM_ROWS, L), _f32),
        pltpu.VMEM((CH,), _i32),
        pltpu.VMEM((CH,), _i32),
        pltpu.VMEM((CH, H), _f32),
        pltpu.VMEM((CH, L), _f32),
        pltpu.VMEM((CH, L), _f32),
        pltpu.SemaphoreType.DMA,
    ],
)


def _sc_decoder_body(zd, zm, labd, labm, out,
                     di, mi, zdr, zmr, obuf, semd, semm):
    c = lax.axis_index("c")
    s = lax.axis_index("s")
    tid = c * NS + s
    base = tid * LPW

    def chunk(k, _):
        off = base + k * CH
        pltpu.sync_copy(labd.at[pl.ds(off, CH)], di)
        pltpu.sync_copy(labm.at[pl.ds(off, CH)], mi)
        cd = pltpu.async_copy(zd.at[di], zdr, semd)
        cm = pltpu.async_copy(zm.at[mi], zmr, semm)
        cd.wait()
        cm.wait()

        lanes = lax.iota(_i32, L)

        def dot_group(g, _):
            vec = _zeros16()
            for e2 in range(L):
                e = g * L + e2
                acc = _zeros16()
                for j in range(H // L):
                    acc = acc + zdr[e, pl.ds(j * L, L)] * zmr[e, pl.ds(j * L, L)]
                s_ = jnp.sum(acc)
                vec = jnp.where(lanes == e2, jnp.broadcast_to(s_, (L,)), vec)
            obuf[pl.ds(g * L, L)] = vec
            return 0
        lax.fori_loop(0, CH // L, dot_group, 0)
        pltpu.sync_copy(obuf, out.at[pl.ds(off, CH)])
        return 0
    lax.fori_loop(0, LCHUNK, chunk, 0)


_sc_decoder = functools.partial(
    pl.kernel,
    _sc_decoder_body,
    out_type=jax.ShapeDtypeStruct((EL_PAD,), _f32),
    mesh=_SC_MESH,
    compiler_params=_SC_PARAMS,
    scratch_types=[
        pltpu.VMEM((CH,), _i32),
        pltpu.VMEM((CH,), _i32),
        pltpu.VMEM((CH, H), _f32),
        pltpu.VMEM((CH, H), _f32),
        pltpu.VMEM((CH,), _f32),
        pltpu.SemaphoreType.DMA,
        pltpu.SemaphoreType.DMA,
    ],
)


def _tc_demand_body(xd_ref, agg_ref, wr_ref, wn_ref, bu_ref, out_ref):
    a = agg_ref[0] + agg_ref[1]
    z = (jnp.dot(xd_ref[...], wr_ref[...], preferred_element_type=_f32)
         + jnp.dot(a, wn_ref[...], preferred_element_type=_f32)
         + bu_ref[...])
    out_ref[...] = jnp.maximum(z, 0.0)


def _tc_meas_body(x_ref, summ_ref, cnt_ref, ws_ref, wn_ref, bm_ref, out_ref):
    ssum = summ_ref[0] + summ_ref[1]
    cnt = cnt_ref[0] + cnt_ref[1]
    c0 = jnp.maximum(cnt[:, 0:1], 1.0)
    mean = ssum / c0
    z = (jnp.dot(x_ref[...], ws_ref[...], preferred_element_type=_f32)
         + jnp.dot(mean, wn_ref[...], preferred_element_type=_f32)
         + bm_ref[...])
    out_ref[...] = jnp.maximum(z, 0.0)


def kernel(x_demand, x_measurement, edge_index_md, edge_index_mm,
           edge_label_index, edge_weight, user_emb, Wu_root, Wu_nbr, bu,
           Wm_self, Wm_nbr, bm):
    i32 = _i32
    src_md = edge_index_md[0].astype(i32)
    dst_md = edge_index_md[1].astype(i32)
    s2 = edge_index_mm[0].astype(i32)
    d2 = edge_index_mm[1].astype(i32)
    lab_d = edge_label_index[0].astype(i32)
    lab_m = edge_label_index[1].astype(i32)

    x_aug = jnp.concatenate([x_measurement, jnp.zeros((1, H), _f32)], axis=0)

    npad = E_PAD - E_MD
    src_md = jnp.concatenate([src_md, jnp.full((npad,), N_MEAS, i32)])
    dst_md = jnp.concatenate([dst_md, jnp.full((npad,), N_DEMAND, i32)])
    w_md = jnp.concatenate([edge_weight, jnp.zeros((npad,), _f32)])
    s2 = jnp.concatenate([s2, jnp.full((npad,), N_MEAS, i32)])
    d2 = jnp.concatenate([d2, jnp.full((npad,), N_MEAS, i32)])

    xdem = jnp.concatenate(
        [x_demand.astype(i32), jnp.zeros((NW * DPW - N_DEMAND,), i32)])

    aggd_p, xd = _sc_md()(x_aug, src_md, dst_md, w_md, xdem, user_emb)
    summ_p, cnt_p = _sc_mm()(x_aug, s2, d2)

    z_demand = pl.pallas_call(
        _tc_demand_body,
        grid=(AGG_ROWS // 256,),
        in_specs=[
            pl.BlockSpec((256, H), lambda i: (i, 0)),
            pl.BlockSpec((NC, 256, H), lambda i: (0, i, 0)),
            pl.BlockSpec((H, H), lambda i: (0, 0)),
            pl.BlockSpec((H, H), lambda i: (0, 0)),
            pl.BlockSpec((1, H), lambda i: (0, 0)),
        ],
        out_specs=pl.BlockSpec((256, H), lambda i: (i, 0)),
        out_shape=jax.ShapeDtypeStruct((AGG_ROWS, H), _f32),
    )(xd, aggd_p, Wu_root, Wu_nbr, bu.reshape(1, H))

    z_meas = pl.pallas_call(
        _tc_meas_body,
        grid=(N_MEAS // 400,),
        in_specs=[
            pl.BlockSpec((400, H), lambda i: (i, 0)),
            pl.BlockSpec((NC, 400, H), lambda i: (0, i, 0)),
            pl.BlockSpec((NC, 400, L), lambda i: (0, i, 0)),
            pl.BlockSpec((H, H), lambda i: (0, 0)),
            pl.BlockSpec((H, H), lambda i: (0, 0)),
            pl.BlockSpec((1, H), lambda i: (0, 0)),
        ],
        out_specs=pl.BlockSpec((400, H), lambda i: (i, 0)),
        out_shape=jax.ShapeDtypeStruct((N_MEAS, H), _f32),
    )(x_measurement, summ_p, cnt_p, Wm_self, Wm_nbr, bm.reshape(1, H))

    lab_d = jnp.concatenate([lab_d, jnp.zeros((EL_PAD - E_LABEL,), i32)])
    lab_m = jnp.concatenate([lab_m, jnp.zeros((EL_PAD - E_LABEL,), i32)])

    out = _sc_decoder()(z_demand, z_meas, lab_d, lab_m)
    return out[:E_LABEL]

# --- scband reference (transcript-rebuilt; emitter-appended) ---
"""Pipeline reference for scband-bipartite-link-pred-46815143526424 (READ-ONLY COPY).

The authoritative reference and input builder live on the scoring server;
editing this copy changes nothing except your own understanding.
"""

import jax, jax.numpy as jnp
import numpy as np

N_DEMAND = 2000
N_MEAS = 10000
HIDDEN = 128
OUT = 128
E_MD = 320000
E_MM = 320000
E_LABEL = 100000


def setup_inputs(seed: int = 0) -> dict:
    key = jax.random.key(seed)
    ks = jax.random.split(key, 12)
    x_demand = jax.random.randint(ks[0], (N_DEMAND,), 0, N_DEMAND, dtype=jnp.int64) if jax.config.jax_enable_x64 else jax.random.randint(ks[0], (N_DEMAND,), 0, N_DEMAND).astype(jnp.int32)
    x_measurement = jax.random.normal(ks[1], (N_MEAS, HIDDEN), dtype=jnp.float32)
    # bipartite measurement -> demand edges: row0 = src (measurement), row1 = dst (demand)
    src_md = jax.random.randint(ks[2], (E_MD,), 0, N_MEAS)
    dst_md = jax.random.randint(ks[3], (E_MD,), 0, N_DEMAND)
    edge_index_md = jnp.stack([src_md, dst_md], axis=0)
    edge_index_mm = jax.random.randint(ks[4], (2, E_MM), 0, N_MEAS)
    lab_d = jax.random.randint(ks[5], (E_LABEL,), 0, N_DEMAND)
    lab_m = jax.random.randint(ks[6], (E_LABEL,), 0, N_MEAS)
    edge_label_index = jnp.stack([lab_d, lab_m], axis=0)
    edge_weight = jax.random.uniform(ks[7], (E_MD,), dtype=jnp.float32)
    # learned parameters
    user_emb = jax.random.normal(ks[8], (N_DEMAND, HIDDEN), dtype=jnp.float32) * 0.02
    sc = 1.0 / np.sqrt(HIDDEN)
    Wu_root = jax.random.normal(ks[9], (HIDDEN, OUT), dtype=jnp.float32) * sc
    Wu_nbr = jax.random.normal(ks[10], (HIDDEN, OUT), dtype=jnp.float32) * sc
    bu = jnp.zeros((OUT,), dtype=jnp.float32)
    k2 = jax.random.split(ks[11], 2)
    Wm_self = jax.random.normal(k2[0], (HIDDEN, OUT), dtype=jnp.float32) * sc
    Wm_nbr = jax.random.normal(k2[1], (HIDDEN, OUT), dtype=jnp.float32) * sc
    bm = jnp.zeros((OUT,), dtype=jnp.float32)
    return {
        'x_demand': x_demand,
        'x_measurement': x_measurement,
        'edge_index_md': edge_index_md,
        'edge_index_mm': edge_index_mm,
        'edge_label_index': edge_label_index,
        'edge_weight': edge_weight,
        'user_emb': user_emb,
        'Wu_root': Wu_root,
        'Wu_nbr': Wu_nbr,
        'bu': bu,
        'Wm_self': Wm_self,
        'Wm_nbr': Wm_nbr,
        'bm': bm,
    }


def reference(x_demand, x_measurement, edge_index_md, edge_index_mm, edge_label_index,
              edge_weight, user_emb, Wu_root, Wu_nbr, bu, Wm_self, Wm_nbr, bm):
    # x_dict['demand'] = self.user_emb(x_dict['demand'])  (embedding lookup)
    xd = jnp.take(user_emb, x_demand, axis=0)  # [N_DEMAND, HIDDEN]
    # user_encoder: weighted GraphConv on bipartite (measurement -> demand)
    # GraphConv: z_i = W_root x_i + sum_{j in N(i)} w_ji * W_nbr x_j + b
    src, dst = edge_index_md[0], edge_index_md[1]
    nbr = x_measurement @ Wu_nbr  # [N_MEAS, OUT]
    msgs = jnp.take(nbr, src, axis=0) * edge_weight[:, None]
    agg_d = jax.ops.segment_sum(msgs, dst, num_segments=N_DEMAND)
    z_demand = jax.nn.relu(xd @ Wu_root + agg_d + bu)
    # movie_encoder: SAGEConv (mean aggregation) on measurement metapath graph
    s2, d2 = edge_index_mm[0], edge_index_mm[1]
    gathered = jnp.take(x_measurement, s2, axis=0)
    summed = jax.ops.segment_sum(gathered, d2, num_segments=N_MEAS)
    cnt = jax.ops.segment_sum(jnp.ones((s2.shape[0],), dtype=jnp.float32), d2, num_segments=N_MEAS)
    mean = summed / jnp.clip(cnt, 1.0)[:, None]
    z_meas = jax.nn.relu(x_measurement @ Wm_self + mean @ Wm_nbr + bm)
    # decoder: dot-product link regression at edge_label_index pairs
    zd = jnp.take(z_demand, edge_label_index[0], axis=0)
    zm = jnp.take(z_meas, edge_label_index[1], axis=0)
    return jnp.sum(zd * zm, axis=-1)  # [E_LABEL]

if __name__ == "__main__":
    import jax
    _d = setup_inputs()
    print(jax.jit(kernel)(*tuple(_d.values())))

</pallas_src>

<mosaic_0001>
#map = affine_map<(d0, d1) -> (0, 0)>
#map1 = affine_map<(d0, d1) -> (0)>
module attributes {stable_mosaic.version = 14 : i64} {
  func.func @_sc_decoder_body(%arg0: i32, %arg1: i32, %arg2: memref<2048x128xf32, #tpu.memory_space<hbm>>, %arg3: memref<10000x128xf32, #tpu.memory_space<hbm>>, %arg4: memref<102400xi32, #tpu.memory_space<hbm>>, %arg5: memref<102400xi32, #tpu.memory_space<hbm>>, %arg6: memref<102400xf32, #tpu.memory_space<hbm>>, %arg7: memref<128xi32, #tpu.memory_space<vmem>>, %arg8: memref<128xi32, #tpu.memory_space<vmem>>, %arg9: memref<128x128xf32, #tpu.memory_space<vmem>>, %arg10: memref<128x128xf32, #tpu.memory_space<vmem>>, %arg11: memref<128xf32, #tpu.memory_space<vmem>>, %arg12: memref<!tpu.dma_semaphore, #tpu.memory_space<semaphore_mem>>, %arg13: memref<!tpu.dma_semaphore, #tpu.memory_space<semaphore_mem>>) attributes {dimension_semantics = [#tpu.dimension_semantics<core_parallel>, #tpu.dimension_semantics<subcore_parallel>], iteration_bounds = array<i64: 2, 16>, scalar_prefetch = 0 : i64, scratch_operands = 7 : i64, tpu.core_type = #tpu.core_type<sc_vector_subcore>, window_params = [{transform_indices = #map}, {transform_indices = #map}, {transform_indices = #map1}, {transform_indices = #map1}, {transform_indices = #map1}]} {
    %mul3A = arith.constant 16 : i32
    %mul3A_0 = arith.muli %arg0, %mul3A : i32
    %add3A = arith.addi %mul3A_0, %arg1 : i32
    %mul3A_1 = arith.constant 3200 : i32
    %mul3A_2 = arith.muli %add3A, %mul3A_1 : i32
    %scan3A = arith.constant 0 : i32
    %scan3A_3 = arith.constant 0 : i32
    %scan3A_4 = arith.constant 25 : i32
    %scan3A_5 = arith.addi %scan3A_3, %scan3A_4 : i32
    %scan3A_6 = arith.constant 1 : i32
    %scan3A_7 = scf.for %scan3A_9 = %scan3A_3 to %scan3A_5 step %scan3A_6 iter_args(%scan3A_10 = %scan3A) -> (i32)  : i32 {
      %mul3A_11 = arith.constant 128 : i32
      %mul3A_12 = arith.muli %scan3A_9, %mul3A_11 : i32
      %add3A_13 = arith.addi %mul3A_2, %mul3A_12 : i32
      "tpu.region"() ({
        %run_scoped3A = tpu.sem_alloc : memref<!tpu.dma_semaphore, #tpu.memory_space<semaphore_mem>>
        %dma_start3A_32 = tpu.memref_slice %arg4[%add3A_13] : memref<102400xi32, #tpu.memory_space<hbm>> -> memref<128xi32, #tpu.memory_space<hbm>>
        %dma_start3A_33 = tpu.memref_slice %arg4[%add3A_13] : memref<102400xi32, #tpu.memory_space<hbm>> -> memref<128xi32, #tpu.memory_space<hbm>>
        tpu.enqueue_dma source(%dma_start3A_33 : memref<128xi32, #tpu.memory_space<hbm>>) target(%arg7 : memref<128xi32, #tpu.memory_space<vmem>>) target_semaphore(%run_scoped3A : memref<!tpu.dma_semaphore, #tpu.memory_space<semaphore_mem>>)
        %dma_wait3A_34 = tpu.memref_slice %arg4[%add3A_13] : memref<102400xi32, #tpu.memory_space<hbm>> -> memref<128xi32, #tpu.memory_space<hbm>>
        %dma_wait3A_35 = tpu.memref_slice %arg4[%add3A_13] : memref<102400xi32, #tpu.memory_space<hbm>> -> memref<128xi32, #tpu.memory_space<hbm>>
        tpu.wait_dma2 semaphore(%run_scoped3A : memref<!tpu.dma_semaphore, #tpu.memory_space<semaphore_mem>>) src(%dma_wait3A_35 : memref<128xi32, #tpu.memory_space<hbm>>) dst(%arg7 : memref<128xi32, #tpu.memory_space<vmem>>)
        tpu.yield
      }) : () -> ()
      "tpu.region"() ({
        %run_scoped3A = tpu.sem_alloc : memref<!tpu.dma_semaphore, #tpu.memory_space<semaphore_mem>>
        %dma_start3A_32 = tpu.memref_slice %arg5[%add3A_13] : memref<102400xi32, #tpu.memory_space<hbm>> -> memref<128xi32, #tpu.memory_space<hbm>>
        %dma_start3A_33 = tpu.memref_slice %arg5[%add3A_13] : memref<102400xi32, #tpu.memory_space<hbm>> -> memref<128xi32, #tpu.memory_space<hbm>>
        tpu.enqueue_dma source(%dma_start3A_33 : memref<128xi32, #tpu.memory_space<hbm>>) target(%arg8 : memref<128xi32, #tpu.memory_space<vmem>>) target_semaphore(%run_scoped3A : memref<!tpu.dma_semaphore, #tpu.memory_space<semaphore_mem>>)
        %dma_wait3A_34 = tpu.memref_slice %arg5[%add3A_13] : memref<102400xi32, #tpu.memory_space<hbm>> -> memref<128xi32, #tpu.memory_space<hbm>>
        %dma_wait3A_35 = tpu.memref_slice %arg5[%add3A_13] : memref<102400xi32, #tpu.memory_space<hbm>> -> memref<128xi32, #tpu.memory_space<hbm>>
        tpu.wait_dma2 semaphore(%run_scoped3A : memref<!tpu.dma_semaphore, #tpu.memory_space<semaphore_mem>>) src(%dma_wait3A_35 : memref<128xi32, #tpu.memory_space<hbm>>) dst(%arg8 : memref<128xi32, #tpu.memory_space<vmem>>)
        tpu.yield
      }) : () -> ()
      %dma_start3A = arith.constant 0 : i32
      %dma_start3A_14 = arith.constant 0 : i32
      %dma_start3A_15 = tpu.memref_slice %arg2[%dma_start3A, %dma_start3A_14] : memref<2048x128xf32, #tpu.memory_space<hbm>> -> memref<2048x128xf32, #tpu.memory_space<hbm>>
      tpu.enqueue_indirect_dma source(%dma_start3A_15 : memref<2048x128xf32, #tpu.memory_space<hbm>>) target(%arg9 : memref<128x128xf32, #tpu.memory_space<vmem>>) offsets(%arg7 : memref<128xi32, #tpu.memory_space<vmem>>) semaphore(%arg12 : memref<!tpu.dma_semaphore, #tpu.memory_space<semaphore_mem>>)
      %dma_start3A_16 = arith.constant 0 : i32
      %dma_start3A_17 = arith.constant 0 : i32
      %dma_start3A_18 = tpu.memref_slice %arg3[%dma_start3A_16, %dma_start3A_17] : memref<10000x128xf32, #tpu.memory_space<hbm>> -> memref<10000x128xf32, #tpu.memory_space<hbm>>
      tpu.enqueue_indirect_dma source(%dma_start3A_18 : memref<10000x128xf32, #tpu.memory_space<hbm>>) target(%arg10 : memref<128x128xf32, #tpu.memory_space<vmem>>) offsets(%arg8 : memref<128xi32, #tpu.memory_space<vmem>>) semaphore(%arg13 : memref<!tpu.dma_semaphore, #tpu.memory_space<semaphore_mem>>)
      %dma_wait3A = arith.constant 0 : i32
      %dma_wait3A_19 = arith.constant 0 : i32
      %dma_wait3A_20 = tpu.memref_slice %arg2[%dma_wait3A, %dma_wait3A_19] : memref<2048x128xf32, #tpu.memory_space<hbm>> -> memref<2048x128xf32, #tpu.memory_space<hbm>>
      tpu.wait_indirect_dma semaphore(%arg12 : memref<!tpu.dma_semaphore, #tpu.memory_space<semaphore_mem>>) src(%dma_wait3A_20 : memref<2048x128xf32, #tpu.memory_space<hbm>>) dst(%arg9 : memref<128x128xf32, #tpu.memory_space<vmem>>)
      %dma_wait3A_21 = arith.constant 0 : i32
      %dma_wait3A_22 = arith.constant 0 : i32
      %dma_wait3A_23 = tpu.memref_slice %arg3[%dma_wait3A_21, %dma_wait3A_22] : memref<10000x128xf32, #tpu.memory_space<hbm>> -> memref<10000x128xf32, #tpu.memory_space<hbm>>
      tpu.wait_indirect_dma semaphore(%arg13 : memref<!tpu.dma_semaphore, #tpu.memory_space<semaphore_mem>>) src(%dma_wait3A_23 : memref<10000x128xf32, #tpu.memory_space<hbm>>) dst(%arg10 : memref<128x128xf32, #tpu.memory_space<vmem>>)
      %iota3A = tpu.iota {dimensions = array<i32: 0>} : vector<16xi32>
      %scan3A_24 = arith.constant 0 : i32
      %scan3A_25 = arith.constant 0 : i32
      %scan3A_26 = arith.constant 8 : i32
      %scan3A_27 = arith.addi %scan3A_25, %scan3A_26 : i32
      %scan3A_28 = arith.constant 1 : i32
      %scan3A_29 = scf.for %scan3A_32 = %scan3A_25 to %scan3A_27 step %scan3A_28 iter_args(%scan3A_33 = %scan3A_24) -> (i32)  : i32 {
        %broadcast_in_dim3A = arith.constant 0.000000e+00 : f32
        %broadcast_in_dim3A_34 = vector.broadcast %broadcast_in_dim3A : f32 to vector<16xf32>
        %mul3A_35 = arith.constant 16 : i32
        %mul3A_36 = arith.muli %scan3A_32, %mul3A_35 : i32
        %add3A_37 = arith.constant 0 : i32
        %add3A_38 = arith.addi %mul3A_36, %add3A_37 : i32
        %broadcast_in_dim3A_39 = arith.constant 0.000000e+00 : f32
        %broadcast_in_dim3A_40 = vector.broadcast %broadcast_in_dim3A_39 : f32 to vector<16xf32>
        %get3A = arith.index_cast %add3A_38 : i32 to index
        %get3A_41 = arith.constant 0 : index
        %get3A_42 = tpu.vector_load %arg9[%get3A, %get3A_41] {strides = array<i32>} : memref<128x128xf32, #tpu.memory_space<vmem>>, vector<16xf32>,
        %get3A_43 = arith.index_cast %add3A_38 : i32 to index
        %get3A_44 = arith.constant 0 : index
        %get3A_45 = tpu.vector_load %arg10[%get3A_43, %get3A_44] {strides = array<i32>} : memref<128x128xf32, #tpu.memory_space<vmem>>, vector<16xf32>,
        %mul3A_46 = arith.mulf %get3A_42, %get3A_45 : vector<16xf32>
        %add3A_47 = arith.addf %broadcast_in_dim3A_40, %mul3A_46 : vector<16xf32>
        %get3A_48 = arith.index_cast %add3A_38 : i32 to index
        %get3A_49 = arith.constant 16 : index
        %get3A_50 = tpu.vector_load %arg9[%get3A_48, %get3A_49] {strides = array<i32>} : memref<128x128xf32, #tpu.memory_space<vmem>>, vector<16xf32>,
        %get3A_51 = arith.index_cast %add3A_38 : i32 to index
        %get3A_52 = arith.constant 16 : index
        %get3A_53 = tpu.vector_load %arg10[%get3A_51, %get3A_52] {strides = array<i32>} : memref<128x128xf32, #tpu.memory_space<vmem>>, vector<16xf32>,
        %mul3A_54 = arith.mulf %get3A_50, %get3A_53 : vector<16xf32>
        %add3A_55 = arith.addf %add3A_47, %mul3A_54 : vector<16xf32>
        %get3A_56 = arith.index_cast %add3A_38 : i32 to index
        %get3A_57 = arith.constant 32 : index
        %get3A_58 = tpu.vector_load %arg9[%get3A_56, %get3A_57] {strides = array<i32>} : memref<128x128xf32, #tpu.memory_space<vmem>>, vector<16xf32>,
        %get3A_59 = arith.index_cast %add3A_38 : i32 to index
        %get3A_60 = arith.constant 32 : index
        %get3A_61 = tpu.vector_load %arg10[%get3A_59, %get3A_60] {strides = array<i32>} : memref<128x128xf32, #tpu.memory_space<vmem>>, vector<16xf32>,
        %mul3A_62 = arith.mulf %get3A_58, %get3A_61 : vector<16xf32>
        %add3A_63 = arith.addf %add3A_55, %mul3A_62 : vector<16xf32>
        %get3A_64 = arith.index_cast %add3A_38 : i32 to index
        %get3A_65 = arith.constant 48 : index
        %get3A_66 = tpu.vector_load %arg9[%get3A_64, %get3A_65] {strides = array<i32>} : memref<128x128xf32, #tpu.memory_space<vmem>>, vector<16xf32>,
        %get3A_67 = arith.index_cast %add3A_38 : i32 to index
        %get3A_68 = arith.constant 48 : index
        %get3A_69 = tpu.vector_load %arg10[%get3A_67, %get3A_68] {strides = array<i32>} : memref<128x128xf32, #tpu.memory_space<vmem>>, vector<16xf32>,
        %mul3A_70 = arith.mulf %get3A_66, %get3A_69 : vector<16xf32>
        %add3A_71 = arith.addf %add3A_63, %mul3A_70 : vector<16xf32>
        %get3A_72 = arith.index_cast %add3A_38 : i32 to index
        %get3A_73 = arith.constant 64 : index
        %get3A_74 = tpu.vector_load %arg9[%get3A_72, %get3A_73] {strides = array<i32>} : memref<128x128xf32, #tpu.memory_space<vmem>>, vector<16xf32>,
        %get3A_75 = arith.index_cast %add3A_38 : i32 to index
        %get3A_76 = arith.constant 64 : index
        %get3A_77 = tpu.vector_load %arg10[%get3A_75, %get3A_76] {strides = array<i32>} : memref<128x128xf32, #tpu.memory_space<vmem>>, vector<16xf32>,
        %mul3A_78 = arith.mulf %get3A_74, %get3A_77 : vector<16xf32>
        %add3A_79 = arith.addf %add3A_71, %mul3A_78 : vector<16xf32>
        %get3A_80 = arith.index_cast %add3A_38 : i32 to index
        %get3A_81 = arith.constant 80 : index
        %get3A_82 = tpu.vector_load %arg9[%get3A_80, %get3A_81] {strides = array<i32>} : memref<128x128xf32, #tpu.memory_space<vmem>>, vector<16xf32>,
        %get3A_83 = arith.index_cast %add3A_38 : i32 to index
        %get3A_84 = arith.constant 80 : index
        %get3A_85 = tpu.vector_load %arg10[%get3A_83, %get3A_84] {strides = array<i32>} : memref<128x128xf32, #tpu.memory_space<vmem>>, vector<16xf32>,
        %mul3A_86 = arith.mulf %get3A_82, %get3A_85 : vector<16xf32>
        %add3A_87 = arith.addf %add3A_79, %mul3A_86 : vector<16xf32>
        %get3A_88 = arith.index_cast %add3A_38 : i32 to index
        %get3A_89 = arith.constant 96 : index
        %get3A_90 = tpu.vector_load %arg9[%get3A_88, %get3A_89] {strides = array<i32>} : memref<128x128xf32, #tpu.memory_space<vmem>>, vector<16xf32>,
        %get3A_91 = arith.index_cast %add3A_38 : i32 to index
        %get3A_92 = arith.constant 96 : index
        %get3A_93 = tpu.vector_load %arg10[%get3A_91, %get3A_92] {strides = array<i32>} : memref<128x128xf32, #tpu.memory_space<vmem>>, vector<16xf32>,
        %mul3A_94 = arith.mulf %get3A_90, %get3A_93 : vector<16xf32>
        %add3A_95 = arith.addf %add3A_87, %mul3A_94 : vector<16xf32>
        %get3A_96 = arith.index_cast %add3A_38 : i32 to index
        %get3A_97 = arith.constant 112 : index
        %get3A_98 = tpu.vector_load %arg9[%get3A_96, %get3A_97] {strides = array<i32>} : memref<128x128xf32, #tpu.memory_space<vmem>>, vector<16xf32>,
        %get3A_99 = arith.index_cast %add3A_38 : i32 to index
        %get3A_100 = arith.constant 112 : index
        %get3A_101 = tpu.vector_load %arg10[%get3A_99, %get3A_100] {strides = array<i32>} : memref<128x128xf32, #tpu.memory_space<vmem>>, vector<16xf32>,
        %mul3A_102 = arith.mulf %get3A_98, %get3A_101 : vector<16xf32>
        %add3A_103 = arith.addf %add3A_95, %mul3A_102 : vector<16xf32>
        %reduce_sum3A = arith.constant true
        %reduce_sum3A_104 = vector.broadcast %reduce_sum3A : i1 to vector<16xi1>
        %reduce_sum3A_105 = tpu.scan <sum>, %add3A_103 masked %reduce_sum3A_104 : vector<16xf32>, vector<16xi1> -> vector<16xf32>
        %reduce_sum3A_106 = vector.extract %reduce_sum3A_105[15] : f32 from vector<16xf32>
        %eq3A = arith.constant 0 : i32
        %eq3A_107 = vector.broadcast %eq3A : i32 to vector<16xi32>
        %eq3A_108 = arith.cmpi eq, %iota3A, %eq3A_107 : vector<16xi32>
        %broadcast_in_dim3A_109 = vector.broadcast %reduce_sum3A_106 : f32 to vector<16xf32>
        %select_n3A = arith.select %eq3A_108, %broadcast_in_dim3A_109, %broadcast_in_dim3A_34 : vector<16xi1>, vector<16xf32>
        %mul3A_110 = arith.constant 16 : i32
        %mul3A_111 = arith.muli %scan3A_32, %mul3A_110 : i32
        %add3A_112 = arith.constant 1 : i32
        %add3A_113 = arith.addi %mul3A_111, %add3A_112 : i32
        %broadcast_in_dim3A_114 = arith.constant 0.000000e+00 : f32
        %broadcast_in_dim3A_115 = vector.broadcast %broadcast_in_dim3A_114 : f32 to vector<16xf32>
        %get3A_116 = arith.index_cast %add3A_113 : i32 to index
        %get3A_117 = arith.constant 0 : index
        %get3A_118 = tpu.vector_load %arg9[%get3A_116, %get3A_117] {strides = array<i32>} : memref<128x128xf32, #tpu.memory_space<vmem>>, vector<16xf32>,
        %get3A_119 = arith.index_cast %add3A_113 : i32 to index
        %get3A_120 = arith.constant 0 : index
        %get3A_121 = tpu.vector_load %arg10[%get3A_119, %get3A_120] {strides = array<i32>} : memref<128x128xf32, #tpu.memory_space<vmem>>, vector<16xf32>,
        %mul3A_122 = arith.mulf %get3A_118, %get3A_121 : vector<16xf32>
        %add3A_123 = arith.addf %broadcast_in_dim3A_115, %mul3A_122 : vector<16xf32>
        %get3A_124 = arith.index_cast %add3A_113 : i32 to index
        %get3A_125 = arith.constant 16 : index
        %get3A_126 = tpu.vector_load %arg9[%get3A_124, %get3A_125] {strides = array<i32>} : memref<128x128xf32, #tpu.memory_space<vmem>>, vector<16xf32>,
        %get3A_127 = arith.index_cast %add3A_113 : i32 to index
        %get3A_128 = arith.constant 16 : index
        %get3A_129 = tpu.vector_load %arg10[%get3A_127, %get3A_128] {strides = array<i32>} : memref<128x128xf32, #tpu.memory_space<vmem>>, vector<16xf32>,
        %mul3A_130 = arith.mulf %get3A_126, %get3A_129 : vector<16xf32>
        %add3A_131 = arith.addf %add3A_123, %mul3A_130 : vector<16xf32>
        %get3A_132 = arith.index_cast %add3A_113 : i32 to index
        %get3A_133 = arith.constant 32 : index
        %get3A_134 = tpu.vector_load %arg9[%get3A_132, %get3A_133] {strides = array<i32>} : memref<128x128xf32, #tpu.memory_space<vmem>>, vector<16xf32>,
        %get3A_135 = arith.index_cast %add3A_113 : i32 to index
        %get3A_136 = arith.constant 32 : index
        %get3A_137 = tpu.vector_load %arg10[%get3A_135, %get3A_136] {strides = array<i32>} : memref<128x128xf32, #tpu.memory_space<vmem>>, vector<16xf32>,
        %mul3A_138 = arith.mulf %get3A_134, %get3A_137 : vector<16xf32>
        %add3A_139 = arith.addf %add3A_131, %mul3A_138 : vector<16xf32>
        %get3A_140 = arith.index_cast %add3A_113 : i32 to index
        %get3A_141 = arith.constant 48 : index
        %get3A_142 = tpu.vector_load %arg9[%get3A_140, %get3A_141] {strides = array<i32>} : memref<128x128xf32, #tpu.memory_space<vmem>>, vector<16xf32>,
        %get3A_143 = arith.index_cast %add3A_113 : i32 to index
        %get3A_144 = arith.constant 48 : index
        %get3A_145 = tpu.vector_load %arg10[%get3A_143, %get3A_144] {strides = array<i32>} : memref<128x128xf32, #tpu.memory_space<vmem>>, vector<16xf32>,
        %mul3A_146 = arith.mulf %get3A_142, %get3A_145 : vector<16xf32>
        %add3A_147 = arith.addf %add3A_139, %mul3A_146 : vector<16xf32>
        %get3A_148 = arith.index_cast %add3A_113 : i32 to index
        %get3A_149 = arith.constant 64 : index
        %get3A_150 = tpu.vector_load %arg9[%get3A_148, %get3A_149] {strides = array<i32>} : memref<128x128xf32, #tpu.memory_space<vmem>>, vector<16xf32>,
        %get3A_151 = arith.index_cast %add3A_113 : i32 to index
        %get3A_152 = arith.constant 64 : index
        %get3A_153 = tpu.vector_load %arg10[%get3A_151, %get3A_152] {strides = array<i32>} : memref<128x128xf32, #tpu.memory_space<vmem>>, vector<16xf32>,
        %mul3A_154 = arith.mulf %get3A_150, %get3A_153 : vector<16xf32>
        %add3A_155 = arith.addf %add3A_147, %mul3A_154 : vector<16xf32>
        %get3A_156 = arith.index_cast %add3A_113 : i32 to index
        %get3A_157 = arith.constant 80 : index
        %get3A_158 = tpu.vector_load %arg9[%get3A_156, %get3A_157] {strides = array<i32>} : memref<128x128xf32, #tpu.memory_space<vmem>>, vector<16xf32>,
        %get3A_159 = arith.index_cast %add3A_113 : i32 to index
        %get3A_160 = arith.constant 80 : index
        %get3A_161 = tpu.vector_load %arg10[%get3A_159, %get3A_160] {strides = array<i32>} : memref<128x128xf32, #tpu.memory_space<vmem>>, vector<16xf32>,
        %mul3A_162 = arith.mulf %get3A_158, %get3A_161 : vector<16xf32>
        %add3A_163 = arith.addf %add3A_155, %mul3A_162 : vector<16xf32>
        %get3A_164 = arith.index_cast %add3A_113 : i32 to index
        %get3A_165 = arith.constant 96 : index
        %get3A_166 = tpu.vector_load %arg9[%get3A_164, %get3A_165] {strides = array<i32>} : memref<128x128xf32, #tpu.memory_space<vmem>>, vector<16xf32>,
        %get3A_167 = arith.index_cast %add3A_113 : i32 to index
        %get3A_168 = arith.constant 96 : index
        %get3A_169 = tpu.vector_load %arg10[%get3A_167, %get3A_168] {strides = array<i32>} : memref<128x128xf32, #tpu.memory_space<vmem>>, vector<16xf32>,
        %mul3A_170 = arith.mulf %get3A_166, %get3A_169 : vector<16xf32>
        %add3A_171 = arith.addf %add3A_163, %mul3A_170 : vector<16xf32>
        %get3A_172 = arith.index_cast %add3A_113 : i32 to index
        %get3A_173 = arith.constant 112 : index
        %get3A_174 = tpu.vector_load %arg9[%get3A_172, %get3A_173] {strides = array<i32>} : memref<128x128xf32, #tpu.memory_space<vmem>>, vector<16xf32>,
        %get3A_175 = arith.index_cast %add3A_113 : i32 to index
        %get3A_176 = arith.constant 112 : index
        %get3A_177 = tpu.vector_load %arg10[%get3A_175, %get3A_176] {strides = array<i32>} : memref<128x128xf32, #tpu.memory_space<vmem>>, vector<16xf32>,
        %mul3A_178 = arith.mulf %get3A_174, %get3A_177 : vector<16xf32>
        %add3A_179 = arith.addf %add3A_171, %mul3A_178 : vector<16xf32>
        %reduce_sum3A_180 = arith.constant true
        %reduce_sum3A_181 = vector.broadcast %reduce_sum3A_180 : i1 to vector<16xi1>
        %reduce_sum3A_182 = tpu.scan <sum>, %add3A_179 masked %reduce_sum3A_181 : vector<16xf32>, vector<16xi1> -> vector<16xf32>
        %reduce_sum3A_183 = vector.extract %reduce_sum3A_182[15] : f32 from vector<16xf32>
        %eq3A_184 = arith.constant 1 : i32
        %eq3A_185 = vector.broadcast %eq3A_184 : i32 to vector<16xi32>
        %eq3A_186 = arith.cmpi eq, %iota3A, %eq3A_185 : vector<16xi32>
        %broadcast_in_dim3A_187 = vector.broadcast %reduce_sum3A_183 : f32 to vector<16xf32>
        %select_n3A_188 = arith.select %eq3A_186, %broadcast_in_dim3A_187, %select_n3A : vector<16xi1>, vector<16xf32>
        %mul3A_189 = arith.constant 16 : i32
        %mul3A_190 = arith.muli %scan3A_32, %mul3A_189 : i32
        %add3A_191 = arith.constant 2 : i32
        %add3A_192 = arith.addi %mul3A_190, %add3A_191 : i32
        %broadcast_in_dim3A_193 = arith.constant 0.000000e+00 : f32
        %broadcast_in_dim3A_194 = vector.broadcast %broadcast_in_dim3A_193 : f32 to vector<16xf32>
        %get3A_195 = arith.index_cast %add3A_192 : i32 to index
        %get3A_196 = arith.constant 0 : index
        %get3A_197 = tpu.vector_load %arg9[%get3A_195, %get3A_196] {strides = array<i32>} : memref<128x128xf32, #tpu.memory_space<vmem>>, vector<16xf32>,
        %get3A_198 = arith.index_cast %add3A_192 : i32 to index
        %get3A_199 = arith.constant 0 : index
        %get3A_200 = tpu.vector_load %arg10[%get3A_198, %get3A_199] {strides = array<i32>} : memref<128x128xf32, #tpu.memory_space<vmem>>, vector<16xf32>,
        %mul3A_201 = arith.mulf %get3A_197, %get3A_200 : vector<16xf32>
        %add3A_202 = arith.addf %broadcast_in_dim3A_194, %mul3A_201 : vector<16xf32>
        %get3A_203 = arith.index_cast %add3A_192 : i32 to index
        %get3A_204 = arith.constant 16 : index
        %get3A_205 = tpu.vector_load %arg9[%get3A_203, %get3A_204] {strides = array<i32>} : memref<128x128xf32, #tpu.memory_space<vmem>>, vector<16xf32>,
        %get3A_206 = arith.index_cast %add3A_192 : i32 to index
        %get3A_207 = arith.constant 16 : index
        %get3A_208 = tpu.vector_load %arg10[%get3A_206, %get3A_207] {strides = array<i32>} : memref<128x128xf32, #tpu.memory_space<vmem>>, vector<16xf32>,
        %mul3A_209 = arith.mulf %get3A_205, %get3A_208 : vector<16xf32>
        %add3A_210 = arith.addf %add3A_202, %mul3A_209 : vector<16xf32>
        %get3A_211 = arith.index_cast %add3A_192 : i32 to index
        %get3A_212 = arith.constant 32 : index
        %get3A_213 = tpu.vector_load %arg9[%get3A_211, %get3A_212] {strides = array<i32>} : memref<128x128xf32, #tpu.memory_space<vmem>>, vector<16xf32>,
        %get3A_214 = arith.index_cast %add3A_192 : i32 to index
        %get3A_215 = arith.constant 32 : index
        %get3A_216 = tpu.vector_load %arg10[%get3A_214, %get3A_215] {strides = array<i32>} : memref<128x128xf32, #tpu.memory_space<vmem>>, vector<16xf32>,
        %mul3A_217 = arith.mulf %get3A_213, %get3A_216 : vector<16xf32>
        %add3A_218 = arith.addf %add3A_210, %mul3A_217 : vector<16xf32>
        %get3A_219 = arith.index_cast %add3A_192 : i32 to index
        %get3A_220 = arith.constant 48 : index
        %get3A_221 = tpu.vector_load %arg9[%get3A_219, %get3A_220] {strides = array<i32>} : memref<128x128xf32, #tpu.memory_space<vmem>>, vector<16xf32>,
        %get3A_222 = arith.index_cast %add3A_192 : i32 to index
        %get3A_223 = arith.constant 48 : index
        %get3A_224 = tpu.vector_load %arg10[%get3A_222, %get3A_223] {strides = array<i32>} : memref<128x128xf32, #tpu.memory_space<vmem>>, vector<16xf32>,
        %mul3A_225 = arith.mulf %get3A_221, %get3A_224 : vector<16xf32>
        %add3A_226 = arith.addf %add3A_218, %mul3A_225 : vector<16xf32>
        %get3A_227 = arith.index_cast %add3A_192 : i32 to index
        %get3A_228 = arith.constant 64 : index
        %get3A_229 = tpu.vector_load %arg9[%get3A_227, %get3A_228] {strides = array<i32>} : memref<128x128xf32, #tpu.memory_space<vmem>>, vector<16xf32>,
        %get3A_230 = arith.index_cast %add3A_192 : i32 to index
        %get3A_231 = arith.constant 64 : index
        %get3A_232 = tpu.vector_load %arg10[%get3A_230, %get3A_231] {strides = array<i32>} : memref<128x128xf32, #tpu.memory_space<vmem>>, vector<16xf32>,
        %mul3A_233 = arith.mulf %get3A_229, %get3A_232 : vector<16xf32>
        %add3A_234 = arith.addf %add3A_226, %mul3A_233 : vector<16xf32>
        %get3A_235 = arith.index_cast %add3A_192 : i32 to index
        %get3A_236 = arith.constant 80 : index
        %get3A_237 = tpu.vector_load %arg9[%get3A_235, %get3A_236] {strides = array<i32>} : memref<128x128xf32, #tpu.memory_space<vmem>>, vector<16xf32>,
        %get3A_238 = arith.index_cast %add3A_192 : i32 to index
        %get3A_239 = arith.constant 80 : index
        %get3A_240 = tpu.vector_load %arg10[%get3A_238, %get3A_239] {strides = array<i32>} : memref<128x128xf32, #tpu.memory_space<vmem>>, vector<16xf32>,
        %mul3A_241 = arith.mulf %get3A_237, %get3A_240 : vector<16xf32>
        %add3A_242 = arith.addf %add3A_234, %mul3A_241 : vector<16xf32>
        %get3A_243 = arith.index_cast %add3A_192 : i32 to index
        %get3A_244 = arith.constant 96 : index
        %get3A_245 = tpu.vector_load %arg9[%get3A_243, %get3A_244] {strides = array<i32>} : memref<128x128xf32, #tpu.memory_space<vmem>>, vector<16xf32>,
        %get3A_246 = arith.index_cast %add3A_192 : i32 to index
        %get3A_247 = arith.constant 96 : index
        %get3A_248 = tpu.vector_load %arg10[%get3A_246, %get3A_247] {strides = array<i32>} : memref<128x128xf32, #tpu.memory_space<vmem>>, vector<16xf32>,
        %mul3A_249 = arith.mulf %get3A_245, %get3A_248 : vector<16xf32>
        %add3A_250 = arith.addf %add3A_242, %mul3A_249 : vector<16xf32>
        %get3A_251 = arith.index_cast %add3A_192 : i32 to index
        %get3A_252 = arith.constant 112 : index
        %get3A_253 = tpu.vector_load %arg9[%get3A_251, %get3A_252] {strides = array<i32>} : memref<128x128xf32, #tpu.memory_space<vmem>>, vector<16xf32>,
        %get3A_254 = arith.index_cast %add3A_192 : i32 to index
        %get3A_255 = arith.constant 112 : index
        %get3A_256 = tpu.vector_load %arg10[%get3A_254, %get3A_255] {strides = array<i32>} : memref<128x128xf32, #tpu.memory_space<vmem>>, vector<16xf32>,
        %mul3A_257 = arith.mulf %get3A_253, %get3A_256 : vector<16xf32>
        %add3A_258 = arith.addf %add3A_250, %mul3A_257 : vector<16xf32>
        %reduce_sum3A_259 = arith.constant true
        %reduce_sum3A_260 = vector.broadcast %reduce_sum3A_259 : i1 to vector<16xi1>
        %reduce_sum3A_261 = tpu.scan <sum>, %add3A_258 masked %reduce_sum3A_260 : vector<16xf32>, vector<16xi1> -> vector<16xf32>
        %reduce_sum3A_262 = vector.extract %reduce_sum3A_261[15] : f32 from vector<16xf32>
        %eq3A_263 = arith.constant 2 : i32
        %eq3A_264 = vector.broadcast %eq3A_263 : i32 to vector<16xi32>
        %eq3A_265 = arith.cmpi eq, %iota3A, %eq3A_264 : vector<16xi32>
        %broadcast_in_dim3A_266 = vector.broadcast %reduce_sum3A_262 : f32 to vector<16xf32>
        %select_n3A_267 = arith.select %eq3A_265, %broadcast_in_dim3A_266, %select_n3A_188 : vector<16xi1>, vector<16xf32>
        %mul3A_268 = arith.constant 16 : i32
        %mul3A_269 = arith.muli %scan3A_32, %mul3A_268 : i32
        %add3A_270 = arith.constant 3 : i32
        %add3A_271 = arith.addi %mul3A_269, %add3A_270 : i32
        %broadcast_in_dim3A_272 = arith.constant 0.000000e+00 : f32
        %broadcast_in_dim3A_273 = vector.broadcast %broadcast_in_dim3A_272 : f32 to vector<16xf32>
        %get3A_274 = arith.index_cast %add3A_271 : i32 to index
        %get3A_275 = arith.constant 0 : index
        %get3A_276 = tpu.vector_load %arg9[%get3A_274, %get3A_275] {strides = array<i32>} : memref<128x128xf32, #tpu.memory_space<vmem>>, vector<16xf32>,
        %get3A_277 = arith.index_cast %add3A_271 : i32 to index
        %get3A_278 = arith.constant 0 : index
        %get3A_279 = tpu.vector_load %arg10[%get3A_277, %get3A_278] {strides = array<i32>} : memref<128x128xf32, #tpu.memory_space<vmem>>, vector<16xf32>,
        %mul3A_280 = arith.mulf %get3A_276, %get3A_279 : vector<16xf32>
        %add3A_281 = arith.addf %broadcast_in_dim3A_273, %mul3A_280 : vector<16xf32>
        %get3A_282 = arith.index_cast %add3A_271 : i32 to index
        %get3A_283 = arith.constant 16 : index
        %get3A_284 = tpu.vector_load %arg9[%get3A_282, %get3A_283] {strides = array<i32>} : memref<128x128xf32, #tpu.memory_space<vmem>>, vector<16xf32>,
        %get3A_285 = arith.index_cast %add3A_271 : i32 to index
        %get3A_286 = arith.constant 16 : index
        %get3A_287 = tpu.vector_load %arg10[%get3A_285, %get3A_286] {strides = array<i32>} : memref<128x128xf32, #tpu.memory_space<vmem>>, vector<16xf32>,
        %mul3A_288 = arith.mulf %get3A_284, %get3A_287 : vector<16xf32>
        %add3A_289 = arith.addf %add3A_281, %mul3A_288 : vector<16xf32>
        %get3A_290 = arith.index_cast %add3A_271 : i32 to index
        %get3A_291 = arith.constant 32 : index
        %get3A_292 = tpu.vector_load %arg9[%get3A_290, %get3A_291] {strides = array<i32>} : memref<128x128xf32, #tpu.memory_space<vmem>>, vector<16xf32>,
        %get3A_293 = arith.index_cast %add3A_271 : i32 to index
        %get3A_294 = arith.constant 32 : index
        %get3A_295 = tpu.vector_load %arg10[%get3A_293, %get3A_294] {strides = array<i32>} : memref<128x128xf32, #tpu.memory_space<vmem>>, vector<16xf32>,
        %mul3A_296 = arith.mulf %get3A_292, %get3A_295 : vector<16xf32>
        %add3A_297 = arith.addf %add3A_289, %mul3A_296 : vector<16xf32>
        %get3A_298 = arith.index_cast %add3A_271 : i32 to index
        %get3A_299 = arith.constant 48 : index
        %get3A_300 = tpu.vector_load %arg9[%get3A_298, %get3A_299] {strides = array<i32>} : memref<128x128xf32, #tpu.memory_space<vmem>>, vector<16xf32>,
        %get3A_301 = arith.index_cast %add3A_271 : i32 to index
        %get3A_302 = arith.constant 48 : index
        %get3A_303 = tpu.vector_load %arg10[%get3A_301, %get3A_302] {strides = array<i32>} : memref<128x128xf32, #tpu.memory_space<vmem>>, vector<16xf32>,
        %mul3A_304 = arith.mulf %get3A_300, %get3A_303 : vector<16xf32>
        %add3A_305 = arith.addf %add3A_297, %mul3A_304 : vector<16xf32>
        %get3A_306 = arith.index_cast %add3A_271 : i32 to index
        %get3A_307 = arith.constant 64 : index
        %get3A_308 = tpu.vector_load %arg9[%get3A_306, %get3A_307] {strides = array<i32>} : memref<128x128xf32, #tpu.memory_space<vmem>>, vector<16xf32>,
        %get3A_309 = arith.index_cast %add3A_271 : i32 to index
        %get3A_310 = arith.constant 64 : index
        %get3A_311 = tpu.vector_load %arg10[%get3A_309, %get3A_310] {strides = array<i32>} : memref<128x128xf32, #tpu.memory_space<vmem>>, vector<16xf32>,
        %mul3A_312 = arith.mulf %get3A_308, %get3A_311 : vector<16xf32>
        %add3A_313 = arith.addf %add3A_305, %mul3A_312 : vector<16xf32>
        %get3A_314 = arith.index_cast %add3A_271 : i32 to index
        %get3A_315 = arith.constant 80 : index
        %get3A_316 = tpu.vector_load %arg9[%get3A_314, %get3A_315] {strides = array<i32>} : memref<128x128xf32, #tpu.memory_space<vmem>>, vector<16xf32>,
        %get3A_317 = arith.index_cast %add3A_271 : i32 to index
        %get3A_318 = arith.constant 80 : index
        %get3A_319 = tpu.vector_load %arg10[%get3A_317, %get3A_318] {strides = array<i32>} : memref<128x128xf32, #tpu.memory_space<vmem>>, vector<16xf32>,
        %mul3A_320 = arith.mulf %get3A_316, %get3A_319 : vector<16xf32>
        %add3A_321 = arith.addf %add3A_313, %mul3A_320 : vector<16xf32>
        %get3A_322 = arith.index_cast %add3A_271 : i32 to index
        %get3A_323 = arith.constant 96 : index
        %get3A_324 = tpu.vector_load %arg9[%get3A_322, %get3A_323] {strides = array<i32>} : memref<128x128xf32, #tpu.memory_space<vmem>>, vector<16xf32>,
        %get3A_325 = arith.index_cast %add3A_271 : i32 to index
        %get3A_326 = arith.constant 96 : index
        %get3A_327 = tpu.vector_load %arg10[%get3A_325, %get3A_326] {strides = array<i32>} : memref<128x128xf32, #tpu.memory_space<vmem>>, vector<16xf32>,
        %mul3A_328 = arith.mulf %get3A_324, %get3A_327 : vector<16xf32>
        %add3A_329 = arith.addf %add3A_321, %mul3A_328 : vector<16xf32>
        %get3A_330 = arith.index_cast %add3A_271 : i32 to index
        %get3A_331 = arith.constant 112 : index
        %get3A_332 = tpu.vector_load %arg9[%get3A_330, %get3A_331] {strides = array<i32>} : memref<128x128xf32, #tpu.memory_space<vmem>>, vector<16xf32>,
        %get3A_333 = arith.index_cast %add3A_271 : i32 to index
        %get3A_334 = arith.constant 112 : index
        %get3A_335 = tpu.vector_load %arg10[%get3A_333, %get3A_334] {strides = array<i32>} : memref<128x128xf32, #tpu.memory_space<vmem>>, vector<16xf32>,
        %mul3A_336 = arith.mulf %get3A_332, %get3A_335 : vector<16xf32>
        %add3A_337 = arith.addf %add3A_329, %mul3A_336 : vector<16xf32>
        %reduce_sum3A_338 = arith.constant true
        %reduce_sum3A_339 = vector.broadcast %reduce_sum3A_338 : i1 to vector<16xi1>
        %reduce_sum3A_340 = tpu.scan <sum>, %add3A_337 masked %reduce_sum3A_339 : vector<16xf32>, vector<16xi1> -> vector<16xf32>
        %reduce_sum3A_341 = vector.extract %reduce_sum3A_340[15] : f32 from vector<16xf32>
        %eq3A_342 = arith.constant 3 : i32
        %eq3A_343 = vector.broadcast %eq3A_342 : i32 to vector<16xi32>
        %eq3A_344 = arith.cmpi eq, %iota3A, %eq3A_343 : vector<16xi32>
        %broadcast_in_dim3A_345 = vector.broadcast %reduce_sum3A_341 : f32 to vector<16xf32>
        %select_n3A_346 = arith.select %eq3A_344, %broadcast_in_dim3A_345, %select_n3A_267 : vector<16xi1>, vector<16xf32>
        %mul3A_347 = arith.constant 16 : i32
        %mul3A_348 = arith.muli %scan3A_32, %mul3A_347 : i32
        %add3A_349 = arith.constant 4 : i32
        %add3A_350 = arith.addi %mul3A_348, %add3A_349 : i32
        %broadcast_in_dim3A_351 = arith.constant 0.000000e+00 : f32
        %broadcast_in_dim3A_352 = vector.broadcast %broadcast_in_dim3A_351 : f32 to vector<16xf32>
        %get3A_353 = arith.index_cast %add3A_350 : i32 to index
        %get3A_354 = arith.constant 0 : index
        %get3A_355 = tpu.vector_load %arg9[%get3A_353, %get3A_354] {strides = array<i32>} : memref<128x128xf32, #tpu.memory_space<vmem>>, vector<16xf32>,
        %get3A_356 = arith.index_cast %add3A_350 : i32 to index
        %get3A_357 = arith.constant 0 : index
        %get3A_358 = tpu.vector_load %arg10[%get3A_356, %get3A_357] {strides = array<i32>} : memref<128x128xf32, #tpu.memory_space<vmem>>, vector<16xf32>,
        %mul3A_359 = arith.mulf %get3A_355, %get3A_358 : vector<16xf32>
        %add3A_360 = arith.addf %broadcast_in_dim3A_352, %mul3A_359 : vector<16xf32>
        %get3A_361 = arith.index_cast %add3A_350 : i32 to index
        %get3A_362 = arith.constant 16 : index
        %get3A_363 = tpu.vector_load %arg9[%get3A_361, %get3A_362] {strides = array<i32>} : memref<128x128xf32, #tpu.memory_space<vmem>>, vector<16xf32>,
        %get3A_364 = arith.index_cast %add3A_350 : i32 to index
        %get3A_365 = arith.constant 16 : index
        %get3A_366 = tpu.vector_load %arg10[%get3A_364, %get3A_365] {strides = array<i32>} : memref<128x128xf32, #tpu.memory_space<vmem>>, vector<16xf32>,
        %mul3A_367 = arith.mulf %get3A_363, %get3A_366 : vector<16xf32>
        %add3A_368 = arith.addf %add3A_360, %mul3A_367 : vector<16xf32>
        %get3A_369 = arith.index_cast %add3A_350 : i32 to index
        %get3A_370 = arith.constant 32 : index
        %get3A_371 = tpu.vector_load %arg9[%get3A_369, %get3A_370] {strides = array<i32>} : memref<128x128xf32, #tpu.memory_space<vmem>>, vector<16xf32>,
        %get3A_372 = arith.index_cast %add3A_350 : i32 to index
        %get3A_373 = arith.constant 32 : index
        %get3A_374 = tpu.vector_load %arg10[%get3A_372, %get3A_373] {strides = array<i32>} : memref<128x128xf32, #tpu.memory_space<vmem>>, vector<16xf32>,
        %mul3A_375 = arith.mulf %get3A_371, %get3A_374 : vector<16xf32>
        %add3A_376 = arith.addf %add3A_368, %mul3A_375 : vector<16xf32>
        %get3A_377 = arith.index_cast %add3A_350 : i32 to index
        %get3A_378 = arith.constant 48 : index
        %get3A_379 = tpu.vector_load %arg9[%get3A_377, %get3A_378] {strides = array<i32>} : memref<128x128xf32, #tpu.memory_space<vmem>>, vector<16xf32>,
        %get3A_380 = arith.index_cast %add3A_350 : i32 to index
        %get3A_381 = arith.constant 48 : index
        %get3A_382 = tpu.vector_load %arg10[%get3A_380, %get3A_381] {strides = array<i32>} : memref<128x128xf32, #tpu.memory_space<vmem>>, vector<16xf32>,
        %mul3A_383 = arith.mulf %get3A_379, %get3A_382 : vector<16xf32>
        %add3A_384 = arith.addf %add3A_376, %mul3A_383 : vector<16xf32>
        %get3A_385 = arith.index_cast %add3A_350 : i32 to index
        %get3A_386 = arith.constant 64 : index
        %get3A_387 = tpu.vector_load %arg9[%get3A_385, %get3A_386] {strides = array<i32>} : memref<128x128xf32, #tpu.memory_space<vmem>>, vector<16xf32>,
        %get3A_388 = arith.index_cast %add3A_350 : i32 to index
        %get3A_389 = arith.constant 64 : index
        %get3A_390 = tpu.vector_load %arg10[%get3A_388, %get3A_389] {strides = array<i32>} : memref<128x128xf32, #tpu.memory_space<vmem>>, vector<16xf32>,
        %mul3A_391 = arith.mulf %get3A_387, %get3A_390 : vector<16xf32>
        %add3A_392 = arith.addf %add3A_384, %mul3A_391 : vector<16xf32>
        %get3A_393 = arith.index_cast %add3A_350 : i32 to index
        %get3A_394 = arith.constant 80 : index
        %get3A_395 = tpu.vector_load %arg9[%get3A_393, %get3A_394] {strides = array<i32>} : memref<128x128xf32, #tpu.memory_space<vmem>>, vector<16xf32>,
        %get3A_396 = arith.index_cast %add3A_350 : i32 to index
        %get3A_397 = arith.constant 80 : index
        %get3A_398 = tpu.vector_load %arg10[%get3A_396, %get3A_397] {strides = array<i32>} : memref<128x128xf32, #tpu.memory_space<vmem>>, vector<16xf32>,
        %mul3A_399 = arith.mulf %get3A_395, %get3A_398 : vector<16xf32>
        %add3A_400 = arith.addf %add3A_392, %mul3A_399 : vector<16xf32>
        %get3A_401 = arith.index_cast %add3A_350 : i32 to index
        %get3A_402 = arith.constant 96 : index
        %get3A_403 = tpu.vector_load %arg9[%get3A_401, %get3A_402] {strides = array<i32>} : memref<128x128xf32, #tpu.memory_space<vmem>>, vector<16xf32>,
        %get3A_404 = arith.index_cast %add3A_350 : i32 to index
        %get3A_405 = arith.constant 96 : index
        %get3A_406 = tpu.vector_load %arg10[%get3A_404, %get3A_405] {strides = array<i32>} : memref<128x128xf32, #tpu.memory_space<vmem>>, vector<16xf32>,
        %mul3A_407 = arith.mulf %get3A_403, %get3A_406 : vector<16xf32>
        %add3A_408 = arith.addf %add3A_400, %mul3A_407 : vector<16xf32>
        %get3A_409 = arith.index_cast %add3A_350 : i32 to index
        %get3A_410 = arith.constant 112 : index
        %get3A_411 = tpu.vector_load %arg9[%get3A_409, %get3A_410] {strides = array<i32>} : memref<128x128xf32, #tpu.memory_space<vmem>>, vector<16xf32>,
        %get3A_412 = arith.index_cast %add3A_350 : i32 to index
        %get3A_413 = arith.constant 112 : index
        %get3A_414 = tpu.vector_load %arg10[%get3A_412, %get3A_413] {strides = array<i32>} : memref<128x128xf32, #tpu.memory_space<vmem>>, vector<16xf32>,
        %mul3A_415 = arith.mulf %get3A_411, %get3A_414 : vector<16xf32>
        %add3A_416 = arith.addf %add3A_408, %mul3A_415 : vector<16xf32>
        %reduce_sum3A_417 = arith.constant true
        %reduce_sum3A_418 = vector.broadcast %reduce_sum3A_417 : i1 to vector<16xi1>
        %reduce_sum3A_419 = tpu.scan <sum>, %add3A_416 masked %reduce_sum3A_418 : vector<16xf32>, vector<16xi1> -> vector<16xf32>
        %reduce_sum3A_420 = vector.extract %reduce_sum3A_419[15] : f32 from vector<16xf32>
        %eq3A_421 = arith.constant 4 : i32
        %eq3A_422 = vector.broadcast %eq3A_421 : i32 to vector<16xi32>
        %eq3A_423 = arith.cmpi eq, %iota3A, %eq3A_422 : vector<16xi32>
        %broadcast_in_dim3A_424 = vector.broadcast %reduce_sum3A_420 : f32 to vector<16xf32>
        %select_n3A_425 = arith.select %eq3A_423, %broadcast_in_dim3A_424, %select_n3A_346 : vector<16xi1>, vector<16xf32>
        %mul3A_426 = arith.constant 16 : i32
        %mul3A_427 = arith.muli %scan3A_32, %mul3A_426 : i32
        %add3A_428 = arith.constant 5 : i32
        %add3A_429 = arith.addi %mul3A_427, %add3A_428 : i32
        %broadcast_in_dim3A_430 = arith.constant 0.000000e+00 : f32
        %broadcast_in_dim3A_431 = vector.broadcast %broadcast_in_dim3A_430 : f32 to vector<16xf32>
        %get3A_432 = arith.index_cast %add3A_429 : i32 to index
        %get3A_433 = arith.constant 0 : index
        %get3A_434 = tpu.vector_load %arg9[%get3A_432, %get3A_433] {strides = array<i32>} : memref<128x128xf32, #tpu.memory_space<vmem>>, vector<16xf32>,
        %get3A_435 = arith.index_cast %add3A_429 : i32 to index
        %get3A_436 = arith.constant 0 : index
        %get3A_437 = tpu.vector_load %arg10[%get3A_435, %get3A_436] {strides = array<i32>} : memref<128x128xf32, #tpu.memory_space<vmem>>, vector<16xf32>,
        %mul3A_438 = arith.mulf %get3A_434, %get3A_437 : vector<16xf32>
        %add3A_439 = arith.addf %broadcast_in_dim3A_431, %mul3A_438 : vector<16xf32>
        %get3A_440 = arith.index_cast %add3A_429 : i32 to index
        %get3A_441 = arith.constant 16 : index
        %get3A_442 = tpu.vector_load %arg9[%get3A_440, %get3A_441] {strides = array<i32>} : memref<128x128xf32, #tpu.memory_space<vmem>>, vector<16xf32>,
        %get3A_443 = arith.index_cast %add3A_429 : i32 to index
        %get3A_444 = arith.constant 16 : index
        %get3A_445 = tpu.vector_load %arg10[%get3A_443, %get3A_444] {strides = array<i32>} : memref<128x128xf32, #tpu.memory_space<vmem>>, vector<16xf32>,
        %mul3A_446 = arith.mulf %get3A_442, %get3A_445 : vector<16xf32>
        %add3A_447 = arith.addf %add3A_439, %mul3A_446 : vector<16xf32>
        %get3A_448 = arith.index_cast %add3A_429 : i32 to index
        %get3A_449 = arith.constant 32 : index
        %get3A_450 = tpu.vector_load %arg9[%get3A_448, %get3A_449] {strides = array<i32>} : memref<128x128xf32, #tpu.memory_space<vmem>>, vector<16xf32>,
        %get3A_451 = arith.index_cast %add3A_429 : i32 to index
        %get3A_452 = arith.constant 32 : index
        %get3A_453 = tpu.vector_load %arg10[%get3A_451, %get3A_452] {strides = array<i32>} : memref<128x128xf32, #tpu.memory_space<vmem>>, vector<16xf32>,
        %mul3A_454 = arith.mulf %get3A_450, %get3A_453 : vector<16xf32>
        %add3A_455 = arith.addf %add3A_447, %mul3A_454 : vector<16xf32>
        %get3A_456 = arith.index_cast %add3A_429 : i32 to index
        %get3A_457 = arith.constant 48 : index
        %get3A_458 = tpu.vector_load %arg9[%get3A_456, %get3A_457] {strides = array<i32>} : memref<128x128xf32, #tpu.memory_space<vmem>>, vector<16xf32>,
        %get3A_459 = arith.index_cast %add3A_429 : i32 to index
        %get3A_460 = arith.constant 48 : index
        %get3A_461 = tpu.vector_load %arg10[%get3A_459, %get3A_460] {strides = array<i32>} : memref<128x128xf32, #tpu.memory_space<vmem>>, vector<16xf32>,
        %mul3A_462 = arith.mulf %get3A_458, %get3A_461 : vector<16xf32>
        %add3A_463 = arith.addf %add3A_455, %mul3A_462 : vector<16xf32>
        %get3A_464 = arith.index_cast %add3A_429 : i32 to index
        %get3A_465 = arith.constant 64 : index
        %get3A_466 = tpu.vector_load %arg9[%get3A_464, %get3A_465] {strides = array<i32>} : memref<128x128xf32, #tpu.memory_space<vmem>>, vector<16xf32>,
        %get3A_467 = arith.index_cast %add3A_429 : i32 to index
        %get3A_468 = arith.constant 64 : index
        %get3A_469 = tpu.vector_load %arg10[%get3A_467, %get3A_468] {strides = array<i32>} : memref<128x128xf32, #tpu.memory_space<vmem>>, vector<16xf32>,
        %mul3A_470 = arith.mulf %get3A_466, %get3A_469 : vector<16xf32>
        %add3A_471 = arith.addf %add3A_463, %mul3A_470 : vector<16xf32>
        %get3A_472 = arith.index_cast %add3A_429 : i32 to index
        %get3A_473 = arith.constant 80 : index
        %get3A_474 = tpu.vector_load %arg9[%get3A_472, %get3A_473] {strides = array<i32>} : memref<128x128xf32, #tpu.memory_space<vmem>>, vector<16xf32>,
        %get3A_475 = arith.index_cast %add3A_429 : i32 to index
        %get3A_476 = arith.constant 80 : index
        %get3A_477 = tpu.vector_load %arg10[%get3A_475, %get3A_476] {strides = array<i32>} : memref<128x128xf32, #tpu.memory_space<vmem>>, vector<16xf32>,
        %mul3A_478 = arith.mulf %get3A_474, %get3A_477 : vector<16xf32>
        %add3A_479 = arith.addf %add3A_471, %mul3A_478 : vector<16xf32>
        %get3A_480 = arith.index_cast %add3A_429 : i32 to index
        %get3A_481 = arith.constant 96 : index
        %get3A_482 = tpu.vector_load %arg9[%get3A_480, %get3A_481] {strides = array<i32>} : memref<128x128xf32, #tpu.memory_space<vmem>>, vector<16xf32>,
        %get3A_483 = arith.index_cast %add3A_429 : i32 to index
        %get3A_484 = arith.constant 96 : index
        %get3A_485 = tpu.vector_load %arg10[%get3A_483, %get3A_484] {strides = array<i32>} : memref<128x128xf32, #tpu.memory_space<vmem>>, vector<16xf32>,
        %mul3A_486 = arith.mulf %get3A_482, %get3A_485 : vector<16xf32>
        %add3A_487 = arith.addf %add3A_479, %mul3A_486 : vector<16xf32>
        %get3A_488 = arith.index_cast %add3A_429 : i32 to index
        %get3A_489 = arith.constant 112 : index
        %get3A_490 = tpu.vector_load %arg9[%get3A_488, %get3A_489] {strides = array<i32>} : memref<128x128xf32, #tpu.memory_space<vmem>>, vector<16xf32>,
        %get3A_491 = arith.index_cast %add3A_429 : i32 to index
        %get3A_492 = arith.constant 112 : index
        %get3A_493 = tpu.vector_load %arg10[%get3A_491, %get3A_492] {strides = array<i32>} : memref<128x128xf32, #tpu.memory_space<vmem>>, vector<16xf32>,
        %mul3A_494 = arith.mulf %get3A_490, %get3A_493 : vector<16xf32>
        %add3A_495 = arith.addf %add3A_487, %mul3A_494 : vector<16xf32>
        %reduce_sum3A_496 = arith.constant true
        %reduce_sum3A_497 = vector.broadcast %reduce_sum3A_496 : i1 to vector<16xi1>
        %reduce_sum3A_498 = tpu.scan <sum>, %add3A_495 masked %reduce_sum3A_497 : vector<16xf32>, vector<16xi1> -> vector<16xf32>
        %reduce_sum3A_499 = vector.extract %reduce_sum3A_498[15] : f32 from vector<16xf32>
        %eq3A_500 = arith.constant 5 : i32
        %eq3A_501 = vector.broadcast %eq3A_500 : i32 to vector<16xi32>
        %eq3A_502 = arith.cmpi eq, %iota3A, %eq3A_501 : vector<16xi32>
        %broadcast_in_dim3A_503 = vector.broadcast %reduce_sum3A_499 : f32 to vector<16xf32>
        %select_n3A_504 = arith.select %eq3A_502, %broadcast_in_dim3A_503, %select_n3A_425 : vector<16xi1>, vector<16xf32>
        %mul3A_505 = arith.constant 16 : i32
        %mul3A_506 = arith.muli %scan3A_32, %mul3A_505 : i32
        %add3A_507 = arith.constant 6 : i32
        %add3A_508 = arith.addi %mul3A_506, %add3A_507 : i32
        %broadcast_in_dim3A_509 = arith.constant 0.000000e+00 : f32
        %broadcast_in_dim3A_510 = vector.broadcast %broadcast_in_dim3A_509 : f32 to vector<16xf32>
        %get3A_511 = arith.index_cast %add3A_508 : i32 to index
        %get3A_512 = arith.constant 0 : index
        %get3A_513 = tpu.vector_load %arg9[%get3A_511, %get3A_512] {strides = array<i32>} : memref<128x128xf32, #tpu.memory_space<vmem>>, vector<16xf32>,
        %get3A_514 = arith.index_cast %add3A_508 : i32 to index
        %get3A_515 = arith.constant 0 : index
        %get3A_516 = tpu.vector_load %arg10[%get3A_514, %get3A_515] {strides = array<i32>} : memref<128x128xf32, #tpu.memory_space<vmem>>, vector<16xf32>,
        %mul3A_517 = arith.mulf %get3A_513, %get3A_516 : vector<16xf32>
        %add3A_518 = arith.addf %broadcast_in_dim3A_510, %mul3A_517 : vector<16xf32>
        %get3A_519 = arith.index_cast %add3A_508 : i32 to index
        %get3A_520 = arith.constant 16 : index
        %get3A_521 = tpu.vector_load %arg9[%get3A_519, %get3A_520] {strides = array<i32>} : memref<128x128xf32, #tpu.memory_space<vmem>>, vector<16xf32>,
        %get3A_522 = arith.index_cast %add3A_508 : i32 to index
        %get3A_523 = arith.constant 16 : index
        %get3A_524 = tpu.vector_load %arg10[%get3A_522, %get3A_523] {strides = array<i32>} : memref<128x128xf32, #tpu.memory_space<vmem>>, vector<16xf32>,
        %mul3A_525 = arith.mulf %get3A_521, %get3A_524 : vector<16xf32>
        %add3A_526 = arith.addf %add3A_518, %mul3A_525 : vector<16xf32>
        %get3A_527 = arith.index_cast %add3A_508 : i32 to index
        %get3A_528 = arith.constant 32 : index
        %get3A_529 = tpu.vector_load %arg9[%get3A_527, %get3A_528] {strides = array<i32>} : memref<128x128xf32, #tpu.memory_space<vmem>>, vector<16xf32>,
        %get3A_530 = arith.index_cast %add3A_508 : i32 to index
        %get3A_531 = arith.constant 32 : index
        %get3A_532 = tpu.vector_load %arg10[%get3A_530, %get3A_531] {strides = array<i32>} : memref<128x128xf32, #tpu.memory_space<vmem>>, vector<16xf32>,
        %mul3A_533 = arith.mulf %get3A_529, %get3A_532 : vector<16xf32>
        %add3A_534 = arith.addf %add3A_526, %mul3A_533 : vector<16xf32>
        %get3A_535 = arith.index_cast %add3A_508 : i32 to index
        %get3A_536 = arith.constant 48 : index
        %get3A_537 = tpu.vector_load %arg9[%get3A_535, %get3A_536] {strides = array<i32>} : memref<128x128xf32, #tpu.memory_space<vmem>>, vector<16xf32>,
        %get3A_538 = arith.index_cast %add3A_508 : i32 to index
        %get3A_539 = arith.constant 48 : index
        %get3A_540 = tpu.vector_load %arg10[%get3A_538, %get3A_539] {strides = array<i32>} : memref<128x128xf32, #tpu.memory_space<vmem>>, vector<16xf32>,
        %mul3A_541 = arith.mulf %get3A_537, %get3A_540 : vector<16xf32>
        %add3A_542 = arith.addf %add3A_534, %mul3A_541 : vector<16xf32>
        %get3A_543 = arith.index_cast %add3A_508 : i32 to index
        %get3A_544 = arith.constant 64 : index
        %get3A_545 = tpu.vector_load %arg9[%get3A_543, %get3A_544] {strides = array<i32>} : memref<128x128xf32, #tpu.memory_space<vmem>>, vector<16xf32>,
        %get3A_546 = arith.index_cast %add3A_508 : i32 to index
        %get3A_547 = arith.constant 64 : index
        %get3A_548 = tpu.vector_load %arg10[%get3A_546, %get3A_547] {strides = array<i32>} : memref<128x128xf32, #tpu.memory_space<vmem>>, vector<16xf32>,
        %mul3A_549 = arith.mulf %get3A_545, %get3A_548 : vector<16xf32>
        %add3A_550 = arith.addf %add3A_542, %mul3A_549 : vector<16xf32>
        %get3A_551 = arith.index_cast %add3A_508 : i32 to index
        %get3A_552 = arith.constant 80 : index
        %get3A_553 = tpu.vector_load %arg9[%get3A_551, %get3A_552] {strides = array<i32>} : memref<128x128xf32, #tpu.memory_space<vmem>>, vector<16xf32>,
        %get3A_554 = arith.index_cast %add3A_508 : i32 to index
        %get3A_555 = arith.constant 80 : index
        %get3A_556 = tpu.vector_load %arg10[%get3A_554, %get3A_555] {strides = array<i32>} : memref<128x128xf32, #tpu.memory_space<vmem>>, vector<16xf32>,
        %mul3A_557 = arith.mulf %get3A_553, %get3A_556 : vector<16xf32>
        %add3A_558 = arith.addf %add3A_550, %mul3A_557 : vector<16xf32>
        %get3A_559 = arith.index_cast %add3A_508 : i32 to index
        %get3A_560 = arith.constant 96 : index
        %get3A_561 = tpu.vector_load %arg9[%get3A_559, %get3A_560] {strides = array<i32>} : memref<128x128xf32, #tpu.memory_space<vmem>>, vector<16xf32>,
        %get3A_562 = arith.index_cast %add3A_508 : i32 to index
        %get3A_563 = arith.constant 96 : index
        %get3A_564 = tpu.vector_load %arg10[%get3A_562, %get3A_563] {strides = array<i32>} : memref<128x128xf32, #tpu.memory_space<vmem>>, vector<16xf32>,
        %mul3A_565 = arith.mulf %get3A_561, %get3A_564 : vector<16xf32>
        %add3A_566 = arith.addf %add3A_558, %mul3A_565 : vector<16xf32>
        %get3A_567 = arith.index_cast %add3A_508 : i32 to index
        %get3A_568 = arith.constant 112 : index
        %get3A_569 = tpu.vector_load %arg9[%get3A_567, %get3A_568] {strides = array<i32>} : memref<128x128xf32, #tpu.memory_space<vmem>>, vector<16xf32>,
        %get3A_570 = arith.index_cast %add3A_508 : i32 to index
        %get3A_571 = arith.constant 112 : index
        %get3A_572 = tpu.vector_load %arg10[%get3A_570, %get3A_571] {strides = array<i32>} : memref<128x128xf32, #tpu.memory_space<vmem>>, vector<16xf32>,
        %mul3A_573 = arith.mulf %get3A_569, %get3A_572 : vector<16xf32>
        %add3A_574 = arith.addf %add3A_566, %mul3A_573 : vector<16xf32>
        %reduce_sum3A_575 = arith.constant true
        %reduce_sum3A_576 = vector.broadcast %reduce_sum3A_575 : i1 to vector<16xi1>
        %reduce_sum3A_577 = tpu.scan <sum>, %add3A_574 masked %reduce_sum3A_576 : vector<16xf32>, vector<16xi1> -> vector<16xf32>
        %reduce_sum3A_578 = vector.extract %reduce_sum3A_577[15] : f32 from vector<16xf32>
        %eq3A_579 = arith.constant 6 : i32
        %eq3A_580 = vector.broadcast %eq3A_579 : i32 to vector<16xi32>
        %eq3A_581 = arith.cmpi eq, %iota3A, %eq3A_580 : vector<16xi32>
        %broadcast_in_dim3A_582 = vector.broadcast %reduce_sum3A_578 : f32 to vector<16xf32>
        %select_n3A_583 = arith.select %eq3A_581, %broadcast_in_dim3A_582, %select_n3A_504 : vector<16xi1>, vector<16xf32>
        %mul3A_584 = arith.constant 16 : i32
        %mul3A_585 = arith.muli %scan3A_32, %mul3A_584 : i32
        %add3A_586 = arith.constant 7 : i32
        %add3A_587 = arith.addi %mul3A_585, %add3A_586 : i32
        %broadcast_in_dim3A_588 = arith.constant 0.000000e+00 : f32
        %broadcast_in_dim3A_589 = vector.broadcast %broadcast_in_dim3A_588 : f32 to vector<16xf32>
        %get3A_590 = arith.index_cast %add3A_587 : i32 to index
        %get3A_591 = arith.constant 0 : index
        %get3A_592 = tpu.vector_load %arg9[%get3A_590, %get3A_591] {strides = array<i32>} : memref<128x128xf32, #tpu.memory_space<vmem>>, vector<16xf32>,
        %get3A_593 = arith.index_cast %add3A_587 : i32 to index
        %get3A_594 = arith.constant 0 : index
        %get3A_595 = tpu.vector_load %arg10[%get3A_593, %get3A_594] {strides = array<i32>} : memref<128x128xf32, #tpu.memory_space<vmem>>, vector<16xf32>,
        %mul3A_596 = arith.mulf %get3A_592, %get3A_595 : vector<16xf32>
        %add3A_597 = arith.addf %broadcast_in_dim3A_589, %mul3A_596 : vector<16xf32>
        %get3A_598 = arith.index_cast %add3A_587 : i32 to index
        %get3A_599 = arith.constant 16 : index
        %get3A_600 = tpu.vector_load %arg9[%get3A_598, %get3A_599] {strides = array<i32>} : memref<128x128xf32, #tpu.memory_space<vmem>>, vector<16xf32>,
        %get3A_601 = arith.index_cast %add3A_587 : i32 to index
        %get3A_602 = arith.constant 16 : index
        %get3A_603 = tpu.vector_load %arg10[%get3A_601, %get3A_602] {strides = array<i32>} : memref<128x128xf32, #tpu.memory_space<vmem>>, vector<16xf32>,
        %mul3A_604 = arith.mulf %get3A_600, %get3A_603 : vector<16xf32>
        %add3A_605 = arith.addf %add3A_597, %mul3A_604 : vector<16xf32>
        %get3A_606 = arith.index_cast %add3A_587 : i32 to index
        %get3A_607 = arith.constant 32 : index
        %get3A_608 = tpu.vector_load %arg9[%get3A_606, %get3A_607] {strides = array<i32>} : memref<128x128xf32, #tpu.memory_space<vmem>>, vector<16xf32>,
        %get3A_609 = arith.index_cast %add3A_587 : i32 to index
        %get3A_610 = arith.constant 32 : index
        %get3A_611 = tpu.vector_load %arg10[%get3A_609, %get3A_610] {strides = array<i32>} : memref<128x128xf32, #tpu.memory_space<vmem>>, vector<16xf32>,
        %mul3A_612 = arith.mulf %get3A_608, %get3A_611 : vector<16xf32>
        %add3A_613 = arith.addf %add3A_605, %mul3A_612 : vector<16xf32>
        %get3A_614 = arith.index_cast %add3A_587 : i32 to index
        %get3A_615 = arith.constant 48 : index
        %get3A_616 = tpu.vector_load %arg9[%get3A_614, %get3A_615] {strides = array<i32>} : memref<128x128xf32, #tpu.memory_space<vmem>>, vector<16xf32>,
        %get3A_617 = arith.index_cast %add3A_587 : i32 to index
        %get3A_618 = arith.constant 48 : index
        %get3A_619 = tpu.vector_load %arg10[%get3A_617, %get3A_618] {strides = array<i32>} : memref<128x128xf32, #tpu.memory_space<vmem>>, vector<16xf32>,
        %mul3A_620 = arith.mulf %get3A_616, %get3A_619 : vector<16xf32>
        %add3A_621 = arith.addf %add3A_613, %mul3A_620 : vector<16xf32>
        %get3A_622 = arith.index_cast %add3A_587 : i32 to index
        %get3A_623 = arith.constant 64 : index
        %get3A_624 = tpu.vector_load %arg9[%get3A_622, %get3A_623] {strides = array<i32>} : memref<128x128xf32, #tpu.memory_space<vmem>>, vector<16xf32>,
        %get3A_625 = arith.index_cast %add3A_587 : i32 to index
        %get3A_626 = arith.constant 64 : index
        %get3A_627 = tpu.vector_load %arg10[%get3A_625, %get3A_626] {strides = array<i32>} : memref<128x128xf32, #tpu.memory_space<vmem>>, vector<16xf32>,
        %mul3A_628 = arith.mulf %get3A_624, %get3A_627 : vector<16xf32>
        %add3A_629 = arith.addf %add3A_621, %mul3A_628 : vector<16xf32>
        %get3A_630 = arith.index_cast %add3A_587 : i32 to index
        %get3A_631 = arith.constant 80 : index
        %get3A_632 = tpu.vector_load %arg9[%get3A_630, %get3A_631] {strides = array<i32>} : memref<128x128xf32, #tpu.memory_space<vmem>>, vector<16xf32>,
        %get3A_633 = arith.index_cast %add3A_587 : i32 to index
        %get3A_634 = arith.constant 80 : index
        %get3A_635 = tpu.vector_load %arg10[%get3A_633, %get3A_634] {strides = array<i32>} : memref<128x128xf32, #tpu.memory_space<vmem>>, vector<16xf32>,
        %mul3A_636 = arith.mulf %get3A_632, %get3A_635 : vector<16xf32>
        %add3A_637 = arith.addf %add3A_629, %mul3A_636 : vector<16xf32>
        %get3A_638 = arith.index_cast %add3A_587 : i32 to index
        %get3A_639 = arith.constant 96 : index
        %get3A_640 = tpu.vector_load %arg9[%get3A_638, %get3A_639] {strides = array<i32>} : memref<128x128xf32, #tpu.memory_space<vmem>>, vector<16xf32>,
        %get3A_641 = arith.index_cast %add3A_587 : i32 to index
        %get3A_642 = arith.constant 96 : index
        %get3A_643 = tpu.vector_load %arg10[%get3A_641, %get3A_642] {strides = array<i32>} : memref<128x128xf32, #tpu.memory_space<vmem>>, vector<16xf32>,
        %mul3A_644 = arith.mulf %get3A_640, %get3A_643 : vector<16xf32>
        %add3A_645 = arith.addf %add3A_637, %mul3A_644 : vector<16xf32>
        %get3A_646 = arith.index_cast %add3A_587 : i32 to index
        %get3A_647 = arith.constant 112 : index
        %get3A_648 = tpu.vector_load %arg9[%get3A_646, %get3A_647] {strides = array<i32>} : memref<128x128xf32, #tpu.memory_space<vmem>>, vector<16xf32>,
        %get3A_649 = arith.index_cast %add3A_587 : i32 to index
        %get3A_650 = arith.constant 112 : index
        %get3A_651 = tpu.vector_load %arg10[%get3A_649, %get3A_650] {strides = array<i32>} : memref<128x128xf32, #tpu.memory_space<vmem>>, vector<16xf32>,
        %mul3A_652 = arith.mulf %get3A_648, %get3A_651 : vector<16xf32>
        %add3A_653 = arith.addf %add3A_645, %mul3A_652 : vector<16xf32>
        %reduce_sum3A_654 = arith.constant true
        %reduce_sum3A_655 = vector.broadcast %reduce_sum3A_654 : i1 to vector<16xi1>
        %reduce_sum3A_656 = tpu.scan <sum>, %add3A_653 masked %reduce_sum3A_655 : vector<16xf32>, vector<16xi1> -> vector<16xf32>
        %reduce_sum3A_657 = vector.extract %reduce_sum3A_656[15] : f32 from vector<16xf32>
        %eq3A_658 = arith.constant 7 : i32
        %eq3A_659 = vector.broadcast %eq3A_658 : i32 to vector<16xi32>
        %eq3A_660 = arith.cmpi eq, %iota3A, %eq3A_659 : vector<16xi32>
        %broadcast_in_dim3A_661 = vector.broadcast %reduce_sum3A_657 : f32 to vector<16xf32>
        %select_n3A_662 = arith.select %eq3A_660, %broadcast_in_dim3A_661, %select_n3A_583 : vector<16xi1>, vector<16xf32>
        %mul3A_663 = arith.constant 16 : i32
        %mul3A_664 = arith.muli %scan3A_32, %mul3A_663 : i32
        %add3A_665 = arith.constant 8 : i32
        %add3A_666 = arith.addi %mul3A_664, %add3A_665 : i32
        %broadcast_in_dim3A_667 = arith.constant 0.000000e+00 : f32
        %broadcast_in_dim3A_668 = vector.broadcast %broadcast_in_dim3A_667 : f32 to vector<16xf32>
        %get3A_669 = arith.index_cast %add3A_666 : i32 to index
        %get3A_670 = arith.constant 0 : index
        %get3A_671 = tpu.vector_load %arg9[%get3A_669, %get3A_670] {strides = array<i32>} : memref<128x128xf32, #tpu.memory_space<vmem>>, vector<16xf32>,
        %get3A_672 = arith.index_cast %add3A_666 : i32 to index
        %get3A_673 = arith.constant 0 : index
        %get3A_674 = tpu.vector_load %arg10[%get3A_672, %get3A_673] {strides = array<i32>} : memref<128x128xf32, #tpu.memory_space<vmem>>, vector<16xf32>,
        %mul3A_675 = arith.mulf %get3A_671, %get3A_674 : vector<16xf32>
        %add3A_676 = arith.addf %broadcast_in_dim3A_668, %mul3A_675 : vector<16xf32>
        %get3A_677 = arith.index_cast %add3A_666 : i32 to index
        %get3A_678 = arith.constant 16 : index
        %get3A_679 = tpu.vector_load %arg9[%get3A_677, %get3A_678] {strides = array<i32>} : memref<128x128xf32, #tpu.memory_space<vmem>>, vector<16xf32>,
        %get3A_680 = arith.index_cast %add3A_666 : i32 to index
        %get3A_681 = arith.constant 16 : index
        %get3A_682 = tpu.vector_load %arg10[%get3A_680, %get3A_681] {strides = array<i32>} : memref<128x128xf32, #tpu.memory_space<vmem>>, vector<16xf32>,
        %mul3A_683 = arith.mulf %get3A_679, %get3A_682 : vector<16xf32>
        %add3A_684 = arith.addf %add3A_676, %mul3A_683 : vector<16xf32>
        %get3A_685 = arith.index_cast %add3A_666 : i32 to index
        %get3A_686 = arith.constant 32 : index
        %get3A_687 = tpu.vector_load %arg9[%get3A_685, %get3A_686] {strides = array<i32>} : memref<128x128xf32, #tpu.memory_space<vmem>>, vector<16xf32>,
        %get3A_688 = arith.index_cast %add3A_666 : i32 to index
        %get3A_689 = arith.constant 32 : index
        %get3A_690 = tpu.vector_load %arg10[%get3A_688, %get3A_689] {strides = array<i32>} : memref<128x128xf32, #tpu.memory_space<vmem>>, vector<16xf32>,
        %mul3A_691 = arith.mulf %get3A_687, %get3A_690 : vector<16xf32>
        %add3A_692 = arith.addf %add3A_684, %mul3A_691 : vector<16xf32>
        %get3A_693 = arith.index_cast %add3A_666 : i32 to index
        %get3A_694 = arith.constant 48 : index
        %get3A_695 = tpu.vector_load %arg9[%get3A_693, %get3A_694] {strides = array<i32>} : memref<128x128xf32, #tpu.memory_space<vmem>>, vector<16xf32>,
        %get3A_696 = arith.index_cast %add3A_666 : i32 to index
        %get3A_697 = arith.constant 48 : index
        %get3A_698 = tpu.vector_load %arg10[%get3A_696, %get3A_697] {strides = array<i32>} : memref<128x128xf32, #tpu.memory_space<vmem>>, vector<16xf32>,
        %mul3A_699 = arith.mulf %get3A_695, %get3A_698 : vector<16xf32>
        %add3A_700 = arith.addf %add3A_692, %mul3A_699 : vector<16xf32>
        %get3A_701 = arith.index_cast %add3A_666 : i32 to index
        %get3A_702 = arith.constant 64 : index
        %get3A_703 = tpu.vector_load %arg9[%get3A_701, %get3A_702] {strides = array<i32>} : memref<128x128xf32, #tpu.memory_space<vmem>>, vector<16xf32>,
        %get3A_704 = arith.index_cast %add3A_666 : i32 to index
        %get3A_705 = arith.constant 64 : index
        %get3A_706 = tpu.vector_load %arg10[%get3A_704, %get3A_705] {strides = array<i32>} : memref<128x128xf32, #tpu.memory_space<vmem>>, vector<16xf32>,
        %mul3A_707 = arith.mulf %get3A_703, %get3A_706 : vector<16xf32>
        %add3A_708 = arith.addf %add3A_700, %mul3A_707 : vector<16xf32>
        %get3A_709 = arith.index_cast %add3A_666 : i32 to index
        %get3A_710 = arith.constant 80 : index
        %get3A_711 = tpu.vector_load %arg9[%get3A_709, %get3A_710] {strides = array<i32>} : memref<128x128xf32, #tpu.memory_space<vmem>>, vector<16xf32>,
        %get3A_712 = arith.index_cast %add3A_666 : i32 to index
        %get3A_713 = arith.constant 80 : index
        %get3A_714 = tpu.vector_load %arg10[%get3A_712, %get3A_713] {strides = array<i32>} : memref<128x128xf32, #tpu.memory_space<vmem>>, vector<16xf32>,
        %mul3A_715 = arith.mulf %get3A_711, %get3A_714 : vector<16xf32>
        %add3A_716 = arith.addf %add3A_708, %mul3A_715 : vector<16xf32>
        %get3A_717 = arith.index_cast %add3A_666 : i32 to index
        %get3A_718 = arith.constant 96 : index
        %get3A_719 = tpu.vector_load %arg9[%get3A_717, %get3A_718] {strides = array<i32>} : memref<128x128xf32, #tpu.memory_space<vmem>>, vector<16xf32>,
        %get3A_720 = arith.index_cast %add3A_666 : i32 to index
        %get3A_721 = arith.constant 96 : index
        %get3A_722 = tpu.vector_load %arg10[%get3A_720, %get3A_721] {strides = array<i32>} : memref<128x128xf32, #tpu.memory_space<vmem>>, vector<16xf32>,
        %mul3A_723 = arith.mulf %get3A_719, %get3A_722 : vector<16xf32>
        %add3A_724 = arith.addf %add3A_716, %mul3A_723 : vector<16xf32>
        %get3A_725 = arith.index_cast %add3A_666 : i32 to index
        %get3A_726 = arith.constant 112 : index
        %get3A_727 = tpu.vector_load %arg9[%get3A_725, %get3A_726] {strides = array<i32>} : memref<128x128xf32, #tpu.memory_space<vmem>>, vector<16xf32>,
        %get3A_728 = arith.index_cast %add3A_666 : i32 to index
        %get3A_729 = arith.constant 112 : index
        %get3A_730 = tpu.vector_load %arg10[%get3A_728, %get3A_729] {strides = array<i32>} : memref<128x128xf32, #tpu.memory_space<vmem>>, vector<16xf32>,
        %mul3A_731 = arith.mulf %get3A_727, %get3A_730 : vector<16xf32>
        %add3A_732 = arith.addf %add3A_724, %mul3A_731 : vector<16xf32>
        %reduce_sum3A_733 = arith.constant true
        %reduce_sum3A_734 = vector.broadcast %reduce_sum3A_733 : i1 to vector<16xi1>
        %reduce_sum3A_735 = tpu.scan <sum>, %add3A_732 masked %reduce_sum3A_734 : vector<16xf32>, vector<16xi1> -> vector<16xf32>
        %reduce_sum3A_736 = vector.extract %reduce_sum3A_735[15] : f32 from vector<16xf32>
        %eq3A_737 = arith.constant 8 : i32
        %eq3A_738 = vector.broadcast %eq3A_737 : i32 to vector<16xi32>
        %eq3A_739 = arith.cmpi eq, %iota3A, %eq3A_738 : vector<16xi32>
        %broadcast_in_dim3A_740 = vector.broadcast %reduce_sum3A_736 : f32 to vector<16xf32>
        %select_n3A_741 = arith.select %eq3A_739, %broadcast_in_dim3A_740, %select_n3A_662 : vector<16xi1>, vector<16xf32>
        %mul3A_742 = arith.constant 16 : i32
        %mul3A_743 = arith.muli %scan3A_32, %mul3A_742 : i32
        %add3A_744 = arith.constant 9 : i32
        %add3A_745 = arith.addi %mul3A_743, %add3A_744 : i32
        %broadcast_in_dim3A_746 = arith.constant 0.000000e+00 : f32
        %broadcast_in_dim3A_747 = vector.broadcast %broadcast_in_dim3A_746 : f32 to vector<16xf32>
        %get3A_748 = arith.index_cast %add3A_745 : i32 to index
        %get3A_749 = arith.constant 0 : index
        %get3A_750 = tpu.vector_load %arg9[%get3A_748, %get3A_749] {strides = array<i32>} : memref<128x128xf32, #tpu.memory_space<vmem>>, vector<16xf32>,
        %get3A_751 = arith.index_cast %add3A_745 : i32 to index
        %get3A_752 = arith.constant 0 : index
        %get3A_753 = tpu.vector_load %arg10[%get3A_751, %get3A_752] {strides = array<i32>} : memref<128x128xf32, #tpu.memory_space<vmem>>, vector<16xf32>,
        %mul3A_754 = arith.mulf %get3A_750, %get3A_753 : vector<16xf32>
        %add3A_755 = arith.addf %broadcast_in_dim3A_747, %mul3A_754 : vector<16xf32>
        %get3A_756 = arith.index_cast %add3A_745 : i32 to index
        %get3A_757 = arith.constant 16 : index
        %get3A_758 = tpu.vector_load %arg9[%get3A_756, %get3A_757] {strides = array<i32>} : memref<128x128xf32, #tpu.memory_space<vmem>>, vector<16xf32>,
        %get3A_759 = arith.index_cast %add3A_745 : i32 to index
        %get3A_760 = arith.constant 16 : index
        %get3A_761 = tpu.vector_load %arg10[%get3A_759, %get3A_760] {strides = array<i32>} : memref<128x128xf32, #tpu.memory_space<vmem>>, vector<16xf32>,
        %mul3A_762 = arith.mulf %get3A_758, %get3A_761 : vector<16xf32>
        %add3A_763 = arith.addf %add3A_755, %mul3A_762 : vector<16xf32>
        %get3A_764 = arith.index_cast %add3A_745 : i32 to index
        %get3A_765 = arith.constant 32 : index
        %get3A_766 = tpu.vector_load %arg9[%get3A_764, %get3A_765] {strides = array<i32>} : memref<128x128xf32, #tpu.memory_space<vmem>>, vector<16xf32>,
        %get3A_767 = arith.index_cast %add3A_745 : i32 to index
        %get3A_768 = arith.constant 32 : index
        %get3A_769 = tpu.vector_load %arg10[%get3A_767, %get3A_768] {strides = array<i32>} : memref<128x128xf32, #tpu.memory_space<vmem>>, vector<16xf32>,
        %mul3A_770 = arith.mulf %get3A_766, %get3A_769 : vector<16xf32>
        %add3A_771 = arith.addf %add3A_763, %mul3A_770 : vector<16xf32>
        %get3A_772 = arith.index_cast %add3A_745 : i32 to index
        %get3A_773 = arith.constant 48 : index
        %get3A_774 = tpu.vector_load %arg9[%get3A_772, %get3A_773] {strides = array<i32>} : memref<128x128xf32, #tpu.memory_space<vmem>>, vector<16xf32>,
        %get3A_775 = arith.index_cast %add3A_745 : i32 to index
        %get3A_776 = arith.constant 48 : index
        %get3A_777 = tpu.vector_load %arg10[%get3A_775, %get3A_776] {strides = array<i32>} : memref<128x128xf32, #tpu.memory_space<vmem>>, vector<16xf32>,
        %mul3A_778 = arith.mulf %get3A_774, %get3A_777 : vector<16xf32>
        %add3A_779 = arith.addf %add3A_771, %mul3A_778 : vector<16xf32>
        %get3A_780 = arith.index_cast %add3A_745 : i32 to index
        %get3A_781 = arith.constant 64 : index
        %get3A_782 = tpu.vector_load %arg9[%get3A_780, %get3A_781] {strides = array<i32>} : memref<128x128xf32, #tpu.memory_space<vmem>>, vector<16xf32>,
        %get3A_783 = arith.index_cast %add3A_745 : i32 to index
        %get3A_784 = arith.constant 64 : index
        %get3A_785 = tpu.vector_load %arg10[%get3A_783, %get3A_784] {strides = array<i32>} : memref<128x128xf32, #tpu.memory_space<vmem>>, vector<16xf32>,
        %mul3A_786 = arith.mulf %get3A_782, %get3A_785 : vector<16xf32>
        %add3A_787 = arith.addf %add3A_779, %mul3A_786 : vector<16xf32>
        %get3A_788 = arith.index_cast %add3A_745 : i32 to index
        %get3A_789 = arith.constant 80 : index
        %get3A_790 = tpu.vector_load %arg9[%get3A_788, %get3A_789] {strides = array<i32>} : memref<128x128xf32, #tpu.memory_space<vmem>>, vector<16xf32>,
        %get3A_791 = arith.index_cast %add3A_745 : i32 to index
        %get3A_792 = arith.constant 80 : index
        %get3A_793 = tpu.vector_load %arg10[%get3A_791, %get3A_792] {strides = array<i32>} : memref<128x128xf32, #tpu.memory_space<vmem>>, vector<16xf32>,
        %mul3A_794 = arith.mulf %get3A_790, %get3A_793 : vector<16xf32>
        %add3A_795 = arith.addf %add3A_787, %mul3A_794 : vector<16xf32>
        %get3A_796 = arith.index_cast %add3A_745 : i32 to index
        %get3A_797 = arith.constant 96 : index
        %get3A_798 = tpu.vector_load %arg9[%get3A_796, %get3A_797] {strides = array<i32>} : memref<128x128xf32, #tpu.memory_space<vmem>>, vector<16xf32>,
        %get3A_799 = arith.index_cast %add3A_745 : i32 to index
        %get3A_800 = arith.constant 96 : index
        %get3A_801 = tpu.vector_load %arg10[%get3A_799, %get3A_800] {strides = array<i32>} : memref<128x128xf32, #tpu.memory_space<vmem>>, vector<16xf32>,
        %mul3A_802 = arith.mulf %get3A_798, %get3A_801 : vector<16xf32>
        %add3A_803 = arith.addf %add3A_795, %mul3A_802 : vector<16xf32>
        %get3A_804 = arith.index_cast %add3A_745 : i32 to index
        %get3A_805 = arith.constant 112 : index
        %get3A_806 = tpu.vector_load %arg9[%get3A_804, %get3A_805] {strides = array<i32>} : memref<128x128xf32, #tpu.memory_space<vmem>>, vector<16xf32>,
        %get3A_807 = arith.index_cast %add3A_745 : i32 to index
        %get3A_808 = arith.constant 112 : index
        %get3A_809 = tpu.vector_load %arg10[%get3A_807, %get3A_808] {strides = array<i32>} : memref<128x128xf32, #tpu.memory_space<vmem>>, vector<16xf32>,
        %mul3A_810 = arith.mulf %get3A_806, %get3A_809 : vector<16xf32>
        %add3A_811 = arith.addf %add3A_803, %mul3A_810 : vector<16xf32>
        %reduce_sum3A_812 = arith.constant true
        %reduce_sum3A_813 = vector.broadcast %reduce_sum3A_812 : i1 to vector<16xi1>
        %reduce_sum3A_814 = tpu.scan <sum>, %add3A_811 masked %reduce_sum3A_813 : vector<16xf32>, vector<16xi1> -> vector<16xf32>
        %reduce_sum3A_815 = vector.extract %reduce_sum3A_814[15] : f32 from vector<16xf32>
        %eq3A_816 = arith.constant 9 : i32
        %eq3A_817 = vector.broadcast %eq3A_816 : i32 to vector<16xi32>
        %eq3A_818 = arith.cmpi eq, %iota3A, %eq3A_817 : vector<16xi32>
        %broadcast_in_dim3A_819 = vector.broadcast %reduce_sum3A_815 : f32 to vector<16xf32>
        %select_n3A_820 = arith.select %eq3A_818, %broadcast_in_dim3A_819, %select_n3A_741 : vector<16xi1>, vector<16xf32>
        %mul3A_821 = arith.constant 16 : i32
        %mul3A_822 = arith.muli %scan3A_32, %mul3A_821 : i32
        %add3A_823 = arith.constant 10 : i32
        %add3A_824 = arith.addi %mul3A_822, %add3A_823 : i32
        %broadcast_in_dim3A_825 = arith.constant 0.000000e+00 : f32
        %broadcast_in_dim3A_826 = vector.broadcast %broadcast_in_dim3A_825 : f32 to vector<16xf32>
        %get3A_827 = arith.index_cast %add3A_824 : i32 to index
        %get3A_828 = arith.constant 0 : index
        %get3A_829 = tpu.vector_load %arg9[%get3A_827, %get3A_828] {strides = array<i32>} : memref<128x128xf32, #tpu.memory_space<vmem>>, vector<16xf32>,
        %get3A_830 = arith.index_cast %add3A_824 : i32 to index
        %get3A_831 = arith.constant 0 : index
        %get3A_832 = tpu.vector_load %arg10[%get3A_830, %get3A_831] {strides = array<i32>} : memref<128x128xf32, #tpu.memory_space<vmem>>, vector<16xf32>,
        %mul3A_833 = arith.mulf %get3A_829, %get3A_832 : vector<16xf32>
        %add3A_834 = arith.addf %broadcast_in_dim3A_826, %mul3A_833 : vector<16xf32>
        %get3A_835 = arith.index_cast %add3A_824 : i32 to index
        %get3A_836 = arith.constant 16 : index
        %get3A_837 = tpu.vector_load %arg9[%get3A_835, %get3A_836] {strides = array<i32>} : memref<128x128xf32, #tpu.memory_space<vmem>>, vector<16xf32>,
        %get3A_838 = arith.index_cast %add3A_824 : i32 to index
        %get3A_839 = arith.constant 16 : index
        %get3A_840 = tpu.vector_load %arg10[%get3A_838, %get3A_839] {strides = array<i32>} : memref<128x128xf32, #tpu.memory_space<vmem>>, vector<16xf32>,
        %mul3A_841 = arith.mulf %get3A_837, %get3A_840 : vector<16xf32>
        %add3A_842 = arith.addf %add3A_834, %mul3A_841 : vector<16xf32>
        %get3A_843 = arith.index_cast %add3A_824 : i32 to index
        %get3A_844 = arith.constant 32 : index
        %get3A_845 = tpu.vector_load %arg9[%get3A_843, %get3A_844] {strides = array<i32>} : memref<128x128xf32, #tpu.memory_space<vmem>>, vector<16xf32>,
        %get3A_846 = arith.index_cast %add3A_824 : i32 to index
        %get3A_847 = arith.constant 32 : index
        %get3A_848 = tpu.vector_load %arg10[%get3A_846, %get3A_847] {strides = array<i32>} : memref<128x128xf32, #tpu.memory_space<vmem>>, vector<16xf32>,
        %mul3A_849 = arith.mulf %get3A_845, %get3A_848 : vector<16xf32>
        %add3A_850 = arith.addf %add3A_842, %mul3A_849 : vector<16xf32>
        %get3A_851 = arith.index_cast %add3A_824 : i32 to index
        %get3A_852 = arith.constant 48 : index
        %get3A_853 = tpu.vector_load %arg9[%get3A_851, %get3A_852] {strides = array<i32>} : memref<128x128xf32, #tpu.memory_space<vmem>>, vector<16xf32>,
        %get3A_854 = arith.index_cast %add3A_824 : i32 to index
        %get3A_855 = arith.constant 48 : index
        %get3A_856 = tpu.vector_load %arg10[%get3A_854, %get3A_855] {strides = array<i32>} : memref<128x128xf32, #tpu.memory_space<vmem>>, vector<16xf32>,
        %mul3A_857 = arith.mulf %get3A_853, %get3A_856 : vector<16xf32>
        %add3A_858 = arith.addf %add3A_850, %mul3A_857 : vector<16xf32>
        %get3A_859 = arith.index_cast %add3A_824 : i32 to index
        %get3A_860 = arith.constant 64 : index
        %get3A_861 = tpu.vector_load %arg9[%get3A_859, %get3A_860] {strides = array<i32>} : memref<128x128xf32, #tpu.memory_space<vmem>>, vector<16xf32>,
        %get3A_862 = arith.index_cast %add3A_824 : i32 to index
        %get3A_863 = arith.constant 64 : index
        %get3A_864 = tpu.vector_load %arg10[%get3A_862, %get3A_863] {strides = array<i32>} : memref<128x128xf32, #tpu.memory_space<vmem>>, vector<16xf32>,
        %mul3A_865 = arith.mulf %get3A_861, %get3A_864 : vector<16xf32>
        %add3A_866 = arith.addf %add3A_858, %mul3A_865 : vector<16xf32>
        %get3A_867 = arith.index_cast %add3A_824 : i32 to index
        %get3A_868 = arith.constant 80 : index
        %get3A_869 = tpu.vector_load %arg9[%get3A_867, %get3A_868] {strides = array<i32>} : memref<128x128xf32, #tpu.memory_space<vmem>>, vector<16xf32>,
        %get3A_870 = arith.index_cast %add3A_824 : i32 to index
        %get3A_871 = arith.constant 80 : index
        %get3A_872 = tpu.vector_load %arg10[%get3A_870, %get3A_871] {strides = array<i32>} : memref<128x128xf32, #tpu.memory_space<vmem>>, vector<16xf32>,
        %mul3A_873 = arith.mulf %get3A_869, %get3A_872 : vector<16xf32>
        %add3A_874 = arith.addf %add3A_866, %mul3A_873 : vector<16xf32>
        %get3A_875 = arith.index_cast %add3A_824 : i32 to index
        %get3A_876 = arith.constant 96 : index
        %get3A_877 = tpu.vector_load %arg9[%get3A_875, %get3A_876] {strides = array<i32>} : memref<128x128xf32, #tpu.memory_space<vmem>>, vector<16xf32>,
        %get3A_878 = arith.index_cast %add3A_824 : i32 to index
        %get3A_879 = arith.constant 96 : index
        %get3A_880 = tpu.vector_load %arg10[%get3A_878, %get3A_879] {strides = array<i32>} : memref<128x128xf32, #tpu.memory_space<vmem>>, vector<16xf32>,
        %mul3A_881 = arith.mulf %get3A_877, %get3A_880 : vector<16xf32>
        %add3A_882 = arith.addf %add3A_874, %mul3A_881 : vector<16xf32>
        %get3A_883 = arith.index_cast %add3A_824 : i32 to index
        %get3A_884 = arith.constant 112 : index
        %get3A_885 = tpu.vector_load %arg9[%get3A_883, %get3A_884] {strides = array<i32>} : memref<128x128xf32, #tpu.memory_space<vmem>>, vector<16xf32>,
        %get3A_886 = arith.index_cast %add3A_824 : i32 to index
        %get3A_887 = arith.constant 112 : index
        %get3A_888 = tpu.vector_load %arg10[%get3A_886, %get3A_887] {strides = array<i32>} : memref<128x128xf32, #tpu.memory_space<vmem>>, vector<16xf32>,
        %mul3A_889 = arith.mulf %get3A_885, %get3A_888 : vector<16xf32>
        %add3A_890 = arith.addf %add3A_882, %mul3A_889 : vector<16xf32>
        %reduce_sum3A_891 = arith.constant true
        %reduce_sum3A_892 = vector.broadcast %reduce_sum3A_891 : i1 to vector<16xi1>
        %reduce_sum3A_893 = tpu.scan <sum>, %add3A_890 masked %reduce_sum3A_892 : vector<16xf32>, vector<16xi1> -> vector<16xf32>
        %reduce_sum3A_894 = vector.extract %reduce_sum3A_893[15] : f32 from vector<16xf32>
        %eq3A_895 = arith.constant 10 : i32
        %eq3A_896 = vector.broadcast %eq3A_895 : i32 to vector<16xi32>
        %eq3A_897 = arith.cmpi eq, %iota3A, %eq3A_896 : vector<16xi32>
        %broadcast_in_dim3A_898 = vector.broadcast %reduce_sum3A_894 : f32 to vector<16xf32>
        %select_n3A_899 = arith.select %eq3A_897, %broadcast_in_dim3A_898, %select_n3A_820 : vector<16xi1>, vector<16xf32>
        %mul3A_900 = arith.constant 16 : i32
        %mul3A_901 = arith.muli %scan3A_32, %mul3A_900 : i32
        %add3A_902 = arith.constant 11 : i32
        %add3A_903 = arith.addi %mul3A_901, %add3A_902 : i32
        %broadcast_in_dim3A_904 = arith.constant 0.000000e+00 : f32
        %broadcast_in_dim3A_905 = vector.broadcast %broadcast_in_dim3A_904 : f32 to vector<16xf32>
        %get3A_906 = arith.index_cast %add3A_903 : i32 to index
        %get3A_907 = arith.constant 0 : index
        %get3A_908 = tpu.vector_load %arg9[%get3A_906, %get3A_907] {strides = array<i32>} : memref<128x128xf32, #tpu.memory_space<vmem>>, vector<16xf32>,
        %get3A_909 = arith.index_cast %add3A_903 : i32 to index
        %get3A_910 = arith.constant 0 : index
        %get3A_911 = tpu.vector_load %arg10[%get3A_909, %get3A_910] {strides = array<i32>} : memref<128x128xf32, #tpu.memory_space<vmem>>, vector<16xf32>,
        %mul3A_912 = arith.mulf %get3A_908, %get3A_911 : vector<16xf32>
        %add3A_913 = arith.addf %broadcast_in_dim3A_905, %mul3A_912 : vector<16xf32>
        %get3A_914 = arith.index_cast %add3A_903 : i32 to index
        %get3A_915 = arith.constant 16 : index
        %get3A_916 = tpu.vector_load %arg9[%get3A_914, %get3A_915] {strides = array<i32>} : memref<128x128xf32, #tpu.memory_space<vmem>>, vector<16xf32>,
        %get3A_917 = arith.index_cast %add3A_903 : i32 to index
        %get3A_918 = arith.constant 16 : index
        %get3A_919 = tpu.vector_load %arg10[%get3A_917, %get3A_918] {strides = array<i32>} : memref<128x128xf32, #tpu.memory_space<vmem>>, vector<16xf32>,
        %mul3A_920 = arith.mulf %get3A_916, %get3A_919 : vector<16xf32>
        %add3A_921 = arith.addf %add3A_913, %mul3A_920 : vector<16xf32>
        %get3A_922 = arith.index_cast %add3A_903 : i32 to index
        %get3A_923 = arith.constant 32 : index
        %get3A_924 = tpu.vector_load %arg9[%get3A_922, %get3A_923] {strides = array<i32>} : memref<128x128xf32, #tpu.memory_space<vmem>>, vector<16xf32>,
        %get3A_925 = arith.index_cast %add3A_903 : i32 to index
        %get3A_926 = arith.constant 32 : index
        %get3A_927 = tpu.vector_load %arg10[%get3A_925, %get3A_926] {strides = array<i32>} : memref<128x128xf32, #tpu.memory_space<vmem>>, vector<16xf32>,
        %mul3A_928 = arith.mulf %get3A_924, %get3A_927 : vector<16xf32>
        %add3A_929 = arith.addf %add3A_921, %mul3A_928 : vector<16xf32>
        %get3A_930 = arith.index_cast %add3A_903 : i32 to index
        %get3A_931 = arith.constant 48 : index
        %get3A_932 = tpu.vector_load %arg9[%get3A_930, %get3A_931] {strides = array<i32>} : memref<128x128xf32, #tpu.memory_space<vmem>>, vector<16xf32>,
        %get3A_933 = arith.index_cast %add3A_903 : i32 to index
        %get3A_934 = arith.constant 48 : index
        %get3A_935 = tpu.vector_load %arg10[%get3A_933, %get3A_934] {strides = array<i32>} : memref<128x128xf32, #tpu.memory_space<vmem>>, vector<16xf32>,
        %mul3A_936 = arith.mulf %get3A_932, %get3A_935 : vector<16xf32>
        %add3A_937 = arith.addf %add3A_929, %mul3A_936 : vector<16xf32>
        %get3A_938 = arith.index_cast %add3A_903 : i32 to index
        %get3A_939 = arith.constant 64 : index
        %get3A_940 = tpu.vector_load %arg9[%get3A_938, %get3A_939] {strides = array<i32>} : memref<128x128xf32, #tpu.memory_space<vmem>>, vector<16xf32>,
        %get3A_941 = arith.index_cast %add3A_903 : i32 to index
        %get3A_942 = arith.constant 64 : index
        %get3A_943 = tpu.vector_load %arg10[%get3A_941, %get3A_942] {strides = array<i32>} : memref<128x128xf32, #tpu.memory_space<vmem>>, vector<16xf32>,
        %mul3A_944 = arith.mulf %get3A_940, %get3A_943 : vector<16xf32>
        %add3A_945 = arith.addf %add3A_937, %mul3A_944 : vector<16xf32>
        %get3A_946 = arith.index_cast %add3A_903 : i32 to index
        %get3A_947 = arith.constant 80 : index
        %get3A_948 = tpu.vector_load %arg9[%get3A_946, %get3A_947] {strides = array<i32>} : memref<128x128xf32, #tpu.memory_space<vmem>>, vector<16xf32>,
        %get3A_949 = arith.index_cast %add3A_903 : i32 to index
        %get3A_950 = arith.constant 80 : index
        %get3A_951 = tpu.vector_load %arg10[%get3A_949, %get3A_950] {strides = array<i32>} : memref<128x128xf32, #tpu.memory_space<vmem>>, vector<16xf32>,
        %mul3A_952 = arith.mulf %get3A_948, %get3A_951 : vector<16xf32>
        %add3A_953 = arith.addf %add3A_945, %mul3A_952 : vector<16xf32>
        %get3A_954 = arith.index_cast %add3A_903 : i32 to index
        %get3A_955 = arith.constant 96 : index
        %get3A_956 = tpu.vector_load %arg9[%get3A_954, %get3A_955] {strides = array<i32>} : memref<128x128xf32, #tpu.memory_space<vmem>>, vector<16xf32>,
        %get3A_957 = arith.index_cast %add3A_903 : i32 to index
        %get3A_958 = arith.constant 96 : index
        %get3A_959 = tpu.vector_load %arg10[%get3A_957, %get3A_958] {strides = array<i32>} : memref<128x128xf32, #tpu.memory_space<vmem>>, vector<16xf32>,
        %mul3A_960 = arith.mulf %get3A_956, %get3A_959 : vector<16xf32>
        %add3A_961 = arith.addf %add3A_953, %mul3A_960 : vector<16xf32>
        %get3A_962 = arith.index_cast %add3A_903 : i32 to index
        %get3A_963 = arith.constant 112 : index
        %get3A_964 = tpu.vector_load %arg9[%get3A_962, %get3A_963] {strides = array<i32>} : memref<128x128xf32, #tpu.memory_space<vmem>>, vector<16xf32>,
        %get3A_965 = arith.index_cast %add3A_903 : i32 to index
        %get3A_966 = arith.constant 112 : index
        %get3A_967 = tpu.vector_load %arg10[%get3A_965, %get3A_966] {strides = array<i32>} : memref<128x128xf32, #tpu.memory_space<vmem>>, vector<16xf32>,
        %mul3A_968 = arith.mulf %get3A_964, %get3A_967 : vector<16xf32>
        %add3A_969 = arith.addf %add3A_961, %mul3A_968 : vector<16xf32>
        %reduce_sum3A_970 = arith.constant true
        %reduce_sum3A_971 = vector.broadcast %reduce_sum3A_970 : i1 to vector<16xi1>
        %reduce_sum3A_972 = tpu.scan <sum>, %add3A_969 masked %reduce_sum3A_971 : vector<16xf32>, vector<16xi1> -> vector<16xf32>
        %reduce_sum3A_973 = vector.extract %reduce_sum3A_972[15] : f32 from vector<16xf32>
        %eq3A_974 = arith.constant 11 : i32
        %eq3A_975 = vector.broadcast %eq3A_974 : i32 to vector<16xi32>
        %eq3A_976 = arith.cmpi eq, %iota3A, %eq3A_975 : vector<16xi32>
        %broadcast_in_dim3A_977 = vector.broadcast %reduce_sum3A_973 : f32 to vector<16xf32>
        %select_n3A_978 = arith.select %eq3A_976, %broadcast_in_dim3A_977, %select_n3A_899 : vector<16xi1>, vector<16xf32>
        %mul3A_979 = arith.constant 16 : i32
        %mul3A_980 = arith.muli %scan3A_32, %mul3A_979 : i32
        %add3A_981 = arith.constant 12 : i32
        %add3A_982 = arith.addi %mul3A_980, %add3A_981 : i32
        %broadcast_in_dim3A_983 = arith.constant 0.000000e+00 : f32
        %broadcast_in_dim3A_984 = vector.broadcast %broadcast_in_dim3A_983 : f32 to vector<16xf32>
        %get3A_985 = arith.index_cast %add3A_982 : i32 to index
        %get3A_986 = arith.constant 0 : index
        %get3A_987 = tpu.vector_load %arg9[%get3A_985, %get3A_986] {strides = array<i32>} : memref<128x128xf32, #tpu.memory_space<vmem>>, vector<16xf32>,
        %get3A_988 = arith.index_cast %add3A_982 : i32 to index
        %get3A_989 = arith.constant 0 : index
        %get3A_990 = tpu.vector_load %arg10[%get3A_988, %get3A_989] {strides = array<i32>} : memref<128x128xf32, #tpu.memory_space<vmem>>, vector<16xf32>,
        %mul3A_991 = arith.mulf %get3A_987, %get3A_990 : vector<16xf32>
        %add3A_992 = arith.addf %broadcast_in_dim3A_984, %mul3A_991 : vector<16xf32>
        %get3A_993 = arith.index_cast %add3A_982 : i32 to index
        %get3A_994 = arith.constant 16 : index
        %get3A_995 = tpu.vector_load %arg9[%get3A_993, %get3A_994] {strides = array<i32>} : memref<128x128xf32, #tpu.memory_space<vmem>>, vector<16xf32>,
        %get3A_996 = arith.index_cast %add3A_982 : i32 to index
        %get3A_997 = arith.constant 16 : index
        %get3A_998 = tpu.vector_load %arg10[%get3A_996, %get3A_997] {strides = array<i32>} : memref<128x128xf32, #tpu.memory_space<vmem>>, vector<16xf32>,
        %mul3A_999 = arith.mulf %get3A_995, %get3A_998 : vector<16xf32>
        %add3A_1000 = arith.addf %add3A_992, %mul3A_999 : vector<16xf32>
        %get3A_1001 = arith.index_cast %add3A_982 : i32 to index
        %get3A_1002 = arith.constant 32 : index
        %get3A_1003 = tpu.vector_load %arg9[%get3A_1001, %get3A_1002] {strides = array<i32>} : memref<128x128xf32, #tpu.memory_space<vmem>>, vector<16xf32>,
        %get3A_1004 = arith.index_cast %add3A_982 : i32 to index
        %get3A_1005 = arith.constant 32 : index
        %get3A_1006 = tpu.vector_load %arg10[%get3A_1004, %get3A_1005] {strides = array<i32>} : memref<128x128xf32, #tpu.memory_space<vmem>>, vector<16xf32>,
        %mul3A_1007 = arith.mulf %get3A_1003, %get3A_1006 : vector<16xf32>
        %add3A_1008 = arith.addf %add3A_1000, %mul3A_1007 : vector<16xf32>
        %get3A_1009 = arith.index_cast %add3A_982 : i32 to index
        %get3A_1010 = arith.constant 48 : index
        %get3A_1011 = tpu.vector_load %arg9[%get3A_1009, %get3A_1010] {strides = array<i32>} : memref<128x128xf32, #tpu.memory_space<vmem>>, vector<16xf32>,
        %get3A_1012 = arith.index_cast %add3A_982 : i32 to index
        %get3A_1013 = arith.constant 48 : index
        %get3A_1014 = tpu.vector_load %arg10[%get3A_1012, %get3A_1013] {strides = array<i32>} : memref<128x128xf32, #tpu.memory_space<vmem>>, vector<16xf32>,
        %mul3A_1015 = arith.mulf %get3A_1011, %get3A_1014 : vector<16xf32>
        %add3A_1016 = arith.addf %add3A_1008, %mul3A_1015 : vector<16xf32>
        %get3A_1017 = arith.index_cast %add3A_982 : i32 to index
        %get3A_1018 = arith.constant 64 : index
        %get3A_1019 = tpu.vector_load %arg9[%get3A_1017, %get3A_1018] {strides = array<i32>} : memref<128x128xf32, #tpu.memory_space<vmem>>, vector<16xf32>,
        %get3A_1020 = arith.index_cast %add3A_982 : i32 to index
        %get3A_1021 = arith.constant 64 : index
        %get3A_1022 = tpu.vector_load %arg10[%get3A_1020, %get3A_1021] {strides = array<i32>} : memref<128x128xf32, #tpu.memory_space<vmem>>, vector<16xf32>,
        %mul3A_1023 = arith.mulf %get3A_1019, %get3A_1022 : vector<16xf32>
        %add3A_1024 = arith.addf %add3A_1016, %mul3A_1023 : vector<16xf32>
        %get3A_1025 = arith.index_cast %add3A_982 : i32 to index
        %get3A_1026 = arith.constant 80 : index
        %get3A_1027 = tpu.vector_load %arg9[%get3A_1025, %get3A_1026] {strides = array<i32>} : memref<128x128xf32, #tpu.memory_space<vmem>>, vector<16xf32>,
        %get3A_1028 = arith.index_cast %add3A_982 : i32 to index
        %get3A_1029 = arith.constant 80 : index
        %get3A_1030 = tpu.vector_load %arg10[%get3A_1028, %get3A_1029] {strides = array<i32>} : memref<128x128xf32, #tpu.memory_space<vmem>>, vector<16xf32>,
        %mul3A_1031 = arith.mulf %get3A_1027, %get3A_1030 : vector<16xf32>
        %add3A_1032 = arith.addf %add3A_1024, %mul3A_1031 : vector<16xf32>
        %get3A_1033 = arith.index_cast %add3A_982 : i32 to index
        %get3A_1034 = arith.constant 96 : index
        %get3A_1035 = tpu.vector_load %arg9[%get3A_1033, %get3A_1034] {strides = array<i32>} : memref<128x128xf32, #tpu.memory_space<vmem>>, vector<16xf32>,
        %get3A_1036 = arith.index_cast %add3A_982 : i32 to index
        %get3A_1037 = arith.constant 96 : index
        %get3A_1038 = tpu.vector_load %arg10[%get3A_1036, %get3A_1037] {strides = array<i32>} : memref<128x128xf32, #tpu.memory_space<vmem>>, vector<16xf32>,
        %mul3A_1039 = arith.mulf %get3A_1035, %get3A_1038 : vector<16xf32>
        %add3A_1040 = arith.addf %add3A_1032, %mul3A_1039 : vector<16xf32>
        %get3A_1041 = arith.index_cast %add3A_982 : i32 to index
        %get3A_1042 = arith.constant 112 : index
        %get3A_1043 = tpu.vector_load %arg9[%get3A_1041, %get3A_1042] {strides = array<i32>} : memref<128x128xf32, #tpu.memory_space<vmem>>, vector<16xf32>,
        %get3A_1044 = arith.index_cast %add3A_982 : i32 to index
        %get3A_1045 = arith.constant 112 : index
        %get3A_1046 = tpu.vector_load %arg10[%get3A_1044, %get3A_1045] {strides = array<i32>} : memref<128x128xf32, #tpu.memory_space<vmem>>, vector<16xf32>,
        %mul3A_1047 = arith.mulf %get3A_1043, %get3A_1046 : vector<16xf32>
        %add3A_1048 = arith.addf %add3A_1040, %mul3A_1047 : vector<16xf32>
        %reduce_sum3A_1049 = arith.constant true
        %reduce_sum3A_1050 = vector.broadcast %reduce_sum3A_1049 : i1 to vector<16xi1>
        %reduce_sum3A_1051 = tpu.scan <sum>, %add3A_1048 masked %reduce_sum3A_1050 : vector<16xf32>, vector<16xi1> -> vector<16xf32>
        %reduce_sum3A_1052 = vector.extract %reduce_sum3A_1051[15] : f32 from vector<16xf32>
        %eq3A_1053 = arith.constant 12 : i32
        %eq3A_1054 = vector.broadcast %eq3A_1053 : i32 to vector<16xi32>
        %eq3A_1055 = arith.cmpi eq, %iota3A, %eq3A_1054 : vector<16xi32>
        %broadcast_in_dim3A_1056 = vector.broadcast %reduce_sum3A_1052 : f32 to vector<16xf32>
        %select_n3A_1057 = arith.select %eq3A_1055, %broadcast_in_dim3A_1056, %select_n3A_978 : vector<16xi1>, vector<16xf32>
        %mul3A_1058 = arith.constant 16 : i32
        %mul3A_1059 = arith.muli %scan3A_32, %mul3A_1058 : i32
        %add3A_1060 = arith.constant 13 : i32
        %add3A_1061 = arith.addi %mul3A_1059, %add3A_1060 : i32
        %broadcast_in_dim3A_1062 = arith.constant 0.000000e+00 : f32
        %broadcast_in_dim3A_1063 = vector.broadcast %broadcast_in_dim3A_1062 : f32 to vector<16xf32>
        %get3A_1064 = arith.index_cast %add3A_1061 : i32 to index
        %get3A_1065 = arith.constant 0 : index
        %get3A_1066 = tpu.vector_load %arg9[%get3A_1064, %get3A_1065] {strides = array<i32>} : memref<128x128xf32, #tpu.memory_space<vmem>>, vector<16xf32>,
        %get3A_1067 = arith.index_cast %add3A_1061 : i32 to index
        %get3A_1068 = arith.constant 0 : index
        %get3A_1069 = tpu.vector_load %arg10[%get3A_1067, %get3A_1068] {strides = array<i32>} : memref<128x128xf32, #tpu.memory_space<vmem>>, vector<16xf32>,
        %mul3A_1070 = arith.mulf %get3A_1066, %get3A_1069 : vector<16xf32>
        %add3A_1071 = arith.addf %broadcast_in_dim3A_1063, %mul3A_1070 : vector<16xf32>
        %get3A_1072 = arith.index_cast %add3A_1061 : i32 to index
        %get3A_1073 = arith.constant 16 : index
        %get3A_1074 = tpu.vector_load %arg9[%get3A_1072, %get3A_1073] {strides = array<i32>} : memref<128x128xf32, #tpu.memory_space<vmem>>, vector<16xf32>,
        %get3A_1075 = arith.index_cast %add3A_1061 : i32 to index
        %get3A_1076 = arith.constant 16 : index
        %get3A_1077 = tpu.vector_load %arg10[%get3A_1075, %get3A_1076] {strides = array<i32>} : memref<128x128xf32, #tpu.memory_space<vmem>>, vector<16xf32>,
        %mul3A_1078 = arith.mulf %get3A_1074, %get3A_1077 : vector<16xf32>
        %add3A_1079 = arith.addf %add3A_1071, %mul3A_1078 : vector<16xf32>
        %get3A_1080 = arith.index_cast %add3A_1061 : i32 to index
        %get3A_1081 = arith.constant 32 : index
        %get3A_1082 = tpu.vector_load %arg9[%get3A_1080, %get3A_1081] {strides = array<i32>} : memref<128x128xf32, #tpu.memory_space<vmem>>, vector<16xf32>,
        %get3A_1083 = arith.index_cast %add3A_1061 : i32 to index
        %get3A_1084 = arith.constant 32 : index
        %get3A_1085 = tpu.vector_load %arg10[%get3A_1083, %get3A_1084] {strides = array<i32>} : memref<128x128xf32, #tpu.memory_space<vmem>>, vector<16xf32>,
        %mul3A_1086 = arith.mulf %get3A_1082, %get3A_1085 : vector<16xf32>
        %add3A_1087 = arith.addf %add3A_1079, %mul3A_1086 : vector<16xf32>
        %get3A_1088 = arith.index_cast %add3A_1061 : i32 to index
        %get3A_1089 = arith.constant 48 : index
        %get3A_1090 = tpu.vector_load %arg9[%get3A_1088, %get3A_1089] {strides = array<i32>} : memref<128x128xf32, #tpu.memory_space<vmem>>, vector<16xf32>,
        %get3A_1091 = arith.index_cast %add3A_1061 : i32 to index
        %get3A_1092 = arith.constant 48 : index
        %get3A_1093 = tpu.vector_load %arg10[%get3A_1091, %get3A_1092] {strides = array<i32>} : memref<128x128xf32, #tpu.memory_space<vmem>>, vector<16xf32>,
        %mul3A_1094 = arith.mulf %get3A_1090, %get3A_1093 : vector<16xf32>
        %add3A_1095 = arith.addf %add3A_1087, %mul3A_1094 : vector<16xf32>
        %get3A_1096 = arith.index_cast %add3A_1061 : i32 to index
        %get3A_1097 = arith.constant 64 : index
        %get3A_1098 = tpu.vector_load %arg9[%get3A_1096, %get3A_1097] {strides = array<i32>} : memref<128x128xf32, #tpu.memory_space<vmem>>, vector<16xf32>,
        %get3A_1099 = arith.index_cast %add3A_1061 : i32 to index
        %get3A_1100 = arith.constant 64 : index
        %get3A_1101 = tpu.vector_load %arg10[%get3A_1099, %get3A_1100] {strides = array<i32>} : memref<128x128xf32, #tpu.memory_space<vmem>>, vector<16xf32>,
        %mul3A_1102 = arith.mulf %get3A_1098, %get3A_1101 : vector<16xf32>
        %add3A_1103 = arith.addf %add3A_1095, %mul3A_1102 : vector<16xf32>
        %get3A_1104 = arith.index_cast %add3A_1061 : i32 to index
        %get3A_1105 = arith.constant 80 : index
        %get3A_1106 = tpu.vector_load %arg9[%get3A_1104, %get3A_1105] {strides = array<i32>} : memref<128x128xf32, #tpu.memory_space<vmem>>, vector<16xf32>,
        %get3A_1107 = arith.index_cast %add3A_1061 : i32 to index
        %get3A_1108 = arith.constant 80 : index
        %get3A_1109 = tpu.vector_load %arg10[%get3A_1107, %get3A_1108] {strides = array<i32>} : memref<128x128xf32, #tpu.memory_space<vmem>>, vector<16xf32>,
        %mul3A_1110 = arith.mulf %get3A_1106, %get3A_1109 : vector<16xf32>
        %add3A_1111 = arith.addf %add3A_1103, %mul3A_1110 : vector<16xf32>
        %get3A_1112 = arith.index_cast %add3A_1061 : i32 to index
        %get3A_1113 = arith.constant 96 : index
        %get3A_1114 = tpu.vector_load %arg9[%get3A_1112, %get3A_1113] {strides = array<i32>} : memref<128x128xf32, #tpu.memory_space<vmem>>, vector<16xf32>,
        %get3A_1115 = arith.index_cast %add3A_1061 : i32 to index
        %get3A_1116 = arith.constant 96 : index
        %get3A_1117 = tpu.vector_load %arg10[%get3A_1115, %get3A_1116] {strides = array<i32>} : memref<128x128xf32, #tpu.memory_space<vmem>>, vector<16xf32>,
        %mul3A_1118 = arith.mulf %get3A_1114, %get3A_1117 : vector<16xf32>
        %add3A_1119 = arith.addf %add3A_1111, %mul3A_1118 : vector<16xf32>
        %get3A_1120 = arith.index_cast %add3A_1061 : i32 to index
        %get3A_1121 = arith.constant 112 : index
        %get3A_1122 = tpu.vector_load %arg9[%get3A_1120, %get3A_1121] {strides = array<i32>} : memref<128x128xf32, #tpu.memory_space<vmem>>, vector<16xf32>,
        %get3A_1123 = arith.index_cast %add3A_1061 : i32 to index
        %get3A_1124 = arith.constant 112 : index
        %get3A_1125 = tpu.vector_load %arg10[%get3A_1123, %get3A_1124] {strides = array<i32>} : memref<128x128xf32, #tpu.memory_space<vmem>>, vector<16xf32>,
        %mul3A_1126 = arith.mulf %get3A_1122, %get3A_1125 : vector<16xf32>
        %add3A_1127 = arith.addf %add3A_1119, %mul3A_1126 : vector<16xf32>
        %reduce_sum3A_1128 = arith.constant true
        %reduce_sum3A_1129 = vector.broadcast %reduce_sum3A_1128 : i1 to vector<16xi1>
        %reduce_sum3A_1130 = tpu.scan <sum>, %add3A_1127 masked %reduce_sum3A_1129 : vector<16xf32>, vector<16xi1> -> vector<16xf32>
        %reduce_sum3A_1131 = vector.extract %reduce_sum3A_1130[15] : f32 from vector<16xf32>
        %eq3A_1132 = arith.constant 13 : i32
        %eq3A_1133 = vector.broadcast %eq3A_1132 : i32 to vector<16xi32>
        %eq3A_1134 = arith.cmpi eq, %iota3A, %eq3A_1133 : vector<16xi32>
        %broadcast_in_dim3A_1135 = vector.broadcast %reduce_sum3A_1131 : f32 to vector<16xf32>
        %select_n3A_1136 = arith.select %eq3A_1134, %broadcast_in_dim3A_1135, %select_n3A_1057 : vector<16xi1>, vector<16xf32>
        %mul3A_1137 = arith.constant 16 : i32
        %mul3A_1138 = arith.muli %scan3A_32, %mul3A_1137 : i32
        %add3A_1139 = arith.constant 14 : i32
        %add3A_1140 = arith.addi %mul3A_1138, %add3A_1139 : i32
        %broadcast_in_dim3A_1141 = arith.constant 0.000000e+00 : f32
        %broadcast_in_dim3A_1142 = vector.broadcast %broadcast_in_dim3A_1141 : f32 to vector<16xf32>
        %get3A_1143 = arith.index_cast %add3A_1140 : i32 to index
        %get3A_1144 = arith.constant 0 : index
        %get3A_1145 = tpu.vector_load %arg9[%get3A_1143, %get3A_1144] {strides = array<i32>} : memref<128x128xf32, #tpu.memory_space<vmem>>, vector<16xf32>,
        %get3A_1146 = arith.index_cast %add3A_1140 : i32 to index
        %get3A_1147 = arith.constant 0 : index
        %get3A_1148 = tpu.vector_load %arg10[%get3A_1146, %get3A_1147] {strides = array<i32>} : memref<128x128xf32, #tpu.memory_space<vmem>>, vector<16xf32>,
        %mul3A_1149 = arith.mulf %get3A_1145, %get3A_1148 : vector<16xf32>
        %add3A_1150 = arith.addf %broadcast_in_dim3A_1142, %mul3A_1149 : vector<16xf32>
        %get3A_1151 = arith.index_cast %add3A_1140 : i32 to index
        %get3A_1152 = arith.constant 16 : index
        %get3A_1153 = tpu.vector_load %arg9[%get3A_1151, %get3A_1152] {strides = array<i32>} : memref<128x128xf32, #tpu.memory_space<vmem>>, vector<16xf32>,
        %get3A_1154 = arith.index_cast %add3A_1140 : i32 to index
        %get3A_1155 = arith.constant 16 : index
        %get3A_1156 = tpu.vector_load %arg10[%get3A_1154, %get3A_1155] {strides = array<i32>} : memref<128x128xf32, #tpu.memory_space<vmem>>, vector<16xf32>,
        %mul3A_1157 = arith.mulf %get3A_1153, %get3A_1156 : vector<16xf32>
        %add3A_1158 = arith.addf %add3A_1150, %mul3A_1157 : vector<16xf32>
        %get3A_1159 = arith.index_cast %add3A_1140 : i32 to index
        %get3A_1160 = arith.constant 32 : index
        %get3A_1161 = tpu.vector_load %arg9[%get3A_1159, %get3A_1160] {strides = array<i32>} : memref<128x128xf32, #tpu.memory_space<vmem>>, vector<16xf32>,
        %get3A_1162 = arith.index_cast %add3A_1140 : i32 to index
        %get3A_1163 = arith.constant 32 : index
        %get3A_1164 = tpu.vector_load %arg10[%get3A_1162, %get3A_1163] {strides = array<i32>} : memref<128x128xf32, #tpu.memory_space<vmem>>, vector<16xf32>,
        %mul3A_1165 = arith.mulf %get3A_1161, %get3A_1164 : vector<16xf32>
        %add3A_1166 = arith.addf %add3A_1158, %mul3A_1165 : vector<16xf32>
        %get3A_1167 = arith.index_cast %add3A_1140 : i32 to index
        %get3A_1168 = arith.constant 48 : index
        %get3A_1169 = tpu.vector_load %arg9[%get3A_1167, %get3A_1168] {strides = array<i32>} : memref<128x128xf32, #tpu.memory_space<vmem>>, vector<16xf32>,
        %get3A_1170 = arith.index_cast %add3A_1140 : i32 to index
        %get3A_1171 = arith.constant 48 : index
        %get3A_1172 = tpu.vector_load %arg10[%get3A_1170, %get3A_1171] {strides = array<i32>} : memref<128x128xf32, #tpu.memory_space<vmem>>, vector<16xf32>,
        %mul3A_1173 = arith.mulf %get3A_1169, %get3A_1172 : vector<16xf32>
        %add3A_1174 = arith.addf %add3A_1166, %mul3A_1173 : vector<16xf32>
        %get3A_1175 = arith.index_cast %add3A_1140 : i32 to index
        %get3A_1176 = arith.constant 64 : index
        %get3A_1177 = tpu.vector_load %arg9[%get3A_1175, %get3A_1176] {strides = array<i32>} : memref<128x128xf32, #tpu.memory_space<vmem>>, vector<16xf32>,
        %get3A_1178 = arith.index_cast %add3A_1140 : i32 to index
        %get3A_1179 = arith.constant 64 : index
        %get3A_1180 = tpu.vector_load %arg10[%get3A_1178, %get3A_1179] {strides = array<i32>} : memref<128x128xf32, #tpu.memory_space<vmem>>, vector<16xf32>,
        %mul3A_1181 = arith.mulf %get3A_1177, %get3A_1180 : vector<16xf32>
        %add3A_1182 = arith.addf %add3A_1174, %mul3A_1181 : vector<16xf32>
        %get3A_1183 = arith.index_cast %add3A_1140 : i32 to index
        %get3A_1184 = arith.constant 80 : index
        %get3A_1185 = tpu.vector_load %arg9[%get3A_1183, %get3A_1184] {strides = array<i32>} : memref<128x128xf32, #tpu.memory_space<vmem>>, vector<16xf32>,
        %get3A_1186 = arith.index_cast %add3A_1140 : i32 to index
        %get3A_1187 = arith.constant 80 : index
        %get3A_1188 = tpu.vector_load %arg10[%get3A_1186, %get3A_1187] {strides = array<i32>} : memref<128x128xf32, #tpu.memory_space<vmem>>, vector<16xf32>,
        %mul3A_1189 = arith.mulf %get3A_1185, %get3A_1188 : vector<16xf32>
        %add3A_1190 = arith.addf %add3A_1182, %mul3A_1189 : vector<16xf32>
        %get3A_1191 = arith.index_cast %add3A_1140 : i32 to index
        %get3A_1192 = arith.constant 96 : index
        %get3A_1193 = tpu.vector_load %arg9[%get3A_1191, %get3A_1192] {strides = array<i32>} : memref<128x128xf32, #tpu.memory_space<vmem>>, vector<16xf32>,
        %get3A_1194 = arith.index_cast %add3A_1140 : i32 to index
        %get3A_1195 = arith.constant 96 : index
        %get3A_1196 = tpu.vector_load %arg10[%get3A_1194, %get3A_1195] {strides = array<i32>} : memref<128x128xf32, #tpu.memory_space<vmem>>, vector<16xf32>,
        %mul3A_1197 = arith.mulf %get3A_1193, %get3A_1196 : vector<16xf32>
        %add3A_1198 = arith.addf %add3A_1190, %mul3A_1197 : vector<16xf32>
        %get3A_1199 = arith.index_cast %add3A_1140 : i32 to index
        %get3A_1200 = arith.constant 112 : index
        %get3A_1201 = tpu.vector_load %arg9[%get3A_1199, %get3A_1200] {strides = array<i32>} : memref<128x128xf32, #tpu.memory_space<vmem>>, vector<16xf32>,
        %get3A_1202 = arith.index_cast %add3A_1140 : i32 to index
        %get3A_1203 = arith.constant 112 : index
        %get3A_1204 = tpu.vector_load %arg10[%get3A_1202, %get3A_1203] {strides = array<i32>} : memref<128x128xf32, #tpu.memory_space<vmem>>, vector<16xf32>,
        %mul3A_1205 = arith.mulf %get3A_1201, %get3A_1204 : vector<16xf32>
        %add3A_1206 = arith.addf %add3A_1198, %mul3A_1205 : vector<16xf32>
        %reduce_sum3A_1207 = arith.constant true
        %reduce_sum3A_1208 = vector.broadcast %reduce_sum3A_1207 : i1 to vector<16xi1>
        %reduce_sum3A_1209 = tpu.scan <sum>, %add3A_1206 masked %reduce_sum3A_1208 : vector<16xf32>, vector<16xi1> -> vector<16xf32>
        %reduce_sum3A_1210 = vector.extract %reduce_sum3A_1209[15] : f32 from vector<16xf32>
        %eq3A_1211 = arith.constant 14 : i32
        %eq3A_1212 = vector.broadcast %eq3A_1211 : i32 to vector<16xi32>
        %eq3A_1213 = arith.cmpi eq, %iota3A, %eq3A_1212 : vector<16xi32>
        %broadcast_in_dim3A_1214 = vector.broadcast %reduce_sum3A_1210 : f32 to vector<16xf32>
        %select_n3A_1215 = arith.select %eq3A_1213, %broadcast_in_dim3A_1214, %select_n3A_1136 : vector<16xi1>, vector<16xf32>
        %mul3A_1216 = arith.constant 16 : i32
        %mul3A_1217 = arith.muli %scan3A_32, %mul3A_1216 : i32
        %add3A_1218 = arith.constant 15 : i32
        %add3A_1219 = arith.addi %mul3A_1217, %add3A_1218 : i32
        %broadcast_in_dim3A_1220 = arith.constant 0.000000e+00 : f32
        %broadcast_in_dim3A_1221 = vector.broadcast %broadcast_in_dim3A_1220 : f32 to vector<16xf32>
        %get3A_1222 = arith.index_cast %add3A_1219 : i32 to index
        %get3A_1223 = arith.constant 0 : index
        %get3A_1224 = tpu.vector_load %arg9[%get3A_1222, %get3A_1223] {strides = array<i32>} : memref<128x128xf32, #tpu.memory_space<vmem>>, vector<16xf32>,
        %get3A_1225 = arith.index_cast %add3A_1219 : i32 to index
        %get3A_1226 = arith.constant 0 : index
        %get3A_1227 = tpu.vector_load %arg10[%get3A_1225, %get3A_1226] {strides = array<i32>} : memref<128x128xf32, #tpu.memory_space<vmem>>, vector<16xf32>,
        %mul3A_1228 = arith.mulf %get3A_1224, %get3A_1227 : vector<16xf32>
        %add3A_1229 = arith.addf %broadcast_in_dim3A_1221, %mul3A_1228 : vector<16xf32>
        %get3A_1230 = arith.index_cast %add3A_1219 : i32 to index
        %get3A_1231 = arith.constant 16 : index
        %get3A_1232 = tpu.vector_load %arg9[%get3A_1230, %get3A_1231] {strides = array<i32>} : memref<128x128xf32, #tpu.memory_space<vmem>>, vector<16xf32>,
        %get3A_1233 = arith.index_cast %add3A_1219 : i32 to index
        %get3A_1234 = arith.constant 16 : index
        %get3A_1235 = tpu.vector_load %arg10[%get3A_1233, %get3A_1234] {strides = array<i32>} : memref<128x128xf32, #tpu.memory_space<vmem>>, vector<16xf32>,
        %mul3A_1236 = arith.mulf %get3A_1232, %get3A_1235 : vector<16xf32>
        %add3A_1237 = arith.addf %add3A_1229, %mul3A_1236 : vector<16xf32>
        %get3A_1238 = arith.index_cast %add3A_1219 : i32 to index
        %get3A_1239 = arith.constant 32 : index
        %get3A_1240 = tpu.vector_load %arg9[%get3A_1238, %get3A_1239] {strides = array<i32>} : memref<128x128xf32, #tpu.memory_space<vmem>>, vector<16xf32>,
        %get3A_1241 = arith.index_cast %add3A_1219 : i32 to index
        %get3A_1242 = arith.constant 32 : index
        %get3A_1243 = tpu.vector_load %arg10[%get3A_1241, %get3A_1242] {strides = array<i32>} : memref<128x128xf32, #tpu.memory_space<vmem>>, vector<16xf32>,
        %mul3A_1244 = arith.mulf %get3A_1240, %get3A_1243 : vector<16xf32>
        %add3A_1245 = arith.addf %add3A_1237, %mul3A_1244 : vector<16xf32>
        %get3A_1246 = arith.index_cast %add3A_1219 : i32 to index
        %get3A_1247 = arith.constant 48 : index
        %get3A_1248 = tpu.vector_load %arg9[%get3A_1246, %get3A_1247] {strides = array<i32>} : memref<128x128xf32, #tpu.memory_space<vmem>>, vector<16xf32>,
        %get3A_1249 = arith.index_cast %add3A_1219 : i32 to index
        %get3A_1250 = arith.constant 48 : index
        %get3A_1251 = tpu.vector_load %arg10[%get3A_1249, %get3A_1250] {strides = array<i32>} : memref<128x128xf32, #tpu.memory_space<vmem>>, vector<16xf32>,
        %mul3A_1252 = arith.mulf %get3A_1248, %get3A_1251 : vector<16xf32>
        %add3A_1253 = arith.addf %add3A_1245, %mul3A_1252 : vector<16xf32>
        %get3A_1254 = arith.index_cast %add3A_1219 : i32 to index
        %get3A_1255 = arith.constant 64 : index
        %get3A_1256 = tpu.vector_load %arg9[%get3A_1254, %get3A_1255] {strides = array<i32>} : memref<128x128xf32, #tpu.memory_space<vmem>>, vector<16xf32>,
        %get3A_1257 = arith.index_cast %add3A_1219 : i32 to index
        %get3A_1258 = arith.constant 64 : index
        %get3A_1259 = tpu.vector_load %arg10[%get3A_1257, %get3A_1258] {strides = array<i32>} : memref<128x128xf32, #tpu.memory_space<vmem>>, vector<16xf32>,
        %mul3A_1260 = arith.mulf %get3A_1256, %get3A_1259 : vector<16xf32>
        %add3A_1261 = arith.addf %add3A_1253, %mul3A_1260 : vector<16xf32>
        %get3A_1262 = arith.index_cast %add3A_1219 : i32 to index
        %get3A_1263 = arith.constant 80 : index
        %get3A_1264 = tpu.vector_load %arg9[%get3A_1262, %get3A_1263] {strides = array<i32>} : memref<128x128xf32, #tpu.memory_space<vmem>>, vector<16xf32>,
        %get3A_1265 = arith.index_cast %add3A_1219 : i32 to index
        %get3A_1266 = arith.constant 80 : index
        %get3A_1267 = tpu.vector_load %arg10[%get3A_1265, %get3A_1266] {strides = array<i32>} : memref<128x128xf32, #tpu.memory_space<vmem>>, vector<16xf32>,
        %mul3A_1268 = arith.mulf %get3A_1264, %get3A_1267 : vector<16xf32>
        %add3A_1269 = arith.addf %add3A_1261, %mul3A_1268 : vector<16xf32>
        %get3A_1270 = arith.index_cast %add3A_1219 : i32 to index
        %get3A_1271 = arith.constant 96 : index
        %get3A_1272 = tpu.vector_load %arg9[%get3A_1270, %get3A_1271] {strides = array<i32>} : memref<128x128xf32, #tpu.memory_space<vmem>>, vector<16xf32>,
        %get3A_1273 = arith.index_cast %add3A_1219 : i32 to index
        %get3A_1274 = arith.constant 96 : index
        %get3A_1275 = tpu.vector_load %arg10[%get3A_1273, %get3A_1274] {strides = array<i32>} : memref<128x128xf32, #tpu.memory_space<vmem>>, vector<16xf32>,
        %mul3A_1276 = arith.mulf %get3A_1272, %get3A_1275 : vector<16xf32>
        %add3A_1277 = arith.addf %add3A_1269, %mul3A_1276 : vector<16xf32>
        %get3A_1278 = arith.index_cast %add3A_1219 : i32 to index
        %get3A_1279 = arith.constant 112 : index
        %get3A_1280 = tpu.vector_load %arg9[%get3A_1278, %get3A_1279] {strides = array<i32>} : memref<128x128xf32, #tpu.memory_space<vmem>>, vector<16xf32>,
        %get3A_1281 = arith.index_cast %add3A_1219 : i32 to index
        %get3A_1282 = arith.constant 112 : index
        %get3A_1283 = tpu.vector_load %arg10[%get3A_1281, %get3A_1282] {strides = array<i32>} : memref<128x128xf32, #tpu.memory_space<vmem>>, vector<16xf32>,
        %mul3A_1284 = arith.mulf %get3A_1280, %get3A_1283 : vector<16xf32>
        %add3A_1285 = arith.addf %add3A_1277, %mul3A_1284 : vector<16xf32>
        %reduce_sum3A_1286 = arith.constant true
        %reduce_sum3A_1287 = vector.broadcast %reduce_sum3A_1286 : i1 to vector<16xi1>
        %reduce_sum3A_1288 = tpu.scan <sum>, %add3A_1285 masked %reduce_sum3A_1287 : vector<16xf32>, vector<16xi1> -> vector<16xf32>
        %reduce_sum3A_1289 = vector.extract %reduce_sum3A_1288[15] : f32 from vector<16xf32>
        %eq3A_1290 = arith.constant 15 : i32
        %eq3A_1291 = vector.broadcast %eq3A_1290 : i32 to vector<16xi32>
        %eq3A_1292 = arith.cmpi eq, %iota3A, %eq3A_1291 : vector<16xi32>
        %broadcast_in_dim3A_1293 = vector.broadcast %reduce_sum3A_1289 : f32 to vector<16xf32>
        %select_n3A_1294 = arith.select %eq3A_1292, %broadcast_in_dim3A_1293, %select_n3A_1215 : vector<16xi1>, vector<16xf32>
        %mul3A_1295 = arith.constant 16 : i32
        %mul3A_1296 = arith.muli %scan3A_32, %mul3A_1295 : i32
        %swap3A = arith.index_cast %mul3A_1296 : i32 to index
        %swap3A_1297 = tpu.vector_load %arg11[%swap3A] {strides = array<i32>} : memref<128xf32, #tpu.memory_space<vmem>>, vector<16xf32>,
        tpu.vector_store %arg11[%swap3A], %select_n3A_1294 {strides = array<i32>} : memref<128xf32, #tpu.memory_space<vmem>>, vector<16xf32>,
        %scan3A_1298 = arith.constant 0 : i32
        scf.yield %scan3A_1298 : i32
      }
      %scan3A_30 = arith.constant 8 : i32
      "tpu.region"() ({
        %run_scoped3A = tpu.sem_alloc : memref<!tpu.dma_semaphore, #tpu.memory_space<semaphore_mem>>
        %dma_start3A_32 = tpu.memref_slice %arg6[%add3A_13] : memref<102400xf32, #tpu.memory_space<hbm>> -> memref<128xf32, #tpu.memory_space<hbm>>
        %dma_start3A_33 = tpu.memref_slice %arg6[%add3A_13] : memref<102400xf32, #tpu.memory_space<hbm>> -> memref<128xf32, #tpu.memory_space<hbm>>
        tpu.enqueue_dma source(%arg11 : memref<128xf32, #tpu.memory_space<vmem>>) target(%dma_start3A_33 : memref<128xf32, #tpu.memory_space<hbm>>) target_semaphore(%run_scoped3A : memref<!tpu.dma_semaphore, #tpu.memory_space<semaphore_mem>>)
        %dma_wait3A_34 = tpu.memref_slice %arg6[%add3A_13] : memref<102400xf32, #tpu.memory_space<hbm>> -> memref<128xf32, #tpu.memory_space<hbm>>
        %dma_wait3A_35 = tpu.memref_slice %arg6[%add3A_13] : memref<102400xf32, #tpu.memory_space<hbm>> -> memref<128xf32, #tpu.memory_space<hbm>>
        tpu.wait_dma2 semaphore(%run_scoped3A : memref<!tpu.dma_semaphore, #tpu.memory_space<semaphore_mem>>) src(%arg11 : memref<128xf32, #tpu.memory_space<vmem>>) dst(%dma_wait3A_35 : memref<128xf32, #tpu.memory_space<hbm>>)
        tpu.yield
      }) : () -> ()
      %scan3A_31 = arith.constant 0 : i32
      scf.yield %scan3A_31 : i32
    }
    %scan3A_8 = arith.constant 25 : i32
    return
  }
}

#map = affine_map<(d0, d1) -> (0, 0)>
#map1 = affine_map<(d0, d1) -> (0)>
#map2 = affine_map<(d0, d1) -> (0, 0, 0)>
module attributes {stable_mosaic.version = 14 : i64} {
  func.func @_sc_mm_body(%arg0: i32, %arg1: i32, %arg2: memref<10001x128xf32, #tpu.memory_space<hbm>>, %arg3: memref<327680xi32, #tpu.memory_space<hbm>>, %arg4: memref<327680xi32, #tpu.memory_space<hbm>>, %arg5: memref<2x10240x128xf32, #tpu.memory_space<hbm>>, %arg6: memref<2x10240x16xf32, #tpu.memory_space<hbm>>, %arg7: memref<10240x128xf32, #tpu.memory_space<vmem_shared>>, %arg8: memref<10240x16xf32, #tpu.memory_space<vmem_shared>>, %arg9: memref<128xi32, #tpu.memory_space<vmem>>, %arg10: memref<128xi32, #tpu.memory_space<vmem>>, %arg11: memref<128x128xf32, #tpu.memory_space<vmem>>, %arg12: memref<128x16xf32, #tpu.memory_space<vmem>>, %arg13: memref<128x16xf32, #tpu.memory_space<vmem>>, %arg14: memref<!tpu.dma_semaphore, #tpu.memory_space<semaphore_mem>>) attributes {dimension_semantics = [#tpu.dimension_semantics<core_parallel>, #tpu.dimension_semantics<subcore_parallel>], iteration_bounds = array<i64: 2, 16>, scalar_prefetch = 0 : i64, scratch_operands = 8 : i64, tpu.core_type = #tpu.core_type<sc_vector_subcore>, window_params = [{transform_indices = #map}, {transform_indices = #map1}, {transform_indices = #map1}, {transform_indices = #map2}, {transform_indices = #map2}]} {
    %mul3A = arith.constant 16 : i32
    %mul3A_0 = arith.muli %arg0, %mul3A : i32
    %add3A = arith.addi %mul3A_0, %arg1 : i32
    %scan3A = arith.constant 0 : i32
    %scan3A_1 = arith.constant 0 : i32
    %scan3A_2 = arith.constant 128 : i32
    %scan3A_3 = arith.addi %scan3A_1, %scan3A_2 : i32
    %scan3A_4 = arith.constant 1 : i32
    %scan3A_5 = scf.for %scan3A_72 = %scan3A_1 to %scan3A_3 step %scan3A_4 iter_args(%scan3A_73 = %scan3A) -> (i32)  : i32 {
      %broadcast_in_dim3A = arith.constant 0.000000e+00 : f32
      %broadcast_in_dim3A_74 = vector.broadcast %broadcast_in_dim3A : f32 to vector<16xf32>
      %swap3A = arith.index_cast %scan3A_72 : i32 to index
      %swap3A_75 = arith.constant 0 : index
      %swap3A_76 = tpu.vector_load %arg11[%swap3A, %swap3A_75] {strides = array<i32>} : memref<128x128xf32, #tpu.memory_space<vmem>>, vector<16xf32>,
      tpu.vector_store %arg11[%swap3A, %swap3A_75], %broadcast_in_dim3A_74 {strides = array<i32>} : memref<128x128xf32, #tpu.memory_space<vmem>>, vector<16xf32>,
      %broadcast_in_dim3A_77 = arith.constant 0.000000e+00 : f32
      %broadcast_in_dim3A_78 = vector.broadcast %broadcast_in_dim3A_77 : f32 to vector<16xf32>
      %swap3A_79 = arith.index_cast %scan3A_72 : i32 to index
      %swap3A_80 = arith.constant 16 : index
      %swap3A_81 = tpu.vector_load %arg11[%swap3A_79, %swap3A_80] {strides = array<i32>} : memref<128x128xf32, #tpu.memory_space<vmem>>, vector<16xf32>,
      tpu.vector_store %arg11[%swap3A_79, %swap3A_80], %broadcast_in_dim3A_78 {strides = array<i32>} : memref<128x128xf32, #tpu.memory_space<vmem>>, vector<16xf32>,
      %broadcast_in_dim3A_82 = arith.constant 0.000000e+00 : f32
      %broadcast_in_dim3A_83 = vector.broadcast %broadcast_in_dim3A_82 : f32 to vector<16xf32>
      %swap3A_84 = arith.index_cast %scan3A_72 : i32 to index
      %swap3A_85 = arith.constant 32 : index
      %swap3A_86 = tpu.vector_load %arg11[%swap3A_84, %swap3A_85] {strides = array<i32>} : memref<128x128xf32, #tpu.memory_space<vmem>>, vector<16xf32>,
      tpu.vector_store %arg11[%swap3A_84, %swap3A_85], %broadcast_in_dim3A_83 {strides = array<i32>} : memref<128x128xf32, #tpu.memory_space<vmem>>, vector<16xf32>,
      %broadcast_in_dim3A_87 = arith.constant 0.000000e+00 : f32
      %broadcast_in_dim3A_88 = vector.broadcast %broadcast_in_dim3A_87 : f32 to vector<16xf32>
      %swap3A_89 = arith.index_cast %scan3A_72 : i32 to index
      %swap3A_90 = arith.constant 48 : index
      %swap3A_91 = tpu.vector_load %arg11[%swap3A_89, %swap3A_90] {strides = array<i32>} : memref<128x128xf32, #tpu.memory_space<vmem>>, vector<16xf32>,
      tpu.vector_store %arg11[%swap3A_89, %swap3A_90], %broadcast_in_dim3A_88 {strides = array<i32>} : memref<128x128xf32, #tpu.memory_space<vmem>>, vector<16xf32>,
      %broadcast_in_dim3A_92 = arith.constant 0.000000e+00 : f32
      %broadcast_in_dim3A_93 = vector.broadcast %broadcast_in_dim3A_92 : f32 to vector<16xf32>
      %swap3A_94 = arith.index_cast %scan3A_72 : i32 to index
      %swap3A_95 = arith.constant 64 : index
      %swap3A_96 = tpu.vector_load %arg11[%swap3A_94, %swap3A_95] {strides = array<i32>} : memref<128x128xf32, #tpu.memory_space<vmem>>, vector<16xf32>,
      tpu.vector_store %arg11[%swap3A_94, %swap3A_95], %broadcast_in_dim3A_93 {strides = array<i32>} : memref<128x128xf32, #tpu.memory_space<vmem>>, vector<16xf32>,
      %broadcast_in_dim3A_97 = arith.constant 0.000000e+00 : f32
      %broadcast_in_dim3A_98 = vector.broadcast %broadcast_in_dim3A_97 : f32 to vector<16xf32>
      %swap3A_99 = arith.index_cast %scan3A_72 : i32 to index
      %swap3A_100 = arith.constant 80 : index
      %swap3A_101 = tpu.vector_load %arg11[%swap3A_99, %swap3A_100] {strides = array<i32>} : memref<128x128xf32, #tpu.memory_space<vmem>>, vector<16xf32>,
      tpu.vector_store %arg11[%swap3A_99, %swap3A_100], %broadcast_in_dim3A_98 {strides = array<i32>} : memref<128x128xf32, #tpu.memory_space<vmem>>, vector<16xf32>,
      %broadcast_in_dim3A_102 = arith.constant 0.000000e+00 : f32
      %broadcast_in_dim3A_103 = vector.broadcast %broadcast_in_dim3A_102 : f32 to vector<16xf32>
      %swap3A_104 = arith.index_cast %scan3A_72 : i32 to index
      %swap3A_105 = arith.constant 96 : index
      %swap3A_106 = tpu.vector_load %arg11[%swap3A_104, %swap3A_105] {strides = array<i32>} : memref<128x128xf32, #tpu.memory_space<vmem>>, vector<16xf32>,
      tpu.vector_store %arg11[%swap3A_104, %swap3A_105], %broadcast_in_dim3A_103 {strides = array<i32>} : memref<128x128xf32, #tpu.memory_space<vmem>>, vector<16xf32>,
      %broadcast_in_dim3A_107 = arith.constant 0.000000e+00 : f32
      %broadcast_in_dim3A_108 = vector.broadcast %broadcast_in_dim3A_107 : f32 to vector<16xf32>
      %swap3A_109 = arith.index_cast %scan3A_72 : i32 to index
      %swap3A_110 = arith.constant 112 : index
      %swap3A_111 = tpu.vector_load %arg11[%swap3A_109, %swap3A_110] {strides = array<i32>} : memref<128x128xf32, #tpu.memory_space<vmem>>, vector<16xf32>,
      tpu.vector_store %arg11[%swap3A_109, %swap3A_110], %broadcast_in_dim3A_108 {strides = array<i32>} : memref<128x128xf32, #tpu.memory_space<vmem>>, vector<16xf32>,
      %scan3A_112 = arith.constant 0 : i32
      scf.yield %scan3A_112 : i32
    }
    %scan3A_6 = arith.constant 128 : i32
    %mul3A_7 = arith.constant 640 : i32
    %mul3A_8 = arith.muli %arg1, %mul3A_7 : i32
    %add3A_9 = arith.constant 0 : i32
    %add3A_10 = arith.addi %mul3A_8, %add3A_9 : i32
    "tpu.region"() ({
      %run_scoped3A = tpu.sem_alloc : memref<!tpu.dma_semaphore, #tpu.memory_space<semaphore_mem>>
      %dma_start3A = arith.constant 0 : i32
      %dma_start3A_72 = tpu.memref_slice %arg7[%add3A_10, %dma_start3A] : memref<10240x128xf32, #tpu.memory_space<vmem_shared>> -> memref<128x128xf32, #tpu.memory_space<vmem_shared>>
      %dma_start3A_73 = arith.constant 0 : i32
      %dma_start3A_74 = tpu.memref_slice %arg7[%add3A_10, %dma_start3A_73] : memref<10240x128xf32, #tpu.memory_space<vmem_shared>> -> memref<128x128xf32, #tpu.memory_space<vmem_shared>>
      tpu.enqueue_dma source(%arg11 : memref<128x128xf32, #tpu.memory_space<vmem>>) target(%dma_start3A_74 : memref<128x128xf32, #tpu.memory_space<vmem_shared>>) target_semaphore(%run_scoped3A : memref<!tpu.dma_semaphore, #tpu.memory_space<semaphore_mem>>)
      %dma_wait3A = arith.constant 0 : i32
      %dma_wait3A_75 = tpu.memref_slice %arg7[%add3A_10, %dma_wait3A] : memref<10240x128xf32, #tpu.memory_space<vmem_shared>> -> memref<128x128xf32, #tpu.memory_space<vmem_shared>>
      %dma_wait3A_76 = arith.constant 0 : i32
      %dma_wait3A_77 = tpu.memref_slice %arg7[%add3A_10, %dma_wait3A_76] : memref<10240x128xf32, #tpu.memory_space<vmem_shared>> -> memref<128x128xf32, #tpu.memory_space<vmem_shared>>
      tpu.wait_dma2 semaphore(%run_scoped3A : memref<!tpu.dma_semaphore, #tpu.memory_space<semaphore_mem>>) src(%arg11 : memref<128x128xf32, #tpu.memory_space<vmem>>) dst(%dma_wait3A_77 : memref<128x128xf32, #tpu.memory_space<vmem_shared>>)
      tpu.yield
    }) : () -> ()
    %mul3A_11 = arith.constant 640 : i32
    %mul3A_12 = arith.muli %arg1, %mul3A_11 : i32
    %add3A_13 = arith.constant 128 : i32
    %add3A_14 = arith.addi %mul3A_12, %add3A_13 : i32
    "tpu.region"() ({
      %run_scoped3A = tpu.sem_alloc : memref<!tpu.dma_semaphore, #tpu.memory_space<semaphore_mem>>
      %dma_start3A = arith.constant 0 : i32
      %dma_start3A_72 = tpu.memref_slice %arg7[%add3A_14, %dma_start3A] : memref<10240x128xf32, #tpu.memory_space<vmem_shared>> -> memref<128x128xf32, #tpu.memory_space<vmem_shared>>
      %dma_start3A_73 = arith.constant 0 : i32
      %dma_start3A_74 = tpu.memref_slice %arg7[%add3A_14, %dma_start3A_73] : memref<10240x128xf32, #tpu.memory_space<vmem_shared>> -> memref<128x128xf32, #tpu.memory_space<vmem_shared>>
      tpu.enqueue_dma source(%arg11 : memref<128x128xf32, #tpu.memory_space<vmem>>) target(%dma_start3A_74 : memref<128x128xf32, #tpu.memory_space<vmem_shared>>) target_semaphore(%run_scoped3A : memref<!tpu.dma_semaphore, #tpu.memory_space<semaphore_mem>>)
      %dma_wait3A = arith.constant 0 : i32
      %dma_wait3A_75 = tpu.memref_slice %arg7[%add3A_14, %dma_wait3A] : memref<10240x128xf32, #tpu.memory_space<vmem_shared>> -> memref<128x128xf32, #tpu.memory_space<vmem_shared>>
      %dma_wait3A_76 = arith.constant 0 : i32
      %dma_wait3A_77 = tpu.memref_slice %arg7[%add3A_14, %dma_wait3A_76] : memref<10240x128xf32, #tpu.memory_space<vmem_shared>> -> memref<128x128xf32, #tpu.memory_space<vmem_shared>>
      tpu.wait_dma2 semaphore(%run_scoped3A : memref<!tpu.dma_semaphore, #tpu.memory_space<semaphore_mem>>) src(%arg11 : memref<128x128xf32, #tpu.memory_space<vmem>>) dst(%dma_wait3A_77 : memref<128x128xf32, #tpu.memory_space<vmem_shared>>)
      tpu.yield
    }) : () -> ()
    %mul3A_15 = arith.constant 640 : i32
    %mul3A_16 = arith.muli %arg1, %mul3A_15 : i32
    %add3A_17 = arith.constant 256 : i32
    %add3A_18 = arith.addi %mul3A_16, %add3A_17 : i32
    "tpu.region"() ({
      %run_scoped3A = tpu.sem_alloc : memref<!tpu.dma_semaphore, #tpu.memory_space<semaphore_mem>>
      %dma_start3A = arith.constant 0 : i32
      %dma_start3A_72 = tpu.memref_slice %arg7[%add3A_18, %dma_start3A] : memref<10240x128xf32, #tpu.memory_space<vmem_shared>> -> memref<128x128xf32, #tpu.memory_space<vmem_shared>>
      %dma_start3A_73 = arith.constant 0 : i32
      %dma_start3A_74 = tpu.memref_slice %arg7[%add3A_18, %dma_start3A_73] : memref<10240x128xf32, #tpu.memory_space<vmem_shared>> -> memref<128x128xf32, #tpu.memory_space<vmem_shared>>
      tpu.enqueue_dma source(%arg11 : memref<128x128xf32, #tpu.memory_space<vmem>>) target(%dma_start3A_74 : memref<128x128xf32, #tpu.memory_space<vmem_shared>>) target_semaphore(%run_scoped3A : memref<!tpu.dma_semaphore, #tpu.memory_space<semaphore_mem>>)
      %dma_wait3A = arith.constant 0 : i32
      %dma_wait3A_75 = tpu.memref_slice %arg7[%add3A_18, %dma_wait3A] : memref<10240x128xf32, #tpu.memory_space<vmem_shared>> -> memref<128x128xf32, #tpu.memory_space<vmem_shared>>
      %dma_wait3A_76 = arith.constant 0 : i32
      %dma_wait3A_77 = tpu.memref_slice %arg7[%add3A_18, %dma_wait3A_76] : memref<10240x128xf32, #tpu.memory_space<vmem_shared>> -> memref<128x128xf32, #tpu.memory_space<vmem_shared>>
      tpu.wait_dma2 semaphore(%run_scoped3A : memref<!tpu.dma_semaphore, #tpu.memory_space<semaphore_mem>>) src(%arg11 : memref<128x128xf32, #tpu.memory_space<vmem>>) dst(%dma_wait3A_77 : memref<128x128xf32, #tpu.memory_space<vmem_shared>>)
      tpu.yield
    }) : () -> ()
    %mul3A_19 = arith.constant 640 : i32
    %mul3A_20 = arith.muli %arg1, %mul3A_19 : i32
    %add3A_21 = arith.constant 384 : i32
    %add3A_22 = arith.addi %mul3A_20, %add3A_21 : i32
    "tpu.region"() ({
      %run_scoped3A = tpu.sem_alloc : memref<!tpu.dma_semaphore, #tpu.memory_space<semaphore_mem>>
      %dma_start3A = arith.constant 0 : i32
      %dma_start3A_72 = tpu.memref_slice %arg7[%add3A_22, %dma_start3A] : memref<10240x128xf32, #tpu.memory_space<vmem_shared>> -> memref<128x128xf32, #tpu.memory_space<vmem_shared>>
      %dma_start3A_73 = arith.constant 0 : i32
      %dma_start3A_74 = tpu.memref_slice %arg7[%add3A_22, %dma_start3A_73] : memref<10240x128xf32, #tpu.memory_space<vmem_shared>> -> memref<128x128xf32, #tpu.memory_space<vmem_shared>>
      tpu.enqueue_dma source(%arg11 : memref<128x128xf32, #tpu.memory_space<vmem>>) target(%dma_start3A_74 : memref<128x128xf32, #tpu.memory_space<vmem_shared>>) target_semaphore(%run_scoped3A : memref<!tpu.dma_semaphore, #tpu.memory_space<semaphore_mem>>)
      %dma_wait3A = arith.constant 0 : i32
      %dma_wait3A_75 = tpu.memref_slice %arg7[%add3A_22, %dma_wait3A] : memref<10240x128xf32, #tpu.memory_space<vmem_shared>> -> memref<128x128xf32, #tpu.memory_space<vmem_shared>>
      %dma_wait3A_76 = arith.constant 0 : i32
      %dma_wait3A_77 = tpu.memref_slice %arg7[%add3A_22, %dma_wait3A_76] : memref<10240x128xf32, #tpu.memory_space<vmem_shared>> -> memref<128x128xf32, #tpu.memory_space<vmem_shared>>
      tpu.wait_dma2 semaphore(%run_scoped3A : memref<!tpu.dma_semaphore, #tpu.memory_space<semaphore_mem>>) src(%arg11 : memref<128x128xf32, #tpu.memory_space<vmem>>) dst(%dma_wait3A_77 : memref<128x128xf32, #tpu.memory_space<vmem_shared>>)
      tpu.yield
    }) : () -> ()
    %mul3A_23 = arith.constant 640 : i32
    %mul3A_24 = arith.muli %arg1, %mul3A_23 : i32
    %add3A_25 = arith.constant 512 : i32
    %add3A_26 = arith.addi %mul3A_24, %add3A_25 : i32
    "tpu.region"() ({
      %run_scoped3A = tpu.sem_alloc : memref<!tpu.dma_semaphore, #tpu.memory_space<semaphore_mem>>
      %dma_start3A = arith.constant 0 : i32
      %dma_start3A_72 = tpu.memref_slice %arg7[%add3A_26, %dma_start3A] : memref<10240x128xf32, #tpu.memory_space<vmem_shared>> -> memref<128x128xf32, #tpu.memory_space<vmem_shared>>
      %dma_start3A_73 = arith.constant 0 : i32
      %dma_start3A_74 = tpu.memref_slice %arg7[%add3A_26, %dma_start3A_73] : memref<10240x128xf32, #tpu.memory_space<vmem_shared>> -> memref<128x128xf32, #tpu.memory_space<vmem_shared>>
      tpu.enqueue_dma source(%arg11 : memref<128x128xf32, #tpu.memory_space<vmem>>) target(%dma_start3A_74 : memref<128x128xf32, #tpu.memory_space<vmem_shared>>) target_semaphore(%run_scoped3A : memref<!tpu.dma_semaphore, #tpu.memory_space<semaphore_mem>>)
      %dma_wait3A = arith.constant 0 : i32
      %dma_wait3A_75 = tpu.memref_slice %arg7[%add3A_26, %dma_wait3A] : memref<10240x128xf32, #tpu.memory_space<vmem_shared>> -> memref<128x128xf32, #tpu.memory_space<vmem_shared>>
      %dma_wait3A_76 = arith.constant 0 : i32
      %dma_wait3A_77 = tpu.memref_slice %arg7[%add3A_26, %dma_wait3A_76] : memref<10240x128xf32, #tpu.memory_space<vmem_shared>> -> memref<128x128xf32, #tpu.memory_space<vmem_shared>>
      tpu.wait_dma2 semaphore(%run_scoped3A : memref<!tpu.dma_semaphore, #tpu.memory_space<semaphore_mem>>) src(%arg11 : memref<128x128xf32, #tpu.memory_space<vmem>>) dst(%dma_wait3A_77 : memref<128x128xf32, #tpu.memory_space<vmem_shared>>)
      tpu.yield
    }) : () -> ()
    %scan3A_27 = arith.constant 0 : i32
    %scan3A_28 = arith.constant 0 : i32
    %scan3A_29 = arith.constant 128 : i32
    %scan3A_30 = arith.addi %scan3A_28, %scan3A_29 : i32
    %scan3A_31 = arith.constant 1 : i32
    %scan3A_32 = scf.for %scan3A_72 = %scan3A_28 to %scan3A_30 step %scan3A_31 iter_args(%scan3A_73 = %scan3A_27) -> (i32)  : i32 {
      %broadcast_in_dim3A = arith.constant 0.000000e+00 : f32
      %broadcast_in_dim3A_74 = vector.broadcast %broadcast_in_dim3A : f32 to vector<16xf32>
      %swap3A = arith.index_cast %scan3A_72 : i32 to index
      %swap3A_75 = arith.constant 0 : index
      %swap3A_76 = tpu.vector_load %arg13[%swap3A, %swap3A_75] {strides = array<i32>} : memref<128x16xf32, #tpu.memory_space<vmem>>, vector<16xf32>,
      tpu.vector_store %arg13[%swap3A, %swap3A_75], %broadcast_in_dim3A_74 {strides = array<i32>} : memref<128x16xf32, #tpu.memory_space<vmem>>, vector<16xf32>,
      %broadcast_in_dim3A_77 = arith.constant 1.000000e+00 : f32
      %broadcast_in_dim3A_78 = vector.broadcast %broadcast_in_dim3A_77 : f32 to vector<16xf32>
      %swap3A_79 = arith.index_cast %scan3A_72 : i32 to index
      %swap3A_80 = arith.constant 0 : index
      %swap3A_81 = tpu.vector_load %arg12[%swap3A_79, %swap3A_80] {strides = array<i32>} : memref<128x16xf32, #tpu.memory_space<vmem>>, vector<16xf32>,
      tpu.vector_store %arg12[%swap3A_79, %swap3A_80], %broadcast_in_dim3A_78 {strides = array<i32>} : memref<128x16xf32, #tpu.memory_space<vmem>>, vector<16xf32>,
      %scan3A_82 = arith.constant 0 : i32
      scf.yield %scan3A_82 : i32
    }
    %scan3A_33 = arith.constant 128 : i32
    %mul3A_34 = arith.constant 640 : i32
    %mul3A_35 = arith.muli %arg1, %mul3A_34 : i32
    %add3A_36 = arith.constant 0 : i32
    %add3A_37 = arith.addi %mul3A_35, %add3A_36 : i32
    "tpu.region"() ({
      %run_scoped3A = tpu.sem_alloc : memref<!tpu.dma_semaphore, #tpu.memory_space<semaphore_mem>>
      %dma_start3A = arith.constant 0 : i32
      %dma_start3A_72 = tpu.memref_slice %arg8[%add3A_37, %dma_start3A] : memref<10240x16xf32, #tpu.memory_space<vmem_shared>> -> memref<128x16xf32, #tpu.memory_space<vmem_shared>>
      %dma_start3A_73 = arith.constant 0 : i32
      %dma_start3A_74 = tpu.memref_slice %arg8[%add3A_37, %dma_start3A_73] : memref<10240x16xf32, #tpu.memory_space<vmem_shared>> -> memref<128x16xf32, #tpu.memory_space<vmem_shared>>
      tpu.enqueue_dma source(%arg13 : memref<128x16xf32, #tpu.memory_space<vmem>>) target(%dma_start3A_74 : memref<128x16xf32, #tpu.memory_space<vmem_shared>>) target_semaphore(%run_scoped3A : memref<!tpu.dma_semaphore, #tpu.memory_space<semaphore_mem>>)
      %dma_wait3A = arith.constant 0 : i32
      %dma_wait3A_75 = tpu.memref_slice %arg8[%add3A_37, %dma_wait3A] : memref<10240x16xf32, #tpu.memory_space<vmem_shared>> -> memref<128x16xf32, #tpu.memory_space<vmem_shared>>
      %dma_wait3A_76 = arith.constant 0 : i32
      %dma_wait3A_77 = tpu.memref_slice %arg8[%add3A_37, %dma_wait3A_76] : memref<10240x16xf32, #tpu.memory_space<vmem_shared>> -> memref<128x16xf32, #tpu.memory_space<vmem_shared>>
      tpu.wait_dma2 semaphore(%run_scoped3A : memref<!tpu.dma_semaphore, #tpu.memory_space<semaphore_mem>>) src(%arg13 : memref<128x16xf32, #tpu.memory_space<vmem>>) dst(%dma_wait3A_77 : memref<128x16xf32, #tpu.memory_space<vmem_shared>>)
      tpu.yield
    }) : () -> ()
    %mul3A_38 = arith.constant 640 : i32
    %mul3A_39 = arith.muli %arg1, %mul3A_38 : i32
    %add3A_40 = arith.constant 128 : i32
    %add3A_41 = arith.addi %mul3A_39, %add3A_40 : i32
    "tpu.region"() ({
      %run_scoped3A = tpu.sem_alloc : memref<!tpu.dma_semaphore, #tpu.memory_space<semaphore_mem>>
      %dma_start3A = arith.constant 0 : i32
      %dma_start3A_72 = tpu.memref_slice %arg8[%add3A_41, %dma_start3A] : memref<10240x16xf32, #tpu.memory_space<vmem_shared>> -> memref<128x16xf32, #tpu.memory_space<vmem_shared>>
      %dma_start3A_73 = arith.constant 0 : i32
      %dma_start3A_74 = tpu.memref_slice %arg8[%add3A_41, %dma_start3A_73] : memref<10240x16xf32, #tpu.memory_space<vmem_shared>> -> memref<128x16xf32, #tpu.memory_space<vmem_shared>>
      tpu.enqueue_dma source(%arg13 : memref<128x16xf32, #tpu.memory_space<vmem>>) target(%dma_start3A_74 : memref<128x16xf32, #tpu.memory_space<vmem_shared>>) target_semaphore(%run_scoped3A : memref<!tpu.dma_semaphore, #tpu.memory_space<semaphore_mem>>)
      %dma_wait3A = arith.constant 0 : i32
      %dma_wait3A_75 = tpu.memref_slice %arg8[%add3A_41, %dma_wait3A] : memref<10240x16xf32, #tpu.memory_space<vmem_shared>> -> memref<128x16xf32, #tpu.memory_space<vmem_shared>>
      %dma_wait3A_76 = arith.constant 0 : i32
      %dma_wait3A_77 = tpu.memref_slice %arg8[%add3A_41, %dma_wait3A_76] : memref<10240x16xf32, #tpu.memory_space<vmem_shared>> -> memref<128x16xf32, #tpu.memory_space<vmem_shared>>
      tpu.wait_dma2 semaphore(%run_scoped3A : memref<!tpu.dma_semaphore, #tpu.memory_space<semaphore_mem>>) src(%arg13 : memref<128x16xf32, #tpu.memory_space<vmem>>) dst(%dma_wait3A_77 : memref<128x16xf32, #tpu.memory_space<vmem_shared>>)
      tpu.yield
    }) : () -> ()
    %mul3A_42 = arith.constant 640 : i32
    %mul3A_43 = arith.muli %arg1, %mul3A_42 : i32
    %add3A_44 = arith.constant 256 : i32
    %add3A_45 = arith.addi %mul3A_43, %add3A_44 : i32
    "tpu.region"() ({
      %run_scoped3A = tpu.sem_alloc : memref<!tpu.dma_semaphore, #tpu.memory_space<semaphore_mem>>
      %dma_start3A = arith.constant 0 : i32
      %dma_start3A_72 = tpu.memref_slice %arg8[%add3A_45, %dma_start3A] : memref<10240x16xf32, #tpu.memory_space<vmem_shared>> -> memref<128x16xf32, #tpu.memory_space<vmem_shared>>
      %dma_start3A_73 = arith.constant 0 : i32
      %dma_start3A_74 = tpu.memref_slice %arg8[%add3A_45, %dma_start3A_73] : memref<10240x16xf32, #tpu.memory_space<vmem_shared>> -> memref<128x16xf32, #tpu.memory_space<vmem_shared>>
      tpu.enqueue_dma source(%arg13 : memref<128x16xf32, #tpu.memory_space<vmem>>) target(%dma_start3A_74 : memref<128x16xf32, #tpu.memory_space<vmem_shared>>) target_semaphore(%run_scoped3A : memref<!tpu.dma_semaphore, #tpu.memory_space<semaphore_mem>>)
      %dma_wait3A = arith.constant 0 : i32
      %dma_wait3A_75 = tpu.memref_slice %arg8[%add3A_45, %dma_wait3A] : memref<10240x16xf32, #tpu.memory_space<vmem_shared>> -> memref<128x16xf32, #tpu.memory_space<vmem_shared>>
      %dma_wait3A_76 = arith.constant 0 : i32
      %dma_wait3A_77 = tpu.memref_slice %arg8[%add3A_45, %dma_wait3A_76] : memref<10240x16xf32, #tpu.memory_space<vmem_shared>> -> memref<128x16xf32, #tpu.memory_space<vmem_shared>>
      tpu.wait_dma2 semaphore(%run_scoped3A : memref<!tpu.dma_semaphore, #tpu.memory_space<semaphore_mem>>) src(%arg13 : memref<128x16xf32, #tpu.memory_space<vmem>>) dst(%dma_wait3A_77 : memref<128x16xf32, #tpu.memory_space<vmem_shared>>)
      tpu.yield
    }) : () -> ()
    %mul3A_46 = arith.constant 640 : i32
    %mul3A_47 = arith.muli %arg1, %mul3A_46 : i32
    %add3A_48 = arith.constant 384 : i32
    %add3A_49 = arith.addi %mul3A_47, %add3A_48 : i32
    "tpu.region"() ({
      %run_scoped3A = tpu.sem_alloc : memref<!tpu.dma_semaphore, #tpu.memory_space<semaphore_mem>>
      %dma_start3A = arith.constant 0 : i32
      %dma_start3A_72 = tpu.memref_slice %arg8[%add3A_49, %dma_start3A] : memref<10240x16xf32, #tpu.memory_space<vmem_shared>> -> memref<128x16xf32, #tpu.memory_space<vmem_shared>>
      %dma_start3A_73 = arith.constant 0 : i32
      %dma_start3A_74 = tpu.memref_slice %arg8[%add3A_49, %dma_start3A_73] : memref<10240x16xf32, #tpu.memory_space<vmem_shared>> -> memref<128x16xf32, #tpu.memory_space<vmem_shared>>
      tpu.enqueue_dma source(%arg13 : memref<128x16xf32, #tpu.memory_space<vmem>>) target(%dma_start3A_74 : memref<128x16xf32, #tpu.memory_space<vmem_shared>>) target_semaphore(%run_scoped3A : memref<!tpu.dma_semaphore, #tpu.memory_space<semaphore_mem>>)
      %dma_wait3A = arith.constant 0 : i32
      %dma_wait3A_75 = tpu.memref_slice %arg8[%add3A_49, %dma_wait3A] : memref<10240x16xf32, #tpu.memory_space<vmem_shared>> -> memref<128x16xf32, #tpu.memory_space<vmem_shared>>
      %dma_wait3A_76 = arith.constant 0 : i32
      %dma_wait3A_77 = tpu.memref_slice %arg8[%add3A_49, %dma_wait3A_76] : memref<10240x16xf32, #tpu.memory_space<vmem_shared>> -> memref<128x16xf32, #tpu.memory_space<vmem_shared>>
      tpu.wait_dma2 semaphore(%run_scoped3A : memref<!tpu.dma_semaphore, #tpu.memory_space<semaphore_mem>>) src(%arg13 : memref<128x16xf32, #tpu.memory_space<vmem>>) dst(%dma_wait3A_77 : memref<128x16xf32, #tpu.memory_space<vmem_shared>>)
      tpu.yield
    }) : () -> ()
    %mul3A_50 = arith.constant 640 : i32
    %mul3A_51 = arith.muli %arg1, %mul3A_50 : i32
    %add3A_52 = arith.constant 512 : i32
    %add3A_53 = arith.addi %mul3A_51, %add3A_52 : i32
    "tpu.region"() ({
      %run_scoped3A = tpu.sem_alloc : memref<!tpu.dma_semaphore, #tpu.memory_space<semaphore_mem>>
      %dma_start3A = arith.constant 0 : i32
      %dma_start3A_72 = tpu.memref_slice %arg8[%add3A_53, %dma_start3A] : memref<10240x16xf32, #tpu.memory_space<vmem_shared>> -> memref<128x16xf32, #tpu.memory_space<vmem_shared>>
      %dma_start3A_73 = arith.constant 0 : i32
      %dma_start3A_74 = tpu.memref_slice %arg8[%add3A_53, %dma_start3A_73] : memref<10240x16xf32, #tpu.memory_space<vmem_shared>> -> memref<128x16xf32, #tpu.memory_space<vmem_shared>>
      tpu.enqueue_dma source(%arg13 : memref<128x16xf32, #tpu.memory_space<vmem>>) target(%dma_start3A_74 : memref<128x16xf32, #tpu.memory_space<vmem_shared>>) target_semaphore(%run_scoped3A : memref<!tpu.dma_semaphore, #tpu.memory_space<semaphore_mem>>)
      %dma_wait3A = arith.constant 0 : i32
      %dma_wait3A_75 = tpu.memref_slice %arg8[%add3A_53, %dma_wait3A] : memref<10240x16xf32, #tpu.memory_space<vmem_shared>> -> memref<128x16xf32, #tpu.memory_space<vmem_shared>>
      %dma_wait3A_76 = arith.constant 0 : i32
      %dma_wait3A_77 = tpu.memref_slice %arg8[%add3A_53, %dma_wait3A_76] : memref<10240x16xf32, #tpu.memory_space<vmem_shared>> -> memref<128x16xf32, #tpu.memory_space<vmem_shared>>
      tpu.wait_dma2 semaphore(%run_scoped3A : memref<!tpu.dma_semaphore, #tpu.memory_space<semaphore_mem>>) src(%arg13 : memref<128x16xf32, #tpu.memory_space<vmem>>) dst(%dma_wait3A_77 : memref<128x16xf32, #tpu.memory_space<vmem_shared>>)
      tpu.yield
    }) : () -> ()
    %barrier3A = arith.constant 0 : index
    tpu.barrier barrier_id(%barrier3A)
    %mul3A_54 = arith.constant 10240 : i32
    %mul3A_55 = arith.muli %add3A, %mul3A_54 : i32
    %scan3A_56 = arith.constant 0 : i32
    %scan3A_57 = arith.constant 0 : i32
    %scan3A_58 = arith.constant 80 : i32
    %scan3A_59 = arith.addi %scan3A_57, %scan3A_58 : i32
    %scan3A_60 = arith.constant 1 : i32
    %scan3A_61 = scf.for %scan3A_72 = %scan3A_57 to %scan3A_59 step %scan3A_60 iter_args(%scan3A_73 = %scan3A_56) -> (i32)  : i32 {
      %mul3A_74 = arith.constant 128 : i32
      %mul3A_75 = arith.muli %scan3A_72, %mul3A_74 : i32
      %add3A_76 = arith.addi %mul3A_55, %mul3A_75 : i32
      "tpu.region"() ({
        %run_scoped3A = tpu.sem_alloc : memref<!tpu.dma_semaphore, #tpu.memory_space<semaphore_mem>>
        %dma_start3A_82 = tpu.memref_slice %arg3[%add3A_76] : memref<327680xi32, #tpu.memory_space<hbm>> -> memref<128xi32, #tpu.memory_space<hbm>>
        %dma_start3A_83 = tpu.memref_slice %arg3[%add3A_76] : memref<327680xi32, #tpu.memory_space<hbm>> -> memref<128xi32, #tpu.memory_space<hbm>>
        tpu.enqueue_dma source(%dma_start3A_83 : memref<128xi32, #tpu.memory_space<hbm>>) target(%arg9 : memref<128xi32, #tpu.memory_space<vmem>>) target_semaphore(%run_scoped3A : memref<!tpu.dma_semaphore, #tpu.memory_space<semaphore_mem>>)
        %dma_wait3A_84 = tpu.memref_slice %arg3[%add3A_76] : memref<327680xi32, #tpu.memory_space<hbm>> -> memref<128xi32, #tpu.memory_space<hbm>>
        %dma_wait3A_85 = tpu.memref_slice %arg3[%add3A_76] : memref<327680xi32, #tpu.memory_space<hbm>> -> memref<128xi32, #tpu.memory_space<hbm>>
        tpu.wait_dma2 semaphore(%run_scoped3A : memref<!tpu.dma_semaphore, #tpu.memory_space<semaphore_mem>>) src(%dma_wait3A_85 : memref<128xi32, #tpu.memory_space<hbm>>) dst(%arg9 : memref<128xi32, #tpu.memory_space<vmem>>)
        tpu.yield
      }) : () -> ()
      "tpu.region"() ({
        %run_scoped3A = tpu.sem_alloc : memref<!tpu.dma_semaphore, #tpu.memory_space<semaphore_mem>>
        %dma_start3A_82 = tpu.memref_slice %arg4[%add3A_76] : memref<327680xi32, #tpu.memory_space<hbm>> -> memref<128xi32, #tpu.memory_space<hbm>>
        %dma_start3A_83 = tpu.memref_slice %arg4[%add3A_76] : memref<327680xi32, #tpu.memory_space<hbm>> -> memref<128xi32, #tpu.memory_space<hbm>>
        tpu.enqueue_dma source(%dma_start3A_83 : memref<128xi32, #tpu.memory_space<hbm>>) target(%arg10 : memref<128xi32, #tpu.memory_space<vmem>>) target_semaphore(%run_scoped3A : memref<!tpu.dma_semaphore, #tpu.memory_space<semaphore_mem>>)
        %dma_wait3A_84 = tpu.memref_slice %arg4[%add3A_76] : memref<327680xi32, #tpu.memory_space<hbm>> -> memref<128xi32, #tpu.memory_space<hbm>>
        %dma_wait3A_85 = tpu.memref_slice %arg4[%add3A_76] : memref<327680xi32, #tpu.memory_space<hbm>> -> memref<128xi32, #tpu.memory_space<hbm>>
        tpu.wait_dma2 semaphore(%run_scoped3A : memref<!tpu.dma_semaphore, #tpu.memory_space<semaphore_mem>>) src(%dma_wait3A_85 : memref<128xi32, #tpu.memory_space<hbm>>) dst(%arg10 : memref<128xi32, #tpu.memory_space<vmem>>)
        tpu.yield
      }) : () -> ()
      %dma_start3A = arith.constant 0 : i32
      %dma_start3A_77 = arith.constant 0 : i32
      %dma_start3A_78 = tpu.memref_slice %arg2[%dma_start3A, %dma_start3A_77] : memref<10001x128xf32, #tpu.memory_space<hbm>> -> memref<10001x128xf32, #tpu.memory_space<hbm>>
      tpu.enqueue_indirect_dma source(%dma_start3A_78 : memref<10001x128xf32, #tpu.memory_space<hbm>>) target(%arg11 : memref<128x128xf32, #tpu.memory_space<vmem>>) offsets(%arg9 : memref<128xi32, #tpu.memory_space<vmem>>) semaphore(%arg14 : memref<!tpu.dma_semaphore, #tpu.memory_space<semaphore_mem>>)
      %dma_wait3A = arith.constant 0 : i32
      %dma_wait3A_79 = arith.constant 0 : i32
      %dma_wait3A_80 = tpu.memref_slice %arg2[%dma_wait3A, %dma_wait3A_79] : memref<10001x128xf32, #tpu.memory_space<hbm>> -> memref<10001x128xf32, #tpu.memory_space<hbm>>
      tpu.wait_indirect_dma semaphore(%arg14 : memref<!tpu.dma_semaphore, #tpu.memory_space<semaphore_mem>>) src(%dma_wait3A_80 : memref<10001x128xf32, #tpu.memory_space<hbm>>) dst(%arg11 : memref<128x128xf32, #tpu.memory_space<vmem>>)
      "tpu.region"() ({
        %run_scoped3A = tpu.sem_alloc : memref<!tpu.dma_semaphore, #tpu.memory_space<semaphore_mem>>
        %dma_start3A_82 = arith.constant 0 : i32
        %dma_start3A_83 = arith.constant 0 : i32
        %dma_start3A_84 = tpu.memref_slice %arg7[%dma_start3A_82, %dma_start3A_83] : memref<10240x128xf32, #tpu.memory_space<vmem_shared>> -> memref<10240x128xf32, #tpu.memory_space<vmem_shared>>
        tpu.enqueue_indirect_dma source(%arg11 : memref<128x128xf32, #tpu.memory_space<vmem>>) target(%dma_start3A_84 : memref<10240x128xf32, #tpu.memory_space<vmem_shared>>) offsets(%arg10 : memref<128xi32, #tpu.memory_space<vmem>>) semaphore(%run_scoped3A : memref<!tpu.dma_semaphore, #tpu.memory_space<semaphore_mem>>) {add = true}
        %dma_wait3A_85 = arith.constant 0 : i32
        %dma_wait3A_86 = arith.constant 0 : i32
        %dma_wait3A_87 = tpu.memref_slice %arg7[%dma_wait3A_85, %dma_wait3A_86] : memref<10240x128xf32, #tpu.memory_space<vmem_shared>> -> memref<10240x128xf32, #tpu.memory_space<vmem_shared>>
        tpu.wait_indirect_dma semaphore(%run_scoped3A : memref<!tpu.dma_semaphore, #tpu.memory_space<semaphore_mem>>) src(%arg11 : memref<128x128xf32, #tpu.memory_space<vmem>>) dst(%dma_wait3A_87 : memref<10240x128xf32, #tpu.memory_space<vmem_shared>>)
        tpu.yield
      }) : () -> ()
      "tpu.region"() ({
        %run_scoped3A = tpu.sem_alloc : memref<!tpu.dma_semaphore, #tpu.memory_space<semaphore_mem>>
        %dma_start3A_82 = arith.constant 0 : i32
        %dma_start3A_83 = arith.constant 0 : i32
        %dma_start3A_84 = tpu.memref_slice %arg8[%dma_start3A_82, %dma_start3A_83] : memref<10240x16xf32, #tpu.memory_space<vmem_shared>> -> memref<10240x16xf32, #tpu.memory_space<vmem_shared>>
        tpu.enqueue_indirect_dma source(%arg12 : memref<128x16xf32, #tpu.memory_space<vmem>>) target(%dma_start3A_84 : memref<10240x16xf32, #tpu.memory_space<vmem_shared>>) offsets(%arg10 : memref<128xi32, #tpu.memory_space<vmem>>) semaphore(%run_scoped3A : memref<!tpu.dma_semaphore, #tpu.memory_space<semaphore_mem>>) {add = true}
        %dma_wait3A_85 = arith.constant 0 : i32
        %dma_wait3A_86 = arith.constant 0 : i32
        %dma_wait3A_87 = tpu.memref_slice %arg8[%dma_wait3A_85, %dma_wait3A_86] : memref<10240x16xf32, #tpu.memory_space<vmem_shared>> -> memref<10240x16xf32, #tpu.memory_space<vmem_shared>>
        tpu.wait_indirect_dma semaphore(%run_scoped3A : memref<!tpu.dma_semaphore, #tpu.memory_space<semaphore_mem>>) src(%arg12 : memref<128x16xf32, #tpu.memory_space<vmem>>) dst(%dma_wait3A_87 : memref<10240x16xf32, #tpu.memory_space<vmem_shared>>)
        tpu.yield
      }) : () -> ()
      %scan3A_81 = arith.constant 0 : i32
      scf.yield %scan3A_81 : i32
    }
    %scan3A_62 = arith.constant 80 : i32
    %barrier3A_63 = arith.constant 0 : index
    tpu.barrier barrier_id(%barrier3A_63)
    %mul3A_64 = arith.constant 640 : i32
    %mul3A_65 = arith.muli %arg1, %mul3A_64 : i32
    %mul3A_66 = arith.constant 640 : i32
    %mul3A_67 = arith.muli %arg1, %mul3A_66 : i32
    "tpu.region"() ({
      %run_scoped3A = tpu.sem_alloc : memref<!tpu.dma_semaphore, #tpu.memory_space<semaphore_mem>>
      %dma_start3A = arith.constant 0 : i32
      %dma_start3A_72 = tpu.memref_slice %arg5[%arg0, %mul3A_67, %dma_start3A] : memref<2x10240x128xf32, #tpu.memory_space<hbm>> -> memref<1x640x128xf32, #tpu.memory_space<hbm>>
      %dma_start3A_73 = tpu.memref_squeeze %dma_start3A_72 : memref<1x640x128xf32, #tpu.memory_space<hbm>> -> memref<640x128xf32, #tpu.memory_space<hbm>>
      %dma_start3A_74 = arith.constant 0 : i32
      %dma_start3A_75 = tpu.memref_slice %arg7[%mul3A_65, %dma_start3A_74] : memref<10240x128xf32, #tpu.memory_space<vmem_shared>> -> memref<640x128xf32, #tpu.memory_space<vmem_shared>>
      tpu.enqueue_dma source(%dma_start3A_75 : memref<640x128xf32, #tpu.memory_space<vmem_shared>>) target(%dma_start3A_73 : memref<640x128xf32, #tpu.memory_space<hbm>>) target_semaphore(%run_scoped3A : memref<!tpu.dma_semaphore, #tpu.memory_space<semaphore_mem>>)
      %dma_wait3A = arith.constant 0 : i32
      %dma_wait3A_76 = tpu.memref_slice %arg5[%arg0, %mul3A_67, %dma_wait3A] : memref<2x10240x128xf32, #tpu.memory_space<hbm>> -> memref<1x640x128xf32, #tpu.memory_space<hbm>>
      %dma_wait3A_77 = tpu.memref_squeeze %dma_wait3A_76 : memref<1x640x128xf32, #tpu.memory_space<hbm>> -> memref<640x128xf32, #tpu.memory_space<hbm>>
      %dma_wait3A_78 = arith.constant 0 : i32
      %dma_wait3A_79 = tpu.memref_slice %arg7[%mul3A_65, %dma_wait3A_78] : memref<10240x128xf32, #tpu.memory_space<vmem_shared>> -> memref<640x128xf32, #tpu.memory_space<vmem_shared>>
      tpu.wait_dma2 semaphore(%run_scoped3A : memref<!tpu.dma_semaphore, #tpu.memory_space<semaphore_mem>>) src(%dma_wait3A_79 : memref<640x128xf32, #tpu.memory_space<vmem_shared>>) dst(%dma_wait3A_77 : memref<640x128xf32, #tpu.memory_space<hbm>>)
      tpu.yield
    }) : () -> ()
    %mul3A_68 = arith.constant 640 : i32
    %mul3A_69 = arith.muli %arg1, %mul3A_68 : i32
    %mul3A_70 = arith.constant 640 : i32
    %mul3A_71 = arith.muli %arg1, %mul3A_70 : i32
    "tpu.region"() ({
      %run_scoped3A = tpu.sem_alloc : memref<!tpu.dma_semaphore, #tpu.memory_space<semaphore_mem>>
      %dma_start3A = arith.constant 0 : i32
      %dma_start3A_72 = tpu.memref_slice %arg6[%arg0, %mul3A_71, %dma_start3A] : memref<2x10240x16xf32, #tpu.memory_space<hbm>> -> memref<1x640x16xf32, #tpu.memory_space<hbm>>
      %dma_start3A_73 = tpu.memref_squeeze %dma_start3A_72 : memref<1x640x16xf32, #tpu.memory_space<hbm>> -> memref<640x16xf32, #tpu.memory_space<hbm>>
      %dma_start3A_74 = arith.constant 0 : i32
      %dma_start3A_75 = tpu.memref_slice %arg8[%mul3A_69, %dma_start3A_74] : memref<10240x16xf32, #tpu.memory_space<vmem_shared>> -> memref<640x16xf32, #tpu.memory_space<vmem_shared>>
      tpu.enqueue_dma source(%dma_start3A_75 : memref<640x16xf32, #tpu.memory_space<vmem_shared>>) target(%dma_start3A_73 : memref<640x16xf32, #tpu.memory_space<hbm>>) target_semaphore(%run_scoped3A : memref<!tpu.dma_semaphore, #tpu.memory_space<semaphore_mem>>)
      %dma_wait3A = arith.constant 0 : i32
      %dma_wait3A_76 = tpu.memref_slice %arg6[%arg0, %mul3A_71, %dma_wait3A] : memref<2x10240x16xf32, #tpu.memory_space<hbm>> -> memref<1x640x16xf32, #tpu.memory_space<hbm>>
      %dma_wait3A_77 = tpu.memref_squeeze %dma_wait3A_76 : memref<1x640x16xf32, #tpu.memory_space<hbm>> -> memref<640x16xf32, #tpu.memory_space<hbm>>
      %dma_wait3A_78 = arith.constant 0 : i32
      %dma_wait3A_79 = tpu.memref_slice %arg8[%mul3A_69, %dma_wait3A_78] : memref<10240x16xf32, #tpu.memory_space<vmem_shared>> -> memref<640x16xf32, #tpu.memory_space<vmem_shared>>
      tpu.wait_dma2 semaphore(%run_scoped3A : memref<!tpu.dma_semaphore, #tpu.memory_space<semaphore_mem>>) src(%dma_wait3A_79 : memref<640x16xf32, #tpu.memory_space<vmem_shared>>) dst(%dma_wait3A_77 : memref<640x16xf32, #tpu.memory_space<hbm>>)
      tpu.yield
    }) : () -> ()
    return
  }
}

#map = affine_map<(d0, d1) -> (0, 0)>
#map1 = affine_map<(d0, d1) -> (0)>
#map2 = affine_map<(d0, d1) -> (0, 0, 0)>
module attributes {stable_mosaic.version = 14 : i64} {
  func.func @_sc_md_body(%arg0: i32, %arg1: i32, %arg2: memref<10001x128xf32, #tpu.memory_space<hbm>>, %arg3: memref<327680xi32, #tpu.memory_space<hbm>>, %arg4: memref<327680xi32, #tpu.memory_space<hbm>>, %arg5: memref<327680xf32, #tpu.memory_space<hbm>>, %arg6: memref<2048xi32, #tpu.memory_space<hbm>>, %arg7: memref<2000x128xf32, #tpu.memory_space<hbm>>, %arg8: memref<2x2048x128xf32, #tpu.memory_space<hbm>>, %arg9: memref<2048x128xf32, #tpu.memory_space<hbm>>, %arg10: memref<2048x128xf32, #tpu.memory_space<vmem_shared>>, %arg11: memref<128xi32, #tpu.memory_space<vmem>>, %arg12: memref<128xi32, #tpu.memory_space<vmem>>, %arg13: memref<128xf32, #tpu.memory_space<vmem>>, %arg14: memref<128x128xf32, #tpu.memory_space<vmem>>, %arg15: memref<64xi32, #tpu.memory_space<vmem>>, %arg16: memref<64x128xf32, #tpu.memory_space<vmem>>, %arg17: memref<!tpu.dma_semaphore, #tpu.memory_space<semaphore_mem>>) attributes {dimension_semantics = [#tpu.dimension_semantics<core_parallel>, #tpu.dimension_semantics<subcore_parallel>], iteration_bounds = array<i64: 2, 16>, scalar_prefetch = 0 : i64, scratch_operands = 8 : i64, tpu.core_type = #tpu.core_type<sc_vector_subcore>, window_params = [{transform_indices = #map}, {transform_indices = #map1}, {transform_indices = #map1}, {transform_indices = #map1}, {transform_indices = #map1}, {transform_indices = #map}, {transform_indices = #map2}, {transform_indices = #map}]} {
    %mul3A = arith.constant 16 : i32
    %mul3A_0 = arith.muli %arg0, %mul3A : i32
    %add3A = arith.addi %mul3A_0, %arg1 : i32
    %scan3A = arith.constant 0 : i32
    %scan3A_1 = arith.constant 0 : i32
    %scan3A_2 = arith.constant 128 : i32
    %scan3A_3 = arith.addi %scan3A_1, %scan3A_2 : i32
    %scan3A_4 = arith.constant 1 : i32
    %scan3A_5 = scf.for %scan3A_29 = %scan3A_1 to %scan3A_3 step %scan3A_4 iter_args(%scan3A_30 = %scan3A) -> (i32)  : i32 {
      %broadcast_in_dim3A = arith.constant 0.000000e+00 : f32
      %broadcast_in_dim3A_31 = vector.broadcast %broadcast_in_dim3A : f32 to vector<16xf32>
      %swap3A = arith.index_cast %scan3A_29 : i32 to index
      %swap3A_32 = arith.constant 0 : index
      %swap3A_33 = tpu.vector_load %arg14[%swap3A, %swap3A_32] {strides = array<i32>} : memref<128x128xf32, #tpu.memory_space<vmem>>, vector<16xf32>,
      tpu.vector_store %arg14[%swap3A, %swap3A_32], %broadcast_in_dim3A_31 {strides = array<i32>} : memref<128x128xf32, #tpu.memory_space<vmem>>, vector<16xf32>,
      %broadcast_in_dim3A_34 = arith.constant 0.000000e+00 : f32
      %broadcast_in_dim3A_35 = vector.broadcast %broadcast_in_dim3A_34 : f32 to vector<16xf32>
      %swap3A_36 = arith.index_cast %scan3A_29 : i32 to index
      %swap3A_37 = arith.constant 16 : index
      %swap3A_38 = tpu.vector_load %arg14[%swap3A_36, %swap3A_37] {strides = array<i32>} : memref<128x128xf32, #tpu.memory_space<vmem>>, vector<16xf32>,
      tpu.vector_store %arg14[%swap3A_36, %swap3A_37], %broadcast_in_dim3A_35 {strides = array<i32>} : memref<128x128xf32, #tpu.memory_space<vmem>>, vector<16xf32>,
      %broadcast_in_dim3A_39 = arith.constant 0.000000e+00 : f32
      %broadcast_in_dim3A_40 = vector.broadcast %broadcast_in_dim3A_39 : f32 to vector<16xf32>
      %swap3A_41 = arith.index_cast %scan3A_29 : i32 to index
      %swap3A_42 = arith.constant 32 : index
      %swap3A_43 = tpu.vector_load %arg14[%swap3A_41, %swap3A_42] {strides = array<i32>} : memref<128x128xf32, #tpu.memory_space<vmem>>, vector<16xf32>,
      tpu.vector_store %arg14[%swap3A_41, %swap3A_42], %broadcast_in_dim3A_40 {strides = array<i32>} : memref<128x128xf32, #tpu.memory_space<vmem>>, vector<16xf32>,
      %broadcast_in_dim3A_44 = arith.constant 0.000000e+00 : f32
      %broadcast_in_dim3A_45 = vector.broadcast %broadcast_in_dim3A_44 : f32 to vector<16xf32>
      %swap3A_46 = arith.index_cast %scan3A_29 : i32 to index
      %swap3A_47 = arith.constant 48 : index
      %swap3A_48 = tpu.vector_load %arg14[%swap3A_46, %swap3A_47] {strides = array<i32>} : memref<128x128xf32, #tpu.memory_space<vmem>>, vector<16xf32>,
      tpu.vector_store %arg14[%swap3A_46, %swap3A_47], %broadcast_in_dim3A_45 {strides = array<i32>} : memref<128x128xf32, #tpu.memory_space<vmem>>, vector<16xf32>,
      %broadcast_in_dim3A_49 = arith.constant 0.000000e+00 : f32
      %broadcast_in_dim3A_50 = vector.broadcast %broadcast_in_dim3A_49 : f32 to vector<16xf32>
      %swap3A_51 = arith.index_cast %scan3A_29 : i32 to index
      %swap3A_52 = arith.constant 64 : index
      %swap3A_53 = tpu.vector_load %arg14[%swap3A_51, %swap3A_52] {strides = array<i32>} : memref<128x128xf32, #tpu.memory_space<vmem>>, vector<16xf32>,
      tpu.vector_store %arg14[%swap3A_51, %swap3A_52], %broadcast_in_dim3A_50 {strides = array<i32>} : memref<128x128xf32, #tpu.memory_space<vmem>>, vector<16xf32>,
      %broadcast_in_dim3A_54 = arith.constant 0.000000e+00 : f32
      %broadcast_in_dim3A_55 = vector.broadcast %broadcast_in_dim3A_54 : f32 to vector<16xf32>
      %swap3A_56 = arith.index_cast %scan3A_29 : i32 to index
      %swap3A_57 = arith.constant 80 : index
      %swap3A_58 = tpu.vector_load %arg14[%swap3A_56, %swap3A_57] {strides = array<i32>} : memref<128x128xf32, #tpu.memory_space<vmem>>, vector<16xf32>,
      tpu.vector_store %arg14[%swap3A_56, %swap3A_57], %broadcast_in_dim3A_55 {strides = array<i32>} : memref<128x128xf32, #tpu.memory_space<vmem>>, vector<16xf32>,
      %broadcast_in_dim3A_59 = arith.constant 0.000000e+00 : f32
      %broadcast_in_dim3A_60 = vector.broadcast %broadcast_in_dim3A_59 : f32 to vector<16xf32>
      %swap3A_61 = arith.index_cast %scan3A_29 : i32 to index
      %swap3A_62 = arith.constant 96 : index
      %swap3A_63 = tpu.vector_load %arg14[%swap3A_61, %swap3A_62] {strides = array<i32>} : memref<128x128xf32, #tpu.memory_space<vmem>>, vector<16xf32>,
      tpu.vector_store %arg14[%swap3A_61, %swap3A_62], %broadcast_in_dim3A_60 {strides = array<i32>} : memref<128x128xf32, #tpu.memory_space<vmem>>, vector<16xf32>,
      %broadcast_in_dim3A_64 = arith.constant 0.000000e+00 : f32
      %broadcast_in_dim3A_65 = vector.broadcast %broadcast_in_dim3A_64 : f32 to vector<16xf32>
      %swap3A_66 = arith.index_cast %scan3A_29 : i32 to index
      %swap3A_67 = arith.constant 112 : index
      %swap3A_68 = tpu.vector_load %arg14[%swap3A_66, %swap3A_67] {strides = array<i32>} : memref<128x128xf32, #tpu.memory_space<vmem>>, vector<16xf32>,
      tpu.vector_store %arg14[%swap3A_66, %swap3A_67], %broadcast_in_dim3A_65 {strides = array<i32>} : memref<128x128xf32, #tpu.memory_space<vmem>>, vector<16xf32>,
      %scan3A_69 = arith.constant 0 : i32
      scf.yield %scan3A_69 : i32
    }
    %scan3A_6 = arith.constant 128 : i32
    %mul3A_7 = arith.constant 128 : i32
    %mul3A_8 = arith.muli %arg1, %mul3A_7 : i32
    "tpu.region"() ({
      %run_scoped3A = tpu.sem_alloc : memref<!tpu.dma_semaphore, #tpu.memory_space<semaphore_mem>>
      %dma_start3A_29 = arith.constant 0 : i32
      %dma_start3A_30 = tpu.memref_slice %arg10[%mul3A_8, %dma_start3A_29] : memref<2048x128xf32, #tpu.memory_space<vmem_shared>> -> memref<128x128xf32, #tpu.memory_space<vmem_shared>>
      %dma_start3A_31 = arith.constant 0 : i32
      %dma_start3A_32 = tpu.memref_slice %arg10[%mul3A_8, %dma_start3A_31] : memref<2048x128xf32, #tpu.memory_space<vmem_shared>> -> memref<128x128xf32, #tpu.memory_space<vmem_shared>>
      tpu.enqueue_dma source(%arg14 : memref<128x128xf32, #tpu.memory_space<vmem>>) target(%dma_start3A_32 : memref<128x128xf32, #tpu.memory_space<vmem_shared>>) target_semaphore(%run_scoped3A : memref<!tpu.dma_semaphore, #tpu.memory_space<semaphore_mem>>)
      %dma_wait3A_33 = arith.constant 0 : i32
      %dma_wait3A_34 = tpu.memref_slice %arg10[%mul3A_8, %dma_wait3A_33] : memref<2048x128xf32, #tpu.memory_space<vmem_shared>> -> memref<128x128xf32, #tpu.memory_space<vmem_shared>>
      %dma_wait3A_35 = arith.constant 0 : i32
      %dma_wait3A_36 = tpu.memref_slice %arg10[%mul3A_8, %dma_wait3A_35] : memref<2048x128xf32, #tpu.memory_space<vmem_shared>> -> memref<128x128xf32, #tpu.memory_space<vmem_shared>>
      tpu.wait_dma2 semaphore(%run_scoped3A : memref<!tpu.dma_semaphore, #tpu.memory_space<semaphore_mem>>) src(%arg14 : memref<128x128xf32, #tpu.memory_space<vmem>>) dst(%dma_wait3A_36 : memref<128x128xf32, #tpu.memory_space<vmem_shared>>)
      tpu.yield
    }) : () -> ()
    %barrier3A = arith.constant 0 : index
    tpu.barrier barrier_id(%barrier3A)
    %mul3A_9 = arith.constant 10240 : i32
    %mul3A_10 = arith.muli %add3A, %mul3A_9 : i32
    %scan3A_11 = arith.constant 0 : i32
    %scan3A_12 = arith.constant 0 : i32
    %scan3A_13 = arith.constant 80 : i32
    %scan3A_14 = arith.addi %scan3A_12, %scan3A_13 : i32
    %scan3A_15 = arith.constant 1 : i32
    %scan3A_16 = scf.for %scan3A_29 = %scan3A_12 to %scan3A_14 step %scan3A_15 iter_args(%scan3A_30 = %scan3A_11) -> (i32)  : i32 {
      %mul3A_31 = arith.constant 128 : i32
      %mul3A_32 = arith.muli %scan3A_29, %mul3A_31 : i32
      %add3A_33 = arith.addi %mul3A_10, %mul3A_32 : i32
      "tpu.region"() ({
        %run_scoped3A = tpu.sem_alloc : memref<!tpu.dma_semaphore, #tpu.memory_space<semaphore_mem>>
        %dma_start3A_48 = tpu.memref_slice %arg3[%add3A_33] : memref<327680xi32, #tpu.memory_space<hbm>> -> memref<128xi32, #tpu.memory_space<hbm>>
        %dma_start3A_49 = tpu.memref_slice %arg3[%add3A_33] : memref<327680xi32, #tpu.memory_space<hbm>> -> memref<128xi32, #tpu.memory_space<hbm>>
        tpu.enqueue_dma source(%dma_start3A_49 : memref<128xi32, #tpu.memory_space<hbm>>) target(%arg11 : memref<128xi32, #tpu.memory_space<vmem>>) target_semaphore(%run_scoped3A : memref<!tpu.dma_semaphore, #tpu.memory_space<semaphore_mem>>)
        %dma_wait3A_50 = tpu.memref_slice %arg3[%add3A_33] : memref<327680xi32, #tpu.memory_space<hbm>> -> memref<128xi32, #tpu.memory_space<hbm>>
        %dma_wait3A_51 = tpu.memref_slice %arg3[%add3A_33] : memref<327680xi32, #tpu.memory_space<hbm>> -> memref<128xi32, #tpu.memory_space<hbm>>
        tpu.wait_dma2 semaphore(%run_scoped3A : memref<!tpu.dma_semaphore, #tpu.memory_space<semaphore_mem>>) src(%dma_wait3A_51 : memref<128xi32, #tpu.memory_space<hbm>>) dst(%arg11 : memref<128xi32, #tpu.memory_space<vmem>>)
        tpu.yield
      }) : () -> ()
      "tpu.region"() ({
        %run_scoped3A = tpu.sem_alloc : memref<!tpu.dma_semaphore, #tpu.memory_space<semaphore_mem>>
        %dma_start3A_48 = tpu.memref_slice %arg4[%add3A_33] : memref<327680xi32, #tpu.memory_space<hbm>> -> memref<128xi32, #tpu.memory_space<hbm>>
        %dma_start3A_49 = tpu.memref_slice %arg4[%add3A_33] : memref<327680xi32, #tpu.memory_space<hbm>> -> memref<128xi32, #tpu.memory_space<hbm>>
        tpu.enqueue_dma source(%dma_start3A_49 : memref<128xi32, #tpu.memory_space<hbm>>) target(%arg12 : memref<128xi32, #tpu.memory_space<vmem>>) target_semaphore(%run_scoped3A : memref<!tpu.dma_semaphore, #tpu.memory_space<semaphore_mem>>)
        %dma_wait3A_50 = tpu.memref_slice %arg4[%add3A_33] : memref<327680xi32, #tpu.memory_space<hbm>> -> memref<128xi32, #tpu.memory_space<hbm>>
        %dma_wait3A_51 = tpu.memref_slice %arg4[%add3A_33] : memref<327680xi32, #tpu.memory_space<hbm>> -> memref<128xi32, #tpu.memory_space<hbm>>
        tpu.wait_dma2 semaphore(%run_scoped3A : memref<!tpu.dma_semaphore, #tpu.memory_space<semaphore_mem>>) src(%dma_wait3A_51 : memref<128xi32, #tpu.memory_space<hbm>>) dst(%arg12 : memref<128xi32, #tpu.memory_space<vmem>>)
        tpu.yield
      }) : () -> ()
      "tpu.region"() ({
        %run_scoped3A = tpu.sem_alloc : memref<!tpu.dma_semaphore, #tpu.memory_space<semaphore_mem>>
        %dma_start3A_48 = tpu.memref_slice %arg5[%add3A_33] : memref<327680xf32, #tpu.memory_space<hbm>> -> memref<128xf32, #tpu.memory_space<hbm>>
        %dma_start3A_49 = tpu.memref_slice %arg5[%add3A_33] : memref<327680xf32, #tpu.memory_space<hbm>> -> memref<128xf32, #tpu.memory_space<hbm>>
        tpu.enqueue_dma source(%dma_start3A_49 : memref<128xf32, #tpu.memory_space<hbm>>) target(%arg13 : memref<128xf32, #tpu.memory_space<vmem>>) target_semaphore(%run_scoped3A : memref<!tpu.dma_semaphore, #tpu.memory_space<semaphore_mem>>)
        %dma_wait3A_50 = tpu.memref_slice %arg5[%add3A_33] : memref<327680xf32, #tpu.memory_space<hbm>> -> memref<128xf32, #tpu.memory_space<hbm>>
        %dma_wait3A_51 = tpu.memref_slice %arg5[%add3A_33] : memref<327680xf32, #tpu.memory_space<hbm>> -> memref<128xf32, #tpu.memory_space<hbm>>
        tpu.wait_dma2 semaphore(%run_scoped3A : memref<!tpu.dma_semaphore, #tpu.memory_space<semaphore_mem>>) src(%dma_wait3A_51 : memref<128xf32, #tpu.memory_space<hbm>>) dst(%arg13 : memref<128xf32, #tpu.memory_space<vmem>>)
        tpu.yield
      }) : () -> ()
      %dma_start3A_34 = arith.constant 0 : i32
      %dma_start3A_35 = arith.constant 0 : i32
      %dma_start3A_36 = tpu.memref_slice %arg2[%dma_start3A_34, %dma_start3A_35] : memref<10001x128xf32, #tpu.memory_space<hbm>> -> memref<10001x128xf32, #tpu.memory_space<hbm>>
      tpu.enqueue_indirect_dma source(%dma_start3A_36 : memref<10001x128xf32, #tpu.memory_space<hbm>>) target(%arg14 : memref<128x128xf32, #tpu.memory_space<vmem>>) offsets(%arg11 : memref<128xi32, #tpu.memory_space<vmem>>) semaphore(%arg17 : memref<!tpu.dma_semaphore, #tpu.memory_space<semaphore_mem>>)
      %dma_wait3A_37 = arith.constant 0 : i32
      %dma_wait3A_38 = arith.constant 0 : i32
      %dma_wait3A_39 = tpu.memref_slice %arg2[%dma_wait3A_37, %dma_wait3A_38] : memref<10001x128xf32, #tpu.memory_space<hbm>> -> memref<10001x128xf32, #tpu.memory_space<hbm>>
      tpu.wait_indirect_dma semaphore(%arg17 : memref<!tpu.dma_semaphore, #tpu.memory_space<semaphore_mem>>) src(%dma_wait3A_39 : memref<10001x128xf32, #tpu.memory_space<hbm>>) dst(%arg14 : memref<128x128xf32, #tpu.memory_space<vmem>>)
      %scan3A_40 = arith.constant 0 : i32
      %scan3A_41 = arith.constant 0 : i32
      %scan3A_42 = arith.constant 8 : i32
      %scan3A_43 = arith.addi %scan3A_41, %scan3A_42 : i32
      %scan3A_44 = arith.constant 1 : i32
      %scan3A_45 = scf.for %scan3A_48 = %scan3A_41 to %scan3A_43 step %scan3A_44 iter_args(%scan3A_49 = %scan3A_40) -> (i32)  : i32 {
        %mul3A_50 = arith.constant 16 : i32
        %mul3A_51 = arith.muli %scan3A_48, %mul3A_50 : i32
        %get3A = arith.index_cast %mul3A_51 : i32 to index
        %get3A_52 = tpu.vector_load %arg13[%get3A] {strides = array<i32>} : memref<128xf32, #tpu.memory_space<vmem>>, vector<16xf32>,
        %slice3A = vector.extract_strided_slice %get3A_52 {offsets = [0], sizes = [1], strides = [1]} : vector<16xf32> to vector<1xf32>
        %squeeze3A = vector.extract %slice3A[0] : f32 from vector<1xf32>
        %broadcast_in_dim3A = vector.broadcast %squeeze3A : f32 to vector<16xf32>
        %mul3A_53 = arith.constant 16 : i32
        %mul3A_54 = arith.muli %scan3A_48, %mul3A_53 : i32
        %add3A_55 = arith.constant 0 : i32
        %add3A_56 = arith.addi %mul3A_54, %add3A_55 : i32
        %get3A_57 = arith.index_cast %add3A_56 : i32 to index
        %get3A_58 = arith.constant 0 : index
        %get3A_59 = tpu.vector_load %arg14[%get3A_57, %get3A_58] {strides = array<i32>} : memref<128x128xf32, #tpu.memory_space<vmem>>, vector<16xf32>,
        %mul3A_60 = arith.mulf %get3A_59, %broadcast_in_dim3A : vector<16xf32>
        %swap3A = arith.index_cast %add3A_56 : i32 to index
        %swap3A_61 = arith.constant 0 : index
        %swap3A_62 = tpu.vector_load %arg14[%swap3A, %swap3A_61] {strides = array<i32>} : memref<128x128xf32, #tpu.memory_space<vmem>>, vector<16xf32>,
        tpu.vector_store %arg14[%swap3A, %swap3A_61], %mul3A_60 {strides = array<i32>} : memref<128x128xf32, #tpu.memory_space<vmem>>, vector<16xf32>,
        %get3A_63 = arith.index_cast %add3A_56 : i32 to index
        %get3A_64 = arith.constant 16 : index
        %get3A_65 = tpu.vector_load %arg14[%get3A_63, %get3A_64] {strides = array<i32>} : memref<128x128xf32, #tpu.memory_space<vmem>>, vector<16xf32>,
        %mul3A_66 = arith.mulf %get3A_65, %broadcast_in_dim3A : vector<16xf32>
        %swap3A_67 = arith.index_cast %add3A_56 : i32 to index
        %swap3A_68 = arith.constant 16 : index
        %swap3A_69 = tpu.vector_load %arg14[%swap3A_67, %swap3A_68] {strides = array<i32>} : memref<128x128xf32, #tpu.memory_space<vmem>>, vector<16xf32>,
        tpu.vector_store %arg14[%swap3A_67, %swap3A_68], %mul3A_66 {strides = array<i32>} : memref<128x128xf32, #tpu.memory_space<vmem>>, vector<16xf32>,
        %get3A_70 = arith.index_cast %add3A_56 : i32 to index
        %get3A_71 = arith.constant 32 : index
        %get3A_72 = tpu.vector_load %arg14[%get3A_70, %get3A_71] {strides = array<i32>} : memref<128x128xf32, #tpu.memory_space<vmem>>, vector<16xf32>,
        %mul3A_73 = arith.mulf %get3A_72, %broadcast_in_dim3A : vector<16xf32>
        %swap3A_74 = arith.index_cast %add3A_56 : i32 to index
        %swap3A_75 = arith.constant 32 : index
        %swap3A_76 = tpu.vector_load %arg14[%swap3A_74, %swap3A_75] {strides = array<i32>} : memref<128x128xf32, #tpu.memory_space<vmem>>, vector<16xf32>,
        tpu.vector_store %arg14[%swap3A_74, %swap3A_75], %mul3A_73 {strides = array<i32>} : memref<128x128xf32, #tpu.memory_space<vmem>>, vector<16xf32>,
        %get3A_77 = arith.index_cast %add3A_56 : i32 to index
        %get3A_78 = arith.constant 48 : index
        %get3A_79 = tpu.vector_load %arg14[%get3A_77, %get3A_78] {strides = array<i32>} : memref<128x128xf32, #tpu.memory_space<vmem>>, vector<16xf32>,
        %mul3A_80 = arith.mulf %get3A_79, %broadcast_in_dim3A : vector<16xf32>
        %swap3A_81 = arith.index_cast %add3A_56 : i32 to index
        %swap3A_82 = arith.constant 48 : index
        %swap3A_83 = tpu.vector_load %arg14[%swap3A_81, %swap3A_82] {strides = array<i32>} : memref<128x128xf32, #tpu.memory_space<vmem>>, vector<16xf32>,
        tpu.vector_store %arg14[%swap3A_81, %swap3A_82], %mul3A_80 {strides = array<i32>} : memref<128x128xf32, #tpu.memory_space<vmem>>, vector<16xf32>,
        %get3A_84 = arith.index_cast %add3A_56 : i32 to index
        %get3A_85 = arith.constant 64 : index
        %get3A_86 = tpu.vector_load %arg14[%get3A_84, %get3A_85] {strides = array<i32>} : memref<128x128xf32, #tpu.memory_space<vmem>>, vector<16xf32>,
        %mul3A_87 = arith.mulf %get3A_86, %broadcast_in_dim3A : vector<16xf32>
        %swap3A_88 = arith.index_cast %add3A_56 : i32 to index
        %swap3A_89 = arith.constant 64 : index
        %swap3A_90 = tpu.vector_load %arg14[%swap3A_88, %swap3A_89] {strides = array<i32>} : memref<128x128xf32, #tpu.memory_space<vmem>>, vector<16xf32>,
        tpu.vector_store %arg14[%swap3A_88, %swap3A_89], %mul3A_87 {strides = array<i32>} : memref<128x128xf32, #tpu.memory_space<vmem>>, vector<16xf32>,
        %get3A_91 = arith.index_cast %add3A_56 : i32 to index
        %get3A_92 = arith.constant 80 : index
        %get3A_93 = tpu.vector_load %arg14[%get3A_91, %get3A_92] {strides = array<i32>} : memref<128x128xf32, #tpu.memory_space<vmem>>, vector<16xf32>,
        %mul3A_94 = arith.mulf %get3A_93, %broadcast_in_dim3A : vector<16xf32>
        %swap3A_95 = arith.index_cast %add3A_56 : i32 to index
        %swap3A_96 = arith.constant 80 : index
        %swap3A_97 = tpu.vector_load %arg14[%swap3A_95, %swap3A_96] {strides = array<i32>} : memref<128x128xf32, #tpu.memory_space<vmem>>, vector<16xf32>,
        tpu.vector_store %arg14[%swap3A_95, %swap3A_96], %mul3A_94 {strides = array<i32>} : memref<128x128xf32, #tpu.memory_space<vmem>>, vector<16xf32>,
        %get3A_98 = arith.index_cast %add3A_56 : i32 to index
        %get3A_99 = arith.constant 96 : index
        %get3A_100 = tpu.vector_load %arg14[%get3A_98, %get3A_99] {strides = array<i32>} : memref<128x128xf32, #tpu.memory_space<vmem>>, vector<16xf32>,
        %mul3A_101 = arith.mulf %get3A_100, %broadcast_in_dim3A : vector<16xf32>
        %swap3A_102 = arith.index_cast %add3A_56 : i32 to index
        %swap3A_103 = arith.constant 96 : index
        %swap3A_104 = tpu.vector_load %arg14[%swap3A_102, %swap3A_103] {strides = array<i32>} : memref<128x128xf32, #tpu.memory_space<vmem>>, vector<16xf32>,
        tpu.vector_store %arg14[%swap3A_102, %swap3A_103], %mul3A_101 {strides = array<i32>} : memref<128x128xf32, #tpu.memory_space<vmem>>, vector<16xf32>,
        %get3A_105 = arith.index_cast %add3A_56 : i32 to index
        %get3A_106 = arith.constant 112 : index
        %get3A_107 = tpu.vector_load %arg14[%get3A_105, %get3A_106] {strides = array<i32>} : memref<128x128xf32, #tpu.memory_space<vmem>>, vector<16xf32>,
        %mul3A_108 = arith.mulf %get3A_107, %broadcast_in_dim3A : vector<16xf32>
        %swap3A_109 = arith.index_cast %add3A_56 : i32 to index
        %swap3A_110 = arith.constant 112 : index
        %swap3A_111 = tpu.vector_load %arg14[%swap3A_109, %swap3A_110] {strides = array<i32>} : memref<128x128xf32, #tpu.memory_space<vmem>>, vector<16xf32>,
        tpu.vector_store %arg14[%swap3A_109, %swap3A_110], %mul3A_108 {strides = array<i32>} : memref<128x128xf32, #tpu.memory_space<vmem>>, vector<16xf32>,
        %slice3A_112 = vector.extract_strided_slice %get3A_52 {offsets = [1], sizes = [1], strides = [1]} : vector<16xf32> to vector<1xf32>
        %squeeze3A_113 = vector.extract %slice3A_112[0] : f32 from vector<1xf32>
        %broadcast_in_dim3A_114 = vector.broadcast %squeeze3A_113 : f32 to vector<16xf32>
        %mul3A_115 = arith.constant 16 : i32
        %mul3A_116 = arith.muli %scan3A_48, %mul3A_115 : i32
        %add3A_117 = arith.constant 1 : i32
        %add3A_118 = arith.addi %mul3A_116, %add3A_117 : i32
        %get3A_119 = arith.index_cast %add3A_118 : i32 to index
        %get3A_120 = arith.constant 0 : index
        %get3A_121 = tpu.vector_load %arg14[%get3A_119, %get3A_120] {strides = array<i32>} : memref<128x128xf32, #tpu.memory_space<vmem>>, vector<16xf32>,
        %mul3A_122 = arith.mulf %get3A_121, %broadcast_in_dim3A_114 : vector<16xf32>
        %swap3A_123 = arith.index_cast %add3A_118 : i32 to index
        %swap3A_124 = arith.constant 0 : index
        %swap3A_125 = tpu.vector_load %arg14[%swap3A_123, %swap3A_124] {strides = array<i32>} : memref<128x128xf32, #tpu.memory_space<vmem>>, vector<16xf32>,
        tpu.vector_store %arg14[%swap3A_123, %swap3A_124], %mul3A_122 {strides = array<i32>} : memref<128x128xf32, #tpu.memory_space<vmem>>, vector<16xf32>,
        %get3A_126 = arith.index_cast %add3A_118 : i32 to index
        %get3A_127 = arith.constant 16 : index
        %get3A_128 = tpu.vector_load %arg14[%get3A_126, %get3A_127] {strides = array<i32>} : memref<128x128xf32, #tpu.memory_space<vmem>>, vector<16xf32>,
        %mul3A_129 = arith.mulf %get3A_128, %broadcast_in_dim3A_114 : vector<16xf32>
        %swap3A_130 = arith.index_cast %add3A_118 : i32 to index
        %swap3A_131 = arith.constant 16 : index
        %swap3A_132 = tpu.vector_load %arg14[%swap3A_130, %swap3A_131] {strides = array<i32>} : memref<128x128xf32, #tpu.memory_space<vmem>>, vector<16xf32>,
        tpu.vector_store %arg14[%swap3A_130, %swap3A_131], %mul3A_129 {strides = array<i32>} : memref<128x128xf32, #tpu.memory_space<vmem>>, vector<16xf32>,
        %get3A_133 = arith.index_cast %add3A_118 : i32 to index
        %get3A_134 = arith.constant 32 : index
        %get3A_135 = tpu.vector_load %arg14[%get3A_133, %get3A_134] {strides = array<i32>} : memref<128x128xf32, #tpu.memory_space<vmem>>, vector<16xf32>,
        %mul3A_136 = arith.mulf %get3A_135, %broadcast_in_dim3A_114 : vector<16xf32>
        %swap3A_137 = arith.index_cast %add3A_118 : i32 to index
        %swap3A_138 = arith.constant 32 : index
        %swap3A_139 = tpu.vector_load %arg14[%swap3A_137, %swap3A_138] {strides = array<i32>} : memref<128x128xf32, #tpu.memory_space<vmem>>, vector<16xf32>,
        tpu.vector_store %arg14[%swap3A_137, %swap3A_138], %mul3A_136 {strides = array<i32>} : memref<128x128xf32, #tpu.memory_space<vmem>>, vector<16xf32>,
        %get3A_140 = arith.index_cast %add3A_118 : i32 to index
        %get3A_141 = arith.constant 48 : index
        %get3A_142 = tpu.vector_load %arg14[%get3A_140, %get3A_141] {strides = array<i32>} : memref<128x128xf32, #tpu.memory_space<vmem>>, vector<16xf32>,
        %mul3A_143 = arith.mulf %get3A_142, %broadcast_in_dim3A_114 : vector<16xf32>
        %swap3A_144 = arith.index_cast %add3A_118 : i32 to index
        %swap3A_145 = arith.constant 48 : index
        %swap3A_146 = tpu.vector_load %arg14[%swap3A_144, %swap3A_145] {strides = array<i32>} : memref<128x128xf32, #tpu.memory_space<vmem>>, vector<16xf32>,
        tpu.vector_store %arg14[%swap3A_144, %swap3A_145], %mul3A_143 {strides = array<i32>} : memref<128x128xf32, #tpu.memory_space<vmem>>, vector<16xf32>,
        %get3A_147 = arith.index_cast %add3A_118 : i32 to index
        %get3A_148 = arith.constant 64 : index
        %get3A_149 = tpu.vector_load %arg14[%get3A_147, %get3A_148] {strides = array<i32>} : memref<128x128xf32, #tpu.memory_space<vmem>>, vector<16xf32>,
        %mul3A_150 = arith.mulf %get3A_149, %broadcast_in_dim3A_114 : vector<16xf32>
        %swap3A_151 = arith.index_cast %add3A_118 : i32 to index
        %swap3A_152 = arith.constant 64 : index
        %swap3A_153 = tpu.vector_load %arg14[%swap3A_151, %swap3A_152] {strides = array<i32>} : memref<128x128xf32, #tpu.memory_space<vmem>>, vector<16xf32>,
        tpu.vector_store %arg14[%swap3A_151, %swap3A_152], %mul3A_150 {strides = array<i32>} : memref<128x128xf32, #tpu.memory_space<vmem>>, vector<16xf32>,
        %get3A_154 = arith.index_cast %add3A_118 : i32 to index
        %get3A_155 = arith.constant 80 : index
        %get3A_156 = tpu.vector_load %arg14[%get3A_154, %get3A_155] {strides = array<i32>} : memref<128x128xf32, #tpu.memory_space<vmem>>, vector<16xf32>,
        %mul3A_157 = arith.mulf %get3A_156, %broadcast_in_dim3A_114 : vector<16xf32>
        %swap3A_158 = arith.index_cast %add3A_118 : i32 to index
        %swap3A_159 = arith.constant 80 : index
        %swap3A_160 = tpu.vector_load %arg14[%swap3A_158, %swap3A_159] {strides = array<i32>} : memref<128x128xf32, #tpu.memory_space<vmem>>, vector<16xf32>,
        tpu.vector_store %arg14[%swap3A_158, %swap3A_159], %mul3A_157 {strides = array<i32>} : memref<128x128xf32, #tpu.memory_space<vmem>>, vector<16xf32>,
        %get3A_161 = arith.index_cast %add3A_118 : i32 to index
        %get3A_162 = arith.constant 96 : index
        %get3A_163 = tpu.vector_load %arg14[%get3A_161, %get3A_162] {strides = array<i32>} : memref<128x128xf32, #tpu.memory_space<vmem>>, vector<16xf32>,
        %mul3A_164 = arith.mulf %get3A_163, %broadcast_in_dim3A_114 : vector<16xf32>
        %swap3A_165 = arith.index_cast %add3A_118 : i32 to index
        %swap3A_166 = arith.constant 96 : index
        %swap3A_167 = tpu.vector_load %arg14[%swap3A_165, %swap3A_166] {strides = array<i32>} : memref<128x128xf32, #tpu.memory_space<vmem>>, vector<16xf32>,
        tpu.vector_store %arg14[%swap3A_165, %swap3A_166], %mul3A_164 {strides = array<i32>} : memref<128x128xf32, #tpu.memory_space<vmem>>, vector<16xf32>,
        %get3A_168 = arith.index_cast %add3A_118 : i32 to index
        %get3A_169 = arith.constant 112 : index
        %get3A_170 = tpu.vector_load %arg14[%get3A_168, %get3A_169] {strides = array<i32>} : memref<128x128xf32, #tpu.memory_space<vmem>>, vector<16xf32>,
        %mul3A_171 = arith.mulf %get3A_170, %broadcast_in_dim3A_114 : vector<16xf32>
        %swap3A_172 = arith.index_cast %add3A_118 : i32 to index
        %swap3A_173 = arith.constant 112 : index
        %swap3A_174 = tpu.vector_load %arg14[%swap3A_172, %swap3A_173] {strides = array<i32>} : memref<128x128xf32, #tpu.memory_space<vmem>>, vector<16xf32>,
        tpu.vector_store %arg14[%swap3A_172, %swap3A_173], %mul3A_171 {strides = array<i32>} : memref<128x128xf32, #tpu.memory_space<vmem>>, vector<16xf32>,
        %slice3A_175 = vector.extract_strided_slice %get3A_52 {offsets = [2], sizes = [1], strides = [1]} : vector<16xf32> to vector<1xf32>
        %squeeze3A_176 = vector.extract %slice3A_175[0] : f32 from vector<1xf32>
        %broadcast_in_dim3A_177 = vector.broadcast %squeeze3A_176 : f32 to vector<16xf32>
        %mul3A_178 = arith.constant 16 : i32
        %mul3A_179 = arith.muli %scan3A_48, %mul3A_178 : i32
        %add3A_180 = arith.constant 2 : i32
        %add3A_181 = arith.addi %mul3A_179, %add3A_180 : i32
        %get3A_182 = arith.index_cast %add3A_181 : i32 to index
        %get3A_183 = arith.constant 0 : index
        %get3A_184 = tpu.vector_load %arg14[%get3A_182, %get3A_183] {strides = array<i32>} : memref<128x128xf32, #tpu.memory_space<vmem>>, vector<16xf32>,
        %mul3A_185 = arith.mulf %get3A_184, %broadcast_in_dim3A_177 : vector<16xf32>
        %swap3A_186 = arith.index_cast %add3A_181 : i32 to index
        %swap3A_187 = arith.constant 0 : index
        %swap3A_188 = tpu.vector_load %arg14[%swap3A_186, %swap3A_187] {strides = array<i32>} : memref<128x128xf32, #tpu.memory_space<vmem>>, vector<16xf32>,
        tpu.vector_store %arg14[%swap3A_186, %swap3A_187], %mul3A_185 {strides = array<i32>} : memref<128x128xf32, #tpu.memory_space<vmem>>, vector<16xf32>,
        %get3A_189 = arith.index_cast %add3A_181 : i32 to index
        %get3A_190 = arith.constant 16 : index
        %get3A_191 = tpu.vector_load %arg14[%get3A_189, %get3A_190] {strides = array<i32>} : memref<128x128xf32, #tpu.memory_space<vmem>>, vector<16xf32>,
        %mul3A_192 = arith.mulf %get3A_191, %broadcast_in_dim3A_177 : vector<16xf32>
        %swap3A_193 = arith.index_cast %add3A_181 : i32 to index
        %swap3A_194 = arith.constant 16 : index
        %swap3A_195 = tpu.vector_load %arg14[%swap3A_193, %swap3A_194] {strides = array<i32>} : memref<128x128xf32, #tpu.memory_space<vmem>>, vector<16xf32>,
        tpu.vector_store %arg14[%swap3A_193, %swap3A_194], %mul3A_192 {strides = array<i32>} : memref<128x128xf32, #tpu.memory_space<vmem>>, vector<16xf32>,
        %get3A_196 = arith.index_cast %add3A_181 : i32 to index
        %get3A_197 = arith.constant 32 : index
        %get3A_198 = tpu.vector_load %arg14[%get3A_196, %get3A_197] {strides = array<i32>} : memref<128x128xf32, #tpu.memory_space<vmem>>, vector<16xf32>,
        %mul3A_199 = arith.mulf %get3A_198, %broadcast_in_dim3A_177 : vector<16xf32>
        %swap3A_200 = arith.index_cast %add3A_181 : i32 to index
        %swap3A_201 = arith.constant 32 : index
        %swap3A_202 = tpu.vector_load %arg14[%swap3A_200, %swap3A_201] {strides = array<i32>} : memref<128x128xf32, #tpu.memory_space<vmem>>, vector<16xf32>,
        tpu.vector_store %arg14[%swap3A_200, %swap3A_201], %mul3A_199 {strides = array<i32>} : memref<128x128xf32, #tpu.memory_space<vmem>>, vector<16xf32>,
        %get3A_203 = arith.index_cast %add3A_181 : i32 to index
        %get3A_204 = arith.constant 48 : index
        %get3A_205 = tpu.vector_load %arg14[%get3A_203, %get3A_204] {strides = array<i32>} : memref<128x128xf32, #tpu.memory_space<vmem>>, vector<16xf32>,
        %mul3A_206 = arith.mulf %get3A_205, %broadcast_in_dim3A_177 : vector<16xf32>
        %swap3A_207 = arith.index_cast %add3A_181 : i32 to index
        %swap3A_208 = arith.constant 48 : index
        %swap3A_209 = tpu.vector_load %arg14[%swap3A_207, %swap3A_208] {strides = array<i32>} : memref<128x128xf32, #tpu.memory_space<vmem>>, vector<16xf32>,
        tpu.vector_store %arg14[%swap3A_207, %swap3A_208], %mul3A_206 {strides = array<i32>} : memref<128x128xf32, #tpu.memory_space<vmem>>, vector<16xf32>,
        %get3A_210 = arith.index_cast %add3A_181 : i32 to index
        %get3A_211 = arith.constant 64 : index
        %get3A_212 = tpu.vector_load %arg14[%get3A_210, %get3A_211] {strides = array<i32>} : memref<128x128xf32, #tpu.memory_space<vmem>>, vector<16xf32>,
        %mul3A_213 = arith.mulf %get3A_212, %broadcast_in_dim3A_177 : vector<16xf32>
        %swap3A_214 = arith.index_cast %add3A_181 : i32 to index
        %swap3A_215 = arith.constant 64 : index
        %swap3A_216 = tpu.vector_load %arg14[%swap3A_214, %swap3A_215] {strides = array<i32>} : memref<128x128xf32, #tpu.memory_space<vmem>>, vector<16xf32>,
        tpu.vector_store %arg14[%swap3A_214, %swap3A_215], %mul3A_213 {strides = array<i32>} : memref<128x128xf32, #tpu.memory_space<vmem>>, vector<16xf32>,
        %get3A_217 = arith.index_cast %add3A_181 : i32 to index
        %get3A_218 = arith.constant 80 : index
        %get3A_219 = tpu.vector_load %arg14[%get3A_217, %get3A_218] {strides = array<i32>} : memref<128x128xf32, #tpu.memory_space<vmem>>, vector<16xf32>,
        %mul3A_220 = arith.mulf %get3A_219, %broadcast_in_dim3A_177 : vector<16xf32>
        %swap3A_221 = arith.index_cast %add3A_181 : i32 to index
        %swap3A_222 = arith.constant 80 : index
        %swap3A_223 = tpu.vector_load %arg14[%swap3A_221, %swap3A_222] {strides = array<i32>} : memref<128x128xf32, #tpu.memory_space<vmem>>, vector<16xf32>,
        tpu.vector_store %arg14[%swap3A_221, %swap3A_222], %mul3A_220 {strides = array<i32>} : memref<128x128xf32, #tpu.memory_space<vmem>>, vector<16xf32>,
        %get3A_224 = arith.index_cast %add3A_181 : i32 to index
        %get3A_225 = arith.constant 96 : index
        %get3A_226 = tpu.vector_load %arg14[%get3A_224, %get3A_225] {strides = array<i32>} : memref<128x128xf32, #tpu.memory_space<vmem>>, vector<16xf32>,
        %mul3A_227 = arith.mulf %get3A_226, %broadcast_in_dim3A_177 : vector<16xf32>
        %swap3A_228 = arith.index_cast %add3A_181 : i32 to index
        %swap3A_229 = arith.constant 96 : index
        %swap3A_230 = tpu.vector_load %arg14[%swap3A_228, %swap3A_229] {strides = array<i32>} : memref<128x128xf32, #tpu.memory_space<vmem>>, vector<16xf32>,
        tpu.vector_store %arg14[%swap3A_228, %swap3A_229], %mul3A_227 {strides = array<i32>} : memref<128x128xf32, #tpu.memory_space<vmem>>, vector<16xf32>,
        %get3A_231 = arith.index_cast %add3A_181 : i32 to index
        %get3A_232 = arith.constant 112 : index
        %get3A_233 = tpu.vector_load %arg14[%get3A_231, %get3A_232] {strides = array<i32>} : memref<128x128xf32, #tpu.memory_space<vmem>>, vector<16xf32>,
        %mul3A_234 = arith.mulf %get3A_233, %broadcast_in_dim3A_177 : vector<16xf32>
        %swap3A_235 = arith.index_cast %add3A_181 : i32 to index
        %swap3A_236 = arith.constant 112 : index
        %swap3A_237 = tpu.vector_load %arg14[%swap3A_235, %swap3A_236] {strides = array<i32>} : memref<128x128xf32, #tpu.memory_space<vmem>>, vector<16xf32>,
        tpu.vector_store %arg14[%swap3A_235, %swap3A_236], %mul3A_234 {strides = array<i32>} : memref<128x128xf32, #tpu.memory_space<vmem>>, vector<16xf32>,
        %slice3A_238 = vector.extract_strided_slice %get3A_52 {offsets = [3], sizes = [1], strides = [1]} : vector<16xf32> to vector<1xf32>
        %squeeze3A_239 = vector.extract %slice3A_238[0] : f32 from vector<1xf32>
        %broadcast_in_dim3A_240 = vector.broadcast %squeeze3A_239 : f32 to vector<16xf32>
        %mul3A_241 = arith.constant 16 : i32
        %mul3A_242 = arith.muli %scan3A_48, %mul3A_241 : i32
        %add3A_243 = arith.constant 3 : i32
        %add3A_244 = arith.addi %mul3A_242, %add3A_243 : i32
        %get3A_245 = arith.index_cast %add3A_244 : i32 to index
        %get3A_246 = arith.constant 0 : index
        %get3A_247 = tpu.vector_load %arg14[%get3A_245, %get3A_246] {strides = array<i32>} : memref<128x128xf32, #tpu.memory_space<vmem>>, vector<16xf32>,
        %mul3A_248 = arith.mulf %get3A_247, %broadcast_in_dim3A_240 : vector<16xf32>
        %swap3A_249 = arith.index_cast %add3A_244 : i32 to index
        %swap3A_250 = arith.constant 0 : index
        %swap3A_251 = tpu.vector_load %arg14[%swap3A_249, %swap3A_250] {strides = array<i32>} : memref<128x128xf32, #tpu.memory_space<vmem>>, vector<16xf32>,
        tpu.vector_store %arg14[%swap3A_249, %swap3A_250], %mul3A_248 {strides = array<i32>} : memref<128x128xf32, #tpu.memory_space<vmem>>, vector<16xf32>,
        %get3A_252 = arith.index_cast %add3A_244 : i32 to index
        %get3A_253 = arith.constant 16 : index
        %get3A_254 = tpu.vector_load %arg14[%get3A_252, %get3A_253] {strides = array<i32>} : memref<128x128xf32, #tpu.memory_space<vmem>>, vector<16xf32>,
        %mul3A_255 = arith.mulf %get3A_254, %broadcast_in_dim3A_240 : vector<16xf32>
        %swap3A_256 = arith.index_cast %add3A_244 : i32 to index
        %swap3A_257 = arith.constant 16 : index
        %swap3A_258 = tpu.vector_load %arg14[%swap3A_256, %swap3A_257] {strides = array<i32>} : memref<128x128xf32, #tpu.memory_space<vmem>>, vector<16xf32>,
        tpu.vector_store %arg14[%swap3A_256, %swap3A_257], %mul3A_255 {strides = array<i32>} : memref<128x128xf32, #tpu.memory_space<vmem>>, vector<16xf32>,
        %get3A_259 = arith.index_cast %add3A_244 : i32 to index
        %get3A_260 = arith.constant 32 : index
        %get3A_261 = tpu.vector_load %arg14[%get3A_259, %get3A_260] {strides = array<i32>} : memref<128x128xf32, #tpu.memory_space<vmem>>, vector<16xf32>,
        %mul3A_262 = arith.mulf %get3A_261, %broadcast_in_dim3A_240 : vector<16xf32>
        %swap3A_263 = arith.index_cast %add3A_244 : i32 to index
        %swap3A_264 = arith.constant 32 : index
        %swap3A_265 = tpu.vector_load %arg14[%swap3A_263, %swap3A_264] {strides = array<i32>} : memref<128x128xf32, #tpu.memory_space<vmem>>, vector<16xf32>,
        tpu.vector_store %arg14[%swap3A_263, %swap3A_264], %mul3A_262 {strides = array<i32>} : memref<128x128xf32, #tpu.memory_space<vmem>>, vector<16xf32>,
        %get3A_266 = arith.index_cast %add3A_244 : i32 to index
        %get3A_267 = arith.constant 48 : index
        %get3A_268 = tpu.vector_load %arg14[%get3A_266, %get3A_267] {strides = array<i32>} : memref<128x128xf32, #tpu.memory_space<vmem>>, vector<16xf32>,
        %mul3A_269 = arith.mulf %get3A_268, %broadcast_in_dim3A_240 : vector<16xf32>
        %swap3A_270 = arith.index_cast %add3A_244 : i32 to index
        %swap3A_271 = arith.constant 48 : index
        %swap3A_272 = tpu.vector_load %arg14[%swap3A_270, %swap3A_271] {strides = array<i32>} : memref<128x128xf32, #tpu.memory_space<vmem>>, vector<16xf32>,
        tpu.vector_store %arg14[%swap3A_270, %swap3A_271], %mul3A_269 {strides = array<i32>} : memref<128x128xf32, #tpu.memory_space<vmem>>, vector<16xf32>,
        %get3A_273 = arith.index_cast %add3A_244 : i32 to index
        %get3A_274 = arith.constant 64 : index
        %get3A_275 = tpu.vector_load %arg14[%get3A_273, %get3A_274] {strides = array<i32>} : memref<128x128xf32, #tpu.memory_space<vmem>>, vector<16xf32>,
        %mul3A_276 = arith.mulf %get3A_275, %broadcast_in_dim3A_240 : vector<16xf32>
        %swap3A_277 = arith.index_cast %add3A_244 : i32 to index
        %swap3A_278 = arith.constant 64 : index
        %swap3A_279 = tpu.vector_load %arg14[%swap3A_277, %swap3A_278] {strides = array<i32>} : memref<128x128xf32, #tpu.memory_space<vmem>>, vector<16xf32>,
        tpu.vector_store %arg14[%swap3A_277, %swap3A_278], %mul3A_276 {strides = array<i32>} : memref<128x128xf32, #tpu.memory_space<vmem>>, vector<16xf32>,
        %get3A_280 = arith.index_cast %add3A_244 : i32 to index
        %get3A_281 = arith.constant 80 : index
        %get3A_282 = tpu.vector_load %arg14[%get3A_280, %get3A_281] {strides = array<i32>} : memref<128x128xf32, #tpu.memory_space<vmem>>, vector<16xf32>,
        %mul3A_283 = arith.mulf %get3A_282, %broadcast_in_dim3A_240 : vector<16xf32>
        %swap3A_284 = arith.index_cast %add3A_244 : i32 to index
        %swap3A_285 = arith.constant 80 : index
        %swap3A_286 = tpu.vector_load %arg14[%swap3A_284, %swap3A_285] {strides = array<i32>} : memref<128x128xf32, #tpu.memory_space<vmem>>, vector<16xf32>,
        tpu.vector_store %arg14[%swap3A_284, %swap3A_285], %mul3A_283 {strides = array<i32>} : memref<128x128xf32, #tpu.memory_space<vmem>>, vector<16xf32>,
        %get3A_287 = arith.index_cast %add3A_244 : i32 to index
        %get3A_288 = arith.constant 96 : index
        %get3A_289 = tpu.vector_load %arg14[%get3A_287, %get3A_288] {strides = array<i32>} : memref<128x128xf32, #tpu.memory_space<vmem>>, vector<16xf32>,
        %mul3A_290 = arith.mulf %get3A_289, %broadcast_in_dim3A_240 : vector<16xf32>
        %swap3A_291 = arith.index_cast %add3A_244 : i32 to index
        %swap3A_292 = arith.constant 96 : index
        %swap3A_293 = tpu.vector_load %arg14[%swap3A_291, %swap3A_292] {strides = array<i32>} : memref<128x128xf32, #tpu.memory_space<vmem>>, vector<16xf32>,
        tpu.vector_store %arg14[%swap3A_291, %swap3A_292], %mul3A_290 {strides = array<i32>} : memref<128x128xf32, #tpu.memory_space<vmem>>, vector<16xf32>,
        %get3A_294 = arith.index_cast %add3A_244 : i32 to index
        %get3A_295 = arith.constant 112 : index
        %get3A_296 = tpu.vector_load %arg14[%get3A_294, %get3A_295] {strides = array<i32>} : memref<128x128xf32, #tpu.memory_space<vmem>>, vector<16xf32>,
        %mul3A_297 = arith.mulf %get3A_296, %broadcast_in_dim3A_240 : vector<16xf32>
        %swap3A_298 = arith.index_cast %add3A_244 : i32 to index
        %swap3A_299 = arith.constant 112 : index
        %swap3A_300 = tpu.vector_load %arg14[%swap3A_298, %swap3A_299] {strides = array<i32>} : memref<128x128xf32, #tpu.memory_space<vmem>>, vector<16xf32>,
        tpu.vector_store %arg14[%swap3A_298, %swap3A_299], %mul3A_297 {strides = array<i32>} : memref<128x128xf32, #tpu.memory_space<vmem>>, vector<16xf32>,
        %slice3A_301 = vector.extract_strided_slice %get3A_52 {offsets = [4], sizes = [1], strides = [1]} : vector<16xf32> to vector<1xf32>
        %squeeze3A_302 = vector.extract %slice3A_301[0] : f32 from vector<1xf32>
        %broadcast_in_dim3A_303 = vector.broadcast %squeeze3A_302 : f32 to vector<16xf32>
        %mul3A_304 = arith.constant 16 : i32
        %mul3A_305 = arith.muli %scan3A_48, %mul3A_304 : i32
        %add3A_306 = arith.constant 4 : i32
        %add3A_307 = arith.addi %mul3A_305, %add3A_306 : i32
        %get3A_308 = arith.index_cast %add3A_307 : i32 to index
        %get3A_309 = arith.constant 0 : index
        %get3A_310 = tpu.vector_load %arg14[%get3A_308, %get3A_309] {strides = array<i32>} : memref<128x128xf32, #tpu.memory_space<vmem>>, vector<16xf32>,
        %mul3A_311 = arith.mulf %get3A_310, %broadcast_in_dim3A_303 : vector<16xf32>
        %swap3A_312 = arith.index_cast %add3A_307 : i32 to index
        %swap3A_313 = arith.constant 0 : index
        %swap3A_314 = tpu.vector_load %arg14[%swap3A_312, %swap3A_313] {strides = array<i32>} : memref<128x128xf32, #tpu.memory_space<vmem>>, vector<16xf32>,
        tpu.vector_store %arg14[%swap3A_312, %swap3A_313], %mul3A_311 {strides = array<i32>} : memref<128x128xf32, #tpu.memory_space<vmem>>, vector<16xf32>,
        %get3A_315 = arith.index_cast %add3A_307 : i32 to index
        %get3A_316 = arith.constant 16 : index
        %get3A_317 = tpu.vector_load %arg14[%get3A_315, %get3A_316] {strides = array<i32>} : memref<128x128xf32, #tpu.memory_space<vmem>>, vector<16xf32>,
        %mul3A_318 = arith.mulf %get3A_317, %broadcast_in_dim3A_303 : vector<16xf32>
        %swap3A_319 = arith.index_cast %add3A_307 : i32 to index
        %swap3A_320 = arith.constant 16 : index
        %swap3A_321 = tpu.vector_load %arg14[%swap3A_319, %swap3A_320] {strides = array<i32>} : memref<128x128xf32, #tpu.memory_space<vmem>>, vector<16xf32>,
        tpu.vector_store %arg14[%swap3A_319, %swap3A_320], %mul3A_318 {strides = array<i32>} : memref<128x128xf32, #tpu.memory_space<vmem>>, vector<16xf32>,
        %get3A_322 = arith.index_cast %add3A_307 : i32 to index
        %get3A_323 = arith.constant 32 : index
        %get3A_324 = tpu.vector_load %arg14[%get3A_322, %get3A_323] {strides = array<i32>} : memref<128x128xf32, #tpu.memory_space<vmem>>, vector<16xf32>,
        %mul3A_325 = arith.mulf %get3A_324, %broadcast_in_dim3A_303 : vector<16xf32>
        %swap3A_326 = arith.index_cast %add3A_307 : i32 to index
        %swap3A_327 = arith.constant 32 : index
        %swap3A_328 = tpu.vector_load %arg14[%swap3A_326, %swap3A_327] {strides = array<i32>} : memref<128x128xf32, #tpu.memory_space<vmem>>, vector<16xf32>,
        tpu.vector_store %arg14[%swap3A_326, %swap3A_327], %mul3A_325 {strides = array<i32>} : memref<128x128xf32, #tpu.memory_space<vmem>>, vector<16xf32>,
        %get3A_329 = arith.index_cast %add3A_307 : i32 to index
        %get3A_330 = arith.constant 48 : index
        %get3A_331 = tpu.vector_load %arg14[%get3A_329, %get3A_330] {strides = array<i32>} : memref<128x128xf32, #tpu.memory_space<vmem>>, vector<16xf32>,
        %mul3A_332 = arith.mulf %get3A_331, %broadcast_in_dim3A_303 : vector<16xf32>
        %swap3A_333 = arith.index_cast %add3A_307 : i32 to index
        %swap3A_334 = arith.constant 48 : index
        %swap3A_335 = tpu.vector_load %arg14[%swap3A_333, %swap3A_334] {strides = array<i32>} : memref<128x128xf32, #tpu.memory_space<vmem>>, vector<16xf32>,
        tpu.vector_store %arg14[%swap3A_333, %swap3A_334], %mul3A_332 {strides = array<i32>} : memref<128x128xf32, #tpu.memory_space<vmem>>, vector<16xf32>,
        %get3A_336 = arith.index_cast %add3A_307 : i32 to index
        %get3A_337 = arith.constant 64 : index
        %get3A_338 = tpu.vector_load %arg14[%get3A_336, %get3A_337] {strides = array<i32>} : memref<128x128xf32, #tpu.memory_space<vmem>>, vector<16xf32>,
        %mul3A_339 = arith.mulf %get3A_338, %broadcast_in_dim3A_303 : vector<16xf32>
        %swap3A_340 = arith.index_cast %add3A_307 : i32 to index
        %swap3A_341 = arith.constant 64 : index
        %swap3A_342 = tpu.vector_load %arg14[%swap3A_340, %swap3A_341] {strides = array<i32>} : memref<128x128xf32, #tpu.memory_space<vmem>>, vector<16xf32>,
        tpu.vector_store %arg14[%swap3A_340, %swap3A_341], %mul3A_339 {strides = array<i32>} : memref<128x128xf32, #tpu.memory_space<vmem>>, vector<16xf32>,
        %get3A_343 = arith.index_cast %add3A_307 : i32 to index
        %get3A_344 = arith.constant 80 : index
        %get3A_345 = tpu.vector_load %arg14[%get3A_343, %get3A_344] {strides = array<i32>} : memref<128x128xf32, #tpu.memory_space<vmem>>, vector<16xf32>,
        %mul3A_346 = arith.mulf %get3A_345, %broadcast_in_dim3A_303 : vector<16xf32>
        %swap3A_347 = arith.index_cast %add3A_307 : i32 to index
        %swap3A_348 = arith.constant 80 : index
        %swap3A_349 = tpu.vector_load %arg14[%swap3A_347, %swap3A_348] {strides = array<i32>} : memref<128x128xf32, #tpu.memory_space<vmem>>, vector<16xf32>,
        tpu.vector_store %arg14[%swap3A_347, %swap3A_348], %mul3A_346 {strides = array<i32>} : memref<128x128xf32, #tpu.memory_space<vmem>>, vector<16xf32>,
        %get3A_350 = arith.index_cast %add3A_307 : i32 to index
        %get3A_351 = arith.constant 96 : index
        %get3A_352 = tpu.vector_load %arg14[%get3A_350, %get3A_351] {strides = array<i32>} : memref<128x128xf32, #tpu.memory_space<vmem>>, vector<16xf32>,
        %mul3A_353 = arith.mulf %get3A_352, %broadcast_in_dim3A_303 : vector<16xf32>
        %swap3A_354 = arith.index_cast %add3A_307 : i32 to index
        %swap3A_355 = arith.constant 96 : index
        %swap3A_356 = tpu.vector_load %arg14[%swap3A_354, %swap3A_355] {strides = array<i32>} : memref<128x128xf32, #tpu.memory_space<vmem>>, vector<16xf32>,
        tpu.vector_store %arg14[%swap3A_354, %swap3A_355], %mul3A_353 {strides = array<i32>} : memref<128x128xf32, #tpu.memory_space<vmem>>, vector<16xf32>,
        %get3A_357 = arith.index_cast %add3A_307 : i32 to index
        %get3A_358 = arith.constant 112 : index
        %get3A_359 = tpu.vector_load %arg14[%get3A_357, %get3A_358] {strides = array<i32>} : memref<128x128xf32, #tpu.memory_space<vmem>>, vector<16xf32>,
        %mul3A_360 = arith.mulf %get3A_359, %broadcast_in_dim3A_303 : vector<16xf32>
        %swap3A_361 = arith.index_cast %add3A_307 : i32 to index
        %swap3A_362 = arith.constant 112 : index
        %swap3A_363 = tpu.vector_load %arg14[%swap3A_361, %swap3A_362] {strides = array<i32>} : memref<128x128xf32, #tpu.memory_space<vmem>>, vector<16xf32>,
        tpu.vector_store %arg14[%swap3A_361, %swap3A_362], %mul3A_360 {strides = array<i32>} : memref<128x128xf32, #tpu.memory_space<vmem>>, vector<16xf32>,
        %slice3A_364 = vector.extract_strided_slice %get3A_52 {offsets = [5], sizes = [1], strides = [1]} : vector<16xf32> to vector<1xf32>
        %squeeze3A_365 = vector.extract %slice3A_364[0] : f32 from vector<1xf32>
        %broadcast_in_dim3A_366 = vector.broadcast %squeeze3A_365 : f32 to vector<16xf32>
        %mul3A_367 = arith.constant 16 : i32
        %mul3A_368 = arith.muli %scan3A_48, %mul3A_367 : i32
        %add3A_369 = arith.constant 5 : i32
        %add3A_370 = arith.addi %mul3A_368, %add3A_369 : i32
        %get3A_371 = arith.index_cast %add3A_370 : i32 to index
        %get3A_372 = arith.constant 0 : index
        %get3A_373 = tpu.vector_load %arg14[%get3A_371, %get3A_372] {strides = array<i32>} : memref<128x128xf32, #tpu.memory_space<vmem>>, vector<16xf32>,
        %mul3A_374 = arith.mulf %get3A_373, %broadcast_in_dim3A_366 : vector<16xf32>
        %swap3A_375 = arith.index_cast %add3A_370 : i32 to index
        %swap3A_376 = arith.constant 0 : index
        %swap3A_377 = tpu.vector_load %arg14[%swap3A_375, %swap3A_376] {strides = array<i32>} : memref<128x128xf32, #tpu.memory_space<vmem>>, vector<16xf32>,
        tpu.vector_store %arg14[%swap3A_375, %swap3A_376], %mul3A_374 {strides = array<i32>} : memref<128x128xf32, #tpu.memory_space<vmem>>, vector<16xf32>,
        %get3A_378 = arith.index_cast %add3A_370 : i32 to index
        %get3A_379 = arith.constant 16 : index
        %get3A_380 = tpu.vector_load %arg14[%get3A_378, %get3A_379] {strides = array<i32>} : memref<128x128xf32, #tpu.memory_space<vmem>>, vector<16xf32>,
        %mul3A_381 = arith.mulf %get3A_380, %broadcast_in_dim3A_366 : vector<16xf32>
        %swap3A_382 = arith.index_cast %add3A_370 : i32 to index
        %swap3A_383 = arith.constant 16 : index
        %swap3A_384 = tpu.vector_load %arg14[%swap3A_382, %swap3A_383] {strides = array<i32>} : memref<128x128xf32, #tpu.memory_space<vmem>>, vector<16xf32>,
        tpu.vector_store %arg14[%swap3A_382, %swap3A_383], %mul3A_381 {strides = array<i32>} : memref<128x128xf32, #tpu.memory_space<vmem>>, vector<16xf32>,
        %get3A_385 = arith.index_cast %add3A_370 : i32 to index
        %get3A_386 = arith.constant 32 : index
        %get3A_387 = tpu.vector_load %arg14[%get3A_385, %get3A_386] {strides = array<i32>} : memref<128x128xf32, #tpu.memory_space<vmem>>, vector<16xf32>,
        %mul3A_388 = arith.mulf %get3A_387, %broadcast_in_dim3A_366 : vector<16xf32>
        %swap3A_389 = arith.index_cast %add3A_370 : i32 to index
        %swap3A_390 = arith.constant 32 : index
        %swap3A_391 = tpu.vector_load %arg14[%swap3A_389, %swap3A_390] {strides = array<i32>} : memref<128x128xf32, #tpu.memory_space<vmem>>, vector<16xf32>,
        tpu.vector_store %arg14[%swap3A_389, %swap3A_390], %mul3A_388 {strides = array<i32>} : memref<128x128xf32, #tpu.memory_space<vmem>>, vector<16xf32>,
        %get3A_392 = arith.index_cast %add3A_370 : i32 to index
        %get3A_393 = arith.constant 48 : index
        %get3A_394 = tpu.vector_load %arg14[%get3A_392, %get3A_393] {strides = array<i32>} : memref<128x128xf32, #tpu.memory_space<vmem>>, vector<16xf32>,
        %mul3A_395 = arith.mulf %get3A_394, %broadcast_in_dim3A_366 : vector<16xf32>
        %swap3A_396 = arith.index_cast %add3A_370 : i32 to index
        %swap3A_397 = arith.constant 48 : index
        %swap3A_398 = tpu.vector_load %arg14[%swap3A_396, %swap3A_397] {strides = array<i32>} : memref<128x128xf32, #tpu.memory_space<vmem>>, vector<16xf32>,
        tpu.vector_store %arg14[%swap3A_396, %swap3A_397], %mul3A_395 {strides = array<i32>} : memref<128x128xf32, #tpu.memory_space<vmem>>, vector<16xf32>,
        %get3A_399 = arith.index_cast %add3A_370 : i32 to index
        %get3A_400 = arith.constant 64 : index
        %get3A_401 = tpu.vector_load %arg14[%get3A_399, %get3A_400] {strides = array<i32>} : memref<128x128xf32, #tpu.memory_space<vmem>>, vector<16xf32>,
        %mul3A_402 = arith.mulf %get3A_401, %broadcast_in_dim3A_366 : vector<16xf32>
        %swap3A_403 = arith.index_cast %add3A_370 : i32 to index
        %swap3A_404 = arith.constant 64 : index
        %swap3A_405 = tpu.vector_load %arg14[%swap3A_403, %swap3A_404] {strides = array<i32>} : memref<128x128xf32, #tpu.memory_space<vmem>>, vector<16xf32>,
        tpu.vector_store %arg14[%swap3A_403, %swap3A_404], %mul3A_402 {strides = array<i32>} : memref<128x128xf32, #tpu.memory_space<vmem>>, vector<16xf32>,
        %get3A_406 = arith.index_cast %add3A_370 : i32 to index
        %get3A_407 = arith.constant 80 : index
        %get3A_408 = tpu.vector_load %arg14[%get3A_406, %get3A_407] {strides = array<i32>} : memref<128x128xf32, #tpu.memory_space<vmem>>, vector<16xf32>,
        %mul3A_409 = arith.mulf %get3A_408, %broadcast_in_dim3A_366 : vector<16xf32>
        %swap3A_410 = arith.index_cast %add3A_370 : i32 to index
        %swap3A_411 = arith.constant 80 : index
        %swap3A_412 = tpu.vector_load %arg14[%swap3A_410, %swap3A_411] {strides = array<i32>} : memref<128x128xf32, #tpu.memory_space<vmem>>, vector<16xf32>,
        tpu.vector_store %arg14[%swap3A_410, %swap3A_411], %mul3A_409 {strides = array<i32>} : memref<128x128xf32, #tpu.memory_space<vmem>>, vector<16xf32>,
        %get3A_413 = arith.index_cast %add3A_370 : i32 to index
        %get3A_414 = arith.constant 96 : index
        %get3A_415 = tpu.vector_load %arg14[%get3A_413, %get3A_414] {strides = array<i32>} : memref<128x128xf32, #tpu.memory_space<vmem>>, vector<16xf32>,
        %mul3A_416 = arith.mulf %get3A_415, %broadcast_in_dim3A_366 : vector<16xf32>
        %swap3A_417 = arith.index_cast %add3A_370 : i32 to index
        %swap3A_418 = arith.constant 96 : index
        %swap3A_419 = tpu.vector_load %arg14[%swap3A_417, %swap3A_418] {strides = array<i32>} : memref<128x128xf32, #tpu.memory_space<vmem>>, vector<16xf32>,
        tpu.vector_store %arg14[%swap3A_417, %swap3A_418], %mul3A_416 {strides = array<i32>} : memref<128x128xf32, #tpu.memory_space<vmem>>, vector<16xf32>,
        %get3A_420 = arith.index_cast %add3A_370 : i32 to index
        %get3A_421 = arith.constant 112 : index
        %get3A_422 = tpu.vector_load %arg14[%get3A_420, %get3A_421] {strides = array<i32>} : memref<128x128xf32, #tpu.memory_space<vmem>>, vector<16xf32>,
        %mul3A_423 = arith.mulf %get3A_422, %broadcast_in_dim3A_366 : vector<16xf32>
        %swap3A_424 = arith.index_cast %add3A_370 : i32 to index
        %swap3A_425 = arith.constant 112 : index
        %swap3A_426 = tpu.vector_load %arg14[%swap3A_424, %swap3A_425] {strides = array<i32>} : memref<128x128xf32, #tpu.memory_space<vmem>>, vector<16xf32>,
        tpu.vector_store %arg14[%swap3A_424, %swap3A_425], %mul3A_423 {strides = array<i32>} : memref<128x128xf32, #tpu.memory_space<vmem>>, vector<16xf32>,
        %slice3A_427 = vector.extract_strided_slice %get3A_52 {offsets = [6], sizes = [1], strides = [1]} : vector<16xf32> to vector<1xf32>
        %squeeze3A_428 = vector.extract %slice3A_427[0] : f32 from vector<1xf32>
        %broadcast_in_dim3A_429 = vector.broadcast %squeeze3A_428 : f32 to vector<16xf32>
        %mul3A_430 = arith.constant 16 : i32
        %mul3A_431 = arith.muli %scan3A_48, %mul3A_430 : i32
        %add3A_432 = arith.constant 6 : i32
        %add3A_433 = arith.addi %mul3A_431, %add3A_432 : i32
        %get3A_434 = arith.index_cast %add3A_433 : i32 to index
        %get3A_435 = arith.constant 0 : index
        %get3A_436 = tpu.vector_load %arg14[%get3A_434, %get3A_435] {strides = array<i32>} : memref<128x128xf32, #tpu.memory_space<vmem>>, vector<16xf32>,
        %mul3A_437 = arith.mulf %get3A_436, %broadcast_in_dim3A_429 : vector<16xf32>
        %swap3A_438 = arith.index_cast %add3A_433 : i32 to index
        %swap3A_439 = arith.constant 0 : index
        %swap3A_440 = tpu.vector_load %arg14[%swap3A_438, %swap3A_439] {strides = array<i32>} : memref<128x128xf32, #tpu.memory_space<vmem>>, vector<16xf32>,
        tpu.vector_store %arg14[%swap3A_438, %swap3A_439], %mul3A_437 {strides = array<i32>} : memref<128x128xf32, #tpu.memory_space<vmem>>, vector<16xf32>,
        %get3A_441 = arith.index_cast %add3A_433 : i32 to index
        %get3A_442 = arith.constant 16 : index
        %get3A_443 = tpu.vector_load %arg14[%get3A_441, %get3A_442] {strides = array<i32>} : memref<128x128xf32, #tpu.memory_space<vmem>>, vector<16xf32>,
        %mul3A_444 = arith.mulf %get3A_443, %broadcast_in_dim3A_429 : vector<16xf32>
        %swap3A_445 = arith.index_cast %add3A_433 : i32 to index
        %swap3A_446 = arith.constant 16 : index
        %swap3A_447 = tpu.vector_load %arg14[%swap3A_445, %swap3A_446] {strides = array<i32>} : memref<128x128xf32, #tpu.memory_space<vmem>>, vector<16xf32>,
        tpu.vector_store %arg14[%swap3A_445, %swap3A_446], %mul3A_444 {strides = array<i32>} : memref<128x128xf32, #tpu.memory_space<vmem>>, vector<16xf32>,
        %get3A_448 = arith.index_cast %add3A_433 : i32 to index
        %get3A_449 = arith.constant 32 : index
        %get3A_450 = tpu.vector_load %arg14[%get3A_448, %get3A_449] {strides = array<i32>} : memref<128x128xf32, #tpu.memory_space<vmem>>, vector<16xf32>,
        %mul3A_451 = arith.mulf %get3A_450, %broadcast_in_dim3A_429 : vector<16xf32>
        %swap3A_452 = arith.index_cast %add3A_433 : i32 to index
        %swap3A_453 = arith.constant 32 : index
        %swap3A_454 = tpu.vector_load %arg14[%swap3A_452, %swap3A_453] {strides = array<i32>} : memref<128x128xf32, #tpu.memory_space<vmem>>, vector<16xf32>,
        tpu.vector_store %arg14[%swap3A_452, %swap3A_453], %mul3A_451 {strides = array<i32>} : memref<128x128xf32, #tpu.memory_space<vmem>>, vector<16xf32>,
        %get3A_455 = arith.index_cast %add3A_433 : i32 to index
        %get3A_456 = arith.constant 48 : index
        %get3A_457 = tpu.vector_load %arg14[%get3A_455, %get3A_456] {strides = array<i32>} : memref<128x128xf32, #tpu.memory_space<vmem>>, vector<16xf32>,
        %mul3A_458 = arith.mulf %get3A_457, %broadcast_in_dim3A_429 : vector<16xf32>
        %swap3A_459 = arith.index_cast %add3A_433 : i32 to index
        %swap3A_460 = arith.constant 48 : index
        %swap3A_461 = tpu.vector_load %arg14[%swap3A_459, %swap3A_460] {strides = array<i32>} : memref<128x128xf32, #tpu.memory_space<vmem>>, vector<16xf32>,
        tpu.vector_store %arg14[%swap3A_459, %swap3A_460], %mul3A_458 {strides = array<i32>} : memref<128x128xf32, #tpu.memory_space<vmem>>, vector<16xf32>,
        %get3A_462 = arith.index_cast %add3A_433 : i32 to index
        %get3A_463 = arith.constant 64 : index
        %get3A_464 = tpu.vector_load %arg14[%get3A_462, %get3A_463] {strides = array<i32>} : memref<128x128xf32, #tpu.memory_space<vmem>>, vector<16xf32>,
        %mul3A_465 = arith.mulf %get3A_464, %broadcast_in_dim3A_429 : vector<16xf32>
        %swap3A_466 = arith.index_cast %add3A_433 : i32 to index
        %swap3A_467 = arith.constant 64 : index
        %swap3A_468 = tpu.vector_load %arg14[%swap3A_466, %swap3A_467] {strides = array<i32>} : memref<128x128xf32, #tpu.memory_space<vmem>>, vector<16xf32>,
        tpu.vector_store %arg14[%swap3A_466, %swap3A_467], %mul3A_465 {strides = array<i32>} : memref<128x128xf32, #tpu.memory_space<vmem>>, vector<16xf32>,
        %get3A_469 = arith.index_cast %add3A_433 : i32 to index
        %get3A_470 = arith.constant 80 : index
        %get3A_471 = tpu.vector_load %arg14[%get3A_469, %get3A_470] {strides = array<i32>} : memref<128x128xf32, #tpu.memory_space<vmem>>, vector<16xf32>,
        %mul3A_472 = arith.mulf %get3A_471, %broadcast_in_dim3A_429 : vector<16xf32>
        %swap3A_473 = arith.index_cast %add3A_433 : i32 to index
        %swap3A_474 = arith.constant 80 : index
        %swap3A_475 = tpu.vector_load %arg14[%swap3A_473, %swap3A_474] {strides = array<i32>} : memref<128x128xf32, #tpu.memory_space<vmem>>, vector<16xf32>,
        tpu.vector_store %arg14[%swap3A_473, %swap3A_474], %mul3A_472 {strides = array<i32>} : memref<128x128xf32, #tpu.memory_space<vmem>>, vector<16xf32>,
        %get3A_476 = arith.index_cast %add3A_433 : i32 to index
        %get3A_477 = arith.constant 96 : index
        %get3A_478 = tpu.vector_load %arg14[%get3A_476, %get3A_477] {strides = array<i32>} : memref<128x128xf32, #tpu.memory_space<vmem>>, vector<16xf32>,
        %mul3A_479 = arith.mulf %get3A_478, %broadcast_in_dim3A_429 : vector<16xf32>
        %swap3A_480 = arith.index_cast %add3A_433 : i32 to index
        %swap3A_481 = arith.constant 96 : index
        %swap3A_482 = tpu.vector_load %arg14[%swap3A_480, %swap3A_481] {strides = array<i32>} : memref<128x128xf32, #tpu.memory_space<vmem>>, vector<16xf32>,
        tpu.vector_store %arg14[%swap3A_480, %swap3A_481], %mul3A_479 {strides = array<i32>} : memref<128x128xf32, #tpu.memory_space<vmem>>, vector<16xf32>,
        %get3A_483 = arith.index_cast %add3A_433 : i32 to index
        %get3A_484 = arith.constant 112 : index
        %get3A_485 = tpu.vector_load %arg14[%get3A_483, %get3A_484] {strides = array<i32>} : memref<128x128xf32, #tpu.memory_space<vmem>>, vector<16xf32>,
        %mul3A_486 = arith.mulf %get3A_485, %broadcast_in_dim3A_429 : vector<16xf32>
        %swap3A_487 = arith.index_cast %add3A_433 : i32 to index
        %swap3A_488 = arith.constant 112 : index
        %swap3A_489 = tpu.vector_load %arg14[%swap3A_487, %swap3A_488] {strides = array<i32>} : memref<128x128xf32, #tpu.memory_space<vmem>>, vector<16xf32>,
        tpu.vector_store %arg14[%swap3A_487, %swap3A_488], %mul3A_486 {strides = array<i32>} : memref<128x128xf32, #tpu.memory_space<vmem>>, vector<16xf32>,
        %slice3A_490 = vector.extract_strided_slice %get3A_52 {offsets = [7], sizes = [1], strides = [1]} : vector<16xf32> to vector<1xf32>
        %squeeze3A_491 = vector.extract %slice3A_490[0] : f32 from vector<1xf32>
        %broadcast_in_dim3A_492 = vector.broadcast %squeeze3A_491 : f32 to vector<16xf32>
        %mul3A_493 = arith.constant 16 : i32
        %mul3A_494 = arith.muli %scan3A_48, %mul3A_493 : i32
        %add3A_495 = arith.constant 7 : i32
        %add3A_496 = arith.addi %mul3A_494, %add3A_495 : i32
        %get3A_497 = arith.index_cast %add3A_496 : i32 to index
        %get3A_498 = arith.constant 0 : index
        %get3A_499 = tpu.vector_load %arg14[%get3A_497, %get3A_498] {strides = array<i32>} : memref<128x128xf32, #tpu.memory_space<vmem>>, vector<16xf32>,
        %mul3A_500 = arith.mulf %get3A_499, %broadcast_in_dim3A_492 : vector<16xf32>
        %swap3A_501 = arith.index_cast %add3A_496 : i32 to index
        %swap3A_502 = arith.constant 0 : index
        %swap3A_503 = tpu.vector_load %arg14[%swap3A_501, %swap3A_502] {strides = array<i32>} : memref<128x128xf32, #tpu.memory_space<vmem>>, vector<16xf32>,
        tpu.vector_store %arg14[%swap3A_501, %swap3A_502], %mul3A_500 {strides = array<i32>} : memref<128x128xf32, #tpu.memory_space<vmem>>, vector<16xf32>,
        %get3A_504 = arith.index_cast %add3A_496 : i32 to index
        %get3A_505 = arith.constant 16 : index
        %get3A_506 = tpu.vector_load %arg14[%get3A_504, %get3A_505] {strides = array<i32>} : memref<128x128xf32, #tpu.memory_space<vmem>>, vector<16xf32>,
        %mul3A_507 = arith.mulf %get3A_506, %broadcast_in_dim3A_492 : vector<16xf32>
        %swap3A_508 = arith.index_cast %add3A_496 : i32 to index
        %swap3A_509 = arith.constant 16 : index
        %swap3A_510 = tpu.vector_load %arg14[%swap3A_508, %swap3A_509] {strides = array<i32>} : memref<128x128xf32, #tpu.memory_space<vmem>>, vector<16xf32>,
        tpu.vector_store %arg14[%swap3A_508, %swap3A_509], %mul3A_507 {strides = array<i32>} : memref<128x128xf32, #tpu.memory_space<vmem>>, vector<16xf32>,
        %get3A_511 = arith.index_cast %add3A_496 : i32 to index
        %get3A_512 = arith.constant 32 : index
        %get3A_513 = tpu.vector_load %arg14[%get3A_511, %get3A_512] {strides = array<i32>} : memref<128x128xf32, #tpu.memory_space<vmem>>, vector<16xf32>,
        %mul3A_514 = arith.mulf %get3A_513, %broadcast_in_dim3A_492 : vector<16xf32>
        %swap3A_515 = arith.index_cast %add3A_496 : i32 to index
        %swap3A_516 = arith.constant 32 : index
        %swap3A_517 = tpu.vector_load %arg14[%swap3A_515, %swap3A_516] {strides = array<i32>} : memref<128x128xf32, #tpu.memory_space<vmem>>, vector<16xf32>,
        tpu.vector_store %arg14[%swap3A_515, %swap3A_516], %mul3A_514 {strides = array<i32>} : memref<128x128xf32, #tpu.memory_space<vmem>>, vector<16xf32>,
        %get3A_518 = arith.index_cast %add3A_496 : i32 to index
        %get3A_519 = arith.constant 48 : index
        %get3A_520 = tpu.vector_load %arg14[%get3A_518, %get3A_519] {strides = array<i32>} : memref<128x128xf32, #tpu.memory_space<vmem>>, vector<16xf32>,
        %mul3A_521 = arith.mulf %get3A_520, %broadcast_in_dim3A_492 : vector<16xf32>
        %swap3A_522 = arith.index_cast %add3A_496 : i32 to index
        %swap3A_523 = arith.constant 48 : index
        %swap3A_524 = tpu.vector_load %arg14[%swap3A_522, %swap3A_523] {strides = array<i32>} : memref<128x128xf32, #tpu.memory_space<vmem>>, vector<16xf32>,
        tpu.vector_store %arg14[%swap3A_522, %swap3A_523], %mul3A_521 {strides = array<i32>} : memref<128x128xf32, #tpu.memory_space<vmem>>, vector<16xf32>,
        %get3A_525 = arith.index_cast %add3A_496 : i32 to index
        %get3A_526 = arith.constant 64 : index
        %get3A_527 = tpu.vector_load %arg14[%get3A_525, %get3A_526] {strides = array<i32>} : memref<128x128xf32, #tpu.memory_space<vmem>>, vector<16xf32>,
        %mul3A_528 = arith.mulf %get3A_527, %broadcast_in_dim3A_492 : vector<16xf32>
        %swap3A_529 = arith.index_cast %add3A_496 : i32 to index
        %swap3A_530 = arith.constant 64 : index
        %swap3A_531 = tpu.vector_load %arg14[%swap3A_529, %swap3A_530] {strides = array<i32>} : memref<128x128xf32, #tpu.memory_space<vmem>>, vector<16xf32>,
        tpu.vector_store %arg14[%swap3A_529, %swap3A_530], %mul3A_528 {strides = array<i32>} : memref<128x128xf32, #tpu.memory_space<vmem>>, vector<16xf32>,
        %get3A_532 = arith.index_cast %add3A_496 : i32 to index
        %get3A_533 = arith.constant 80 : index
        %get3A_534 = tpu.vector_load %arg14[%get3A_532, %get3A_533] {strides = array<i32>} : memref<128x128xf32, #tpu.memory_space<vmem>>, vector<16xf32>,
        %mul3A_535 = arith.mulf %get3A_534, %broadcast_in_dim3A_492 : vector<16xf32>
        %swap3A_536 = arith.index_cast %add3A_496 : i32 to index
        %swap3A_537 = arith.constant 80 : index
        %swap3A_538 = tpu.vector_load %arg14[%swap3A_536, %swap3A_537] {strides = array<i32>} : memref<128x128xf32, #tpu.memory_space<vmem>>, vector<16xf32>,
        tpu.vector_store %arg14[%swap3A_536, %swap3A_537], %mul3A_535 {strides = array<i32>} : memref<128x128xf32, #tpu.memory_space<vmem>>, vector<16xf32>,
        %get3A_539 = arith.index_cast %add3A_496 : i32 to index
        %get3A_540 = arith.constant 96 : index
        %get3A_541 = tpu.vector_load %arg14[%get3A_539, %get3A_540] {strides = array<i32>} : memref<128x128xf32, #tpu.memory_space<vmem>>, vector<16xf32>,
        %mul3A_542 = arith.mulf %get3A_541, %broadcast_in_dim3A_492 : vector<16xf32>
        %swap3A_543 = arith.index_cast %add3A_496 : i32 to index
        %swap3A_544 = arith.constant 96 : index
        %swap3A_545 = tpu.vector_load %arg14[%swap3A_543, %swap3A_544] {strides = array<i32>} : memref<128x128xf32, #tpu.memory_space<vmem>>, vector<16xf32>,
        tpu.vector_store %arg14[%swap3A_543, %swap3A_544], %mul3A_542 {strides = array<i32>} : memref<128x128xf32, #tpu.memory_space<vmem>>, vector<16xf32>,
        %get3A_546 = arith.index_cast %add3A_496 : i32 to index
        %get3A_547 = arith.constant 112 : index
        %get3A_548 = tpu.vector_load %arg14[%get3A_546, %get3A_547] {strides = array<i32>} : memref<128x128xf32, #tpu.memory_space<vmem>>, vector<16xf32>,
        %mul3A_549 = arith.mulf %get3A_548, %broadcast_in_dim3A_492 : vector<16xf32>
        %swap3A_550 = arith.index_cast %add3A_496 : i32 to index
        %swap3A_551 = arith.constant 112 : index
        %swap3A_552 = tpu.vector_load %arg14[%swap3A_550, %swap3A_551] {strides = array<i32>} : memref<128x128xf32, #tpu.memory_space<vmem>>, vector<16xf32>,
        tpu.vector_store %arg14[%swap3A_550, %swap3A_551], %mul3A_549 {strides = array<i32>} : memref<128x128xf32, #tpu.memory_space<vmem>>, vector<16xf32>,
        %slice3A_553 = vector.extract_strided_slice %get3A_52 {offsets = [8], sizes = [1], strides = [1]} : vector<16xf32> to vector<1xf32>
        %squeeze3A_554 = vector.extract %slice3A_553[0] : f32 from vector<1xf32>
        %broadcast_in_dim3A_555 = vector.broadcast %squeeze3A_554 : f32 to vector<16xf32>
        %mul3A_556 = arith.constant 16 : i32
        %mul3A_557 = arith.muli %scan3A_48, %mul3A_556 : i32
        %add3A_558 = arith.constant 8 : i32
        %add3A_559 = arith.addi %mul3A_557, %add3A_558 : i32
        %get3A_560 = arith.index_cast %add3A_559 : i32 to index
        %get3A_561 = arith.constant 0 : index
        %get3A_562 = tpu.vector_load %arg14[%get3A_560, %get3A_561] {strides = array<i32>} : memref<128x128xf32, #tpu.memory_space<vmem>>, vector<16xf32>,
        %mul3A_563 = arith.mulf %get3A_562, %broadcast_in_dim3A_555 : vector<16xf32>
        %swap3A_564 = arith.index_cast %add3A_559 : i32 to index
        %swap3A_565 = arith.constant 0 : index
        %swap3A_566 = tpu.vector_load %arg14[%swap3A_564, %swap3A_565] {strides = array<i32>} : memref<128x128xf32, #tpu.memory_space<vmem>>, vector<16xf32>,
        tpu.vector_store %arg14[%swap3A_564, %swap3A_565], %mul3A_563 {strides = array<i32>} : memref<128x128xf32, #tpu.memory_space<vmem>>, vector<16xf32>,
        %get3A_567 = arith.index_cast %add3A_559 : i32 to index
        %get3A_568 = arith.constant 16 : index
        %get3A_569 = tpu.vector_load %arg14[%get3A_567, %get3A_568] {strides = array<i32>} : memref<128x128xf32, #tpu.memory_space<vmem>>, vector<16xf32>,
        %mul3A_570 = arith.mulf %get3A_569, %broadcast_in_dim3A_555 : vector<16xf32>
        %swap3A_571 = arith.index_cast %add3A_559 : i32 to index
        %swap3A_572 = arith.constant 16 : index
        %swap3A_573 = tpu.vector_load %arg14[%swap3A_571, %swap3A_572] {strides = array<i32>} : memref<128x128xf32, #tpu.memory_space<vmem>>, vector<16xf32>,
        tpu.vector_store %arg14[%swap3A_571, %swap3A_572], %mul3A_570 {strides = array<i32>} : memref<128x128xf32, #tpu.memory_space<vmem>>, vector<16xf32>,
        %get3A_574 = arith.index_cast %add3A_559 : i32 to index
        %get3A_575 = arith.constant 32 : index
        %get3A_576 = tpu.vector_load %arg14[%get3A_574, %get3A_575] {strides = array<i32>} : memref<128x128xf32, #tpu.memory_space<vmem>>, vector<16xf32>,
        %mul3A_577 = arith.mulf %get3A_576, %broadcast_in_dim3A_555 : vector<16xf32>
        %swap3A_578 = arith.index_cast %add3A_559 : i32 to index
        %swap3A_579 = arith.constant 32 : index
        %swap3A_580 = tpu.vector_load %arg14[%swap3A_578, %swap3A_579] {strides = array<i32>} : memref<128x128xf32, #tpu.memory_space<vmem>>, vector<16xf32>,
        tpu.vector_store %arg14[%swap3A_578, %swap3A_579], %mul3A_577 {strides = array<i32>} : memref<128x128xf32, #tpu.memory_space<vmem>>, vector<16xf32>,
        %get3A_581 = arith.index_cast %add3A_559 : i32 to index
        %get3A_582 = arith.constant 48 : index
        %get3A_583 = tpu.vector_load %arg14[%get3A_581, %get3A_582] {strides = array<i32>} : memref<128x128xf32, #tpu.memory_space<vmem>>, vector<16xf32>,
        %mul3A_584 = arith.mulf %get3A_583, %broadcast_in_dim3A_555 : vector<16xf32>
        %swap3A_585 = arith.index_cast %add3A_559 : i32 to index
        %swap3A_586 = arith.constant 48 : index
        %swap3A_587 = tpu.vector_load %arg14[%swap3A_585, %swap3A_586] {strides = array<i32>} : memref<128x128xf32, #tpu.memory_space<vmem>>, vector<16xf32>,
        tpu.vector_store %arg14[%swap3A_585, %swap3A_586], %mul3A_584 {strides = array<i32>} : memref<128x128xf32, #tpu.memory_space<vmem>>, vector<16xf32>,
        %get3A_588 = arith.index_cast %add3A_559 : i32 to index
        %get3A_589 = arith.constant 64 : index
        %get3A_590 = tpu.vector_load %arg14[%get3A_588, %get3A_589] {strides = array<i32>} : memref<128x128xf32, #tpu.memory_space<vmem>>, vector<16xf32>,
        %mul3A_591 = arith.mulf %get3A_590, %broadcast_in_dim3A_555 : vector<16xf32>
        %swap3A_592 = arith.index_cast %add3A_559 : i32 to index
        %swap3A_593 = arith.constant 64 : index
        %swap3A_594 = tpu.vector_load %arg14[%swap3A_592, %swap3A_593] {strides = array<i32>} : memref<128x128xf32, #tpu.memory_space<vmem>>, vector<16xf32>,
        tpu.vector_store %arg14[%swap3A_592, %swap3A_593], %mul3A_591 {strides = array<i32>} : memref<128x128xf32, #tpu.memory_space<vmem>>, vector<16xf32>,
        %get3A_595 = arith.index_cast %add3A_559 : i32 to index
        %get3A_596 = arith.constant 80 : index
        %get3A_597 = tpu.vector_load %arg14[%get3A_595, %get3A_596] {strides = array<i32>} : memref<128x128xf32, #tpu.memory_space<vmem>>, vector<16xf32>,
        %mul3A_598 = arith.mulf %get3A_597, %broadcast_in_dim3A_555 : vector<16xf32>
        %swap3A_599 = arith.index_cast %add3A_559 : i32 to index
        %swap3A_600 = arith.constant 80 : index
        %swap3A_601 = tpu.vector_load %arg14[%swap3A_599, %swap3A_600] {strides = array<i32>} : memref<128x128xf32, #tpu.memory_space<vmem>>, vector<16xf32>,
        tpu.vector_store %arg14[%swap3A_599, %swap3A_600], %mul3A_598 {strides = array<i32>} : memref<128x128xf32, #tpu.memory_space<vmem>>, vector<16xf32>,
        %get3A_602 = arith.index_cast %add3A_559 : i32 to index
        %get3A_603 = arith.constant 96 : index
        %get3A_604 = tpu.vector_load %arg14[%get3A_602, %get3A_603] {strides = array<i32>} : memref<128x128xf32, #tpu.memory_space<vmem>>, vector<16xf32>,
        %mul3A_605 = arith.mulf %get3A_604, %broadcast_in_dim3A_555 : vector<16xf32>
        %swap3A_606 = arith.index_cast %add3A_559 : i32 to index
        %swap3A_607 = arith.constant 96 : index
        %swap3A_608 = tpu.vector_load %arg14[%swap3A_606, %swap3A_607] {strides = array<i32>} : memref<128x128xf32, #tpu.memory_space<vmem>>, vector<16xf32>,
        tpu.vector_store %arg14[%swap3A_606, %swap3A_607], %mul3A_605 {strides = array<i32>} : memref<128x128xf32, #tpu.memory_space<vmem>>, vector<16xf32>,
        %get3A_609 = arith.index_cast %add3A_559 : i32 to index
        %get3A_610 = arith.constant 112 : index
        %get3A_611 = tpu.vector_load %arg14[%get3A_609, %get3A_610] {strides = array<i32>} : memref<128x128xf32, #tpu.memory_space<vmem>>, vector<16xf32>,
        %mul3A_612 = arith.mulf %get3A_611, %broadcast_in_dim3A_555 : vector<16xf32>
        %swap3A_613 = arith.index_cast %add3A_559 : i32 to index
        %swap3A_614 = arith.constant 112 : index
        %swap3A_615 = tpu.vector_load %arg14[%swap3A_613, %swap3A_614] {strides = array<i32>} : memref<128x128xf32, #tpu.memory_space<vmem>>, vector<16xf32>,
        tpu.vector_store %arg14[%swap3A_613, %swap3A_614], %mul3A_612 {strides = array<i32>} : memref<128x128xf32, #tpu.memory_space<vmem>>, vector<16xf32>,
        %slice3A_616 = vector.extract_strided_slice %get3A_52 {offsets = [9], sizes = [1], strides = [1]} : vector<16xf32> to vector<1xf32>
        %squeeze3A_617 = vector.extract %slice3A_616[0] : f32 from vector<1xf32>
        %broadcast_in_dim3A_618 = vector.broadcast %squeeze3A_617 : f32 to vector<16xf32>
        %mul3A_619 = arith.constant 16 : i32
        %mul3A_620 = arith.muli %scan3A_48, %mul3A_619 : i32
        %add3A_621 = arith.constant 9 : i32
        %add3A_622 = arith.addi %mul3A_620, %add3A_621 : i32
        %get3A_623 = arith.index_cast %add3A_622 : i32 to index
        %get3A_624 = arith.constant 0 : index
        %get3A_625 = tpu.vector_load %arg14[%get3A_623, %get3A_624] {strides = array<i32>} : memref<128x128xf32, #tpu.memory_space<vmem>>, vector<16xf32>,
        %mul3A_626 = arith.mulf %get3A_625, %broadcast_in_dim3A_618 : vector<16xf32>
        %swap3A_627 = arith.index_cast %add3A_622 : i32 to index
        %swap3A_628 = arith.constant 0 : index
        %swap3A_629 = tpu.vector_load %arg14[%swap3A_627, %swap3A_628] {strides = array<i32>} : memref<128x128xf32, #tpu.memory_space<vmem>>, vector<16xf32>,
        tpu.vector_store %arg14[%swap3A_627, %swap3A_628], %mul3A_626 {strides = array<i32>} : memref<128x128xf32, #tpu.memory_space<vmem>>, vector<16xf32>,
        %get3A_630 = arith.index_cast %add3A_622 : i32 to index
        %get3A_631 = arith.constant 16 : index
        %get3A_632 = tpu.vector_load %arg14[%get3A_630, %get3A_631] {strides = array<i32>} : memref<128x128xf32, #tpu.memory_space<vmem>>, vector<16xf32>,
        %mul3A_633 = arith.mulf %get3A_632, %broadcast_in_dim3A_618 : vector<16xf32>
        %swap3A_634 = arith.index_cast %add3A_622 : i32 to index
        %swap3A_635 = arith.constant 16 : index
        %swap3A_636 = tpu.vector_load %arg14[%swap3A_634, %swap3A_635] {strides = array<i32>} : memref<128x128xf32, #tpu.memory_space<vmem>>, vector<16xf32>,
        tpu.vector_store %arg14[%swap3A_634, %swap3A_635], %mul3A_633 {strides = array<i32>} : memref<128x128xf32, #tpu.memory_space<vmem>>, vector<16xf32>,
        %get3A_637 = arith.index_cast %add3A_622 : i32 to index
        %get3A_638 = arith.constant 32 : index
        %get3A_639 = tpu.vector_load %arg14[%get3A_637, %get3A_638] {strides = array<i32>} : memref<128x128xf32, #tpu.memory_space<vmem>>, vector<16xf32>,
        %mul3A_640 = arith.mulf %get3A_639, %broadcast_in_dim3A_618 : vector<16xf32>
        %swap3A_641 = arith.index_cast %add3A_622 : i32 to index
        %swap3A_642 = arith.constant 32 : index
        %swap3A_643 = tpu.vector_load %arg14[%swap3A_641, %swap3A_642] {strides = array<i32>} : memref<128x128xf32, #tpu.memory_space<vmem>>, vector<16xf32>,
        tpu.vector_store %arg14[%swap3A_641, %swap3A_642], %mul3A_640 {strides = array<i32>} : memref<128x128xf32, #tpu.memory_space<vmem>>, vector<16xf32>,
        %get3A_644 = arith.index_cast %add3A_622 : i32 to index
        %get3A_645 = arith.constant 48 : index
        %get3A_646 = tpu.vector_load %arg14[%get3A_644, %get3A_645] {strides = array<i32>} : memref<128x128xf32, #tpu.memory_space<vmem>>, vector<16xf32>,
        %mul3A_647 = arith.mulf %get3A_646, %broadcast_in_dim3A_618 : vector<16xf32>
        %swap3A_648 = arith.index_cast %add3A_622 : i32 to index
        %swap3A_649 = arith.constant 48 : index
        %swap3A_650 = tpu.vector_load %arg14[%swap3A_648, %swap3A_649] {strides = array<i32>} : memref<128x128xf32, #tpu.memory_space<vmem>>, vector<16xf32>,
        tpu.vector_store %arg14[%swap3A_648, %swap3A_649], %mul3A_647 {strides = array<i32>} : memref<128x128xf32, #tpu.memory_space<vmem>>, vector<16xf32>,
        %get3A_651 = arith.index_cast %add3A_622 : i32 to index
        %get3A_652 = arith.constant 64 : index
        %get3A_653 = tpu.vector_load %arg14[%get3A_651, %get3A_652] {strides = array<i32>} : memref<128x128xf32, #tpu.memory_space<vmem>>, vector<16xf32>,
        %mul3A_654 = arith.mulf %get3A_653, %broadcast_in_dim3A_618 : vector<16xf32>
        %swap3A_655 = arith.index_cast %add3A_622 : i32 to index
        %swap3A_656 = arith.constant 64 : index
        %swap3A_657 = tpu.vector_load %arg14[%swap3A_655, %swap3A_656] {strides = array<i32>} : memref<128x128xf32, #tpu.memory_space<vmem>>, vector<16xf32>,
        tpu.vector_store %arg14[%swap3A_655, %swap3A_656], %mul3A_654 {strides = array<i32>} : memref<128x128xf32, #tpu.memory_space<vmem>>, vector<16xf32>,
        %get3A_658 = arith.index_cast %add3A_622 : i32 to index
        %get3A_659 = arith.constant 80 : index
        %get3A_660 = tpu.vector_load %arg14[%get3A_658, %get3A_659] {strides = array<i32>} : memref<128x128xf32, #tpu.memory_space<vmem>>, vector<16xf32>,
        %mul3A_661 = arith.mulf %get3A_660, %broadcast_in_dim3A_618 : vector<16xf32>
        %swap3A_662 = arith.index_cast %add3A_622 : i32 to index
        %swap3A_663 = arith.constant 80 : index
        %swap3A_664 = tpu.vector_load %arg14[%swap3A_662, %swap3A_663] {strides = array<i32>} : memref<128x128xf32, #tpu.memory_space<vmem>>, vector<16xf32>,
        tpu.vector_store %arg14[%swap3A_662, %swap3A_663], %mul3A_661 {strides = array<i32>} : memref<128x128xf32, #tpu.memory_space<vmem>>, vector<16xf32>,
        %get3A_665 = arith.index_cast %add3A_622 : i32 to index
        %get3A_666 = arith.constant 96 : index
        %get3A_667 = tpu.vector_load %arg14[%get3A_665, %get3A_666] {strides = array<i32>} : memref<128x128xf32, #tpu.memory_space<vmem>>, vector<16xf32>,
        %mul3A_668 = arith.mulf %get3A_667, %broadcast_in_dim3A_618 : vector<16xf32>
        %swap3A_669 = arith.index_cast %add3A_622 : i32 to index
        %swap3A_670 = arith.constant 96 : index
        %swap3A_671 = tpu.vector_load %arg14[%swap3A_669, %swap3A_670] {strides = array<i32>} : memref<128x128xf32, #tpu.memory_space<vmem>>, vector<16xf32>,
        tpu.vector_store %arg14[%swap3A_669, %swap3A_670], %mul3A_668 {strides = array<i32>} : memref<128x128xf32, #tpu.memory_space<vmem>>, vector<16xf32>,
        %get3A_672 = arith.index_cast %add3A_622 : i32 to index
        %get3A_673 = arith.constant 112 : index
        %get3A_674 = tpu.vector_load %arg14[%get3A_672, %get3A_673] {strides = array<i32>} : memref<128x128xf32, #tpu.memory_space<vmem>>, vector<16xf32>,
        %mul3A_675 = arith.mulf %get3A_674, %broadcast_in_dim3A_618 : vector<16xf32>
        %swap3A_676 = arith.index_cast %add3A_622 : i32 to index
        %swap3A_677 = arith.constant 112 : index
        %swap3A_678 = tpu.vector_load %arg14[%swap3A_676, %swap3A_677] {strides = array<i32>} : memref<128x128xf32, #tpu.memory_space<vmem>>, vector<16xf32>,
        tpu.vector_store %arg14[%swap3A_676, %swap3A_677], %mul3A_675 {strides = array<i32>} : memref<128x128xf32, #tpu.memory_space<vmem>>, vector<16xf32>,
        %slice3A_679 = vector.extract_strided_slice %get3A_52 {offsets = [10], sizes = [1], strides = [1]} : vector<16xf32> to vector<1xf32>
        %squeeze3A_680 = vector.extract %slice3A_679[0] : f32 from vector<1xf32>
        %broadcast_in_dim3A_681 = vector.broadcast %squeeze3A_680 : f32 to vector<16xf32>
        %mul3A_682 = arith.constant 16 : i32
        %mul3A_683 = arith.muli %scan3A_48, %mul3A_682 : i32
        %add3A_684 = arith.constant 10 : i32
        %add3A_685 = arith.addi %mul3A_683, %add3A_684 : i32
        %get3A_686 = arith.index_cast %add3A_685 : i32 to index
        %get3A_687 = arith.constant 0 : index
        %get3A_688 = tpu.vector_load %arg14[%get3A_686, %get3A_687] {strides = array<i32>} : memref<128x128xf32, #tpu.memory_space<vmem>>, vector<16xf32>,
        %mul3A_689 = arith.mulf %get3A_688, %broadcast_in_dim3A_681 : vector<16xf32>
        %swap3A_690 = arith.index_cast %add3A_685 : i32 to index
        %swap3A_691 = arith.constant 0 : index
        %swap3A_692 = tpu.vector_load %arg14[%swap3A_690, %swap3A_691] {strides = array<i32>} : memref<128x128xf32, #tpu.memory_space<vmem>>, vector<16xf32>,
        tpu.vector_store %arg14[%swap3A_690, %swap3A_691], %mul3A_689 {strides = array<i32>} : memref<128x128xf32, #tpu.memory_space<vmem>>, vector<16xf32>,
        %get3A_693 = arith.index_cast %add3A_685 : i32 to index
        %get3A_694 = arith.constant 16 : index
        %get3A_695 = tpu.vector_load %arg14[%get3A_693, %get3A_694] {strides = array<i32>} : memref<128x128xf32, #tpu.memory_space<vmem>>, vector<16xf32>,
        %mul3A_696 = arith.mulf %get3A_695, %broadcast_in_dim3A_681 : vector<16xf32>
        %swap3A_697 = arith.index_cast %add3A_685 : i32 to index
        %swap3A_698 = arith.constant 16 : index
        %swap3A_699 = tpu.vector_load %arg14[%swap3A_697, %swap3A_698] {strides = array<i32>} : memref<128x128xf32, #tpu.memory_space<vmem>>, vector<16xf32>,
        tpu.vector_store %arg14[%swap3A_697, %swap3A_698], %mul3A_696 {strides = array<i32>} : memref<128x128xf32, #tpu.memory_space<vmem>>, vector<16xf32>,
        %get3A_700 = arith.index_cast %add3A_685 : i32 to index
        %get3A_701 = arith.constant 32 : index
        %get3A_702 = tpu.vector_load %arg14[%get3A_700, %get3A_701] {strides = array<i32>} : memref<128x128xf32, #tpu.memory_space<vmem>>, vector<16xf32>,
        %mul3A_703 = arith.mulf %get3A_702, %broadcast_in_dim3A_681 : vector<16xf32>
        %swap3A_704 = arith.index_cast %add3A_685 : i32 to index
        %swap3A_705 = arith.constant 32 : index
        %swap3A_706 = tpu.vector_load %arg14[%swap3A_704, %swap3A_705] {strides = array<i32>} : memref<128x128xf32, #tpu.memory_space<vmem>>, vector<16xf32>,
        tpu.vector_store %arg14[%swap3A_704, %swap3A_705], %mul3A_703 {strides = array<i32>} : memref<128x128xf32, #tpu.memory_space<vmem>>, vector<16xf32>,
        %get3A_707 = arith.index_cast %add3A_685 : i32 to index
        %get3A_708 = arith.constant 48 : index
        %get3A_709 = tpu.vector_load %arg14[%get3A_707, %get3A_708] {strides = array<i32>} : memref<128x128xf32, #tpu.memory_space<vmem>>, vector<16xf32>,
        %mul3A_710 = arith.mulf %get3A_709, %broadcast_in_dim3A_681 : vector<16xf32>
        %swap3A_711 = arith.index_cast %add3A_685 : i32 to index
        %swap3A_712 = arith.constant 48 : index
        %swap3A_713 = tpu.vector_load %arg14[%swap3A_711, %swap3A_712] {strides = array<i32>} : memref<128x128xf32, #tpu.memory_space<vmem>>, vector<16xf32>,
        tpu.vector_store %arg14[%swap3A_711, %swap3A_712], %mul3A_710 {strides = array<i32>} : memref<128x128xf32, #tpu.memory_space<vmem>>, vector<16xf32>,
        %get3A_714 = arith.index_cast %add3A_685 : i32 to index
        %get3A_715 = arith.constant 64 : index
        %get3A_716 = tpu.vector_load %arg14[%get3A_714, %get3A_715] {strides = array<i32>} : memref<128x128xf32, #tpu.memory_space<vmem>>, vector<16xf32>,
        %mul3A_717 = arith.mulf %get3A_716, %broadcast_in_dim3A_681 : vector<16xf32>
        %swap3A_718 = arith.index_cast %add3A_685 : i32 to index
        %swap3A_719 = arith.constant 64 : index
        %swap3A_720 = tpu.vector_load %arg14[%swap3A_718, %swap3A_719] {strides = array<i32>} : memref<128x128xf32, #tpu.memory_space<vmem>>, vector<16xf32>,
        tpu.vector_store %arg14[%swap3A_718, %swap3A_719], %mul3A_717 {strides = array<i32>} : memref<128x128xf32, #tpu.memory_space<vmem>>, vector<16xf32>,
        %get3A_721 = arith.index_cast %add3A_685 : i32 to index
        %get3A_722 = arith.constant 80 : index
        %get3A_723 = tpu.vector_load %arg14[%get3A_721, %get3A_722] {strides = array<i32>} : memref<128x128xf32, #tpu.memory_space<vmem>>, vector<16xf32>,
        %mul3A_724 = arith.mulf %get3A_723, %broadcast_in_dim3A_681 : vector<16xf32>
        %swap3A_725 = arith.index_cast %add3A_685 : i32 to index
        %swap3A_726 = arith.constant 80 : index
        %swap3A_727 = tpu.vector_load %arg14[%swap3A_725, %swap3A_726] {strides = array<i32>} : memref<128x128xf32, #tpu.memory_space<vmem>>, vector<16xf32>,
        tpu.vector_store %arg14[%swap3A_725, %swap3A_726], %mul3A_724 {strides = array<i32>} : memref<128x128xf32, #tpu.memory_space<vmem>>, vector<16xf32>,
        %get3A_728 = arith.index_cast %add3A_685 : i32 to index
        %get3A_729 = arith.constant 96 : index
        %get3A_730 = tpu.vector_load %arg14[%get3A_728, %get3A_729] {strides = array<i32>} : memref<128x128xf32, #tpu.memory_space<vmem>>, vector<16xf32>,
        %mul3A_731 = arith.mulf %get3A_730, %broadcast_in_dim3A_681 : vector<16xf32>
        %swap3A_732 = arith.index_cast %add3A_685 : i32 to index
        %swap3A_733 = arith.constant 96 : index
        %swap3A_734 = tpu.vector_load %arg14[%swap3A_732, %swap3A_733] {strides = array<i32>} : memref<128x128xf32, #tpu.memory_space<vmem>>, vector<16xf32>,
        tpu.vector_store %arg14[%swap3A_732, %swap3A_733], %mul3A_731 {strides = array<i32>} : memref<128x128xf32, #tpu.memory_space<vmem>>, vector<16xf32>,
        %get3A_735 = arith.index_cast %add3A_685 : i32 to index
        %get3A_736 = arith.constant 112 : index
        %get3A_737 = tpu.vector_load %arg14[%get3A_735, %get3A_736] {strides = array<i32>} : memref<128x128xf32, #tpu.memory_space<vmem>>, vector<16xf32>,
        %mul3A_738 = arith.mulf %get3A_737, %broadcast_in_dim3A_681 : vector<16xf32>
        %swap3A_739 = arith.index_cast %add3A_685 : i32 to index
        %swap3A_740 = arith.constant 112 : index
        %swap3A_741 = tpu.vector_load %arg14[%swap3A_739, %swap3A_740] {strides = array<i32>} : memref<128x128xf32, #tpu.memory_space<vmem>>, vector<16xf32>,
        tpu.vector_store %arg14[%swap3A_739, %swap3A_740], %mul3A_738 {strides = array<i32>} : memref<128x128xf32, #tpu.memory_space<vmem>>, vector<16xf32>,
        %slice3A_742 = vector.extract_strided_slice %get3A_52 {offsets = [11], sizes = [1], strides = [1]} : vector<16xf32> to vector<1xf32>
        %squeeze3A_743 = vector.extract %slice3A_742[0] : f32 from vector<1xf32>
        %broadcast_in_dim3A_744 = vector.broadcast %squeeze3A_743 : f32 to vector<16xf32>
        %mul3A_745 = arith.constant 16 : i32
        %mul3A_746 = arith.muli %scan3A_48, %mul3A_745 : i32
        %add3A_747 = arith.constant 11 : i32
        %add3A_748 = arith.addi %mul3A_746, %add3A_747 : i32
        %get3A_749 = arith.index_cast %add3A_748 : i32 to index
        %get3A_750 = arith.constant 0 : index
        %get3A_751 = tpu.vector_load %arg14[%get3A_749, %get3A_750] {strides = array<i32>} : memref<128x128xf32, #tpu.memory_space<vmem>>, vector<16xf32>,
        %mul3A_752 = arith.mulf %get3A_751, %broadcast_in_dim3A_744 : vector<16xf32>
        %swap3A_753 = arith.index_cast %add3A_748 : i32 to index
        %swap3A_754 = arith.constant 0 : index
        %swap3A_755 = tpu.vector_load %arg14[%swap3A_753, %swap3A_754] {strides = array<i32>} : memref<128x128xf32, #tpu.memory_space<vmem>>, vector<16xf32>,
        tpu.vector_store %arg14[%swap3A_753, %swap3A_754], %mul3A_752 {strides = array<i32>} : memref<128x128xf32, #tpu.memory_space<vmem>>, vector<16xf32>,
        %get3A_756 = arith.index_cast %add3A_748 : i32 to index
        %get3A_757 = arith.constant 16 : index
        %get3A_758 = tpu.vector_load %arg14[%get3A_756, %get3A_757] {strides = array<i32>} : memref<128x128xf32, #tpu.memory_space<vmem>>, vector<16xf32>,
        %mul3A_759 = arith.mulf %get3A_758, %broadcast_in_dim3A_744 : vector<16xf32>
        %swap3A_760 = arith.index_cast %add3A_748 : i32 to index
        %swap3A_761 = arith.constant 16 : index
        %swap3A_762 = tpu.vector_load %arg14[%swap3A_760, %swap3A_761] {strides = array<i32>} : memref<128x128xf32, #tpu.memory_space<vmem>>, vector<16xf32>,
        tpu.vector_store %arg14[%swap3A_760, %swap3A_761], %mul3A_759 {strides = array<i32>} : memref<128x128xf32, #tpu.memory_space<vmem>>, vector<16xf32>,
        %get3A_763 = arith.index_cast %add3A_748 : i32 to index
        %get3A_764 = arith.constant 32 : index
        %get3A_765 = tpu.vector_load %arg14[%get3A_763, %get3A_764] {strides = array<i32>} : memref<128x128xf32, #tpu.memory_space<vmem>>, vector<16xf32>,
        %mul3A_766 = arith.mulf %get3A_765, %broadcast_in_dim3A_744 : vector<16xf32>
        %swap3A_767 = arith.index_cast %add3A_748 : i32 to index
        %swap3A_768 = arith.constant 32 : index
        %swap3A_769 = tpu.vector_load %arg14[%swap3A_767, %swap3A_768] {strides = array<i32>} : memref<128x128xf32, #tpu.memory_space<vmem>>, vector<16xf32>,
        tpu.vector_store %arg14[%swap3A_767, %swap3A_768], %mul3A_766 {strides = array<i32>} : memref<128x128xf32, #tpu.memory_space<vmem>>, vector<16xf32>,
        %get3A_770 = arith.index_cast %add3A_748 : i32 to index
        %get3A_771 = arith.constant 48 : index
        %get3A_772 = tpu.vector_load %arg14[%get3A_770, %get3A_771] {strides = array<i32>} : memref<128x128xf32, #tpu.memory_space<vmem>>, vector<16xf32>,
        %mul3A_773 = arith.mulf %get3A_772, %broadcast_in_dim3A_744 : vector<16xf32>
        %swap3A_774 = arith.index_cast %add3A_748 : i32 to index
        %swap3A_775 = arith.constant 48 : index
        %swap3A_776 = tpu.vector_load %arg14[%swap3A_774, %swap3A_775] {strides = array<i32>} : memref<128x128xf32, #tpu.memory_space<vmem>>, vector<16xf32>,
        tpu.vector_store %arg14[%swap3A_774, %swap3A_775], %mul3A_773 {strides = array<i32>} : memref<128x128xf32, #tpu.memory_space<vmem>>, vector<16xf32>,
        %get3A_777 = arith.index_cast %add3A_748 : i32 to index
        %get3A_778 = arith.constant 64 : index
        %get3A_779 = tpu.vector_load %arg14[%get3A_777, %get3A_778] {strides = array<i32>} : memref<128x128xf32, #tpu.memory_space<vmem>>, vector<16xf32>,
        %mul3A_780 = arith.mulf %get3A_779, %broadcast_in_dim3A_744 : vector<16xf32>
        %swap3A_781 = arith.index_cast %add3A_748 : i32 to index
        %swap3A_782 = arith.constant 64 : index
        %swap3A_783 = tpu.vector_load %arg14[%swap3A_781, %swap3A_782] {strides = array<i32>} : memref<128x128xf32, #tpu.memory_space<vmem>>, vector<16xf32>,
        tpu.vector_store %arg14[%swap3A_781, %swap3A_782], %mul3A_780 {strides = array<i32>} : memref<128x128xf32, #tpu.memory_space<vmem>>, vector<16xf32>,
        %get3A_784 = arith.index_cast %add3A_748 : i32 to index
        %get3A_785 = arith.constant 80 : index
        %get3A_786 = tpu.vector_load %arg14[%get3A_784, %get3A_785] {strides = array<i32>} : memref<128x128xf32, #tpu.memory_space<vmem>>, vector<16xf32>,
        %mul3A_787 = arith.mulf %get3A_786, %broadcast_in_dim3A_744 : vector<16xf32>
        %swap3A_788 = arith.index_cast %add3A_748 : i32 to index
        %swap3A_789 = arith.constant 80 : index
        %swap3A_790 = tpu.vector_load %arg14[%swap3A_788, %swap3A_789] {strides = array<i32>} : memref<128x128xf32, #tpu.memory_space<vmem>>, vector<16xf32>,
        tpu.vector_store %arg14[%swap3A_788, %swap3A_789], %mul3A_787 {strides = array<i32>} : memref<128x128xf32, #tpu.memory_space<vmem>>, vector<16xf32>,
        %get3A_791 = arith.index_cast %add3A_748 : i32 to index
        %get3A_792 = arith.constant 96 : index
        %get3A_793 = tpu.vector_load %arg14[%get3A_791, %get3A_792] {strides = array<i32>} : memref<128x128xf32, #tpu.memory_space<vmem>>, vector<16xf32>,
        %mul3A_794 = arith.mulf %get3A_793, %broadcast_in_dim3A_744 : vector<16xf32>
        %swap3A_795 = arith.index_cast %add3A_748 : i32 to index
        %swap3A_796 = arith.constant 96 : index
        %swap3A_797 = tpu.vector_load %arg14[%swap3A_795, %swap3A_796] {strides = array<i32>} : memref<128x128xf32, #tpu.memory_space<vmem>>, vector<16xf32>,
        tpu.vector_store %arg14[%swap3A_795, %swap3A_796], %mul3A_794 {strides = array<i32>} : memref<128x128xf32, #tpu.memory_space<vmem>>, vector<16xf32>,
        %get3A_798 = arith.index_cast %add3A_748 : i32 to index
        %get3A_799 = arith.constant 112 : index
        %get3A_800 = tpu.vector_load %arg14[%get3A_798, %get3A_799] {strides = array<i32>} : memref<128x128xf32, #tpu.memory_space<vmem>>, vector<16xf32>,
        %mul3A_801 = arith.mulf %get3A_800, %broadcast_in_dim3A_744 : vector<16xf32>
        %swap3A_802 = arith.index_cast %add3A_748 : i32 to index
        %swap3A_803 = arith.constant 112 : index
        %swap3A_804 = tpu.vector_load %arg14[%swap3A_802, %swap3A_803] {strides = array<i32>} : memref<128x128xf32, #tpu.memory_space<vmem>>, vector<16xf32>,
        tpu.vector_store %arg14[%swap3A_802, %swap3A_803], %mul3A_801 {strides = array<i32>} : memref<128x128xf32, #tpu.memory_space<vmem>>, vector<16xf32>,
        %slice3A_805 = vector.extract_strided_slice %get3A_52 {offsets = [12], sizes = [1], strides = [1]} : vector<16xf32> to vector<1xf32>
        %squeeze3A_806 = vector.extract %slice3A_805[0] : f32 from vector<1xf32>
        %broadcast_in_dim3A_807 = vector.broadcast %squeeze3A_806 : f32 to vector<16xf32>
        %mul3A_808 = arith.constant 16 : i32
        %mul3A_809 = arith.muli %scan3A_48, %mul3A_808 : i32
        %add3A_810 = arith.constant 12 : i32
        %add3A_811 = arith.addi %mul3A_809, %add3A_810 : i32
        %get3A_812 = arith.index_cast %add3A_811 : i32 to index
        %get3A_813 = arith.constant 0 : index
        %get3A_814 = tpu.vector_load %arg14[%get3A_812, %get3A_813] {strides = array<i32>} : memref<128x128xf32, #tpu.memory_space<vmem>>, vector<16xf32>,
        %mul3A_815 = arith.mulf %get3A_814, %broadcast_in_dim3A_807 : vector<16xf32>
        %swap3A_816 = arith.index_cast %add3A_811 : i32 to index
        %swap3A_817 = arith.constant 0 : index
        %swap3A_818 = tpu.vector_load %arg14[%swap3A_816, %swap3A_817] {strides = array<i32>} : memref<128x128xf32, #tpu.memory_space<vmem>>, vector<16xf32>,
        tpu.vector_store %arg14[%swap3A_816, %swap3A_817], %mul3A_815 {strides = array<i32>} : memref<128x128xf32, #tpu.memory_space<vmem>>, vector<16xf32>,
        %get3A_819 = arith.index_cast %add3A_811 : i32 to index
        %get3A_820 = arith.constant 16 : index
        %get3A_821 = tpu.vector_load %arg14[%get3A_819, %get3A_820] {strides = array<i32>} : memref<128x128xf32, #tpu.memory_space<vmem>>, vector<16xf32>,
        %mul3A_822 = arith.mulf %get3A_821, %broadcast_in_dim3A_807 : vector<16xf32>
        %swap3A_823 = arith.index_cast %add3A_811 : i32 to index
        %swap3A_824 = arith.constant 16 : index
        %swap3A_825 = tpu.vector_load %arg14[%swap3A_823, %swap3A_824] {strides = array<i32>} : memref<128x128xf32, #tpu.memory_space<vmem>>, vector<16xf32>,
        tpu.vector_store %arg14[%swap3A_823, %swap3A_824], %mul3A_822 {strides = array<i32>} : memref<128x128xf32, #tpu.memory_space<vmem>>, vector<16xf32>,
        %get3A_826 = arith.index_cast %add3A_811 : i32 to index
        %get3A_827 = arith.constant 32 : index
        %get3A_828 = tpu.vector_load %arg14[%get3A_826, %get3A_827] {strides = array<i32>} : memref<128x128xf32, #tpu.memory_space<vmem>>, vector<16xf32>,
        %mul3A_829 = arith.mulf %get3A_828, %broadcast_in_dim3A_807 : vector<16xf32>
        %swap3A_830 = arith.index_cast %add3A_811 : i32 to index
        %swap3A_831 = arith.constant 32 : index
        %swap3A_832 = tpu.vector_load %arg14[%swap3A_830, %swap3A_831] {strides = array<i32>} : memref<128x128xf32, #tpu.memory_space<vmem>>, vector<16xf32>,
        tpu.vector_store %arg14[%swap3A_830, %swap3A_831], %mul3A_829 {strides = array<i32>} : memref<128x128xf32, #tpu.memory_space<vmem>>, vector<16xf32>,
        %get3A_833 = arith.index_cast %add3A_811 : i32 to index
        %get3A_834 = arith.constant 48 : index
        %get3A_835 = tpu.vector_load %arg14[%get3A_833, %get3A_834] {strides = array<i32>} : memref<128x128xf32, #tpu.memory_space<vmem>>, vector<16xf32>,
        %mul3A_836 = arith.mulf %get3A_835, %broadcast_in_dim3A_807 : vector<16xf32>
        %swap3A_837 = arith.index_cast %add3A_811 : i32 to index
        %swap3A_838 = arith.constant 48 : index
        %swap3A_839 = tpu.vector_load %arg14[%swap3A_837, %swap3A_838] {strides = array<i32>} : memref<128x128xf32, #tpu.memory_space<vmem>>, vector<16xf32>,
        tpu.vector_store %arg14[%swap3A_837, %swap3A_838], %mul3A_836 {strides = array<i32>} : memref<128x128xf32, #tpu.memory_space<vmem>>, vector<16xf32>,
        %get3A_840 = arith.index_cast %add3A_811 : i32 to index
        %get3A_841 = arith.constant 64 : index
        %get3A_842 = tpu.vector_load %arg14[%get3A_840, %get3A_841] {strides = array<i32>} : memref<128x128xf32, #tpu.memory_space<vmem>>, vector<16xf32>,
        %mul3A_843 = arith.mulf %get3A_842, %broadcast_in_dim3A_807 : vector<16xf32>
        %swap3A_844 = arith.index_cast %add3A_811 : i32 to index
        %swap3A_845 = arith.constant 64 : index
        %swap3A_846 = tpu.vector_load %arg14[%swap3A_844, %swap3A_845] {strides = array<i32>} : memref<128x128xf32, #tpu.memory_space<vmem>>, vector<16xf32>,
        tpu.vector_store %arg14[%swap3A_844, %swap3A_845], %mul3A_843 {strides = array<i32>} : memref<128x128xf32, #tpu.memory_space<vmem>>, vector<16xf32>,
        %get3A_847 = arith.index_cast %add3A_811 : i32 to index
        %get3A_848 = arith.constant 80 : index
        %get3A_849 = tpu.vector_load %arg14[%get3A_847, %get3A_848] {strides = array<i32>} : memref<128x128xf32, #tpu.memory_space<vmem>>, vector<16xf32>,
        %mul3A_850 = arith.mulf %get3A_849, %broadcast_in_dim3A_807 : vector<16xf32>
        %swap3A_851 = arith.index_cast %add3A_811 : i32 to index
        %swap3A_852 = arith.constant 80 : index
        %swap3A_853 = tpu.vector_load %arg14[%swap3A_851, %swap3A_852] {strides = array<i32>} : memref<128x128xf32, #tpu.memory_space<vmem>>, vector<16xf32>,
        tpu.vector_store %arg14[%swap3A_851, %swap3A_852], %mul3A_850 {strides = array<i32>} : memref<128x128xf32, #tpu.memory_space<vmem>>, vector<16xf32>,
        %get3A_854 = arith.index_cast %add3A_811 : i32 to index
        %get3A_855 = arith.constant 96 : index
        %get3A_856 = tpu.vector_load %arg14[%get3A_854, %get3A_855] {strides = array<i32>} : memref<128x128xf32, #tpu.memory_space<vmem>>, vector<16xf32>,
        %mul3A_857 = arith.mulf %get3A_856, %broadcast_in_dim3A_807 : vector<16xf32>
        %swap3A_858 = arith.index_cast %add3A_811 : i32 to index
        %swap3A_859 = arith.constant 96 : index
        %swap3A_860 = tpu.vector_load %arg14[%swap3A_858, %swap3A_859] {strides = array<i32>} : memref<128x128xf32, #tpu.memory_space<vmem>>, vector<16xf32>,
        tpu.vector_store %arg14[%swap3A_858, %swap3A_859], %mul3A_857 {strides = array<i32>} : memref<128x128xf32, #tpu.memory_space<vmem>>, vector<16xf32>,
        %get3A_861 = arith.index_cast %add3A_811 : i32 to index
        %get3A_862 = arith.constant 112 : index
        %get3A_863 = tpu.vector_load %arg14[%get3A_861, %get3A_862] {strides = array<i32>} : memref<128x128xf32, #tpu.memory_space<vmem>>, vector<16xf32>,
        %mul3A_864 = arith.mulf %get3A_863, %broadcast_in_dim3A_807 : vector<16xf32>
        %swap3A_865 = arith.index_cast %add3A_811 : i32 to index
        %swap3A_866 = arith.constant 112 : index
        %swap3A_867 = tpu.vector_load %arg14[%swap3A_865, %swap3A_866] {strides = array<i32>} : memref<128x128xf32, #tpu.memory_space<vmem>>, vector<16xf32>,
        tpu.vector_store %arg14[%swap3A_865, %swap3A_866], %mul3A_864 {strides = array<i32>} : memref<128x128xf32, #tpu.memory_space<vmem>>, vector<16xf32>,
        %slice3A_868 = vector.extract_strided_slice %get3A_52 {offsets = [13], sizes = [1], strides = [1]} : vector<16xf32> to vector<1xf32>
        %squeeze3A_869 = vector.extract %slice3A_868[0] : f32 from vector<1xf32>
        %broadcast_in_dim3A_870 = vector.broadcast %squeeze3A_869 : f32 to vector<16xf32>
        %mul3A_871 = arith.constant 16 : i32
        %mul3A_872 = arith.muli %scan3A_48, %mul3A_871 : i32
        %add3A_873 = arith.constant 13 : i32
        %add3A_874 = arith.addi %mul3A_872, %add3A_873 : i32
        %get3A_875 = arith.index_cast %add3A_874 : i32 to index
        %get3A_876 = arith.constant 0 : index
        %get3A_877 = tpu.vector_load %arg14[%get3A_875, %get3A_876] {strides = array<i32>} : memref<128x128xf32, #tpu.memory_space<vmem>>, vector<16xf32>,
        %mul3A_878 = arith.mulf %get3A_877, %broadcast_in_dim3A_870 : vector<16xf32>
        %swap3A_879 = arith.index_cast %add3A_874 : i32 to index
        %swap3A_880 = arith.constant 0 : index
        %swap3A_881 = tpu.vector_load %arg14[%swap3A_879, %swap3A_880] {strides = array<i32>} : memref<128x128xf32, #tpu.memory_space<vmem>>, vector<16xf32>,
        tpu.vector_store %arg14[%swap3A_879, %swap3A_880], %mul3A_878 {strides = array<i32>} : memref<128x128xf32, #tpu.memory_space<vmem>>, vector<16xf32>,
        %get3A_882 = arith.index_cast %add3A_874 : i32 to index
        %get3A_883 = arith.constant 16 : index
        %get3A_884 = tpu.vector_load %arg14[%get3A_882, %get3A_883] {strides = array<i32>} : memref<128x128xf32, #tpu.memory_space<vmem>>, vector<16xf32>,
        %mul3A_885 = arith.mulf %get3A_884, %broadcast_in_dim3A_870 : vector<16xf32>
        %swap3A_886 = arith.index_cast %add3A_874 : i32 to index
        %swap3A_887 = arith.constant 16 : index
        %swap3A_888 = tpu.vector_load %arg14[%swap3A_886, %swap3A_887] {strides = array<i32>} : memref<128x128xf32, #tpu.memory_space<vmem>>, vector<16xf32>,
        tpu.vector_store %arg14[%swap3A_886, %swap3A_887], %mul3A_885 {strides = array<i32>} : memref<128x128xf32, #tpu.memory_space<vmem>>, vector<16xf32>,
        %get3A_889 = arith.index_cast %add3A_874 : i32 to index
        %get3A_890 = arith.constant 32 : index
        %get3A_891 = tpu.vector_load %arg14[%get3A_889, %get3A_890] {strides = array<i32>} : memref<128x128xf32, #tpu.memory_space<vmem>>, vector<16xf32>,
        %mul3A_892 = arith.mulf %get3A_891, %broadcast_in_dim3A_870 : vector<16xf32>
        %swap3A_893 = arith.index_cast %add3A_874 : i32 to index
        %swap3A_894 = arith.constant 32 : index
        %swap3A_895 = tpu.vector_load %arg14[%swap3A_893, %swap3A_894] {strides = array<i32>} : memref<128x128xf32, #tpu.memory_space<vmem>>, vector<16xf32>,
        tpu.vector_store %arg14[%swap3A_893, %swap3A_894], %mul3A_892 {strides = array<i32>} : memref<128x128xf32, #tpu.memory_space<vmem>>, vector<16xf32>,
        %get3A_896 = arith.index_cast %add3A_874 : i32 to index
        %get3A_897 = arith.constant 48 : index
        %get3A_898 = tpu.vector_load %arg14[%get3A_896, %get3A_897] {strides = array<i32>} : memref<128x128xf32, #tpu.memory_space<vmem>>, vector<16xf32>,
        %mul3A_899 = arith.mulf %get3A_898, %broadcast_in_dim3A_870 : vector<16xf32>
        %swap3A_900 = arith.index_cast %add3A_874 : i32 to index
        %swap3A_901 = arith.constant 48 : index
        %swap3A_902 = tpu.vector_load %arg14[%swap3A_900, %swap3A_901] {strides = array<i32>} : memref<128x128xf32, #tpu.memory_space<vmem>>, vector<16xf32>,
        tpu.vector_store %arg14[%swap3A_900, %swap3A_901], %mul3A_899 {strides = array<i32>} : memref<128x128xf32, #tpu.memory_space<vmem>>, vector<16xf32>,
        %get3A_903 = arith.index_cast %add3A_874 : i32 to index
        %get3A_904 = arith.constant 64 : index
        %get3A_905 = tpu.vector_load %arg14[%get3A_903, %get3A_904] {strides = array<i32>} : memref<128x128xf32, #tpu.memory_space<vmem>>, vector<16xf32>,
        %mul3A_906 = arith.mulf %get3A_905, %broadcast_in_dim3A_870 : vector<16xf32>
        %swap3A_907 = arith.index_cast %add3A_874 : i32 to index
        %swap3A_908 = arith.constant 64 : index
        %swap3A_909 = tpu.vector_load %arg14[%swap3A_907, %swap3A_908] {strides = array<i32>} : memref<128x128xf32, #tpu.memory_space<vmem>>, vector<16xf32>,
        tpu.vector_store %arg14[%swap3A_907, %swap3A_908], %mul3A_906 {strides = array<i32>} : memref<128x128xf32, #tpu.memory_space<vmem>>, vector<16xf32>,
        %get3A_910 = arith.index_cast %add3A_874 : i32 to index
        %get3A_911 = arith.constant 80 : index
        %get3A_912 = tpu.vector_load %arg14[%get3A_910, %get3A_911] {strides = array<i32>} : memref<128x128xf32, #tpu.memory_space<vmem>>, vector<16xf32>,
        %mul3A_913 = arith.mulf %get3A_912, %broadcast_in_dim3A_870 : vector<16xf32>
        %swap3A_914 = arith.index_cast %add3A_874 : i32 to index
        %swap3A_915 = arith.constant 80 : index
        %swap3A_916 = tpu.vector_load %arg14[%swap3A_914, %swap3A_915] {strides = array<i32>} : memref<128x128xf32, #tpu.memory_space<vmem>>, vector<16xf32>,
        tpu.vector_store %arg14[%swap3A_914, %swap3A_915], %mul3A_913 {strides = array<i32>} : memref<128x128xf32, #tpu.memory_space<vmem>>, vector<16xf32>,
        %get3A_917 = arith.index_cast %add3A_874 : i32 to index
        %get3A_918 = arith.constant 96 : index
        %get3A_919 = tpu.vector_load %arg14[%get3A_917, %get3A_918] {strides = array<i32>} : memref<128x128xf32, #tpu.memory_space<vmem>>, vector<16xf32>,
        %mul3A_920 = arith.mulf %get3A_919, %broadcast_in_dim3A_870 : vector<16xf32>
        %swap3A_921 = arith.index_cast %add3A_874 : i32 to index
        %swap3A_922 = arith.constant 96 : index
        %swap3A_923 = tpu.vector_load %arg14[%swap3A_921, %swap3A_922] {strides = array<i32>} : memref<128x128xf32, #tpu.memory_space<vmem>>, vector<16xf32>,
        tpu.vector_store %arg14[%swap3A_921, %swap3A_922], %mul3A_920 {strides = array<i32>} : memref<128x128xf32, #tpu.memory_space<vmem>>, vector<16xf32>,
        %get3A_924 = arith.index_cast %add3A_874 : i32 to index
        %get3A_925 = arith.constant 112 : index
        %get3A_926 = tpu.vector_load %arg14[%get3A_924, %get3A_925] {strides = array<i32>} : memref<128x128xf32, #tpu.memory_space<vmem>>, vector<16xf32>,
        %mul3A_927 = arith.mulf %get3A_926, %broadcast_in_dim3A_870 : vector<16xf32>
        %swap3A_928 = arith.index_cast %add3A_874 : i32 to index
        %swap3A_929 = arith.constant 112 : index
        %swap3A_930 = tpu.vector_load %arg14[%swap3A_928, %swap3A_929] {strides = array<i32>} : memref<128x128xf32, #tpu.memory_space<vmem>>, vector<16xf32>,
        tpu.vector_store %arg14[%swap3A_928, %swap3A_929], %mul3A_927 {strides = array<i32>} : memref<128x128xf32, #tpu.memory_space<vmem>>, vector<16xf32>,
        %slice3A_931 = vector.extract_strided_slice %get3A_52 {offsets = [14], sizes = [1], strides = [1]} : vector<16xf32> to vector<1xf32>
        %squeeze3A_932 = vector.extract %slice3A_931[0] : f32 from vector<1xf32>
        %broadcast_in_dim3A_933 = vector.broadcast %squeeze3A_932 : f32 to vector<16xf32>
        %mul3A_934 = arith.constant 16 : i32
        %mul3A_935 = arith.muli %scan3A_48, %mul3A_934 : i32
        %add3A_936 = arith.constant 14 : i32
        %add3A_937 = arith.addi %mul3A_935, %add3A_936 : i32
        %get3A_938 = arith.index_cast %add3A_937 : i32 to index
        %get3A_939 = arith.constant 0 : index
        %get3A_940 = tpu.vector_load %arg14[%get3A_938, %get3A_939] {strides = array<i32>} : memref<128x128xf32, #tpu.memory_space<vmem>>, vector<16xf32>,
        %mul3A_941 = arith.mulf %get3A_940, %broadcast_in_dim3A_933 : vector<16xf32>
        %swap3A_942 = arith.index_cast %add3A_937 : i32 to index
        %swap3A_943 = arith.constant 0 : index
        %swap3A_944 = tpu.vector_load %arg14[%swap3A_942, %swap3A_943] {strides = array<i32>} : memref<128x128xf32, #tpu.memory_space<vmem>>, vector<16xf32>,
        tpu.vector_store %arg14[%swap3A_942, %swap3A_943], %mul3A_941 {strides = array<i32>} : memref<128x128xf32, #tpu.memory_space<vmem>>, vector<16xf32>,
        %get3A_945 = arith.index_cast %add3A_937 : i32 to index
        %get3A_946 = arith.constant 16 : index
        %get3A_947 = tpu.vector_load %arg14[%get3A_945, %get3A_946] {strides = array<i32>} : memref<128x128xf32, #tpu.memory_space<vmem>>, vector<16xf32>,
        %mul3A_948 = arith.mulf %get3A_947, %broadcast_in_dim3A_933 : vector<16xf32>
        %swap3A_949 = arith.index_cast %add3A_937 : i32 to index
        %swap3A_950 = arith.constant 16 : index
        %swap3A_951 = tpu.vector_load %arg14[%swap3A_949, %swap3A_950] {strides = array<i32>} : memref<128x128xf32, #tpu.memory_space<vmem>>, vector<16xf32>,
        tpu.vector_store %arg14[%swap3A_949, %swap3A_950], %mul3A_948 {strides = array<i32>} : memref<128x128xf32, #tpu.memory_space<vmem>>, vector<16xf32>,
        %get3A_952 = arith.index_cast %add3A_937 : i32 to index
        %get3A_953 = arith.constant 32 : index
        %get3A_954 = tpu.vector_load %arg14[%get3A_952, %get3A_953] {strides = array<i32>} : memref<128x128xf32, #tpu.memory_space<vmem>>, vector<16xf32>,
        %mul3A_955 = arith.mulf %get3A_954, %broadcast_in_dim3A_933 : vector<16xf32>
        %swap3A_956 = arith.index_cast %add3A_937 : i32 to index
        %swap3A_957 = arith.constant 32 : index
        %swap3A_958 = tpu.vector_load %arg14[%swap3A_956, %swap3A_957] {strides = array<i32>} : memref<128x128xf32, #tpu.memory_space<vmem>>, vector<16xf32>,
        tpu.vector_store %arg14[%swap3A_956, %swap3A_957], %mul3A_955 {strides = array<i32>} : memref<128x128xf32, #tpu.memory_space<vmem>>, vector<16xf32>,
        %get3A_959 = arith.index_cast %add3A_937 : i32 to index
        %get3A_960 = arith.constant 48 : index
        %get3A_961 = tpu.vector_load %arg14[%get3A_959, %get3A_960] {strides = array<i32>} : memref<128x128xf32, #tpu.memory_space<vmem>>, vector<16xf32>,
        %mul3A_962 = arith.mulf %get3A_961, %broadcast_in_dim3A_933 : vector<16xf32>
        %swap3A_963 = arith.index_cast %add3A_937 : i32 to index
        %swap3A_964 = arith.constant 48 : index
        %swap3A_965 = tpu.vector_load %arg14[%swap3A_963, %swap3A_964] {strides = array<i32>} : memref<128x128xf32, #tpu.memory_space<vmem>>, vector<16xf32>,
        tpu.vector_store %arg14[%swap3A_963, %swap3A_964], %mul3A_962 {strides = array<i32>} : memref<128x128xf32, #tpu.memory_space<vmem>>, vector<16xf32>,
        %get3A_966 = arith.index_cast %add3A_937 : i32 to index
        %get3A_967 = arith.constant 64 : index
        %get3A_968 = tpu.vector_load %arg14[%get3A_966, %get3A_967] {strides = array<i32>} : memref<128x128xf32, #tpu.memory_space<vmem>>, vector<16xf32>,
        %mul3A_969 = arith.mulf %get3A_968, %broadcast_in_dim3A_933 : vector<16xf32>
        %swap3A_970 = arith.index_cast %add3A_937 : i32 to index
        %swap3A_971 = arith.constant 64 : index
        %swap3A_972 = tpu.vector_load %arg14[%swap3A_970, %swap3A_971] {strides = array<i32>} : memref<128x128xf32, #tpu.memory_space<vmem>>, vector<16xf32>,
        tpu.vector_store %arg14[%swap3A_970, %swap3A_971], %mul3A_969 {strides = array<i32>} : memref<128x128xf32, #tpu.memory_space<vmem>>, vector<16xf32>,
        %get3A_973 = arith.index_cast %add3A_937 : i32 to index
        %get3A_974 = arith.constant 80 : index
        %get3A_975 = tpu.vector_load %arg14[%get3A_973, %get3A_974] {strides = array<i32>} : memref<128x128xf32, #tpu.memory_space<vmem>>, vector<16xf32>,
        %mul3A_976 = arith.mulf %get3A_975, %broadcast_in_dim3A_933 : vector<16xf32>
        %swap3A_977 = arith.index_cast %add3A_937 : i32 to index
        %swap3A_978 = arith.constant 80 : index
        %swap3A_979 = tpu.vector_load %arg14[%swap3A_977, %swap3A_978] {strides = array<i32>} : memref<128x128xf32, #tpu.memory_space<vmem>>, vector<16xf32>,
        tpu.vector_store %arg14[%swap3A_977, %swap3A_978], %mul3A_976 {strides = array<i32>} : memref<128x128xf32, #tpu.memory_space<vmem>>, vector<16xf32>,
        %get3A_980 = arith.index_cast %add3A_937 : i32 to index
        %get3A_981 = arith.constant 96 : index
        %get3A_982 = tpu.vector_load %arg14[%get3A_980, %get3A_981] {strides = array<i32>} : memref<128x128xf32, #tpu.memory_space<vmem>>, vector<16xf32>,
        %mul3A_983 = arith.mulf %get3A_982, %broadcast_in_dim3A_933 : vector<16xf32>
        %swap3A_984 = arith.index_cast %add3A_937 : i32 to index
        %swap3A_985 = arith.constant 96 : index
        %swap3A_986 = tpu.vector_load %arg14[%swap3A_984, %swap3A_985] {strides = array<i32>} : memref<128x128xf32, #tpu.memory_space<vmem>>, vector<16xf32>,
        tpu.vector_store %arg14[%swap3A_984, %swap3A_985], %mul3A_983 {strides = array<i32>} : memref<128x128xf32, #tpu.memory_space<vmem>>, vector<16xf32>,
        %get3A_987 = arith.index_cast %add3A_937 : i32 to index
        %get3A_988 = arith.constant 112 : index
        %get3A_989 = tpu.vector_load %arg14[%get3A_987, %get3A_988] {strides = array<i32>} : memref<128x128xf32, #tpu.memory_space<vmem>>, vector<16xf32>,
        %mul3A_990 = arith.mulf %get3A_989, %broadcast_in_dim3A_933 : vector<16xf32>
        %swap3A_991 = arith.index_cast %add3A_937 : i32 to index
        %swap3A_992 = arith.constant 112 : index
        %swap3A_993 = tpu.vector_load %arg14[%swap3A_991, %swap3A_992] {strides = array<i32>} : memref<128x128xf32, #tpu.memory_space<vmem>>, vector<16xf32>,
        tpu.vector_store %arg14[%swap3A_991, %swap3A_992], %mul3A_990 {strides = array<i32>} : memref<128x128xf32, #tpu.memory_space<vmem>>, vector<16xf32>,
        %slice3A_994 = vector.extract_strided_slice %get3A_52 {offsets = [15], sizes = [1], strides = [1]} : vector<16xf32> to vector<1xf32>
        %squeeze3A_995 = vector.extract %slice3A_994[0] : f32 from vector<1xf32>
        %broadcast_in_dim3A_996 = vector.broadcast %squeeze3A_995 : f32 to vector<16xf32>
        %mul3A_997 = arith.constant 16 : i32
        %mul3A_998 = arith.muli %scan3A_48, %mul3A_997 : i32
        %add3A_999 = arith.constant 15 : i32
        %add3A_1000 = arith.addi %mul3A_998, %add3A_999 : i32
        %get3A_1001 = arith.index_cast %add3A_1000 : i32 to index
        %get3A_1002 = arith.constant 0 : index
        %get3A_1003 = tpu.vector_load %arg14[%get3A_1001, %get3A_1002] {strides = array<i32>} : memref<128x128xf32, #tpu.memory_space<vmem>>, vector<16xf32>,
        %mul3A_1004 = arith.mulf %get3A_1003, %broadcast_in_dim3A_996 : vector<16xf32>
        %swap3A_1005 = arith.index_cast %add3A_1000 : i32 to index
        %swap3A_1006 = arith.constant 0 : index
        %swap3A_1007 = tpu.vector_load %arg14[%swap3A_1005, %swap3A_1006] {strides = array<i32>} : memref<128x128xf32, #tpu.memory_space<vmem>>, vector<16xf32>,
        tpu.vector_store %arg14[%swap3A_1005, %swap3A_1006], %mul3A_1004 {strides = array<i32>} : memref<128x128xf32, #tpu.memory_space<vmem>>, vector<16xf32>,
        %get3A_1008 = arith.index_cast %add3A_1000 : i32 to index
        %get3A_1009 = arith.constant 16 : index
        %get3A_1010 = tpu.vector_load %arg14[%get3A_1008, %get3A_1009] {strides = array<i32>} : memref<128x128xf32, #tpu.memory_space<vmem>>, vector<16xf32>,
        %mul3A_1011 = arith.mulf %get3A_1010, %broadcast_in_dim3A_996 : vector<16xf32>
        %swap3A_1012 = arith.index_cast %add3A_1000 : i32 to index
        %swap3A_1013 = arith.constant 16 : index
        %swap3A_1014 = tpu.vector_load %arg14[%swap3A_1012, %swap3A_1013] {strides = array<i32>} : memref<128x128xf32, #tpu.memory_space<vmem>>, vector<16xf32>,
        tpu.vector_store %arg14[%swap3A_1012, %swap3A_1013], %mul3A_1011 {strides = array<i32>} : memref<128x128xf32, #tpu.memory_space<vmem>>, vector<16xf32>,
        %get3A_1015 = arith.index_cast %add3A_1000 : i32 to index
        %get3A_1016 = arith.constant 32 : index
        %get3A_1017 = tpu.vector_load %arg14[%get3A_1015, %get3A_1016] {strides = array<i32>} : memref<128x128xf32, #tpu.memory_space<vmem>>, vector<16xf32>,
        %mul3A_1018 = arith.mulf %get3A_1017, %broadcast_in_dim3A_996 : vector<16xf32>
        %swap3A_1019 = arith.index_cast %add3A_1000 : i32 to index
        %swap3A_1020 = arith.constant 32 : index
        %swap3A_1021 = tpu.vector_load %arg14[%swap3A_1019, %swap3A_1020] {strides = array<i32>} : memref<128x128xf32, #tpu.memory_space<vmem>>, vector<16xf32>,
        tpu.vector_store %arg14[%swap3A_1019, %swap3A_1020], %mul3A_1018 {strides = array<i32>} : memref<128x128xf32, #tpu.memory_space<vmem>>, vector<16xf32>,
        %get3A_1022 = arith.index_cast %add3A_1000 : i32 to index
        %get3A_1023 = arith.constant 48 : index
        %get3A_1024 = tpu.vector_load %arg14[%get3A_1022, %get3A_1023] {strides = array<i32>} : memref<128x128xf32, #tpu.memory_space<vmem>>, vector<16xf32>,
        %mul3A_1025 = arith.mulf %get3A_1024, %broadcast_in_dim3A_996 : vector<16xf32>
        %swap3A_1026 = arith.index_cast %add3A_1000 : i32 to index
        %swap3A_1027 = arith.constant 48 : index
        %swap3A_1028 = tpu.vector_load %arg14[%swap3A_1026, %swap3A_1027] {strides = array<i32>} : memref<128x128xf32, #tpu.memory_space<vmem>>, vector<16xf32>,
        tpu.vector_store %arg14[%swap3A_1026, %swap3A_1027], %mul3A_1025 {strides = array<i32>} : memref<128x128xf32, #tpu.memory_space<vmem>>, vector<16xf32>,
        %get3A_1029 = arith.index_cast %add3A_1000 : i32 to index
        %get3A_1030 = arith.constant 64 : index
        %get3A_1031 = tpu.vector_load %arg14[%get3A_1029, %get3A_1030] {strides = array<i32>} : memref<128x128xf32, #tpu.memory_space<vmem>>, vector<16xf32>,
        %mul3A_1032 = arith.mulf %get3A_1031, %broadcast_in_dim3A_996 : vector<16xf32>
        %swap3A_1033 = arith.index_cast %add3A_1000 : i32 to index
        %swap3A_1034 = arith.constant 64 : index
        %swap3A_1035 = tpu.vector_load %arg14[%swap3A_1033, %swap3A_1034] {strides = array<i32>} : memref<128x128xf32, #tpu.memory_space<vmem>>, vector<16xf32>,
        tpu.vector_store %arg14[%swap3A_1033, %swap3A_1034], %mul3A_1032 {strides = array<i32>} : memref<128x128xf32, #tpu.memory_space<vmem>>, vector<16xf32>,
        %get3A_1036 = arith.index_cast %add3A_1000 : i32 to index
        %get3A_1037 = arith.constant 80 : index
        %get3A_1038 = tpu.vector_load %arg14[%get3A_1036, %get3A_1037] {strides = array<i32>} : memref<128x128xf32, #tpu.memory_space<vmem>>, vector<16xf32>,
        %mul3A_1039 = arith.mulf %get3A_1038, %broadcast_in_dim3A_996 : vector<16xf32>
        %swap3A_1040 = arith.index_cast %add3A_1000 : i32 to index
        %swap3A_1041 = arith.constant 80 : index
        %swap3A_1042 = tpu.vector_load %arg14[%swap3A_1040, %swap3A_1041] {strides = array<i32>} : memref<128x128xf32, #tpu.memory_space<vmem>>, vector<16xf32>,
        tpu.vector_store %arg14[%swap3A_1040, %swap3A_1041], %mul3A_1039 {strides = array<i32>} : memref<128x128xf32, #tpu.memory_space<vmem>>, vector<16xf32>,
        %get3A_1043 = arith.index_cast %add3A_1000 : i32 to index
        %get3A_1044 = arith.constant 96 : index
        %get3A_1045 = tpu.vector_load %arg14[%get3A_1043, %get3A_1044] {strides = array<i32>} : memref<128x128xf32, #tpu.memory_space<vmem>>, vector<16xf32>,
        %mul3A_1046 = arith.mulf %get3A_1045, %broadcast_in_dim3A_996 : vector<16xf32>
        %swap3A_1047 = arith.index_cast %add3A_1000 : i32 to index
        %swap3A_1048 = arith.constant 96 : index
        %swap3A_1049 = tpu.vector_load %arg14[%swap3A_1047, %swap3A_1048] {strides = array<i32>} : memref<128x128xf32, #tpu.memory_space<vmem>>, vector<16xf32>,
        tpu.vector_store %arg14[%swap3A_1047, %swap3A_1048], %mul3A_1046 {strides = array<i32>} : memref<128x128xf32, #tpu.memory_space<vmem>>, vector<16xf32>,
        %get3A_1050 = arith.index_cast %add3A_1000 : i32 to index
        %get3A_1051 = arith.constant 112 : index
        %get3A_1052 = tpu.vector_load %arg14[%get3A_1050, %get3A_1051] {strides = array<i32>} : memref<128x128xf32, #tpu.memory_space<vmem>>, vector<16xf32>,
        %mul3A_1053 = arith.mulf %get3A_1052, %broadcast_in_dim3A_996 : vector<16xf32>
        %swap3A_1054 = arith.index_cast %add3A_1000 : i32 to index
        %swap3A_1055 = arith.constant 112 : index
        %swap3A_1056 = tpu.vector_load %arg14[%swap3A_1054, %swap3A_1055] {strides = array<i32>} : memref<128x128xf32, #tpu.memory_space<vmem>>, vector<16xf32>,
        tpu.vector_store %arg14[%swap3A_1054, %swap3A_1055], %mul3A_1053 {strides = array<i32>} : memref<128x128xf32, #tpu.memory_space<vmem>>, vector<16xf32>,
        %scan3A_1057 = arith.constant 0 : i32
        scf.yield %scan3A_1057 : i32
      }
      %scan3A_46 = arith.constant 8 : i32
      "tpu.region"() ({
        %run_scoped3A = tpu.sem_alloc : memref<!tpu.dma_semaphore, #tpu.memory_space<semaphore_mem>>
        %dma_start3A_48 = arith.constant 0 : i32
        %dma_start3A_49 = arith.constant 0 : i32
        %dma_start3A_50 = tpu.memref_slice %arg10[%dma_start3A_48, %dma_start3A_49] : memref<2048x128xf32, #tpu.memory_space<vmem_shared>> -> memref<2048x128xf32, #tpu.memory_space<vmem_shared>>
        tpu.enqueue_indirect_dma source(%arg14 : memref<128x128xf32, #tpu.memory_space<vmem>>) target(%dma_start3A_50 : memref<2048x128xf32, #tpu.memory_space<vmem_shared>>) offsets(%arg12 : memref<128xi32, #tpu.memory_space<vmem>>) semaphore(%run_scoped3A : memref<!tpu.dma_semaphore, #tpu.memory_space<semaphore_mem>>) {add = true}
        %dma_wait3A_51 = arith.constant 0 : i32
        %dma_wait3A_52 = arith.constant 0 : i32
        %dma_wait3A_53 = tpu.memref_slice %arg10[%dma_wait3A_51, %dma_wait3A_52] : memref<2048x128xf32, #tpu.memory_space<vmem_shared>> -> memref<2048x128xf32, #tpu.memory_space<vmem_shared>>
        tpu.wait_indirect_dma semaphore(%run_scoped3A : memref<!tpu.dma_semaphore, #tpu.memory_space<semaphore_mem>>) src(%arg14 : memref<128x128xf32, #tpu.memory_space<vmem>>) dst(%dma_wait3A_53 : memref<2048x128xf32, #tpu.memory_space<vmem_shared>>)
        tpu.yield
      }) : () -> ()
      %scan3A_47 = arith.constant 0 : i32
      scf.yield %scan3A_47 : i32
    }
    %scan3A_17 = arith.constant 80 : i32
    %mul3A_18 = arith.constant 64 : i32
    %mul3A_19 = arith.muli %add3A, %mul3A_18 : i32
    "tpu.region"() ({
      %run_scoped3A = tpu.sem_alloc : memref<!tpu.dma_semaphore, #tpu.memory_space<semaphore_mem>>
      %dma_start3A_29 = tpu.memref_slice %arg6[%mul3A_19] : memref<2048xi32, #tpu.memory_space<hbm>> -> memref<64xi32, #tpu.memory_space<hbm>>
      %dma_start3A_30 = tpu.memref_slice %arg6[%mul3A_19] : memref<2048xi32, #tpu.memory_space<hbm>> -> memref<64xi32, #tpu.memory_space<hbm>>
      tpu.enqueue_dma source(%dma_start3A_30 : memref<64xi32, #tpu.memory_space<hbm>>) target(%arg15 : memref<64xi32, #tpu.memory_space<vmem>>) target_semaphore(%run_scoped3A : memref<!tpu.dma_semaphore, #tpu.memory_space<semaphore_mem>>)
      %dma_wait3A_31 = tpu.memref_slice %arg6[%mul3A_19] : memref<2048xi32, #tpu.memory_space<hbm>> -> memref<64xi32, #tpu.memory_space<hbm>>
      %dma_wait3A_32 = tpu.memref_slice %arg6[%mul3A_19] : memref<2048xi32, #tpu.memory_space<hbm>> -> memref<64xi32, #tpu.memory_space<hbm>>
      tpu.wait_dma2 semaphore(%run_scoped3A : memref<!tpu.dma_semaphore, #tpu.memory_space<semaphore_mem>>) src(%dma_wait3A_32 : memref<64xi32, #tpu.memory_space<hbm>>) dst(%arg15 : memref<64xi32, #tpu.memory_space<vmem>>)
      tpu.yield
    }) : () -> ()
    %dma_start3A = arith.constant 0 : i32
    %dma_start3A_20 = arith.constant 0 : i32
    %dma_start3A_21 = tpu.memref_slice %arg7[%dma_start3A, %dma_start3A_20] : memref<2000x128xf32, #tpu.memory_space<hbm>> -> memref<2000x128xf32, #tpu.memory_space<hbm>>
    tpu.enqueue_indirect_dma source(%dma_start3A_21 : memref<2000x128xf32, #tpu.memory_space<hbm>>) target(%arg16 : memref<64x128xf32, #tpu.memory_space<vmem>>) offsets(%arg15 : memref<64xi32, #tpu.memory_space<vmem>>) semaphore(%arg17 : memref<!tpu.dma_semaphore, #tpu.memory_space<semaphore_mem>>)
    %dma_wait3A = arith.constant 0 : i32
    %dma_wait3A_22 = arith.constant 0 : i32
    %dma_wait3A_23 = tpu.memref_slice %arg7[%dma_wait3A, %dma_wait3A_22] : memref<2000x128xf32, #tpu.memory_space<hbm>> -> memref<2000x128xf32, #tpu.memory_space<hbm>>
    tpu.wait_indirect_dma semaphore(%arg17 : memref<!tpu.dma_semaphore, #tpu.memory_space<semaphore_mem>>) src(%dma_wait3A_23 : memref<2000x128xf32, #tpu.memory_space<hbm>>) dst(%arg16 : memref<64x128xf32, #tpu.memory_space<vmem>>)
    "tpu.region"() ({
      %run_scoped3A = tpu.sem_alloc : memref<!tpu.dma_semaphore, #tpu.memory_space<semaphore_mem>>
      %dma_start3A_29 = arith.constant 0 : i32
      %dma_start3A_30 = tpu.memref_slice %arg9[%mul3A_19, %dma_start3A_29] : memref<2048x128xf32, #tpu.memory_space<hbm>> -> memref<64x128xf32, #tpu.memory_space<hbm>>
      %dma_start3A_31 = arith.constant 0 : i32
      %dma_start3A_32 = tpu.memref_slice %arg9[%mul3A_19, %dma_start3A_31] : memref<2048x128xf32, #tpu.memory_space<hbm>> -> memref<64x128xf32, #tpu.memory_space<hbm>>
      tpu.enqueue_dma source(%arg16 : memref<64x128xf32, #tpu.memory_space<vmem>>) target(%dma_start3A_32 : memref<64x128xf32, #tpu.memory_space<hbm>>) target_semaphore(%run_scoped3A : memref<!tpu.dma_semaphore, #tpu.memory_space<semaphore_mem>>)
      %dma_wait3A_33 = arith.constant 0 : i32
      %dma_wait3A_34 = tpu.memref_slice %arg9[%mul3A_19, %dma_wait3A_33] : memref<2048x128xf32, #tpu.memory_space<hbm>> -> memref<64x128xf32, #tpu.memory_space<hbm>>
      %dma_wait3A_35 = arith.constant 0 : i32
      %dma_wait3A_36 = tpu.memref_slice %arg9[%mul3A_19, %dma_wait3A_35] : memref<2048x128xf32, #tpu.memory_space<hbm>> -> memref<64x128xf32, #tpu.memory_space<hbm>>
      tpu.wait_dma2 semaphore(%run_scoped3A : memref<!tpu.dma_semaphore, #tpu.memory_space<semaphore_mem>>) src(%arg16 : memref<64x128xf32, #tpu.memory_space<vmem>>) dst(%dma_wait3A_36 : memref<64x128xf32, #tpu.memory_space<hbm>>)
      tpu.yield
    }) : () -> ()
    %barrier3A_24 = arith.constant 0 : index
    tpu.barrier barrier_id(%barrier3A_24)
    %mul3A_25 = arith.constant 128 : i32
    %mul3A_26 = arith.muli %arg1, %mul3A_25 : i32
    %mul3A_27 = arith.constant 128 : i32
    %mul3A_28 = arith.muli %arg1, %mul3A_27 : i32
    "tpu.region"() ({
      %run_scoped3A = tpu.sem_alloc : memref<!tpu.dma_semaphore, #tpu.memory_space<semaphore_mem>>
      %dma_start3A_29 = arith.constant 0 : i32
      %dma_start3A_30 = tpu.memref_slice %arg8[%arg0, %mul3A_28, %dma_start3A_29] : memref<2x2048x128xf32, #tpu.memory_space<hbm>> -> memref<1x128x128xf32, #tpu.memory_space<hbm>>
      %dma_start3A_31 = tpu.memref_squeeze %dma_start3A_30 : memref<1x128x128xf32, #tpu.memory_space<hbm>> -> memref<128x128xf32, #tpu.memory_space<hbm>>
      %dma_start3A_32 = arith.constant 0 : i32
      %dma_start3A_33 = tpu.memref_slice %arg10[%mul3A_26, %dma_start3A_32] : memref<2048x128xf32, #tpu.memory_space<vmem_shared>> -> memref<128x128xf32, #tpu.memory_space<vmem_shared>>
      tpu.enqueue_dma source(%dma_start3A_33 : memref<128x128xf32, #tpu.memory_space<vmem_shared>>) target(%dma_start3A_31 : memref<128x128xf32, #tpu.memory_space<hbm>>) target_semaphore(%run_scoped3A : memref<!tpu.dma_semaphore, #tpu.memory_space<semaphore_mem>>)
      %dma_wait3A_34 = arith.constant 0 : i32
      %dma_wait3A_35 = tpu.memref_slice %arg8[%arg0, %mul3A_28, %dma_wait3A_34] : memref<2x2048x128xf32, #tpu.memory_space<hbm>> -> memref<1x128x128xf32, #tpu.memory_space<hbm>>
      %dma_wait3A_36 = tpu.memref_squeeze %dma_wait3A_35 : memref<1x128x128xf32, #tpu.memory_space<hbm>> -> memref<128x128xf32, #tpu.memory_space<hbm>>
      %dma_wait3A_37 = arith.constant 0 : i32
      %dma_wait3A_38 = tpu.memref_slice %arg10[%mul3A_26, %dma_wait3A_37] : memref<2048x128xf32, #tpu.memory_space<vmem_shared>> -> memref<128x128xf32, #tpu.memory_space<vmem_shared>>
      tpu.wait_dma2 semaphore(%run_scoped3A : memref<!tpu.dma_semaphore, #tpu.memory_space<semaphore_mem>>) src(%dma_wait3A_38 : memref<128x128xf32, #tpu.memory_space<vmem_shared>>) dst(%dma_wait3A_36 : memref<128x128xf32, #tpu.memory_space<hbm>>)
      tpu.yield
    }) : () -> ()
    return
  }
}

module attributes {stable_mosaic.version = 14 : i64} {
  func.func @_tc_demand_body(%arg0: i32, %arg1: memref<256x128xf32, #tpu.memory_space<vmem>>, %arg2: memref<2x256x128xf32, #tpu.memory_space<vmem>>, %arg3: memref<128x128xf32, #tpu.memory_space<vmem>>, %arg4: memref<128x128xf32, #tpu.memory_space<vmem>>, %arg5: memref<1x128xf32, #tpu.memory_space<vmem>>, %arg6: memref<256x128xf32, #tpu.memory_space<vmem>>) attributes {dimension_semantics = [#tpu.dimension_semantics<arbitrary>], iteration_bounds = array<i64: 8>, scalar_prefetch = 0 : i64, scratch_operands = 0 : i64, tpu.core_type = #tpu.core_type<tc>, window_params = [{transform_indices = @transform_0, window_bounds = array<i64: 256, 128>}, {transform_indices = @transform_1, window_bounds = array<i64: 2, 256, 128>}, {pipeline_mode = #tpu.pipeline_mode<synchronous>, transform_indices = @transform_2, window_bounds = array<i64: 128, 128>}, {pipeline_mode = #tpu.pipeline_mode<synchronous>, transform_indices = @transform_3, window_bounds = array<i64: 128, 128>}, {pipeline_mode = #tpu.pipeline_mode<synchronous>, transform_indices = @transform_4, window_bounds = array<i64: 1, 128>}, {transform_indices = @transform_5, window_bounds = array<i64: 256, 128>}]} {
    %get3A = arith.constant 0 : index
    %get3A_0 = arith.constant 0 : index
    %get3A_1 = arith.constant 0 : index
    %get3A_2 = vector.load %arg2[%get3A, %get3A_0, %get3A_1] : memref<2x256x128xf32, #tpu.memory_space<vmem>>, vector<1x256x128xf32>
    %get3A_3 = vector.shape_cast %get3A_2 : vector<1x256x128xf32> to vector<256x128xf32>
    %get3A_4 = arith.constant 1 : index
    %get3A_5 = arith.constant 0 : index
    %get3A_6 = arith.constant 0 : index
    %get3A_7 = vector.load %arg2[%get3A_4, %get3A_5, %get3A_6] : memref<2x256x128xf32, #tpu.memory_space<vmem>>, vector<1x256x128xf32>
    %get3A_8 = vector.shape_cast %get3A_7 : vector<1x256x128xf32> to vector<256x128xf32>
    %add3A = arith.addf %get3A_3, %get3A_8 : vector<256x128xf32>
    %get3A_9 = arith.constant 0 : index
    %get3A_10 = arith.constant 0 : index
    %get3A_11 = vector.load %arg1[%get3A_9, %get3A_10] : memref<256x128xf32, #tpu.memory_space<vmem>>, vector<256x128xf32>
    %get3A_12 = arith.constant 0 : index
    %get3A_13 = arith.constant 0 : index
    %get3A_14 = vector.load %arg3[%get3A_12, %get3A_13] : memref<128x128xf32, #tpu.memory_space<vmem>>, vector<128x128xf32>
    %dot_general3A = arith.constant dense<0.000000e+00> : vector<256x128xf32>
    %dot_general3A_15 = tpu.matmul %get3A_11, %get3A_14, %dot_general3A {dimension_numbers = #tpu.dot_dimension_numbers<[1], [0], [0], [1], [0, 0, 1, 1], [], []>, transpose_lhs_hint = false} : vector<256x128xf32>, vector<128x128xf32>, vector<256x128xf32> -> vector<256x128xf32>
    %get3A_16 = arith.constant 0 : index
    %get3A_17 = arith.constant 0 : index
    %get3A_18 = vector.load %arg4[%get3A_16, %get3A_17] : memref<128x128xf32, #tpu.memory_space<vmem>>, vector<128x128xf32>
    %dot_general3A_19 = arith.constant dense<0.000000e+00> : vector<256x128xf32>
    %dot_general3A_20 = tpu.matmul %add3A, %get3A_18, %dot_general3A_19 {dimension_numbers = #tpu.dot_dimension_numbers<[1], [0], [0], [1], [0, 0, 1, 1], [], []>, transpose_lhs_hint = false} : vector<256x128xf32>, vector<128x128xf32>, vector<256x128xf32> -> vector<256x128xf32>
    %add3A_21 = arith.addf %dot_general3A_15, %dot_general3A_20 : vector<256x128xf32>
    %get3A_22 = arith.constant 0 : index
    %get3A_23 = arith.constant 0 : index
    %get3A_24 = vector.load %arg5[%get3A_22, %get3A_23] : memref<1x128xf32, #tpu.memory_space<vmem>>, vector<1x128xf32>
    %add3A_25 = vector.broadcast %get3A_24 : vector<1x128xf32> to vector<256x128xf32>
    %add3A_26 = arith.addf %add3A_21, %add3A_25 : vector<256x128xf32>
    %max3A = arith.constant 0.000000e+00 : f32
    %max3A_27 = vector.broadcast %max3A : f32 to vector<256x128xf32>
    %max3A_28 = arith.maximumf %add3A_26, %max3A_27 : vector<256x128xf32>
    %swap3A = arith.constant 0 : index
    %swap3A_29 = arith.constant 0 : index
    %swap3A_30 = vector.load %arg6[%swap3A, %swap3A_29] : memref<256x128xf32, #tpu.memory_space<vmem>>, vector<256x128xf32>
    tpu.vector_store %arg6[%swap3A, %swap3A_29], %max3A_28 {strides = array<i32>} : memref<256x128xf32, #tpu.memory_space<vmem>>, vector<256x128xf32>,
    return
  }
  func.func @transform_0(%arg0: i32) -> (i32, i32) {
    %c0_i32 = arith.constant 0 : i32
    %c0_i32_0 = arith.constant 0 : i32
    return %arg0, %c0_i32 : i32, i32
  }
  func.func @transform_1(%arg0: i32) -> (i32, i32, i32) {
    %c0_i32 = arith.constant 0 : i32
    %c0_i32_0 = arith.constant 0 : i32
    %c0_i32_1 = arith.constant 0 : i32
    return %c0_i32, %arg0, %c0_i32_0 : i32, i32, i32
  }
  func.func @transform_2(%arg0: i32) -> (i32, i32) {
    %c0_i32 = arith.constant 0 : i32
    %c0_i32_0 = arith.constant 0 : i32
    %c0_i32_1 = arith.constant 0 : i32
    return %c0_i32, %c0_i32_0 : i32, i32
  }
  func.func @transform_3(%arg0: i32) -> (i32, i32) {
    %c0_i32 = arith.constant 0 : i32
    %c0_i32_0 = arith.constant 0 : i32
    %c0_i32_1 = arith.constant 0 : i32
    return %c0_i32, %c0_i32_0 : i32, i32
  }
  func.func @transform_4(%arg0: i32) -> (i32, i32) {
    %c0_i32 = arith.constant 0 : i32
    %c0_i32_0 = arith.constant 0 : i32
    %c0_i32_1 = arith.constant 0 : i32
    return %c0_i32, %c0_i32_0 : i32, i32
  }
  func.func @transform_5(%arg0: i32) -> (i32, i32) {
    %c0_i32 = arith.constant 0 : i32
    %c0_i32_0 = arith.constant 0 : i32
    return %arg0, %c0_i32 : i32, i32
  }
}

module attributes {stable_mosaic.version = 14 : i64} {
  func.func @_tc_meas_body(%arg0: i32, %arg1: memref<400x128xf32, #tpu.memory_space<vmem>>, %arg2: memref<2x400x128xf32, #tpu.memory_space<vmem>>, %arg3: memref<2x400x16xf32, #tpu.memory_space<vmem>>, %arg4: memref<128x128xf32, #tpu.memory_space<vmem>>, %arg5: memref<128x128xf32, #tpu.memory_space<vmem>>, %arg6: memref<1x128xf32, #tpu.memory_space<vmem>>, %arg7: memref<400x128xf32, #tpu.memory_space<vmem>>) attributes {dimension_semantics = [#tpu.dimension_semantics<arbitrary>], iteration_bounds = array<i64: 25>, scalar_prefetch = 0 : i64, scratch_operands = 0 : i64, tpu.core_type = #tpu.core_type<tc>, window_params = [{transform_indices = @transform_0, window_bounds = array<i64: 400, 128>}, {transform_indices = @transform_1, window_bounds = array<i64: 2, 400, 128>}, {transform_indices = @transform_2, window_bounds = array<i64: 2, 400, 16>}, {pipeline_mode = #tpu.pipeline_mode<synchronous>, transform_indices = @transform_3, window_bounds = array<i64: 128, 128>}, {pipeline_mode = #tpu.pipeline_mode<synchronous>, transform_indices = @transform_4, window_bounds = array<i64: 128, 128>}, {pipeline_mode = #tpu.pipeline_mode<synchronous>, transform_indices = @transform_5, window_bounds = array<i64: 1, 128>}, {transform_indices = @transform_6, window_bounds = array<i64: 400, 128>}]} {
    %get3A = arith.constant 0 : index
    %get3A_0 = arith.constant 0 : index
    %get3A_1 = arith.constant 0 : index
    %get3A_2 = vector.load %arg2[%get3A, %get3A_0, %get3A_1] : memref<2x400x128xf32, #tpu.memory_space<vmem>>, vector<1x400x128xf32>
    %get3A_3 = vector.shape_cast %get3A_2 : vector<1x400x128xf32> to vector<400x128xf32>
    %get3A_4 = arith.constant 1 : index
    %get3A_5 = arith.constant 0 : index
    %get3A_6 = arith.constant 0 : index
    %get3A_7 = vector.load %arg2[%get3A_4, %get3A_5, %get3A_6] : memref<2x400x128xf32, #tpu.memory_space<vmem>>, vector<1x400x128xf32>
    %get3A_8 = vector.shape_cast %get3A_7 : vector<1x400x128xf32> to vector<400x128xf32>
    %add3A = arith.addf %get3A_3, %get3A_8 : vector<400x128xf32>
    %get3A_9 = arith.constant 0 : index
    %get3A_10 = arith.constant 0 : index
    %get3A_11 = arith.constant 0 : index
    %get3A_12 = vector.load %arg3[%get3A_9, %get3A_10, %get3A_11] : memref<2x400x16xf32, #tpu.memory_space<vmem>>, vector<1x400x16xf32>
    %get3A_13 = vector.shape_cast %get3A_12 : vector<1x400x16xf32> to vector<400x16xf32>
    %get3A_14 = arith.constant 1 : index
    %get3A_15 = arith.constant 0 : index
    %get3A_16 = arith.constant 0 : index
    %get3A_17 = vector.load %arg3[%get3A_14, %get3A_15, %get3A_16] : memref<2x400x16xf32, #tpu.memory_space<vmem>>, vector<1x400x16xf32>
    %get3A_18 = vector.shape_cast %get3A_17 : vector<1x400x16xf32> to vector<400x16xf32>
    %add3A_19 = arith.addf %get3A_13, %get3A_18 : vector<400x16xf32>
    %slice3A = vector.extract_strided_slice %add3A_19 {offsets = [0, 0], sizes = [400, 1], strides = [1, 1]} : vector<400x16xf32> to vector<400x1xf32>
    %max3A = arith.constant 1.000000e+00 : f32
    %max3A_20 = vector.broadcast %max3A : f32 to vector<400x1xf32>
    %max3A_21 = arith.maximumf %slice3A, %max3A_20 : vector<400x1xf32>
    %div3A = vector.broadcast %max3A_21 : vector<400x1xf32> to vector<400x128xf32>
    %div3A_22 = arith.divf %add3A, %div3A : vector<400x128xf32>
    %get3A_23 = arith.constant 0 : index
    %get3A_24 = arith.constant 0 : index
    %get3A_25 = vector.load %arg1[%get3A_23, %get3A_24] : memref<400x128xf32, #tpu.memory_space<vmem>>, vector<400x128xf32>
    %get3A_26 = arith.constant 0 : index
    %get3A_27 = arith.constant 0 : index
    %get3A_28 = vector.load %arg4[%get3A_26, %get3A_27] : memref<128x128xf32, #tpu.memory_space<vmem>>, vector<128x128xf32>
    %dot_general3A = arith.constant dense<0.000000e+00> : vector<400x128xf32>
    %dot_general3A_29 = tpu.matmul %get3A_25, %get3A_28, %dot_general3A {dimension_numbers = #tpu.dot_dimension_numbers<[1], [0], [0], [1], [0, 0, 1, 1], [], []>, transpose_lhs_hint = false} : vector<400x128xf32>, vector<128x128xf32>, vector<400x128xf32> -> vector<400x128xf32>
    %get3A_30 = arith.constant 0 : index
    %get3A_31 = arith.constant 0 : index
    %get3A_32 = vector.load %arg5[%get3A_30, %get3A_31] : memref<128x128xf32, #tpu.memory_space<vmem>>, vector<128x128xf32>
    %dot_general3A_33 = arith.constant dense<0.000000e+00> : vector<400x128xf32>
    %dot_general3A_34 = tpu.matmul %div3A_22, %get3A_32, %dot_general3A_33 {dimension_numbers = #tpu.dot_dimension_numbers<[1], [0], [0], [1], [0, 0, 1, 1], [], []>, transpose_lhs_hint = false} : vector<400x128xf32>, vector<128x128xf32>, vector<400x128xf32> -> vector<400x128xf32>
    %add3A_35 = arith.addf %dot_general3A_29, %dot_general3A_34 : vector<400x128xf32>
    %get3A_36 = arith.constant 0 : index
    %get3A_37 = arith.constant 0 : index
    %get3A_38 = vector.load %arg6[%get3A_36, %get3A_37] : memref<1x128xf32, #tpu.memory_space<vmem>>, vector<1x128xf32>
    %add3A_39 = vector.broadcast %get3A_38 : vector<1x128xf32> to vector<400x128xf32>
    %add3A_40 = arith.addf %add3A_35, %add3A_39 : vector<400x128xf32>
    %max3A_41 = arith.constant 0.000000e+00 : f32
    %max3A_42 = vector.broadcast %max3A_41 : f32 to vector<400x128xf32>
    %max3A_43 = arith.maximumf %add3A_40, %max3A_42 : vector<400x128xf32>
    %swap3A = arith.constant 0 : index
    %swap3A_44 = arith.constant 0 : index
    %swap3A_45 = vector.load %arg7[%swap3A, %swap3A_44] : memref<400x128xf32, #tpu.memory_space<vmem>>, vector<400x128xf32>
    tpu.vector_store %arg7[%swap3A, %swap3A_44], %max3A_43 {strides = array<i32>} : memref<400x128xf32, #tpu.memory_space<vmem>>, vector<400x128xf32>,
    return
  }
  func.func @transform_0(%arg0: i32) -> (i32, i32) {
    %c0_i32 = arith.constant 0 : i32
    %c0_i32_0 = arith.constant 0 : i32
    return %arg0, %c0_i32 : i32, i32
  }
  func.func @transform_1(%arg0: i32) -> (i32, i32, i32) {
    %c0_i32 = arith.constant 0 : i32
    %c0_i32_0 = arith.constant 0 : i32
    %c0_i32_1 = arith.constant 0 : i32
    return %c0_i32, %arg0, %c0_i32_0 : i32, i32, i32
  }
  func.func @transform_2(%arg0: i32) -> (i32, i32, i32) {
    %c0_i32 = arith.constant 0 : i32
    %c0_i32_0 = arith.constant 0 : i32
    %c0_i32_1 = arith.constant 0 : i32
    return %c0_i32, %arg0, %c0_i32_0 : i32, i32, i32
  }
  func.func @transform_3(%arg0: i32) -> (i32, i32) {
    %c0_i32 = arith.constant 0 : i32
    %c0_i32_0 = arith.constant 0 : i32
    %c0_i32_1 = arith.constant 0 : i32
    return %c0_i32, %c0_i32_0 : i32, i32
  }
  func.func @transform_4(%arg0: i32) -> (i32, i32) {
    %c0_i32 = arith.constant 0 : i32
    %c0_i32_0 = arith.constant 0 : i32
    %c0_i32_1 = arith.constant 0 : i32
    return %c0_i32, %c0_i32_0 : i32, i32
  }
  func.func @transform_5(%arg0: i32) -> (i32, i32) {
    %c0_i32 = arith.constant 0 : i32
    %c0_i32_0 = arith.constant 0 : i32
    %c0_i32_1 = arith.constant 0 : i32
    return %c0_i32, %c0_i32_0 : i32, i32
  }
  func.func @transform_6(%arg0: i32) -> (i32, i32) {
    %c0_i32 = arith.constant 0 : i32
    %c0_i32_0 = arith.constant 0 : i32
    return %arg0, %c0_i32 : i32, i32
  }
}

</mosaic_0001>

<sc_bundles>
// kernel: kernel.10.cloned.1.call-start
scs
__scs_entry_jumppad:
0x0: {  	(pc) =	sbr.rel $0x88, $3  }
0x1: {  	(tag) =	ssettag $0x0;
	lr =	simm.s32 $0x1  }
0x2: {  	[smem:$0x3F94] =	sst lr;
	_ =	strace $0xD0000000  }
0x3: {  	_ = 	snop  }
0x4: {  	_ = 	snop  }
0x5: {  	_ = 	snop  }
0x6: {  	_ = 	snop  }
0x7: {  	_ = 	snop  }
__scs_overlays_trampoline_lowered:
0x8: {  	[smem:$0x3FA3] =	sst s0  }
0x9: {  	[smem:$0x3FA4] =	sst s1  }
0xa: {  	[smem:$0x3FA5] =	sst s2  }
0xb: {  	[smem:$0x3FA6] =	sst s3  }
0xc: {  	[smem:$0x3FA7] =	sst s4  }
0xd: {  	[smem:$0x3FA8] =	sst s5  }
0xe: {  	[smem:$0x3FA9] =	sst s6  }
0xf: {  	[smem:$0x3FAA] =	sst s7  }
0x10: {  	[smem:$0x3FAB] =	sst s8  }
0x11: {  	[smem:$0x3FAC] =	sst s9;
	s0 =	simm.s32 @!p0 $0x0  }
0x12: {  	s1 =	sld [smem:$0x3F92];
	s0 =	simm.s32 @p0 $0x1  }
0x13: {  	[smem:$0x3FAD] =	sst s0;
	s0 =	simm.s32 @!p1 $0x0  }
0x14: {  	s2 =	sld [smem:$0x3F91];
	s0 =	simm.s32 @p1 $0x1  }
0x15: {  	[smem:$0x3FAE] =	sst s0;
	s0 =	simm.s32 @!p2 $0x0  }
0x16: {  	s3 =	sld [smem:$0x3FDB];
	s0 =	simm.s32 @p2 $0x1  }
0x17: {  	s4 =	simm.s32 $0x1BF5;
	[smem:$0x3FB0] =	sst s0  }
0x18: {  	s0 =	sld [smem:$0x3F93];
	_ =	swait.ge [sflag:s4], $0x0  }
0x19: {  	s7 =	sld [smem:$0x3F94]  }
0x1a: {  	s8 =	sadd.s32 $0xFFFFE003, lr  }
0x1b: {  	s9 =	sadd.s32 $0xFFFFFEF7, lr;
	s5 =	simm.s32 $0xFFFFFFFF;
	p2 =	slt.u32 s8, $0xFFFFF086  }
0x1c: {  	p1 =	slt.u32 s9, $0xF7A;
	s5 =	simm.s32 @!p2 $0x0  }
0x1d: {  	s5 =	simm.s32 @p1 $0x1;
	p0 =	seq.s32 s7, s2  }
0x1e: {  	s7 =	smul.u32 @!p0 $0xF7A, s2;
	p2 =	seq.s32 @!p0 s5, $0x0  }
0x1f: {  	s9 =	smul.u32 $0xF7A, s1;
	s8 =	simm.s32 @!p0 $0x1BF5;
	p2 =	por !p2, p0  }
0x20: {  	[sflag:s8] =	ssyncset.s32 @!p0 $0xFFFFF086;
	s6 =	sadd.s32 @!p0 s3, s7;
	s7 =	simm.s32 @!p0 $0x108  }
0x21: {  	s3 =	sadd.s32 s3, s9;
	s6 =	sadd.s32 @!p0 $0x88, s6;
	s7 =	simm.s32 @p2 $0x1082  }
0x22: {  	[simem:s7], [sflag:s8] =	dma.local @!p0 [hbm:s6], $0xF7A  }
0x23: {  	s9 =	sor.u32 $0xD0000000, s2;
	s6 =	simm.s32 $0x108;
	_ =	swait.ge @!p0 [sflag:s8], $0x0  }
0x24: {  	s3 =	sadd.s32 $0x88, s3;
	s6 =	simm.s32 @!p1 $0x1082;
	[sflag:s4] =	ssyncset.s32 $0xFFFFF086  }
0x25: {  	[simem:s6], [sflag:s4] =	dma.local [hbm:s3], $0xF7A  }
0x26: {  	[smem:$0x3F94] =	sst s1;
	(tag) =	ssettag s2;
	_ =	strace s9  }
0x27: {  	s1 =	sld [smem:$0x3FA4]  }
0x28: {  	s2 =	sld [smem:$0x3FA5]  }
0x29: {  	s4 =	sld [smem:$0x3FA7]  }
0x2a: {  	p0 =	seq.s32 s5, $0x0;
	s5 =	sld [smem:$0x3FA8]  }
0x2b: {  	s6 =	sld [smem:$0x3FA9]  }
0x2c: {  	s7 =	sld [smem:$0x3FAA]  }
0x2d: {  	s3 =	simm.s32 $0x108;
	s8 =	sld [smem:$0x3FAB]  }
0x2e: {  	s3 =	simm.s32 @!p0 $0x1082;
	s9 =	sld [smem:$0x3FAC]  }
0x2f: {  	lr =	sadd.s32 s0, s3;
	s0 =	sld [smem:$0x3FA3]  }
0x30: {  	s3 =	sld [smem:$0x3FA6]  }
0x31: {  	[smem:$0x3FAF] =	sst s10  }
0x32: {  	s10 =	sld [smem:$0x3FAD];
	_ =	sdelay $0x3  }
0x33: {  	p0 =	seq.s32 s10, $0x1;
	s10 =	sld [smem:$0x3FAF];
	_ =	sdelay $0x3  }
0x34: {  	[smem:$0x3FAF] =	sst s10  }
0x35: {  	s10 =	sld [smem:$0x3FAE];
	_ =	sdelay $0x3  }
0x36: {  	p1 =	seq.s32 s10, $0x1;
	s10 =	sld [smem:$0x3FAF];
	_ =	sdelay $0x3  }
0x37: {  	[smem:$0x3FAF] =	sst s10  }
0x38: {  	s10 =	sld [smem:$0x3FB0]  }
0x39: {  	_ = 	snop;
	(pc) =	sbr.ind lr, $3  }
0x3a: {  	_ = 	snop  }
0x3b: {  	_ = 	snop  }
0x3c: {  	p2 =	seq.s32 s10, $0x1;
	s10 =	sld [smem:$0x3FAF]  }
0x3d: {  	_ =	shalt  }
0x3e: {  	_ =	shalt  }
0x3f: {  	_ =	shalt  }
0x40: {  	_ =	shalt  }
0x41: {  	_ =	shalt  }
0x42: {  	_ =	shalt  }
0x43: {  	_ =	shalt  }
0x44: {  	_ =	shalt  }
0x45: {  	_ =	shalt  }
0x46: {  	_ =	shalt  }
0x47: {  	_ =	shalt  }
0x48: {  	_ =	shalt  }
0x49: {  	_ =	shalt  }
0x4a: {  	_ =	shalt  }
0x4b: {  	_ =	shalt  }
0x4c: {  	_ =	shalt  }
0x4d: {  	_ =	shalt  }
0x4e: {  	_ =	shalt  }
0x4f: {  	_ =	shalt  }
0x50: {  	_ =	shalt  }
0x51: {  	_ =	shalt  }
0x52: {  	_ =	shalt  }
0x53: {  	_ =	shalt  }
0x54: {  	_ =	shalt  }
0x55: {  	_ =	shalt  }
0x56: {  	_ =	shalt  }
0x57: {  	_ =	shalt  }
0x58: {  	_ =	shalt  }
0x59: {  	_ =	shalt  }
0x5a: {  	_ =	shalt  }
0x5b: {  	_ =	shalt  }
0x5c: {  	_ =	shalt  }
0x5d: {  	_ =	shalt  }
0x5e: {  	_ =	shalt  }
0x5f: {  	_ =	shalt  }
0x60: {  	_ =	shalt  }
0x61: {  	_ =	shalt  }
0x62: {  	_ =	shalt  }
0x63: {  	_ =	shalt  }
0x64: {  	_ =	shalt  }
0x65: {  	_ =	shalt  }
0x66: {  	_ =	shalt  }
0x67: {  	_ =	shalt  }
0x68: {  	_ =	shalt  }
0x69: {  	_ =	shalt  }
0x6a: {  	_ =	shalt  }
0x6b: {  	_ =	shalt  }
0x6c: {  	_ =	shalt  }
0x6d: {  	_ =	shalt  }
0x6e: {  	_ =	shalt  }
0x6f: {  	_ =	shalt  }
0x70: {  	_ =	shalt  }
0x71: {  	_ =	shalt  }
0x72: {  	_ =	shalt  }
0x73: {  	_ =	shalt  }
0x74: {  	_ =	shalt  }
0x75: {  	_ =	shalt  }
0x76: {  	_ =	shalt  }
0x77: {  	_ =	shalt  }
0x78: {  	_ =	shalt  }
0x79: {  	_ =	shalt  }
0x7a: {  	_ =	shalt  }
0x7b: {  	_ =	shalt  }
0x7c: {  	_ =	shalt  }
0x7d: {  	_ =	shalt  }
0x7e: {  	_ =	shalt  }
0x7f: {  	_ =	shalt  }
0x80: {  	_ =	shalt  }
0x81: {  	_ =	shalt  }
0x82: {  	_ =	shalt  }
0x83: {  	_ =	shalt  }
0x84: {  	_ =	shalt  }
0x85: {  	_ =	shalt  }
0x86: {  	_ =	shalt  }
0x87: {  	_ =	shalt  }
.Lfunc_end0:
.L_simem_size_0:
called_computation.1_lowered:
.L_overlay_start_0:
0x88: {  	s2 =	sld [smem:$0x3FD9]  }
0x89: {  	s3 =	sld [smem:$0x3FFE];
	_ =	sdelay $0x1  }
0x8a: {  	s1 =	srdreg.scid  }
0x8b: {  	s0 =	sand.u32 $0x1, s1  }
0x8c: {  	s16 =	sshll.u32 s0, $0xA;
	s2 =	sadd.s32 s3, s2  }
0x8d: {  	s2 =	sadd.s32 s2, s16  }
0x8e: {  	[smem:$0x3FBB] =	sst s2  }
0x8f: {  	_ = 	snop  }
0x90: {  	(tm) =	ssettm $0x1  }
0x91: {  	s17 =	sld [smem:$0x3FFB];
	_ =	sdelay $0x3  }
0x92: {  	_ =	strace s17  }
0x93: {  	s2 =	sld [smem:$0x3FFC];
	_ =	sdelay $0x3  }
0x94: {  	_ =	strace s2  }
0x95: {  	s2 =	sld [smem:$0x3FFD];
	_ =	sdelay $0x3  }
0x96: {  	_ =	strace s2  }
0x97: {  	_ =	strace $0x8FFFFFFF  }
0x98: {  	s18 =	sld [smem:$0x3FDB];
	_ =	sdelay $0x1  }
0x99: {  	s19 =	simm.s32 $_scs_section_size  }
0x9a: {  	s4 =	simm.s32 $_size__tile_overlayer_lowered;
	s5 =	simm.s32 $_tile_overlayer_lowered  }
0x9b: {  	s22 =	simm.s32 $0x1BFF;
	s21 =	sshll.u32 s5, $0x1;
	s2 =	sadd.s32 s19, s18  }
0x9c: {  	s6 =	simm.s32 $0x0;
	s20 =	sshll.u32 s4, $0x1;
	s4 =	sadd.s32 s21, s2  }
0x9d: {  	[timem:s6], [sflag:s22] =	dma.local [hbm:s4], s20  }
0x9e: {  	_ =	swait.ge [sflag:s22], s20  }
0x9f: {  	s3 =	ssub.s32 $0x0, s20;
	[sflag:s22] =	ssyncset.done $0x0  }
0xa0: {  	[sflag:s22] =	ssyncadd.s32 s3;
	_ =	sdelay $0x1  }
0xa1: {  	s23 =	simm.s32 $0x1B8B  }
0xa2: {  	_ =	swait.ge [sflag:s23], $0x1  }
0xa3: {  	[sflag:s23] =	ssyncset.done $0x0  }
0xa4: {  	s25 =	simm.s32 $0x1B8E;
	s24 =	sld [smem:$0x3FFE];
	[sflag:s23] =	ssyncadd.s32 $0xFFFFFFFF  }
0xa5: {  	s26 =	simm.s32 $execute0_lowered;
	[smem:$0x3FD2] =	sst s25  }
0xa6: {  	s4 =	sshll.u32 s26, $0x1;
	_ =	strace $0x80000046;
	[dreg:$0x1] =	wrdreg $0xFFFFFFFF  }
0xa7: {  	s28 =	simm.s32 $_size_execute0_lowered;
	s2 =	sadd.s32 s2, s4;
	[dreg:$0x0] =	wrdreg $0x0  }
0xa8: {  	s4 =	sshll.u32 s28, $0x1;
	[dreg:$0x2] =	wrdreg s2  }
0xa9: {  	[dreg:$0x3] =	wrdreg s4  }
0xaa: {  	[dreg:$0x4] =	wrdreg $0xC0  }
0xab: {  	_ =	task [dreg:s6], $0x5FFFF  }
0xac: {  	[dreg:$0x1] =	wrdreg $0xFFFFFFFF  }
0xad: {  	[dreg:$0x0] =	wrdreg $0x60  }
0xae: {  	[dreg:$0x2] =	wrdreg s24  }
0xaf: {  	[dreg:$0x3] =	wrdreg $0x0  }
0xb0: {  	[dreg:$0x4] =	wrdreg $0x140000  }
0xb1: {  	[dreg:$0x5] =	wrdreg $0xA  }
0xb2: {  	_ =	task.clear_ibuf [dreg:s6], $0x6FFFF;
	_ =	strace $0x90000046  }
0xb3: {  	s29 =	simm.s32 $0xA;
	_ =	strace $0x80000048  }
0xb4: {  	_ =	swait.ge [sflag:s29], $0x1  }
0xb5: {  	[sflag:s29] =	ssyncadd.s32 $0xFFFFFFFF  }
0xb6: {  	_ =	strace $0x90000048  }
0xb7: {  	_ =	sfence  }
0xb8: {  	s30 =	sld [smem:$0x0];
	_ =	sdelay $0x2  }
0xb9: {  	s31 =	sshll.u32 s1, $0xD;
	s1 =	sshrl.u32 s1, $0x2  }
0xba: {  	s3 =	sand.u32 $0x4000, s31;
	s1 =	sadd.s32 s1, s30  }
0xbb: {  	s0 =	sor.u32 s3, s0;
	s1 =	sshll.u32 s1, $0x11  }
0xbc: {  	s0 =	sor.u32 s1, s0  }
0xbd: {  	s0 =	sadd.s32 $0x8F2B, s0  }
0xbe: {  	[sflag:s0] =	ssyncadd.remote.s32 $0x1  }
0xbf: {  	_ =	sfence.sel $0xFFFF  }
0xc0: {  	[dreg:$0x0] =	wrdreg $0xFFFFFFFF;
	(pc) =	sbr.abs _section_cstart, $3  }
0xc1: {  	[dreg:$0x1] =	wrdreg $0xFFFFFFFF  }
0xc2: {  	_ =	task.clear_ibuf [dreg:s6], $0x2FFFF;
	_ =	strace $0x9FFFFFFF  }
0xc3: {  	(tm) =	ssettm $0x7FFFFFFF  }
tec
execute0_lowered:
.L_overlay_start_1:
0x0: {  	(tag) =	ssettag $0x1  }
0x1: {  	s1 =	rddreg [dreg:$0x0]  }
0x2: {  	s3 =	srdreg.scid;
	s0 =	stileid.u32  }
0x3: {  	s2 =	rddreg [dreg:$0x1];
	s11 =	smul.u32 $0x2800, s0  }
0x4: {  	s4 =	simm.s32 $0x0;
	s28 =	simm.s32 $0x1;
	s8 =	smul.u32 $0x14000, s0  }
0x5: {  	s29 =	simm.s32 $0x1A900;
	s6 =	sand.u32 $0x1, s3;
	s10 =	smul.u32 $0x280, s0  }
0x6: {  	s30 =	simm.s32 $0x0;
	s3 =	rddreg [dreg:$0x2];
	s7 =	smul.u32 $0x28000, s6  }
0x7: {  	[smem:$0x7FF] =	sst s4;
	s9 =	smul.u32 $0x140000, s6;
	s6 =	ssub.s32 $0x2, s6  }
0x8: {  	s5 =	sadd.s32 $0x15800, s1;
	_ =	strace $0x80000047;
	s22 =	sshrl.u32 s6, $0x1  }
0x9: {  	s12 =	sadd.s32 $0x80, s10;
	s13 =	sadd.s32 $0x100, s10;
	s14 =	sadd.s32 $0x180, s10  }
0xa: {  	s15 =	sadd.s32 $0x200, s10;
	s7 =	sadd.s32 s11, s7;
	s9 =	sadd.s32 s8, s9  }
0xb: {  	s18 =	ssub.s32 s6, s22;
	s6 =	sadd.s32 s8, s2;
	s23 =	sshll.u32 s12, $0x7  }
0xc: {  	s25 =	sshll.u32 s13, $0x7;
	s26 =	sshll.u32 s14, $0x7;
	s10 =	sshll.u32 s15, $0x7  }
0xd: {  	s11 =	sadd.s32 s11, s3;
	s12 =	sshll.u32 s12, $0x4;
	s13 =	sshll.u32 s13, $0x4  }
0xe: {  	s14 =	sshll.u32 s14, $0x4;
	s15 =	sshll.u32 s15, $0x4;
	s22 =	simm.s32 $0x2  }
0xf: {  	s7 =	sshrl.u32 s7, $0x3;
	s21 =	sshrl.u32 s9, $0x3;
	s24 =	sadd.s32 s23, s2  }
0x10: {  	s31 =	sadd.s32 s25, s2;
	s9 =	sadd.s32 s26, s2;
	s10 =	sadd.s32 s10, s2  }
0x11: {  	s12 =	sadd.s32 s12, s3;
	s13 =	sadd.s32 s13, s3;
	s14 =	sadd.s32 s14, s3  }
0x12: {  	s15 =	sadd.s32 s15, s3;
	s18 =	smax.u32 s18, $0x1;
	s23 =	simm.s32 $0x1B100  }
0x13: {  	s25 =	simm.s32 $0x16880;
	s26 =	simm.s32 $0x80;
	[dreg:$0x4] =	wrdreg s24  }
0x14: {  	s20 =	sadd.s32 s7, s1;
	s1 =	sadd.s32 s21, s1;
	[dreg:$0x5] =	wrdreg s31  }
0x15: {  	s21 =	simm.s32 $0x16900;
	s24 =	simm.s32 $0x16800;
	s16 =	sadd.s32 $0x46A00, s1  }
0x16: {  	v0 =	vimm.f32 $0.0e+00;
	v1 =	vimm.f32 $1.000000000e+00;
	s17 =	sadd.s32 $0x3CA00, s20;
	s19 =	sadd.s32 $0xB800, s20;
	s20 =	sadd.s32 $0x1800, s20  }
.LBB2_1:
0x17: {  	s31 =	simm.s32 $0x0;
	s1 =	simm.s32 $0x200  }
.LBB2_2:
0x18: {  	p0 =	sne.s32 s1, $0xFE00;
	[tilespmem:s31+$0x16970] =	vst v0  }
0x19: {  	[tilespmem:s31+$0x16900] =	vst v0  }
0x1a: {  	[tilespmem:s31+$0x16910] =	vst v0  }
.Ltmp0:
0x1b: {  	[tilespmem:s31+$0x16920] =	vst v0;
	(pc) =	sbr.rel @p0 .LBB2_2-.Ltmp0, $4  }
0x1c: {  	[tilespmem:s31+$0x16930] =	vst v0  }
0x1d: {  	[tilespmem:s31+$0x16940] =	vst v0  }
0x1e: {  	[tilespmem:s31+$0x16950] =	vst v0  }
0x1f: {  	[tilespmem:s31+$0x16960] =	vst v0;
	s31 =	sshra.s32 s1, $0x2;
	s1 =	sadd.s32 $0x200, s1  }
0x20: {  	[tilespmem:s31+$0x16970] =	vst v0  }
0x21: {  	[tilespmem:s31+$0x16900] =	vst v0  }
0x22: {  	[tilespmem:s31+$0x16910] =	vst v0  }
0x23: {  	[tilespmem:s31+$0x16920] =	vst v0  }
0x24: {  	[tilespmem:s31+$0x16930] =	vst v0  }
0x25: {  	[tilespmem:s31+$0x16940] =	vst v0  }
0x26: {  	[tilespmem:s31+$0x16950] =	vst v0  }
0x27: {  	[tilespmem:s31+$0x16960] =	vst v0  }
0x28: {  	[spmem:s6] =	stream.linear.scatter [tilespmem:s21], [sflag:$0x2], $0x4000, $0x38;
	[tilespmem:$0x1B900] =	vst v63  }
0x29: {  	_ =	swait.ge [sflag:s22], $0x4000  }
0x2a: {  	[sflag:s22] =	ssyncset.done $0x0  }
0x2b: {  	s0 =	rddreg [dreg:$0x4];
	[sflag:s22] =	ssyncadd.s32 $0xFFFFC000  }
0x2c: {  	[spmem:s0] =	stream.linear.scatter [tilespmem:s21], [sflag:$0x2], $0x4000, $0x38;
	[tilespmem:$0x1B900] =	vst v63  }
0x2d: {  	_ =	swait.ge [sflag:s22], $0x4000  }
0x2e: {  	[sflag:s22] =	ssyncset.done $0x0  }
0x2f: {  	s8 =	rddreg [dreg:$0x5];
	[sflag:s22] =	ssyncadd.s32 $0xFFFFC000  }
0x30: {  	[spmem:s8] =	stream.linear.scatter [tilespmem:s21], [sflag:$0x2], $0x4000, $0x38;
	[tilespmem:$0x1B900] =	vst v63  }
0x31: {  	_ =	swait.ge [sflag:s22], $0x4000  }
0x32: {  	[sflag:s22] =	ssyncset.done $0x0  }
0x33: {  	[sflag:s22] =	ssyncadd.s32 $0xFFFFC000  }
0x34: {  	[spmem:s9] =	stream.linear.scatter [tilespmem:s21], [sflag:$0x2], $0x4000, $0x38;
	[tilespmem:$0x1B900] =	vst v63  }
0x35: {  	_ =	swait.ge [sflag:s22], $0x4000  }
0x36: {  	[sflag:s22] =	ssyncset.done $0x0  }
0x37: {  	[sflag:s22] =	ssyncadd.s32 $0xFFFFC000  }
0x38: {  	[spmem:s10] =	stream.linear.scatter [tilespmem:s21], [sflag:$0x2], $0x4000, $0x38;
	[tilespmem:$0x1B900] =	vst v63  }
0x39: {  	_ =	swait.ge [sflag:s22], $0x4000  }
0x3a: {  	[sflag:s22] =	ssyncset.done $0x0  }
0x3b: {  	s1 =	simm.s32 $0x40;
	s31 =	simm.s32 $0x0;
	[sflag:s22] =	ssyncadd.s32 $0xFFFFC000  }
.LBB2_4:
0x3c: {  	p0 =	sne.s32 s1, $0x1FC0;
	[tilespmem:s31+$0x1B100] =	vst v0;
	s0 =	smov.u32 s1;
	s1 =	sadd.s32 $0x40, s1  }
.Ltmp1:
0x3d: {  	[tilespmem:s31+$0x1A900] =	vst v1;
	(pc) =	sbr.rel @p0 .LBB2_4-.Ltmp1, $2  }
0x3e: {  	_ =	sdelay $0x2  }
0x3f: {  	s31 =	sshra.s32 s0, $0x2  }
0x40: {  	[tilespmem:s31+$0x1B100] =	vst v0  }
0x41: {  	[tilespmem:s31+$0x1A900] =	vst v1  }
0x42: {  	[spmem:s11] =	stream.linear.scatter [tilespmem:s23], [sflag:$0x2], $0x800, $0x38;
	[tilespmem:$0x1B900] =	vst v63  }
0x43: {  	_ =	swait.ge [sflag:s22], $0x800  }
0x44: {  	[sflag:s22] =	ssyncset.done $0x0  }
0x45: {  	[sflag:s22] =	ssyncadd.s32 $0xFFFFF800  }
0x46: {  	[spmem:s12] =	stream.linear.scatter [tilespmem:s23], [sflag:$0x2], $0x800, $0x38;
	[tilespmem:$0x1B900] =	vst v63  }
0x47: {  	_ =	swait.ge [sflag:s22], $0x800  }
0x48: {  	[sflag:s22] =	ssyncset.done $0x0  }
0x49: {  	[sflag:s22] =	ssyncadd.s32 $0xFFFFF800  }
0x4a: {  	[spmem:s13] =	stream.linear.scatter [tilespmem:s23], [sflag:$0x2], $0x800, $0x38;
	[tilespmem:$0x1B900] =	vst v63  }
0x4b: {  	_ =	swait.ge [sflag:s22], $0x800  }
0x4c: {  	[sflag:s22] =	ssyncset.done $0x0  }
0x4d: {  	[sflag:s22] =	ssyncadd.s32 $0xFFFFF800  }
0x4e: {  	[spmem:s14] =	stream.linear.scatter [tilespmem:s23], [sflag:$0x2], $0x800, $0x38;
	[tilespmem:$0x1B900] =	vst v63  }
0x4f: {  	_ =	swait.ge [sflag:s22], $0x800  }
0x50: {  	[sflag:s22] =	ssyncset.done $0x0  }
0x51: {  	[sflag:s22] =	ssyncadd.s32 $0xFFFFF800  }
0x52: {  	[spmem:s15] =	stream.linear.scatter [tilespmem:s23], [sflag:$0x2], $0x800, $0x38;
	[tilespmem:$0x1B900] =	vst v63  }
0x53: {  	_ =	swait.ge [sflag:s22], $0x800  }
0x54: {  	[sflag:s22] =	ssyncset.done $0x0  }
0x55: {  	[sflag:s22] =	ssyncadd.s32 $0xFFFFF800  }
0x56: {  	s0 =	sadd.s32 $0x0, s20;
	[bflag:$0x0] =	sbarrier.arrive $0xFFFF  }
0x57: {  	[tilespmem:s24], [sflag:$0x2] =	stream.linear.gather [hbm4b:s0+s4], $0x80, $0x38;
	[tilespmem:$0x1B900] =	vst v63  }
0x58: {  	_ =	swait.ge [sflag:s22], $0x80  }
0x59: {  	[sflag:s22] =	ssyncset.done $0x0  }
0x5a: {  	s8 =	sadd.s32 $0x0, s19;
	[sflag:s22] =	ssyncadd.s32 $0xFFFFFF80  }
0x5b: {  	[tilespmem:s25], [sflag:$0x2] =	stream.linear.gather [hbm4b:s8+s4], $0x80, $0x38;
	[tilespmem:$0x1B900] =	vst v63  }
0x5c: {  	_ =	swait.ge [sflag:s22], $0x80  }
0x5d: {  	[sflag:s22] =	ssyncset.done $0x0  }
0x5e: {  	[sflag:s22] =	ssyncadd.s32 $0xFFFFFF80  }
0x5f: {  	[tilespmem:s21], [sflag:$0x1] =	stream.indirect.gather [hbm4b:s5+s26], $0x80, s24, s26, $0xb8;
	[tilespmem:$0x1B900] =	vst v63  }
0x60: {  	_ =	swait.ge [sflag:s28], $0x4000  }
0x61: {  	[sflag:s28] =	ssyncset.done $0x0  }
0x62: {  	[sflag:s28] =	ssyncadd.s32 $0xFFFFC000  }
0x63: {  	[spmem:s2] =	stream.indirect.scatter.add.f32 [tilespmem:s21], [sflag:$0x2], $0x80, s25, s26, $0xb8;
	[tilespmem:$0x1B900] =	vst v63  }
0x64: {  	_ =	swait.ge [sflag:s22], $0x4000  }
0x65: {  	[sflag:s22] =	ssyncset.done $0x0  }
0x66: {  	[sflag:s22] =	ssyncadd.s32 $0xFFFFC000  }
0x67: {  	[spmem:s3] =	stream.indirect.scatter.add.f32 [tilespmem:s29], [sflag:$0x2], $0x10, s25, s26, $0xb8;
	[tilespmem:$0x1B900] =	vst v63  }
0x68: {  	_ =	swait.ge [sflag:s22], $0x800  }
0x69: {  	s31 =	simm.s32 $0x10;
	s1 =	simm.s32 $0x20;
	[sflag:s22] =	ssyncset.done $0x0  }
.LBB2_6:
0x6a: {  	s0 =	sadd.s32 s31, s20  }
0x6b: {  	[sflag:s22] =	ssyncadd.s32 $0xFFFFF800;
	s7 =	smov.u32 s1;
	s8 =	sadd.s32 $0x10, s1  }
0x6c: {  	[tilespmem:s24], [sflag:$0x2] =	stream.linear.gather [hbm4b:s0+s4], $0x80, $0x38;
	[tilespmem:$0x1B900] =	vst v63  }
0x6d: {  	p0 =	sne.s32 s1, $0x4F0;
	_ =	swait.ge [sflag:s22], $0x80  }
0x6e: {  	[sflag:s22] =	ssyncset.done $0x0  }
0x6f: {  	s0 =	sadd.s32 s31, s19;
	s31 =	smov.u32 s7;
	[sflag:s22] =	ssyncadd.s32 $0xFFFFFF80  }
0x70: {  	[tilespmem:s25], [sflag:$0x2] =	stream.linear.gather [hbm4b:s0+s4], $0x80, $0x38;
	[tilespmem:$0x1B900] =	vst v63  }
0x71: {  	_ =	swait.ge [sflag:s22], $0x80  }
0x72: {  	[sflag:s22] =	ssyncset.done $0x0  }
0x73: {  	[sflag:s22] =	ssyncadd.s32 $0xFFFFFF80  }
0x74: {  	[tilespmem:s21], [sflag:$0x1] =	stream.indirect.gather [hbm4b:s5+s26], $0x80, s24, s26, $0xb8;
	[tilespmem:$0x1B900] =	vst v63  }
0x75: {  	_ =	swait.ge [sflag:s28], $0x4000  }
0x76: {  	[sflag:s28] =	ssyncset.done $0x0  }
0x77: {  	[sflag:s28] =	ssyncadd.s32 $0xFFFFC000  }
0x78: {  	[spmem:s2] =	stream.indirect.scatter.add.f32 [tilespmem:s21], [sflag:$0x2], $0x80, s25, s26, $0xb8;
	[tilespmem:$0x1B900] =	vst v63  }
0x79: {  	_ =	swait.ge [sflag:s22], $0x4000  }
.Ltmp2:
0x7a: {  	[sflag:s22] =	ssyncset.done $0x0;
	(pc) =	sbr.rel @p0 .LBB2_6-.Ltmp2, $4  }
0x7b: {  	[sflag:s22] =	ssyncadd.s32 $0xFFFFC000  }
0x7c: {  	[spmem:s3] =	stream.indirect.scatter.add.f32 [tilespmem:s29], [sflag:$0x2], $0x10, s25, s26, $0xb8;
	[tilespmem:$0x1B900] =	vst v63  }
0x7d: {  	_ =	swait.ge [sflag:s22], $0x800  }
0x7e: {  	s1 =	smov.u32 s8;
	[sflag:s22] =	ssyncset.done $0x0  }
0x7f: {  	s0 =	sadd.s32 s31, s20;
	[sflag:s22] =	ssyncadd.s32 $0xFFFFF800  }
0x80: {  	[tilespmem:s24], [sflag:$0x2] =	stream.linear.gather [hbm4b:s0+s4], $0x80, $0x38;
	[tilespmem:$0x1B900] =	vst v63  }
0x81: {  	_ =	swait.ge [sflag:s22], $0x80  }
0x82: {  	[sflag:s22] =	ssyncset.done $0x0  }
0x83: {  	s7 =	sadd.s32 s31, s19;
	[sflag:s22] =	ssyncadd.s32 $0xFFFFFF80  }
0x84: {  	[tilespmem:s25], [sflag:$0x2] =	stream.linear.gather [hbm4b:s7+s4], $0x80, $0x38;
	[tilespmem:$0x1B900] =	vst v63  }
0x85: {  	_ =	swait.ge [sflag:s22], $0x80  }
0x86: {  	[sflag:s22] =	ssyncset.done $0x0  }
0x87: {  	[sflag:s22] =	ssyncadd.s32 $0xFFFFFF80  }
0x88: {  	[tilespmem:s21], [sflag:$0x1] =	stream.indirect.gather [hbm4b:s5+s26], $0x80, s24, s26, $0xb8;
	[tilespmem:$0x1B900] =	vst v63  }
0x89: {  	_ =	swait.ge [sflag:s28], $0x4000  }
0x8a: {  	[sflag:s28] =	ssyncset.done $0x0  }
0x8b: {  	[sflag:s28] =	ssyncadd.s32 $0xFFFFC000  }
0x8c: {  	[spmem:s2] =	stream.indirect.scatter.add.f32 [tilespmem:s21], [sflag:$0x2], $0x80, s25, s26, $0xb8;
	[tilespmem:$0x1B900] =	vst v63  }
0x8d: {  	_ =	swait.ge [sflag:s22], $0x4000  }
0x8e: {  	[sflag:s22] =	ssyncset.done $0x0  }
0x8f: {  	[sflag:s22] =	ssyncadd.s32 $0xFFFFC000  }
0x90: {  	[spmem:s3] =	stream.indirect.scatter.add.f32 [tilespmem:s29], [sflag:$0x2], $0x10, s25, s26, $0xb8;
	[tilespmem:$0x1B900] =	vst v63  }
0x91: {  	_ =	swait.ge [sflag:s22], $0x800  }
0x92: {  	s8 =	stileid.u32;
	[sflag:s22] =	ssyncset.done $0x0  }
0x93: {  	s0 =	sshll.u32 s8, $0x6;
	[sflag:s22] =	ssyncadd.s32 $0xFFFFF800  }
0x94: {  	s1 =	sshrl.u32 s6, $0x3;
	s0 =	sor.u32 $0x1C02, s0;
	[bflag:$0x0] =	sbarrier.arrive $0xFFFF  }
0x95: {  	[hbm:s16], [sflag:s0] =	dma.local [spmem:s1], $0x2800  }
0x96: {  	s30 =	sadd.s32 $0x1, s30;
	_ =	swait.ge [sflag:s22], $0x2800  }
0x97: {  	p0 =	sne.s32 s30, s18;
	[sflag:s22] =	ssyncset.done $0x0  }
.Ltmp3:
0x98: {  	s31 =	sshrl.u32 s11, $0x3;
	[sflag:s22] =	ssyncadd.s32 $0xFFFFD800;
	(pc) =	sbr.rel @p0 .LBB2_1-.Ltmp3, $4  }
0x99: {  	[hbm:s17], [sflag:s0] =	dma.local [spmem:s31], $0x500  }
0x9a: {  	_ =	swait.ge [sflag:s22], $0x500  }
0x9b: {  	[sflag:s22] =	ssyncset.done $0x0  }
0x9c: {  	[sflag:s22] =	ssyncadd.s32 $0xFFFFFB00  }
0x9d: {  	_ =	sfence.sel $0x180000  }
0x9e: {  	[bflag:$0x0] =	sbarrier.arrive $0xFFFF  }
0x9f: {  	_ =	strace $0x90000047  }
0xa0: {  	s0 =	stileid.u32;
	[bflag:$0x2] =	sbarrier.arrive $0xFFFF  }
0xa1: {  	p0 =	sne.s32 s0, $0x0;
	s0 =	rddreg [dreg:$0x3]  }
0xa2: {  	s0 =	sadd.s32 @!p0 $0x100000, s0  }
0xa3: {  	[sflag:s0] =	ssyncadd.tile.s32 @!p0 $0x1;
	_ =	shalt  }
.Lfunc_end2:
_tile_overlayer_lowered:
.L_overlay_start_2:
0xa4: {  	(tag) =	ssettag $0x2  }
0xa5: {  	s0 =	rddreg [dreg:$0x0];
	s2 =	stileid.u32  }
0xa6: {  	s1 =	rddreg [dreg:$0x1];
	p0 =	sne.s32 s2, $0x0  }
0xa7: {  	s3 =	rddreg [dreg:$0x2];
	[bflag:$0x3] =	sbarrier.arrive $0xFFFF;
	s2 =	simm.s32 @!p0 $0x1C02  }
0xa8: {  	[timem:s3], [sflag:s2] =	dma.local @!p0 [hbm:s0], s1  }
0xa9: {  	s0 =	simm.s32 @!p0 $0x2  }
0xaa: {  	_ =	swait.ge @!p0 [sflag:s0], s1  }
0xab: {  	s1 =	ssub.s32 @!p0 $0x0, s1;
	[sflag:s0] =	ssyncset.done @!p0 $0x0  }
0xac: {  	[sflag:s0] =	ssyncadd.s32 @!p0 s1  }
0xad: {  	[bflag:$0x3] =	sbarrier.arrive $0xFFFF  }
0xae: {  	_ =	shalt  }

// kernel: kernel.13.cloned.1.call-start
scs
__scs_entry_jumppad:
0x0: {  	(pc) =	sbr.rel $0x88, $3  }
0x1: {  	(tag) =	ssettag $0x0;
	lr =	simm.s32 $0x1  }
0x2: {  	[smem:$0x3F94] =	sst lr;
	_ =	strace $0xD0000000  }
0x3: {  	_ = 	snop  }
0x4: {  	_ = 	snop  }
0x5: {  	_ = 	snop  }
0x6: {  	_ = 	snop  }
0x7: {  	_ = 	snop  }
__scs_overlays_trampoline_lowered:
0x8: {  	[smem:$0x3FA3] =	sst s0  }
0x9: {  	[smem:$0x3FA4] =	sst s1  }
0xa: {  	[smem:$0x3FA5] =	sst s2  }
0xb: {  	[smem:$0x3FA6] =	sst s3  }
0xc: {  	[smem:$0x3FA7] =	sst s4  }
0xd: {  	[smem:$0x3FA8] =	sst s5  }
0xe: {  	[smem:$0x3FA9] =	sst s6  }
0xf: {  	[smem:$0x3FAA] =	sst s7  }
0x10: {  	[smem:$0x3FAB] =	sst s8  }
0x11: {  	[smem:$0x3FAC] =	sst s9;
	s0 =	simm.s32 @!p0 $0x0  }
0x12: {  	s1 =	sld [smem:$0x3F92];
	s0 =	simm.s32 @p0 $0x1  }
0x13: {  	[smem:$0x3FAD] =	sst s0;
	s0 =	simm.s32 @!p1 $0x0  }
0x14: {  	s2 =	sld [smem:$0x3F91];
	s0 =	simm.s32 @p1 $0x1  }
0x15: {  	[smem:$0x3FAE] =	sst s0;
	s0 =	simm.s32 @!p2 $0x0  }
0x16: {  	s3 =	sld [smem:$0x3FDB];
	s0 =	simm.s32 @p2 $0x1  }
0x17: {  	s4 =	simm.s32 $0x1BF5;
	[smem:$0x3FB0] =	sst s0  }
0x18: {  	s0 =	sld [smem:$0x3F93];
	_ =	swait.ge [sflag:s4], $0x0  }
0x19: {  	s7 =	sld [smem:$0x3F94]  }
0x1a: {  	s8 =	sadd.s32 $0xFFFFE003, lr  }
0x1b: {  	s9 =	sadd.s32 $0xFFFFFEF7, lr;
	s5 =	simm.s32 $0xFFFFFFFF;
	p2 =	slt.u32 s8, $0xFFFFF086  }
0x1c: {  	p1 =	slt.u32 s9, $0xF7A;
	s5 =	simm.s32 @!p2 $0x0  }
0x1d: {  	s5 =	simm.s32 @p1 $0x1;
	p0 =	seq.s32 s7, s2  }
0x1e: {  	s7 =	smul.u32 @!p0 $0xF7A, s2;
	p2 =	seq.s32 @!p0 s5, $0x0  }
0x1f: {  	s9 =	smul.u32 $0xF7A, s1;
	s8 =	simm.s32 @!p0 $0x1BF5;
	p2 =	por !p2, p0  }
0x20: {  	[sflag:s8] =	ssyncset.s32 @!p0 $0xFFFFF086;
	s6 =	sadd.s32 @!p0 s3, s7;
	s7 =	simm.s32 @!p0 $0x108  }
0x21: {  	s3 =	sadd.s32 s3, s9;
	s6 =	sadd.s32 @!p0 $0x88, s6;
	s7 =	simm.s32 @p2 $0x1082  }
0x22: {  	[simem:s7], [sflag:s8] =	dma.local @!p0 [hbm:s6], $0xF7A  }
0x23: {  	s9 =	sor.u32 $0xD0000000, s2;
	s6 =	simm.s32 $0x108;
	_ =	swait.ge @!p0 [sflag:s8], $0x0  }
0x24: {  	s3 =	sadd.s32 $0x88, s3;
	s6 =	simm.s32 @!p1 $0x1082;
	[sflag:s4] =	ssyncset.s32 $0xFFFFF086  }
0x25: {  	[simem:s6], [sflag:s4] =	dma.local [hbm:s3], $0xF7A  }
0x26: {  	[smem:$0x3F94] =	sst s1;
	(tag) =	ssettag s2;
	_ =	strace s9  }
0x27: {  	s1 =	sld [smem:$0x3FA4]  }
0x28: {  	s2 =	sld [smem:$0x3FA5]  }
0x29: {  	s4 =	sld [smem:$0x3FA7]  }
0x2a: {  	p0 =	seq.s32 s5, $0x0;
	s5 =	sld [smem:$0x3FA8]  }
0x2b: {  	s6 =	sld [smem:$0x3FA9]  }
0x2c: {  	s7 =	sld [smem:$0x3FAA]  }
0x2d: {  	s3 =	simm.s32 $0x108;
	s8 =	sld [smem:$0x3FAB]  }
0x2e: {  	s3 =	simm.s32 @!p0 $0x1082;
	s9 =	sld [smem:$0x3FAC]  }
0x2f: {  	lr =	sadd.s32 s0, s3;
	s0 =	sld [smem:$0x3FA3]  }
0x30: {  	s3 =	sld [smem:$0x3FA6]  }
0x31: {  	[smem:$0x3FAF] =	sst s10  }
0x32: {  	s10 =	sld [smem:$0x3FAD];
	_ =	sdelay $0x3  }
0x33: {  	p0 =	seq.s32 s10, $0x1;
	s10 =	sld [smem:$0x3FAF];
	_ =	sdelay $0x3  }
0x34: {  	[smem:$0x3FAF] =	sst s10  }
0x35: {  	s10 =	sld [smem:$0x3FAE];
	_ =	sdelay $0x3  }
0x36: {  	p1 =	seq.s32 s10, $0x1;
	s10 =	sld [smem:$0x3FAF];
	_ =	sdelay $0x3  }
0x37: {  	[smem:$0x3FAF] =	sst s10  }
0x38: {  	s10 =	sld [smem:$0x3FB0]  }
0x39: {  	_ = 	snop;
	(pc) =	sbr.ind lr, $3  }
0x3a: {  	_ = 	snop  }
0x3b: {  	_ = 	snop  }
0x3c: {  	p2 =	seq.s32 s10, $0x1;
	s10 =	sld [smem:$0x3FAF]  }
0x3d: {  	_ =	shalt  }
0x3e: {  	_ =	shalt  }
0x3f: {  	_ =	shalt  }
0x40: {  	_ =	shalt  }
0x41: {  	_ =	shalt  }
0x42: {  	_ =	shalt  }
0x43: {  	_ =	shalt  }
0x44: {  	_ =	shalt  }
0x45: {  	_ =	shalt  }
0x46: {  	_ =	shalt  }
0x47: {  	_ =	shalt  }
0x48: {  	_ =	shalt  }
0x49: {  	_ =	shalt  }
0x4a: {  	_ =	shalt  }
0x4b: {  	_ =	shalt  }
0x4c: {  	_ =	shalt  }
0x4d: {  	_ =	shalt  }
0x4e: {  	_ =	shalt  }
0x4f: {  	_ =	shalt  }
0x50: {  	_ =	shalt  }
0x51: {  	_ =	shalt  }
0x52: {  	_ =	shalt  }
0x53: {  	_ =	shalt  }
0x54: {  	_ =	shalt  }
0x55: {  	_ =	shalt  }
0x56: {  	_ =	shalt  }
0x57: {  	_ =	shalt  }
0x58: {  	_ =	shalt  }
0x59: {  	_ =	shalt  }
0x5a: {  	_ =	shalt  }
0x5b: {  	_ =	shalt  }
0x5c: {  	_ =	shalt  }
0x5d: {  	_ =	shalt  }
0x5e: {  	_ =	shalt  }
0x5f: {  	_ =	shalt  }
0x60: {  	_ =	shalt  }
0x61: {  	_ =	shalt  }
0x62: {  	_ =	shalt  }
0x63: {  	_ =	shalt  }
0x64: {  	_ =	shalt  }
0x65: {  	_ =	shalt  }
0x66: {  	_ =	shalt  }
0x67: {  	_ =	shalt  }
0x68: {  	_ =	shalt  }
0x69: {  	_ =	shalt  }
0x6a: {  	_ =	shalt  }
0x6b: {  	_ =	shalt  }
0x6c: {  	_ =	shalt  }
0x6d: {  	_ =	shalt  }
0x6e: {  	_ =	shalt  }
0x6f: {  	_ =	shalt  }
0x70: {  	_ =	shalt  }
0x71: {  	_ =	shalt  }
0x72: {  	_ =	shalt  }
0x73: {  	_ =	shalt  }
0x74: {  	_ =	shalt  }
0x75: {  	_ =	shalt  }
0x76: {  	_ =	shalt  }
0x77: {  	_ =	shalt  }
0x78: {  	_ =	shalt  }
0x79: {  	_ =	shalt  }
0x7a: {  	_ =	shalt  }
0x7b: {  	_ =	shalt  }
0x7c: {  	_ =	shalt  }
0x7d: {  	_ =	shalt  }
0x7e: {  	_ =	shalt  }
0x7f: {  	_ =	shalt  }
0x80: {  	_ =	shalt  }
0x81: {  	_ =	shalt  }
0x82: {  	_ =	shalt  }
0x83: {  	_ =	shalt  }
0x84: {  	_ =	shalt  }
0x85: {  	_ =	shalt  }
0x86: {  	_ =	shalt  }
0x87: {  	_ =	shalt  }
.Lfunc_end0:
.L_simem_size_0:
called_computation.2_lowered:
.L_overlay_start_0:
0x88: {  	s2 =	sld [smem:$0x3FD9]  }
0x89: {  	s3 =	sld [smem:$0x3FFE];
	_ =	sdelay $0x1  }
0x8a: {  	s1 =	srdreg.scid  }
0x8b: {  	s0 =	sand.u32 $0x1, s1  }
0x8c: {  	s16 =	sshll.u32 s0, $0xA;
	s2 =	sadd.s32 s3, s2  }
0x8d: {  	s2 =	sadd.s32 s2, s16  }
0x8e: {  	[smem:$0x3FBB] =	sst s2  }
0x8f: {  	_ = 	snop  }
0x90: {  	(tm) =	ssettm $0x1  }
0x91: {  	s17 =	sld [smem:$0x3FFB];
	_ =	sdelay $0x3  }
0x92: {  	_ =	strace s17  }
0x93: {  	s2 =	sld [smem:$0x3FFC];
	_ =	sdelay $0x3  }
0x94: {  	_ =	strace s2  }
0x95: {  	s2 =	sld [smem:$0x3FFD];
	_ =	sdelay $0x3  }
0x96: {  	_ =	strace s2  }
0x97: {  	_ =	strace $0x8FFFFFFF  }
0x98: {  	s18 =	sld [smem:$0x3FDB];
	_ =	sdelay $0x1  }
0x99: {  	s19 =	simm.s32 $_scs_section_size  }
0x9a: {  	s4 =	simm.s32 $_size__tile_overlayer_lowered;
	s5 =	simm.s32 $_tile_overlayer_lowered  }
0x9b: {  	s22 =	simm.s32 $0x1BFF;
	s21 =	sshll.u32 s5, $0x1;
	s2 =	sadd.s32 s19, s18  }
0x9c: {  	s6 =	simm.s32 $0x0;
	s20 =	sshll.u32 s4, $0x1;
	s4 =	sadd.s32 s21, s2  }
0x9d: {  	[timem:s6], [sflag:s22] =	dma.local [hbm:s4], s20  }
0x9e: {  	_ =	swait.ge [sflag:s22], s20  }
0x9f: {  	s3 =	ssub.s32 $0x0, s20;
	[sflag:s22] =	ssyncset.done $0x0  }
0xa0: {  	[sflag:s22] =	ssyncadd.s32 s3;
	_ =	sdelay $0x1  }
0xa1: {  	s23 =	simm.s32 $0x1B8B  }
0xa2: {  	_ =	swait.ge [sflag:s23], $0x1  }
0xa3: {  	[sflag:s23] =	ssyncset.done $0x0  }
0xa4: {  	s25 =	simm.s32 $0x1B8E;
	s24 =	sld [smem:$0x3FFE];
	[sflag:s23] =	ssyncadd.s32 $0xFFFFFFFF  }
0xa5: {  	s26 =	simm.s32 $execute0_lowered;
	[smem:$0x3FD2] =	sst s25  }
0xa6: {  	s4 =	sshll.u32 s26, $0x1;
	_ =	strace $0x8000004C;
	[dreg:$0x1] =	wrdreg $0xFFFFFFFF  }
0xa7: {  	s28 =	simm.s32 $_size_execute0_lowered;
	s2 =	sadd.s32 s2, s4;
	[dreg:$0x0] =	wrdreg $0x0  }
0xa8: {  	s4 =	sshll.u32 s28, $0x1;
	[dreg:$0x2] =	wrdreg s2  }
0xa9: {  	[dreg:$0x3] =	wrdreg s4  }
0xaa: {  	[dreg:$0x4] =	wrdreg $0xC0  }
0xab: {  	_ =	task [dreg:s6], $0x5FFFF  }
0xac: {  	[dreg:$0x1] =	wrdreg $0xFFFFFFFF  }
0xad: {  	[dreg:$0x0] =	wrdreg $0x60  }
0xae: {  	[dreg:$0x2] =	wrdreg s24  }
0xaf: {  	[dreg:$0x3] =	wrdreg $0x9  }
0xb0: {  	_ =	task.clear_ibuf [dreg:s6], $0x4FFFF;
	_ =	strace $0x9000004C  }
0xb1: {  	s29 =	simm.s32 $0x9;
	_ =	strace $0x8000004E  }
0xb2: {  	_ =	swait.ge [sflag:s29], $0x1  }
0xb3: {  	[sflag:s29] =	ssyncadd.s32 $0xFFFFFFFF  }
0xb4: {  	_ =	strace $0x9000004E  }
0xb5: {  	_ =	sfence  }
0xb6: {  	s30 =	sld [smem:$0x0];
	_ =	sdelay $0x2  }
0xb7: {  	s31 =	sshll.u32 s1, $0xD;
	s1 =	sshrl.u32 s1, $0x2  }
0xb8: {  	s3 =	sand.u32 $0x4000, s31;
	s1 =	sadd.s32 s1, s30  }
0xb9: {  	s0 =	sor.u32 s3, s0;
	s1 =	sshll.u32 s1, $0x11  }
0xba: {  	s0 =	sor.u32 s1, s0  }
0xbb: {  	s0 =	sadd.s32 $0x8F2B, s0  }
0xbc: {  	[sflag:s0] =	ssyncadd.remote.s32 $0x1  }
0xbd: {  	_ =	sfence.sel $0xFFFF  }
0xbe: {  	[dreg:$0x0] =	wrdreg $0xFFFFFFFF;
	(pc) =	sbr.abs _section_cstart, $3  }
0xbf: {  	[dreg:$0x1] =	wrdreg $0xFFFFFFFF  }
0xc0: {  	_ =	task.clear_ibuf [dreg:s6], $0x2FFFF;
	_ =	strace $0x9FFFFFFF  }
0xc1: {  	(tm) =	ssettm $0x7FFFFFFF  }
tec
execute0_lowered:
.L_overlay_start_1:
0x0: {  	(tag) =	ssettag $0x1  }
0x1: {  	s7 =	rddreg [dreg:$0x0]  }
0x2: {  	s0 =	rddreg [dreg:$0x1];
	s1 =	simm.s32 $0x0;
	s3 =	srdreg.scid  }
0x3: {  	s11 =	simm.s32 $0x80;
	s12 =	simm.s32 $0x100;
	s13 =	simm.s32 $0x4100  }
0x4: {  	s14 =	simm.s32 $0x1;
	s15 =	simm.s32 $0x2;
	s16 =	simm.s32 $0x8100  }
0x5: {  	s17 =	simm.s32 $0x0;
	[smem:$0x7FF] =	sst s1;
	s2 =	sadd.s32 $0x96A00, s7  }
0x6: {  	vm0 =	vmmov $0x1;
	vm1 =	vmmov $0x3;
	vm2 =	vmmov $0x7;
	s4 =	sadd.s32 $0x9EA00, s7;
	s5 =	sadd.s32 $0xCCA00, s7;
	s6 =	sand.u32 $0x1, s3  }
0x7: {  	vm3 =	vmmov $0xf;
	vm4 =	vmmov $0x1f;
	vm5 =	vmmov $0x3f;
	s3 =	stileid.u32;
	_ =	strace $0x8000004D;
	s8 =	ssub.s32 $0x2, s6  }
0x8: {  	vm6 =	vmmov $0x7f;
	vm7 =	vmmov $0xff;
	vm8 =	vmmov $0x1ff;
	s9 =	sshll.u32 s6, $0x4;
	s6 =	sadd.s32 $0xCFC00, s7;
	s10 =	sshrl.u32 s8, $0x1  }
0x9: {  	vm9 =	vmmov $0x3ff;
	vm10 =	vmmov $0x7ff;
	vm11 =	vmmov $0xfff;
	s7 =	sadd.s32 $0xC5C00, s7;
	s9 =	sor.u32 s3, s9;
	s10 =	ssub.s32 s8, s10  }
0xa: {  	vm12 =	vmmov $0x1fff;
	vm13 =	vmmov $0x3fff;
	vm14 =	vmmov $0x7fff;
	s8 =	smul.u32 $0xC80, s9;
	s9 =	smax.u32 s10, $0x1;
	s10 =	simm.s32 $0x3  }
.LBB2_1:
0xb: {  	s18 =	simm.s32 $0x0  }
.LBB2_2:
0xc: {  	s19 =	sshll.u32 s18, $0x7  }
0xd: {  	s19 =	sadd.s32 s8, s19  }
0xe: {  	s19 =	sshrl.u32 s19, $0x3  }
0xf: {  	s20 =	simm.s32 $0x0;
	s21 =	sadd.s32 s5, s19  }
0x10: {  	[tilespmem:s20], [sflag:$0x3] =	stream.linear.gather [hbm4b:s21+s20], $0x80, $0x38;
	[tilespmem:$0x8180] =	vst v63  }
0x11: {  	_ =	swait.ge [sflag:s10], $0x80  }
0x12: {  	[sflag:s10] =	ssyncset.done $0x0  }
0x13: {  	s31 =	sadd.s32 s6, s19;
	[sflag:s10] =	ssyncadd.s32 $0xFFFFFF80  }
0x14: {  	[tilespmem:s11], [sflag:$0x3] =	stream.linear.gather [hbm4b:s31+s20], $0x80, $0x38;
	[tilespmem:$0x8180] =	vst v63  }
0x15: {  	_ =	swait.ge [sflag:s10], $0x80  }
0x16: {  	[sflag:s10] =	ssyncset.done $0x0  }
0x17: {  	[sflag:s10] =	ssyncadd.s32 $0xFFFFFF80  }
0x18: {  	[tilespmem:s12], [sflag:$0x1] =	stream.indirect.gather [hbm4b:s2+s11], $0x80, s20, s11, $0xb8;
	[tilespmem:$0x8180] =	vst v63  }
0x19: {  	_ = 	snop  }
0x1a: {  	[tilespmem:s13], [sflag:$0x2] =	stream.indirect.gather [hbm4b:s4+s11], $0x80, s11, s11, $0xb8;
	[tilespmem:$0x8180] =	vst v63  }
0x1b: {  	_ =	swait.ge [sflag:s14], $0x4000  }
0x1c: {  	[sflag:s14] =	ssyncset.done $0x0  }
0x1d: {  	[sflag:s14] =	ssyncadd.s32 $0xFFFFC000  }
0x1e: {  	_ =	swait.ge [sflag:s15], $0x4000  }
0x1f: {  	[sflag:s15] =	ssyncset.done $0x0  }
0x20: {  	s21 =	simm.s32 $0x0;
	[sflag:s15] =	ssyncadd.s32 $0xFFFFC000  }
0x21: {  	v0 =	vld [tilespmem:s21+$0x8D0];
	_ =	sdelay $0x4  }
0x22: {  	[tilespmem:$0x1F860] =	vst v0;
	v0 =	vld [tilespmem:s21+$0x48D0];
	_ =	sdelay $0x4  }
0x23: {  	[tilespmem:$0x1F870] =	vst v0;
	v0 =	vld [tilespmem:s21+$0x8C0];
	_ =	sdelay $0x4  }
0x24: {  	[tilespmem:$0x1F880] =	vst v0;
	v0 =	vld [tilespmem:s21+$0x48C0];
	_ =	sdelay $0x4  }
0x25: {  	[tilespmem:$0x1F890] =	vst v0;
	v0 =	vld [tilespmem:s21+$0x4770];
	_ =	sdelay $0x4  }
0x26: {  	[tilespmem:$0x1F980] =	vst v0;
	v0 =	vld [tilespmem:s21+$0x7E0];
	_ =	sdelay $0x4  }
0x27: {  	[tilespmem:$0x1F8A0] =	vst v0;
	v0 =	vld [tilespmem:s21+$0x850];
	_ =	sdelay $0x4  }
0x28: {  	[tilespmem:$0x1F990] =	vst v0;
	v0 =	vld [tilespmem:s21+$0x8B0];
	_ =	sdelay $0x4  }
0x29: {  	[tilespmem:$0x1F9C0] =	vst v0;
	v0 =	vld [tilespmem:s21+$0x48B0];
	_ =	sdelay $0x4  }
0x2a: {  	[tilespmem:$0x1F9D0] =	vst v0;
	v0 =	vld [tilespmem:s21+$0x6F0];
	_ =	sdelay $0x4  }
0x2b: {  	[tilespmem:$0x1F9A0] =	vst v0;
	v0 =	vld [tilespmem:s21+$0x46F0];
	_ =	sdelay $0x4  }
0x2c: {  	[tilespmem:$0x1F9B0] =	vst v0;
	v0 =	vld [tilespmem:s21+$0x760];
	_ =	sdelay $0x4  }
0x2d: {  	[tilespmem:$0x1F9F0] =	vst v0;
	v0 =	vld [tilespmem:s21+$0x4760];
	_ =	sdelay $0x4  }
0x2e: {  	[tilespmem:$0x1FA00] =	vst v0;
	v0 =	vld [tilespmem:s21+$0x7D0];
	_ =	sdelay $0x4  }
0x2f: {  	[tilespmem:$0x1F8B0] =	vst v0;
	v0 =	vld [tilespmem:s21+$0x47D0];
	_ =	sdelay $0x4  }
0x30: {  	[tilespmem:$0x1F8C0] =	vst v0;
	v0 =	vld [tilespmem:s21+$0x8A0];
	_ =	sdelay $0x4  }
0x31: {  	[tilespmem:$0x1FA20] =	vst v0;
	v0 =	vld [tilespmem:s21+$0x830];
	_ =	sdelay $0x4  }
0x32: {  	[tilespmem:$0x1FA60] =	vst v0;
	v0 =	vld [tilespmem:s21+$0x890];
	_ =	sdelay $0x4  }
0x33: {  	[tilespmem:$0x1FA70] =	vst v0;
	v0 =	vld [tilespmem:s21+$0x4890];
	_ =	sdelay $0x4  }
0x34: {  	[tilespmem:$0x1FA80] =	vst v0;
	v0 =	vld [tilespmem:s21+$0x5F0];
	_ =	sdelay $0x4  }
0x35: {  	[tilespmem:$0x1FA90] =	vst v0;
	v0 =	vld [tilespmem:s21+$0x45F0];
	_ =	sdelay $0x4  }
0x36: {  	[tilespmem:$0x1FAA0] =	vst v0;
	v0 =	vld [tilespmem:s21+$0x660];
	_ =	sdelay $0x4  }
0x37: {  	[tilespmem:$0x1F8D0] =	vst v0;
	v0 =	vld [tilespmem:s21+$0x6D0];
	_ =	sdelay $0x4  }
0x38: {  	[tilespmem:$0x1FAB0] =	vst v0;
	v0 =	vld [tilespmem:s21+$0x46D0];
	_ =	sdelay $0x4  }
0x39: {  	[tilespmem:$0x1FAC0] =	vst v0;
	v0 =	vld [tilespmem:s21+$0x740];
	_ =	sdelay $0x4  }
0x3a: {  	[tilespmem:$0x1FAD0] =	vst v0;
	v0 =	vld [tilespmem:s21+$0x4740];
	_ =	sdelay $0x4  }
0x3b: {  	[tilespmem:$0x1FAE0] =	vst v0;
	v0 =	vld [tilespmem:s21+$0x7B0];
	_ =	sdelay $0x4  }
0x3c: {  	[tilespmem:$0x1FAF0] =	vst v0;
	v0 =	vld [tilespmem:s21+$0x47B0];
	_ =	sdelay $0x4  }
0x3d: {  	[tilespmem:$0x1FB00] =	vst v0;
	v0 =	vld [tilespmem:s21+$0x5E0];
	_ =	sdelay $0x4  }
0x3e: {  	[tilespmem:$0x1FB30] =	vst v0;
	v0 =	vld [tilespmem:s21+$0x650];
	_ =	sdelay $0x4  }
0x3f: {  	[tilespmem:$0x1F8E0] =	vst v0;
	v0 =	vld [tilespmem:s21+$0x4650];
	_ =	sdelay $0x4  }
0x40: {  	[tilespmem:$0x1F8F0] =	vst v0;
	v0 =	vld [tilespmem:s21+$0x7A0];
	_ =	sdelay $0x4  }
0x41: {  	[tilespmem:$0x1FB40] =	vst v0;
	v0 =	vld [tilespmem:s21+$0x47A0];
	_ =	sdelay $0x4  }
0x42: {  	[tilespmem:$0x1FB50] =	vst v0;
	v0 =	vld [tilespmem:s21+$0x640];
	_ =	sdelay $0x4  }
0x43: {  	[tilespmem:$0x1FB60] =	vst v0;
	v0 =	vld [tilespmem:s21+$0x4640];
	_ =	sdelay $0x4  }
0x44: {  	[tilespmem:$0x1FB70] =	vst v0;
	v0 =	vld [tilespmem:s21+$0x6B0];
	_ =	sdelay $0x4  }
0x45: {  	[tilespmem:$0x1FB80] =	vst v0;
	v0 =	vld [tilespmem:s21+$0x790];
	_ =	sdelay $0x4  }
0x46: {  	[tilespmem:$0x1FB90] =	vst v0;
	v0 =	vld [tilespmem:s21+$0x4E0];
	_ =	sdelay $0x4  }
0x47: {  	[tilespmem:$0x1F900] =	vst v0;
	v0 =	vld [tilespmem:s21+$0x5C0];
	_ =	sdelay $0x4  }
0x48: {  	[tilespmem:$0x1FBB0] =	vst v0;
	v0 =	vld [tilespmem:s21+$0x45C0];
	_ =	sdelay $0x4  }
0x49: {  	[tilespmem:$0x1FBC0] =	vst v0;
	v0 =	vld [tilespmem:s21+$0x630];
	_ =	sdelay $0x4  }
0x4a: {  	[tilespmem:$0x1FBF0] =	vst v0;
	v0 =	vld [tilespmem:s21+$0x4630];
	_ =	sdelay $0x4  }
0x4b: {  	[tilespmem:$0x1FC00] =	vst v0;
	v0 =	vld [tilespmem:s21+$0x6A0];
	_ =	sdelay $0x4  }
0x4c: {  	[tilespmem:$0x1FBD0] =	vst v0;
	v0 =	vld [tilespmem:s21+$0x46A0];
	_ =	sdelay $0x4  }
0x4d: {  	[tilespmem:$0x1FBE0] =	vst v0;
	v0 =	vld [tilespmem:s21+$0x460];
	_ =	sdelay $0x4  }
0x4e: {  	[tilespmem:$0x1FC10] =	vst v0;
	v0 =	vld [tilespmem:s21+$0x4460];
	_ =	sdelay $0x4  }
0x4f: {  	[tilespmem:$0x1FC20] =	vst v0;
	v0 =	vld [tilespmem:s21+$0x4D0];
	_ =	sdelay $0x4  }
0x50: {  	[tilespmem:$0x1F910] =	vst v0;
	v0 =	vld [tilespmem:s21+$0x44D0];
	_ =	sdelay $0x4  }
0x51: {  	[tilespmem:$0x1F920] =	vst v0;
	v0 =	vld [tilespmem:s21+$0x540];
	_ =	sdelay $0x4  }
0x52: {  	[tilespmem:$0x1FC40] =	vst v0;
	v0 =	vld [tilespmem:s21+$0x4540];
	_ =	sdelay $0x4  }
0x53: {  	[tilespmem:$0x1FC50] =	vst v0;
	v0 =	vld [tilespmem:s21+$0x5B0];
	_ =	sdelay $0x4  }
0x54: {  	[tilespmem:$0x1FC60] =	vst v0;
	v0 =	vld [tilespmem:s21+$0x45B0];
	_ =	sdelay $0x4  }
0x55: {  	[tilespmem:$0x1FC70] =	vst v0;
	v0 =	vld [tilespmem:s21+$0x620];
	_ =	sdelay $0x4  }
0x56: {  	[tilespmem:$0x1FC80] =	vst v0;
	v0 =	vld [tilespmem:s21+$0x4620];
	_ =	sdelay $0x4  }
0x57: {  	[tilespmem:$0x1FC90] =	vst v0;
	v0 =	vld [tilespmem:s21+$0x3E0];
	_ =	sdelay $0x4  }
0x58: {  	[tilespmem:$0x1FCB0] =	vst v0;
	v0 =	vld [tilespmem:s21+$0x43E0];
	_ =	sdelay $0x4  }
0x59: {  	[tilespmem:$0x1FCC0] =	vst v0;
	v0 =	vld [tilespmem:s21+$0x450];
	_ =	sdelay $0x4  }
0x5a: {  	[tilespmem:$0x1FCD0] =	vst v0;
	v0 =	vld [tilespmem:s21+$0x4450];
	_ =	sdelay $0x4  }
0x5b: {  	[tilespmem:$0x1FCE0] =	vst v0;
	v0 =	vld [tilespmem:s21+$0x4C0];
	_ =	sdelay $0x4  }
0x5c: {  	[tilespmem:$0x1FD10] =	vst v0;
	v0 =	vld [tilespmem:s21+$0x44C0];
	_ =	sdelay $0x4  }
0x5d: {  	[tilespmem:$0x1FD20] =	vst v0;
	v0 =	vld [tilespmem:s21+$0x530];
	_ =	sdelay $0x4  }
0x5e: {  	[tilespmem:$0x1FD40] =	vst v0;
	v0 =	vld [tilespmem:s21+$0x4530];
	_ =	sdelay $0x4  }
0x5f: {  	[tilespmem:$0x1FD50] =	vst v0;
	v0 =	vld [tilespmem:s21+$0x5A0];
	_ =	sdelay $0x4  }
0x60: {  	[tilespmem:$0x1FCF0] =	vst v0;
	v0 =	vld [tilespmem:s21+$0x45A0];
	_ =	sdelay $0x4  }
0x61: {  	[tilespmem:$0x1FD00] =	vst v0;
	v0 =	vld [tilespmem:s21+$0x610];
	_ =	sdelay $0x4  }
0x62: {  	[tilespmem:$0x1FD60] =	vst v0;
	v0 =	vld [tilespmem:s21+$0x4610];
	_ =	sdelay $0x4  }
0x63: {  	[tilespmem:$0x1FD70] =	vst v0;
	v0 =	vld [tilespmem:s21+$0x2F0];
	_ =	sdelay $0x4  }
0x64: {  	[tilespmem:$0x1FD80] =	vst v0;
	v0 =	vld [tilespmem:s21+$0x42F0];
	_ =	sdelay $0x4  }
0x65: {  	[tilespmem:$0x1FD90] =	vst v0;
	v0 =	vld [tilespmem:s21+$0x360];
	_ =	sdelay $0x4  }
0x66: {  	[tilespmem:$0x1F930] =	vst v0;
	v0 =	vld [tilespmem:s21+$0x3D0];
	_ =	sdelay $0x4  }
0x67: {  	[tilespmem:$0x1FDA0] =	vst v0;
	v0 =	vld [tilespmem:s21+$0x43D0];
	_ =	sdelay $0x4  }
0x68: {  	[tilespmem:$0x1FDB0] =	vst v0;
	v0 =	vld [tilespmem:s21+$0x440];
	_ =	sdelay $0x4  }
0x69: {  	[tilespmem:$0x1FDC0] =	vst v0;
	v0 =	vld [tilespmem:s21+$0x4440];
	_ =	sdelay $0x4  }
0x6a: {  	[tilespmem:$0x1FDD0] =	vst v0;
	v0 =	vld [tilespmem:s21+$0x4B0];
	_ =	sdelay $0x4  }
0x6b: {  	[tilespmem:$0x1FE40] =	vst v0;
	v0 =	vld [tilespmem:s21+$0x44B0];
	_ =	sdelay $0x4  }
0x6c: {  	[tilespmem:$0x1FE50] =	vst v0;
	v0 =	vld [tilespmem:s21+$0x520];
	_ =	sdelay $0x4  }
0x6d: {  	[tilespmem:$0x1FE00] =	vst v0;
	v0 =	vld [tilespmem:s21+$0x4520];
	_ =	sdelay $0x4  }
0x6e: {  	[tilespmem:$0x1FE10] =	vst v0;
	v0 =	vld [tilespmem:s21+$0x600];
	_ =	sdelay $0x4  }
0x6f: {  	[tilespmem:$0x1FDE0] =	vst v0;
	v0 =	vld [tilespmem:s21+$0x4600];
	_ =	sdelay $0x4  }
0x70: {  	[tilespmem:$0x1FDF0] =	vst v0;
	v0 =	vld [tilespmem:s21+$0x270];
	_ =	sdelay $0x4  }
0x71: {  	[tilespmem:$0x1FE20] =	vst v0;
	v0 =	vld [tilespmem:s21+$0x4270];
	_ =	sdelay $0x4  }
0x72: {  	[tilespmem:$0x1FE30] =	vst v0;
	v0 =	vld [tilespmem:s21+$0x2E0];
	_ =	sdelay $0x4  }
0x73: {  	[tilespmem:$0x1FE60] =	vst v0;
	v0 =	vld [tilespmem:s21+$0x42E0];
	_ =	sdelay $0x4  }
0x74: {  	[tilespmem:$0x1FE70] =	vst v0;
	v0 =	vld [tilespmem:s21+$0x350];
	_ =	sdelay $0x4  }
0x75: {  	[tilespmem:$0x1F940] =	vst v0;
	v0 =	vld [tilespmem:s21+$0x4350];
	_ =	sdelay $0x4  }
0x76: {  	[tilespmem:$0x1F950] =	vst v0;
	v0 =	vld [tilespmem:s21+$0x3C0];
	_ =	sdelay $0x4  }
0x77: {  	[tilespmem:$0x1FE80] =	vst v0;
	v0 =	vld [tilespmem:s21+$0x43C0];
	_ =	sdelay $0x4  }
0x78: {  	[tilespmem:$0x1FE90] =	vst v0;
	v0 =	vld [tilespmem:s21+$0x430];
	_ =	sdelay $0x4  }
0x79: {  	[tilespmem:$0x1FEA0] =	vst v0;
	v0 =	vld [tilespmem:s21+$0x4430];
	_ =	sdelay $0x4  }
0x7a: {  	[tilespmem:$0x1FEB0] =	vst v0;
	v0 =	vld [tilespmem:s21+$0x4A0];
	_ =	sdelay $0x4  }
0x7b: {  	[tilespmem:$0x1FEC0] =	vst v0;
	v0 =	vld [tilespmem:s21+$0x44A0];
	_ =	sdelay $0x4  }
0x7c: {  	[tilespmem:$0x1FED0] =	vst v0;
	v0 =	vld [tilespmem:s21+$0x170];
	_ =	sdelay $0x4  }
0x7d: {  	[tilespmem:$0x1FEE0] =	vst v0;
	v0 =	vld [tilespmem:s21+$0x4170];
	_ =	sdelay $0x4  }
0x7e: {  	[tilespmem:$0x1FEF0] =	vst v0;
	v0 =	vld [tilespmem:s21+$0x260];
	_ =	sdelay $0x4  }
0x7f: {  	[tilespmem:$0x1FF20] =	vst v0;
	v0 =	vld [tilespmem:s21+$0x4260]  }
0x80: {  	v2 =	vld [tilespmem:s21+$0x870]  }
0x81: {  	v3 =	vld [tilespmem:s21+$0x4870]  }
0x82: {  	v1 =	vld [tilespmem:s21+$0x860]  }
0x83: {  	v4 =	vld [tilespmem:s21+$0x4860]  }
0x84: {  	[tilespmem:$0x1FF30] =	vst v0;
	v0 =	vld [tilespmem:s21+$0x2D0]  }
0x85: {  	v15 =	vld [tilespmem:s21+$0x770]  }
0x86: {  	v57 =	vld [tilespmem:s21+$0x4850]  }
0x87: {  	v50 =	vld [tilespmem:s21+$0x840]  }
0x88: {  	v41 =	vld [tilespmem:s21+$0x4840]  }
0x89: {  	[tilespmem:$0x1FF40] =	vst v0;
	v0 =	vld [tilespmem:s21+$0x42D0]  }
0x8a: {  	v56 =	vld [tilespmem:s21+$0x48A0]  }
0x8b: {  	v60 =	vld [tilespmem:s21+$0x6E0]  }
0x8c: {  	v48 =	vld [tilespmem:s21+$0x46E0]  }
0x8d: {  	v51 =	vld [tilespmem:s21+$0x750]  }
0x8e: {  	[tilespmem:$0x1FF50] =	vst v0;
	v0 =	vld [tilespmem:s21+$0x340]  }
0x8f: {  	v42 =	vld [tilespmem:s21+$0x4750]  }
0x90: {  	v47 =	vld [tilespmem:s21+$0x7C0]  }
0x91: {  	v40 =	vld [tilespmem:s21+$0x47C0]  }
0x92: {  	v61 =	vld [tilespmem:s21+$0x4830]  }
0x93: {  	[tilespmem:$0x1F960] =	vst v0;
	v0 =	vld [tilespmem:s21+$0x4340]  }
0x94: {  	v29 =	vld [tilespmem:s21+$0x820]  }
0x95: {  	v26 =	vld [tilespmem:s21+$0x4820]  }
0x96: {  	v25 =	vld [tilespmem:s21+$0x880]  }
0x97: {  	v24 =	vld [tilespmem:s21+$0x4880]  }
0x98: {  	[tilespmem:$0x1F970] =	vst v0;
	v0 =	vld [tilespmem:s21+$0x3B0]  }
0x99: {  	v46 =	vld [tilespmem:s21+$0x570]  }
0x9a: {  	v45 =	vld [tilespmem:s21+$0x4570]  }
0x9b: {  	v62 =	vld [tilespmem:s21+$0x45E0]  }
0x9c: {  	v39 =	vld [tilespmem:s21+$0x6C0]  }
0x9d: {  	[tilespmem:$0x1FF60] =	vst v0;
	v0 =	vld [tilespmem:s21+$0x43B0]  }
0x9e: {  	v38 =	vld [tilespmem:s21+$0x46C0]  }
0x9f: {  	v63 =	vld [tilespmem:s21+$0x730]  }
0xa0: {  	v49 =	vld [tilespmem:s21+$0x4730]  }
0xa1: {  	v19 =	vld [tilespmem:s21+$0x810]  }
0xa2: {  	[tilespmem:$0x1FF70] =	vst v0;
	v0 =	vld [tilespmem:s21+$0x420]  }
0xa3: {  	v18 =	vld [tilespmem:s21+$0x4810]  }
0xa4: {  	v36 =	vld [tilespmem:s21+$0x560]  }
0xa5: {  	v34 =	vld [tilespmem:s21+$0x4560]  }
0xa6: {  	v52 =	vld [tilespmem:s21+$0x5D0]  }
0xa7: {  	[tilespmem:$0x1FF00] =	vst v0;
	v0 =	vld [tilespmem:s21+$0x4420]  }
0xa8: {  	v44 =	vld [tilespmem:s21+$0x45D0]  }
0xa9: {  	v53 =	vld [tilespmem:s21+$0x46B0]  }
0xaa: {  	v31 =	vld [tilespmem:s21+$0x720]  }
0xab: {  	v30 =	vld [tilespmem:s21+$0x4720]  }
0xac: {  	[tilespmem:$0x1FF10] =	vst v0;
	v0 =	vld [tilespmem:s21+$0x490]  }
0xad: {  	v58 =	vld [tilespmem:s21+$0x4790]  }
0xae: {  	v8 =	vld [tilespmem:s21+$0x800]  }
0xaf: {  	v7 =	vld [tilespmem:s21+$0x4800]  }
0xb0: {  	v54 =	vld [tilespmem:s21+$0x470]  }
0xb1: {  	[tilespmem:$0x1FF80] =	vst v0;
	v0 =	vld [tilespmem:s21+$0x4490]  }
0xb2: {  	v43 =	vld [tilespmem:s21+$0x4470]  }
0xb3: {  	v37 =	vld [tilespmem:s21+$0x550]  }
0xb4: {  	v35 =	vld [tilespmem:s21+$0x4550]  }
0xb5: {  	v17 =	vld [tilespmem:s21+$0x710]  }
0xb6: {  	[tilespmem:$0x1FF90] =	vst v0;
	v0 =	vld [tilespmem:s21+$0x160]  }
0xb7: {  	v16 =	vld [tilespmem:s21+$0x4710]  }
0xb8: {  	v33 =	vld [tilespmem:s21+$0x780]  }
0xb9: {  	v32 =	vld [tilespmem:s21+$0x4780]  }
0xba: {  	v59 =	vld [tilespmem:s21+$0x3F0]  }
0xbb: {  	[tilespmem:$0x1FFA0] =	vst v0;
	v0 =	vld [tilespmem:s21+$0x4160]  }
0xbc: {  	v55 =	vld [tilespmem:s21+$0x43F0]  }
0xbd: {  	v23 =	vld [tilespmem:s21+$0x690]  }
0xbe: {  	v22 =	vld [tilespmem:s21+$0x4690]  }
0xbf: {  	v6 =	vld [tilespmem:s21+$0x700]  }
0xc0: {  	[tilespmem:$0x1FFB0] =	vst v0;
	v0 =	vld [tilespmem:s21+$0x250]  }
0xc1: {  	v5 =	vld [tilespmem:s21+$0x4700]  }
0xc2: {  	v12 =	vld [tilespmem:s21+$0x680]  }
0xc3: {  	v11 =	vld [tilespmem:s21+$0x4680];
	v7 =	vmul.f32 v7, v8  }
0xc4: {  	v2 =	vmul.f32 v3, v2;
	v3 =	vld [tilespmem:s21+$0x2C0]  }
0xc5: {  	v18 =	vmul.f32 v18, v19;
	v7 =	vadd.f32 $0.0e+00, v7;
	[tilespmem:$0x1FFC0] =	vst v0;
	v0 =	vld [tilespmem:s21+$0x4250]  }
0xc6: {  	v24 =	vmul.f32 v24, v25;
	v25 =	vld [tilespmem:$0x1FA70]  }
0xc7: {  	v7 =	vadd.f32 v18, v7;
	v18 =	vmul.f32 v26, v29;
	v26 =	vld [tilespmem:$0x1FA80]  }
0xc8: {  	v21 =	vld [tilespmem:s21+$0x590]  }
0xc9: {  	v8 =	vld [tilespmem:$0x1FA20]  }
0xca: {  	[tilespmem:$0x1FFD0] =	vst v0;
	v0 =	vld [tilespmem:$0x1F980]  }
0xcb: {  	[tilespmem:$0x1FFE0] =	vst v3;
	v3 =	vld [tilespmem:$0x1F9A0]  }
0xcc: {  	v26 =	vmul.f32 v26, v25;
	v25 =	vld [tilespmem:$0x1FA90]  }
0xcd: {  	v29 =	vld [tilespmem:$0x1FAA0]  }
0xce: {  	v1 =	vmul.f32 v4, v1;
	v19 =	vld [tilespmem:$0x1FA60]  }
0xcf: {  	v8 =	vmul.f32 v56, v8;
	v4 =	vmul.f32 v0, v15;
	v15 =	vld [tilespmem:$0x1F9B0]  }
0xd0: {  	v0 =	vld [tilespmem:$0x1F990]  }
0xd1: {  	[tilespmem:$0x1FA30] =	vst v8;
	v8 =	vld [tilespmem:s21+$0x4330]  }
0xd2: {  	v56 =	vmul.f32 v29, v25;
	v25 =	vld [tilespmem:$0x1FAB0]  }
0xd3: {  	v29 =	vld [tilespmem:$0x1FAC0]  }
0xd4: {  	v15 =	vmul.f32 v15, v3;
	v3 =	vld [tilespmem:$0x1F9C0]  }
0xd5: {  	v24 =	vadd.f32 $0.0e+00, v24;
	v0 =	vmul.f32 v57, v0;
	v57 =	vld [tilespmem:$0x1F9D0]  }
0xd6: {  	v20 =	vld [tilespmem:s21+$0x4590];
	v5 =	vmul.f32 v5, v6  }
0xd7: {  	v7 =	vadd.f32 v18, v7;
	v19 =	vmul.f32 v61, v19;
	v6 =	vadd.f32 v26, v24;
	v24 =	vld [tilespmem:$0x1FB40]  }
0xd8: {  	v26 =	vld [tilespmem:$0x1FB50]  }
0xd9: {  	v28 =	vld [tilespmem:s21+$0x510];
	v41 =	vmul.f32 v41, v50;
	[tilespmem:$0x1FA40] =	vst v8;
	v8 =	vmul.f32 v48, v60;
	v7 =	vadd.f32 v19, v7  }
0xda: {  	v60 =	vmul.f32 v29, v25;
	v25 =	vld [tilespmem:$0x1FAD0];
	v3 =	vmul.f32 v57, v3  }
0xdb: {  	v7 =	vadd.f32 v41, v7;
	v29 =	vld [tilespmem:$0x1FAE0]  }
0xdc: {  	v17 =	vmul.f32 v16, v17;
	v5 =	vadd.f32 $0.0e+00, v5;
	v19 =	vmul.f32 v49, v63;
	[tilespmem:$0x1F9E0] =	vst v3;
	v3 =	vld [tilespmem:s21+$0x42C0]  }
0xdd: {  	v49 =	vmul.f32 v34, v36;
	v34 =	vmul.f32 v26, v24;
	v26 =	vld [tilespmem:$0x1FB60];
	v0 =	vadd.f32 v0, v7  }
0xde: {  	v5 =	vadd.f32 v17, v5;
	v17 =	vmul.f32 v30, v31;
	v31 =	vld [tilespmem:$0x1FB70]  }
0xdf: {  	v0 =	vadd.f32 v1, v0;
	v1 =	vld [tilespmem:s21+$0x4320]  }
0xe0: {  	v57 =	vld [tilespmem:$0x1FA00]  }
0xe1: {  	v5 =	vadd.f32 v17, v5;
	[tilespmem:$0x1FFF0] =	vst v3;
	v3 =	vld [tilespmem:$0x1F9F0]  }
0xe2: {  	v17 =	vld [tilespmem:$0x1FBB0]  }
0xe3: {  	v36 =	vmul.f32 v44, v52;
	v5 =	vadd.f32 v19, v5;
	v19 =	vld [tilespmem:$0x1FBC0];
	v7 =	vmul.f32 v11, v12  }
0xe4: {  	v52 =	vmul.f32 v43, v54;
	v44 =	vmul.f32 v31, v26;
	v31 =	vld [tilespmem:$0x1FC00]  }
0xe5: {  	v7 =	vadd.f32 $0.0e+00, v7;
	v43 =	vadd.f32 v2, v0;
	v2 =	vld [tilespmem:$0x1FBE0];
	[tilespmem:$0x1FBA0] =	vst v1;
	v1 =	vmul.f32 v22, v23  }
0xe6: {  	v3 =	vmul.f32 v57, v3;
	v57 =	vld [tilespmem:s21+$0x330]  }
0xe7: {  	v0 =	vadd.f32 v1, v7;
	v1 =	vld [tilespmem:$0x1FBD0]  }
0xe8: {  	v7 =	vld [tilespmem:$0x1FBF0]  }
0xe9: {  	v27 =	vld [tilespmem:s21+$0x4510]  }
0xea: {  	v10 =	vld [tilespmem:s21+$0x580];
	v19 =	vmul.f32 v19, v17  }
0xeb: {  	v9 =	vld [tilespmem:s21+$0x4580];
	v17 =	vmul.f32 v32, v33;
	[tilespmem:$0x1FA10] =	vst v57;
	v57 =	vmul.f32 v29, v25  }
0xec: {  	v14 =	vld [tilespmem:s21+$0x500];
	v48 =	vmul.f32 v42, v51;
	v1 =	vmul.f32 v2, v1  }
0xed: {  	v61 =	vmul.f32 v31, v7;
	v7 =	vadd.f32 $0.0e+00, v17;
	v17 =	vld [tilespmem:$0x1FC10];
	v2 =	vadd.f32 v57, v5  }
0xee: {  	v31 =	vld [tilespmem:$0x1FC20]  }
0xef: {  	v0 =	vadd.f32 v1, v0;
	v1 =	vadd.f32 v48, v2;
	v2 =	vld [tilespmem:s21+$0x140]  }
0xf0: {  	v11 =	vld [tilespmem:$0x1FB90]  }
0xf1: {  	v13 =	vld [tilespmem:s21+$0x4500]  }
0xf2: {  	[tilespmem:$0x1FB20] =	vst v6;
	v6 =	vld [tilespmem:$0x1FB30]  }
0xf3: {  	v54 =	vmul.f32 v31, v17;
	v17 =	vld [tilespmem:$0x1FC50]  }
0xf4: {  	[tilespmem:$0x1FC30] =	vst v2;
	v2 =	vld [tilespmem:$0x1FC40]  }
0xf5: {  	v50 =	vld [tilespmem:s21+$0x3A0];
	v11 =	vmul.f32 v58, v11  }
0xf6: {  	v40 =	vmul.f32 v40, v47;
	v47 =	vld [tilespmem:s21+$0x4410];
	v1 =	vadd.f32 v3, v1  }
0xf7: {  	v6 =	vmul.f32 v62, v6;
	v62 =	vadd.f32 v11, v7;
	v7 =	vld [tilespmem:$0x1FC60]  }
0xf8: {  	v57 =	vadd.f32 v4, v1;
	v1 =	vld [tilespmem:$0x1FCD0]  }
0xf9: {  	v48 =	vmul.f32 v17, v2;
	v2 =	vmul.f32 v9, v10;
	v9 =	vld [tilespmem:$0x1FC70]  }
0xfa: {  	v4 =	vld [tilespmem:$0x1FCE0]  }
0xfb: {  	v11 =	vld [tilespmem:$0x1FC90]  }
0xfc: {  	v3 =	vld [tilespmem:$0x1FC80]  }
0xfd: {  	v38 =	vmul.f32 v38, v39;
	v16 =	vld [tilespmem:s21+$0x240];
	v39 =	vmul.f32 v55, v59  }
0xfe: {  	v59 =	vld [tilespmem:s21+$0x4140];
	v2 =	vadd.f32 $0.0e+00, v2;
	v7 =	vmul.f32 v9, v7;
	v9 =	vmul.f32 v20, v21  }
0xff: {  	v58 =	vmul.f32 v4, v1;
	v4 =	vld [tilespmem:$0x1FD00]  }
0x100: {  	v1 =	vadd.f32 v9, v2;
	v2 =	vld [tilespmem:$0x1FCF0]  }
0x101: {  	v55 =	vld [tilespmem:s21+$0x4230];
	v3 =	vmul.f32 v11, v3  }
0x102: {  	v11 =	vld [tilespmem:$0x1FCC0]  }
0x103: {  	[tilespmem:$0x1FCA0] =	vst v3;
	v3 =	vld [tilespmem:$0x1FCB0]  }
0x104: {  	v9 =	vld [tilespmem:$0x1FD20]  }
0x105: {  	v2 =	vmul.f32 v4, v2;
	v4 =	vld [tilespmem:$0x1FD10]  }
0x106: {  	[tilespmem:$0x1FA50] =	vst v40;
	v40 =	vld [tilespmem:s21+$0x410]  }
0x107: {  	v30 =	vld [tilespmem:s21+$0x2B0]  }
0x108: {  	v18 =	vmul.f32 v45, v46;
	v46 =	vld [tilespmem:s21+$0x150]  }
0x109: {  	v51 =	vld [tilespmem:s21+$0x43A0]  }
0x10a: {  	v3 =	vmul.f32 v11, v3;
	v11 =	vld [tilespmem:$0x1FD70];
	v4 =	vmul.f32 v9, v4  }
0x10b: {  	v9 =	vld [tilespmem:$0x1FD50]  }
0x10c: {  	[tilespmem:$0x1FD30] =	vst v4;
	v4 =	vld [tilespmem:$0x1FD40]  }
0x10d: {  	v1 =	vadd.f32 v2, v1;
	v2 =	vld [tilespmem:$0x1FD60]  }
0x10e: {  	v42 =	vld [tilespmem:s21+$0x480]  }
0x10f: {  	v26 =	vld [tilespmem:$0x1FB80]  }
0x110: {  	v63 =	vld [tilespmem:s21+$0x320]  }
0x111: {  	v24 =	vld [tilespmem:s21+$0x4240];
	v4 =	vmul.f32 v9, v4  }
0x112: {  	v9 =	vmul.f32 v13, v14;
	v13 =	vmul.f32 v11, v2;
	v2 =	vld [tilespmem:$0x1FD80]  }
0x113: {  	v11 =	vld [tilespmem:$0x1FD90]  }
0x114: {  	v45 =	vmul.f32 v53, v26;
	v26 =	vld [tilespmem:s21+$0x42B0]  }
0x115: {  	v53 =	vld [tilespmem:s21+$0x4400]  }
0x116: {  	v22 =	vld [tilespmem:s21+$0x390]  }
0x117: {  	v23 =	vld [tilespmem:s21+$0x4390]  }
0x118: {  	v12 =	vmul.f32 v35, v37;
	v37 =	vmul.f32 v11, v2;
	v2 =	vld [tilespmem:$0x1FDA0]  }
0x119: {  	v11 =	vld [tilespmem:$0x1FDB0]  }
0x11a: {  	v16 =	vmul.f32 v24, v16;
	v24 =	vmul.f32 v26, v30;
	v26 =	vld [tilespmem:s21+$0x4110];
	v0 =	vadd.f32 v45, v0  }
0x11b: {  	v32 =	vld [tilespmem:s21+$0x2A0]  }
0x11c: {  	v22 =	vmul.f32 v23, v22;
	v23 =	vld [tilespmem:s21+$0x4120];
	v0 =	vadd.f32 v38, v0  }
0x11d: {  	v14 =	vld [tilespmem:$0x1FDD0]  }
0x11e: {  	v0 =	vadd.f32 v60, v0;
	v60 =	vmul.f32 v11, v2;
	v11 =	vld [tilespmem:$0x1FDC0]  }
0x11f: {  	v45 =	vld [tilespmem:s21+$0x4310]  }
0x120: {  	v31 =	vld [tilespmem:s21+$0x42A0]  }
0x121: {  	v25 =	vld [tilespmem:$0x1FAF0]  }
0x122: {  	v20 =	vld [tilespmem:$0x1FDF0]  }
0x123: {  	v14 =	vmul.f32 v14, v11;
	v11 =	vld [tilespmem:$0x1FDE0]  }
0x124: {  	v29 =	vld [tilespmem:$0x1FB00]  }
0x125: {  	v5 =	vld [tilespmem:s21+$0x400];
	v1 =	vadd.f32 v7, v1  }
0x126: {  	v0 =	vadd.f32 v8, v0;
	v8 =	vld [tilespmem:s21+$0x380]  }
0x127: {  	v19 =	vadd.f32 v19, v1;
	v1 =	vld [tilespmem:$0x1FE20]  }
0x128: {  	v11 =	vmul.f32 v20, v11;
	v20 =	vld [tilespmem:$0x1FE30]  }
0x129: {  	v25 =	vmul.f32 v29, v25;
	v29 =	vld [tilespmem:s21+$0x4150]  }
0x12a: {  	v33 =	vadd.f32 v15, v0;
	v15 =	vld [tilespmem:$0x1FE10];
	v7 =	vadd.f32 $0.0e+00, v9;
	v2 =	vmul.f32 v27, v28  }
0x12b: {  	v9 =	vld [tilespmem:s21+$0x4380]  }
0x12c: {  	v19 =	vadd.f32 v36, v19;
	v7 =	vadd.f32 v2, v7;
	v2 =	vld [tilespmem:$0x1FE00]  }
0x12d: {  	v38 =	vmul.f32 v20, v1;
	v1 =	vld [tilespmem:$0x1FE40]  }
0x12e: {  	v6 =	vadd.f32 v6, v19;
	v20 =	vld [tilespmem:$0x1FE50]  }
0x12f: {  	v0 =	vld [tilespmem:s21+$0x130]  }
0x130: {  	v9 =	vmul.f32 v9, v8;
	v8 =	vadd.f32 v56, v6;
	v6 =	vld [tilespmem:$0x1FEE0]  }
0x131: {  	v28 =	vld [tilespmem:$0x1FEF0];
	v15 =	vmul.f32 v15, v2  }
0x132: {  	v21 =	vld [tilespmem:$0x1FE70]  }
0x133: {  	v5 =	vmul.f32 v53, v5;
	v15 =	vadd.f32 v15, v7;
	v35 =	vmul.f32 v20, v1;
	v1 =	vld [tilespmem:$0x1FE60]  }
0x134: {  	[tilespmem:$0x1FB10] =	vst v25;
	v25 =	vld [tilespmem:s21+$0x4480]  }
0x135: {  	v5 =	vadd.f32 $0.0e+00, v5;
	v27 =	vld [tilespmem:$0x1FE90];
	v4 =	vadd.f32 v4, v15;
	v15 =	vmul.f32 v47, v40  }
0x136: {  	v41 =	vmul.f32 v28, v6;
	v6 =	vld [tilespmem:$0x1FF00]  }
0x137: {  	v5 =	vadd.f32 v15, v5;
	v15 =	vld [tilespmem:$0x1FF10]  }
0x138: {  	v1 =	vmul.f32 v21, v1;
	v21 =	vld [tilespmem:$0x1FE80]  }
0x139: {  	v53 =	vld [tilespmem:s21+$0x4290]  }
0x13a: {  	v25 =	vmul.f32 v25, v42;
	v42 =	vld [tilespmem:s21+$0x4210];
	v20 =	vadd.f32 $0.0e+00, v11  }
0x13b: {  	v10 =	vld [tilespmem:s21+$0x230]  }
0x13c: {  	v4 =	vadd.f32 v48, v4;
	v36 =	vadd.f32 v13, v20;
	v20 =	vld [tilespmem:$0x1FEA0]  }
0x13d: {  	v48 =	vadd.f32 $0.0e+00, v9;
	v6 =	vmul.f32 v15, v6;
	v27 =	vmul.f32 v27, v21;
	v21 =	vld [tilespmem:$0x1FEB0]  }
0x13e: {  	v56 =	vld [tilespmem:$0x1FF70]  }
0x13f: {  	v5 =	vadd.f32 v6, v5;
	v6 =	vadd.f32 v22, v48;
	v48 =	vld [tilespmem:$0x1FF60]  }
0x140: {  	v17 =	vld [tilespmem:s21+$0x310]  }
0x141: {  	v19 =	vld [tilespmem:$0x1FEC0]  }
0x142: {  	v28 =	vld [tilespmem:$0x1FF50];
	v21 =	vmul.f32 v21, v20  }
0x143: {  	v2 =	vld [tilespmem:s21+$0x4130]  }
0x144: {  	v48 =	vmul.f32 v56, v48;
	v56 =	vadd.f32 v21, v5;
	v5 =	vld [tilespmem:$0x1FF80]  }
0x145: {  	v21 =	vld [tilespmem:$0x1FF90]  }
0x146: {  	v7 =	vld [tilespmem:s21+$0x4220]  }
0x147: {  	v47 =	vld [tilespmem:s21+$0x280];
	v12 =	vadd.f32 v12, v4  }
0x148: {  	v9 =	vld [tilespmem:$0x1FF30];
	v22 =	vmul.f32 v51, v50  }
0x149: {  	v4 =	vld [tilespmem:$0x1FF20];
	v12 =	vadd.f32 v49, v12  }
0x14a: {  	v6 =	vadd.f32 v22, v6;
	v22 =	vmul.f32 v21, v5;
	v5 =	vld [tilespmem:$0x1FFA0]  }
0x14b: {  	v21 =	vadd.f32 v18, v12;
	v12 =	vld [tilespmem:$0x1FFB0]  }
0x14c: {  	v49 =	vadd.f32 $0.0e+00, v25;
	v25 =	vld [tilespmem:$0x1FFF0]  }
0x14d: {  	v15 =	vld [tilespmem:s21+$0x120]  }
0x14e: {  	v11 =	vld [tilespmem:s21+$0x220]  }
0x14f: {  	v18 =	vadd.f32 v14, v56;
	v14 =	vld [tilespmem:$0x1FFD0]  }
0x150: {  	v5 =	vmul.f32 v12, v5;
	v12 =	vld [tilespmem:$0x1FFC0]  }
0x151: {  	v4 =	vmul.f32 v9, v4;
	v9 =	vld [tilespmem:$0x1FF40]  }
0x152: {  	v50 =	vld [tilespmem:s21+$0x4280]  }
0x153: {  	v20 =	vld [tilespmem:$0x1FED0]  }
0x154: {  	v51 =	vld [tilespmem:s21+$0x200]  }
0x155: {  	v14 =	vmul.f32 v14, v12;
	v12 =	vld [tilespmem:$0x1FFE0]  }
0x156: {  	v13 =	vld [tilespmem:s21+$0x290]  }
0x157: {  	v9 =	vmul.f32 v28, v9;
	v28 =	vld [tilespmem:s21+$0x210]  }
0x158: {  	v40 =	vmul.f32 v20, v19;
	v19 =	vld [tilespmem:s21+$0x300]  }
0x159: {  	v48 =	vadd.f32 v48, v6;
	v56 =	vld [tilespmem:s21+$0x4200]  }
0x15a: {  	v20 =	vld [tilespmem:s21+$0x4300];
	v25 =	vmul.f32 v25, v12;
	v12 =	vmul.f32 v29, v46;
	v29 =	vadd.f32 v58, v18  }
0x15b: {  	v6 =	vadd.f32 v22, v49;
	v49 =	vmul.f32 v50, v47;
	v58 =	vadd.f32 v27, v48;
	v27 =	vld [tilespmem:s21+$0x4100]  }
0x15c: {  	(xrf2) =	vadd.scan.msk.f32 $0xffff, v43;
	v18 =	vmul.f32 v55, v10;
	v10 =	vadd.f32 v54, v29;
	v29 =	vld [tilespmem:s21+$0x100]  }
0x15d: {  	v30 =	vmul.f32 v31, v32;
	(xrf2) =	vadd.scan.msk.f32 $0xffff, v57;
	v22 =	vld [tilespmem:s21+$0x110];
	v49 =	vadd.f32 $0.0e+00, v49;
	v48 =	vmul.f32 v53, v13  }
0x15e: {  	s22 =	simm.s32 $0x1;
	(xrf2) =	vadd.scan.msk.f32 $0xffff, v33;
	v46 =	vmul.f32 v56, v51;
	v13 =	vld [tilespmem:s21+$0x180];
	v47 =	vadd.f32 v60, v58;
	v10 =	vadd.f32 v52, v10  }
.LBB2_3:
0x15f: {  	v48 =	vadd.f32 v48, v49  }
0x160: {  	v31 =	vadd.f32 v3, v47;
	v19 =	vmul.f32 v20, v19  }
0x161: {  	v17 =	vmul.f32 v45, v17;
	v20 =	vmul.f32 v27, v29;
	v29 =	vadd.f32 v30, v48  }
0x162: {  	v30 =	vadd.f32 v39, v31;
	v31 =	vmul.f32 v7, v11;
	v11 =	vadd.f32 $0.0e+00, v19  }
0x163: {  	v19 =	vadd.f32 $0.0e+00, v20;
	v20 =	vmul.f32 v26, v22;
	v24 =	vadd.f32 v24, v29  }
0x164: {  	v46 =	vadd.f32 $0.0e+00, v46;
	v11 =	vadd.f32 v17, v11  }
0x165: {  	v28 =	vmul.f32 v42, v28;
	v17 =	vadd.f32 v20, v19;
	v20 =	vadd.f32 v25, v24  }
0x166: {  	v43 =	vld [tilespmem:s21+$0x4180]  }
0x167: {  	v58 =	vld [tilespmem:s21+$0x190];
	v28 =	vadd.f32 v28, v46;
	v9 =	vadd.f32 v9, v20  }
0x168: {  	v27 =	vld [tilespmem:s21+$0x4190]  }
0x169: {  	v26 =	vld [tilespmem:s21+$0x1B0];
	v28 =	vadd.f32 v31, v28;
	v1 =	vadd.f32 v1, v9  }
0x16a: {  	v15 =	vmul.f32 v23, v15;
	v19 =	vld [tilespmem:s21+$0x41B0]  }
0x16b: {  	v18 =	vadd.f32 v18, v28;
	v20 =	vadd.f32 v37, v1;
	v1 =	vld [tilespmem:$0x1FBA0]  }
0x16c: {  	(xrf2) =	vadd.scan.msk.f32 $0xffff, v8;
	v8 =	vld [tilespmem:s21+$0x1A0];
	v2 =	vmul.f32 v2, v0;
	v15 =	vadd.f32 v15, v17  }
0x16d: {  	v22 =	vld [tilespmem:s21+$0x41A0];
	v16 =	vadd.f32 v16, v18  }
0x16e: {  	v13 =	vmul.f32 v43, v13;
	v2 =	vadd.f32 v2, v15;
	v15 =	vld [tilespmem:$0x1FC30]  }
0x16f: {  	v3, _, _ =	vpop (xrf2);
	(xrf2) =	vadd.scan.msk.f32 $0xffff, v21;
	v23 =	vld [tilespmem:s21+$0x1C0];
	v21 =	vmul.f32 v27, v58;
	v14 =	vadd.f32 v14, v16  }
0x170: {  	v13 =	vadd.f32 $0.0e+00, v13;
	v17 =	vld [tilespmem:s21+$0x41C0];
	v9 =	vmul.f32 v19, v26;
	v19 =	vmul.f32 v1, v63  }
0x171: {  	v4 =	vadd.f32 v4, v14;
	v14 =	vld [tilespmem:$0x1FA10]  }
0x172: {  	v7, _, _ =	vpop (xrf2);
	(xrf2) =	vadd.scan.msk.f32 $0xffff, v10;
	v10 =	vadd.f32 v21, v13;
	v8 =	vmul.f32 v22, v8;
	v11 =	vadd.f32 v19, v11;
	v19 =	vld [tilespmem:$0x1FA40]  }
0x173: {  	v13 =	vld [tilespmem:s21+$0x1D0];
	v15 =	vmul.f32 v59, v15  }
0x174: {  	v18 =	vld [tilespmem:s21+$0x41D0];
	v8 =	vadd.f32 v8, v10  }
0x175: {  	v10 =	vld [tilespmem:s21+$0x1E0];
	v2 =	vadd.f32 v15, v2  }
0x176: {  	v8 =	vadd.f32 v9, v8;
	v9 =	vmul.f32 v17, v23;
	v15 =	vld [tilespmem:s21+$0x41E0]  }
0x177: {  	v17 =	vld [tilespmem:s21+$0x1F0];
	v2 =	vadd.f32 v12, v2;
	v14 =	vmul.f32 v19, v14  }
0x178: {  	v8 =	vadd.f32 v9, v8;
	v12 =	vld [tilespmem:s21+$0x41F0]  }
0x179: {  	v9 =	vmul.f32 v18, v13;
	v2 =	vadd.f32 v5, v2;
	v5 =	vadd.f32 v14, v11;
	v11 =	vld [tilespmem:$0x1F960]  }
0x17a: {  	v14 =	vld [tilespmem:$0x1F970]  }
0x17b: {  	v8 =	vadd.f32 v9, v8;
	v9 =	vmul.f32 v15, v10  }
0x17c: {  	v0, _, _ =	vpop (xrf2);
	(xrf2) =	vadd.scan.msk.f32 $0xffff, v30;
	v4 =	vadd.f32 v38, v4  }
0x17d: {  	v1, _, _ =	vpop (xrf2);
	(xrf2) =	vadd.scan.msk.f32 $0xffff, v20;
	v2 =	vadd.f32 v41, v2;
	v8 =	vadd.f32 v9, v8;
	v9 =	vmul.f32 v12, v17  }
0x17e: {  	v16, _, _ =	vpop (xrf2);
	(xrf2) =	vadd.scan.msk.f32 $0xffff, v4  }
0x17f: {  	v15, _, _ =	vpop (xrf2);
	(xrf2) =	vadd.scan.msk.f32 $0xffff, v2;
	v2 =	vadd.f32 v9, v8;
	v8 =	vld [tilespmem:$0x1FD30];
	v11 =	vmul.f32 v14, v11  }
0x180: {  	v6 =	vadd.f32 v40, v6  }
0x181: {  	v4 =	vadd.f32 v11, v5;
	v5 =	vld [tilespmem:$0x1F940]  }
0x182: {  	v6 =	vadd.f32 v35, v6;
	v11 =	vld [tilespmem:$0x1F950]  }
0x183: {  	v9 =	vld [tilespmem:$0x1F920]  }
0x184: {  	v6 =	vadd.f32 v8, v6;
	v8 =	vld [tilespmem:$0x1F910]  }
0x185: {  	v13 =	vld [tilespmem:s21+$0x4360]  }
0x186: {  	v10 =	vld [tilespmem:s21+$0x4370]  }
0x187: {  	v17 =	vld [tilespmem:$0x1FCA0];
	v5 =	vmul.f32 v11, v5  }
0x188: {  	v14 =	vld [tilespmem:s21+$0x370]  }
0x189: {  	v8 =	vmul.f32 v9, v8;
	v4 =	vadd.f32 v5, v4;
	v5 =	vld [tilespmem:$0x1F930]  }
0x18a: {  	v11 =	vld [tilespmem:s21+$0x44E0]  }
0x18b: {  	v6 =	vadd.f32 v8, v6;
	v8 =	vld [tilespmem:$0x1F900];
	_ =	sdelay $0x1  }
0x18c: {  	v12 =	vld [tilespmem:s21+$0x4F0]  }
0x18d: {  	v5 =	vmul.f32 v13, v5;
	v13 =	vld [tilespmem:s21+$0x44F0]  }
0x18e: {  	v17 =	vadd.f32 v17, v36;
	v9 =	vld [tilespmem:s21+$0x4660]  }
0x18f: {  	v8 =	vmul.f32 v11, v8;
	v11 =	vld [tilespmem:s21+$0x4670];
	v4 =	vadd.f32 v5, v4;
	v5 =	vmul.f32 v10, v14  }
0x190: {  	v18, _, _ =	vpop (xrf2);
	(xrf2) =	vadd.scan.msk.f32 $0xffff, v2;
	v14 =	vld [tilespmem:s21+$0x670]  }
0x191: {  	v10 =	vadd.f32 v61, v17;
	v2 =	vadd.f32 v5, v4;
	v5 =	vld [tilespmem:$0x1F8E0]  }
0x192: {  	v6 =	vadd.f32 v8, v6;
	v8 =	vmul.f32 v13, v12;
	v12 =	vld [tilespmem:$0x1FB10]  }
0x193: {  	v4 =	vadd.f32 v44, v10;
	v10 =	vld [tilespmem:$0x1F8F0]  }
0x194: {  	v19, _, _ =	vpop (xrf2);
	(xrf2) =	vadd.scan.msk.f32 $0xffff, v2;
	v2 =	vadd.f32 v8, v6;
	v6 =	vld [tilespmem:$0x1FA50]  }
0x195: {  	v17 =	vadd.f32 v34, v62;
	_ =	sdelay $0x1  }
0x196: {  	v12 =	vadd.f32 v12, v17  }
0x197: {  	v8 =	vld [tilespmem:$0x1F8B0];
	v5 =	vmul.f32 v10, v5  }
0x198: {  	v6 =	vadd.f32 v6, v12;
	v12 =	vld [tilespmem:$0x1F8C0]  }
0x199: {  	v4 =	vadd.f32 v5, v4;
	v5 =	vld [tilespmem:$0x1F8D0];
	_ =	sdelay $0x2  }
0x19a: {  	v20 =	vld [tilespmem:$0x1FB20]  }
0x19b: {  	v17 =	vld [tilespmem:$0x1FA30];
	v8 =	vmul.f32 v12, v8  }
0x19c: {  	v10 =	vld [tilespmem:s21+$0x47E0];
	v5 =	vmul.f32 v9, v5  }
0x19d: {  	v6 =	vadd.f32 v8, v6;
	v8 =	vld [tilespmem:$0x1F8A0]  }
0x19e: {  	v4 =	vadd.f32 v5, v4;
	v5 =	vmul.f32 v11, v14;
	v11 =	vld [tilespmem:$0x1F880]  }
0x19f: {  	v14 =	vld [tilespmem:$0x1F890]  }
0x1a0: {  	v17 =	vadd.f32 v17, v20;
	v20, _, _ =	vpop (xrf2);
	(xrf2) =	vadd.scan.msk.f32 $0xffff, v2;
	v2 =	vadd.f32 v5, v4;
	v4 =	vld [tilespmem:$0x1F860]  }
0x1a1: {  	v5 =	vld [tilespmem:$0x1F870]  }
0x1a2: {  	v8 =	vmul.f32 v10, v8;
	v10 =	vld [tilespmem:$0x1F9E0]  }
0x1a3: {  	v13 =	vld [tilespmem:s21+$0x7F0]  }
0x1a4: {  	v9 =	vld [tilespmem:s21+$0x47F0]  }
0x1a5: {  	v12 =	vld [tilespmem:s21+$0x8E0]  }
0x1a6: {  	v11 =	vmul.f32 v14, v11;
	v14 =	vld [tilespmem:s21+$0x48E0]  }
0x1a7: {  	v4 =	vmul.f32 v5, v4;
	v5 =	vld [tilespmem:s21+$0x48F0];
	v10 =	vadd.f32 v10, v17  }
0x1a8: {  	v17 =	vld [tilespmem:s21+$0x8F0]  }
0x1a9: {  	v13 =	vmul.f32 v9, v13;
	v6 =	vadd.f32 v8, v6;
	v9 =	vadd.f32 v11, v10  }
0x1aa: {  	v21, _, _ =	vpop (xrf2);
	(xrf2) =	vadd.scan.msk.f32 $0xffff, v2  }
0x1ab: {  	v2 =	vadd.f32 v13, v6;
	v6 =	vmul.f32 v14, v12;
	v8, _, _ =	vpop (xrf2);
	v4 =	vadd.f32 v4, v9  }
0x1ac: {  	v11 =	vbroadcast v8, $0xF;
	v9 =	vbroadcast v21, $0xF  }
0x1ad: {  	(xrf2) =	vadd.scan.msk.f32 $0xffff, v2;
	v10 =	vbroadcast v20, $0xF;
	v5 =	vmul.f32 v5, v17;
	v4 =	vadd.f32 v6, v4  }
0x1ae: {  	v8, _, _ =	vpop (xrf2);
	v2 =	vsel vm0, v9, v11;
	v6 =	vbroadcast v19, $0xF  }
0x1af: {  	v9 =	vbroadcast v8, $0xF;
	v2 =	vsel vm1, v2, v10;
	v4 =	vadd.f32 v5, v4  }
0x1b0: {  	v2 =	vsel vm2, v2, v6;
	v5 =	vbroadcast v18, $0xF  }
0x1b1: {  	v8, _, _ =	vpop (xrf2);
	v6 =	vbroadcast v15, $0xF;
	v2 =	vsel vm3, v2, v9;
	(xrf2) =	vadd.scan.msk.f32 $0xffff, v4  }
0x1b2: {  	v8 =	vbroadcast v8, $0xF;
	v2 =	vsel vm4, v2, v5  }
0x1b3: {  	v5 =	vbroadcast v16, $0xF;
	v2 =	vsel vm5, v2, v6  }
0x1b4: {  	v1 =	vbroadcast v1, $0xF;
	v2 =	vsel vm6, v2, v8;
	v4, _, _ =	vpop (xrf2)  }
0x1b5: {  	v2 =	vsel vm7, v2, v5;
	v5 =	vbroadcast v4, $0xF  }
0x1b6: {  	v0 =	vbroadcast v0, $0xF;
	v1 =	vsel vm8, v2, v1  }
0x1b7: {  	v4, _, _ =	vpop (xrf2);
	v2 =	vbroadcast v7, $0xF;
	v1 =	vsel vm9, v1, v5  }
0x1b8: {  	v4 =	vbroadcast v4, $0xF;
	v0 =	vsel vm10, v1, v0  }
0x1b9: {  	v0 =	vsel vm11, v0, v2;
	v2 =	vbroadcast v3, $0xF  }
0x1ba: {  	v0 =	vsel vm12, v0, v4  }
0x1bb: {  	s31 =	sshll.u32 s20, $0x4;
	v0 =	vsel vm13, v0, v2;
	v1, _, _ =	vpop (xrf2)  }
0x1bc: {  	s23 =	sand.u32 $0x3FFFFFF0, s31;
	v0 =	vsel vm14, v0, v1  }
0x1bd: {  	s21 =	sshll.u32 s22, $0xB;
	[tilespmem:s23+$0x8100] =	vst v0  }
0x1be: {  	v0 =	vld [tilespmem:s21+$0x8D0];
	_ =	sdelay $0x4  }
0x1bf: {  	[tilespmem:$0x1F860] =	vst v0;
	v0 =	vld [tilespmem:s21+$0x48D0];
	_ =	sdelay $0x4  }
0x1c0: {  	[tilespmem:$0x1F870] =	vst v0;
	v0 =	vld [tilespmem:s21+$0x8C0];
	_ =	sdelay $0x4  }
0x1c1: {  	[tilespmem:$0x1F880] =	vst v0;
	v0 =	vld [tilespmem:s21+$0x48C0];
	_ =	sdelay $0x4  }
0x1c2: {  	[tilespmem:$0x1F890] =	vst v0;
	v0 =	vld [tilespmem:s21+$0x7E0];
	_ =	sdelay $0x4  }
0x1c3: {  	[tilespmem:$0x1F8A0] =	vst v0;
	v0 =	vld [tilespmem:s21+$0x7D0];
	_ =	sdelay $0x4  }
0x1c4: {  	[tilespmem:$0x1F8B0] =	vst v0;
	v0 =	vld [tilespmem:s21+$0x47D0];
	_ =	sdelay $0x4  }
0x1c5: {  	[tilespmem:$0x1F8C0] =	vst v0;
	v0 =	vld [tilespmem:s21+$0x4750];
	_ =	sdelay $0x4  }
0x1c6: {  	[tilespmem:$0x1F1F0] =	vst v0;
	v0 =	vld [tilespmem:s21+$0x7C0];
	_ =	sdelay $0x4  }
0x1c7: {  	[tilespmem:$0x1F200] =	vst v0;
	v0 =	vld [tilespmem:s21+$0x47C0];
	_ =	sdelay $0x1  }
0x1c8: {  	v2 =	vld [tilespmem:s21+$0x3E0];
	_ =	sdelay $0x2  }
0x1c9: {  	[tilespmem:$0x1F210] =	vst v0;
	v0 =	vld [tilespmem:s21+$0x830];
	_ =	sdelay $0x1  }
0x1ca: {  	[tilespmem:$0x1F580] =	vst v2;
	v2 =	vld [tilespmem:s21+$0x43E0];
	_ =	sdelay $0x2  }
0x1cb: {  	[tilespmem:$0x1F220] =	vst v0;
	v0 =	vld [tilespmem:s21+$0x4830];
	_ =	sdelay $0x1  }
0x1cc: {  	[tilespmem:$0x1F590] =	vst v2;
	v2 =	vld [tilespmem:s21+$0x450];
	_ =	sdelay $0x2  }
0x1cd: {  	[tilespmem:$0x1F230] =	vst v0;
	v0 =	vld [tilespmem:s21+$0x4890];
	_ =	sdelay $0x1  }
0x1ce: {  	[tilespmem:$0x1F5A0] =	vst v2;
	v2 =	vld [tilespmem:s21+$0x4450];
	_ =	sdelay $0x2  }
0x1cf: {  	[tilespmem:$0x1F280] =	vst v0;
	v0 =	vld [tilespmem:s21+$0x45F0];
	_ =	sdelay $0x1  }
0x1d0: {  	[tilespmem:$0x1F5B0] =	vst v2;
	v2 =	vld [tilespmem:s21+$0x4C0];
	_ =	sdelay $0x2  }
0x1d1: {  	[tilespmem:$0x1F290] =	vst v0;
	v0 =	vld [tilespmem:s21+$0x660];
	_ =	sdelay $0x1  }
0x1d2: {  	[tilespmem:$0x1F5D0] =	vst v2;
	v2 =	vld [tilespmem:s21+$0x44C0];
	_ =	sdelay $0x2  }
0x1d3: {  	[tilespmem:$0x1F8D0] =	vst v0;
	v0 =	vld [tilespmem:s21+$0x6D0];
	_ =	sdelay $0x1  }
0x1d4: {  	[tilespmem:$0x1F5E0] =	vst v2;
	v2 =	vld [tilespmem:s21+$0x530];
	_ =	sdelay $0x2  }
0x1d5: {  	[tilespmem:$0x1F2A0] =	vst v0;
	v0 =	vld [tilespmem:s21+$0x46D0];
	_ =	sdelay $0x1  }
0x1d6: {  	[tilespmem:$0x1F5F0] =	vst v2;
	v2 =	vld [tilespmem:s21+$0x4530];
	_ =	sdelay $0x2  }
0x1d7: {  	[tilespmem:$0x1F2B0] =	vst v0;
	v0 =	vld [tilespmem:s21+$0x740];
	_ =	sdelay $0x1  }
0x1d8: {  	[tilespmem:$0x1F600] =	vst v2;
	v2 =	vld [tilespmem:s21+$0x5A0];
	_ =	sdelay $0x2  }
0x1d9: {  	[tilespmem:$0x1F2C0] =	vst v0;
	v0 =	vld [tilespmem:s21+$0x4740];
	_ =	sdelay $0x1  }
0x1da: {  	[tilespmem:$0x1F5C0] =	vst v2;
	v2 =	vld [tilespmem:s21+$0x610];
	_ =	sdelay $0x2  }
0x1db: {  	[tilespmem:$0x1F2D0] =	vst v0;
	v0 =	vld [tilespmem:s21+$0x7B0];
	_ =	sdelay $0x1  }
0x1dc: {  	[tilespmem:$0x1F610] =	vst v2;
	v2 =	vld [tilespmem:s21+$0x4610];
	_ =	sdelay $0x2  }
0x1dd: {  	[tilespmem:$0x1F2E0] =	vst v0;
	v0 =	vld [tilespmem:s21+$0x47B0];
	_ =	sdelay $0x1  }
0x1de: {  	[tilespmem:$0x1F620] =	vst v2;
	v2 =	vld [tilespmem:s21+$0x2F0];
	_ =	sdelay $0x2  }
0x1df: {  	[tilespmem:$0x1F2F0] =	vst v0;
	v0 =	vld [tilespmem:s21+$0x820];
	_ =	sdelay $0x1  }
0x1e0: {  	[tilespmem:$0x1F630] =	vst v2;
	v2 =	vld [tilespmem:s21+$0x360];
	_ =	sdelay $0x2  }
0x1e1: {  	[tilespmem:$0x1F260] =	vst v0;
	v0 =	vld [tilespmem:s21+$0x4820];
	_ =	sdelay $0x1  }
0x1e2: {  	[tilespmem:$0x1F930] =	vst v2;
	v2 =	vld [tilespmem:s21+$0x3D0];
	_ =	sdelay $0x2  }
0x1e3: {  	[tilespmem:$0x1F270] =	vst v0;
	v0 =	vld [tilespmem:s21+$0x880];
	_ =	sdelay $0x1  }
0x1e4: {  	[tilespmem:$0x1F640] =	vst v2;
	v2 =	vld [tilespmem:s21+$0x43D0];
	_ =	sdelay $0x2  }
0x1e5: {  	[tilespmem:$0x1F240] =	vst v0;
	v0 =	vld [tilespmem:s21+$0x4880];
	_ =	sdelay $0x1  }
0x1e6: {  	[tilespmem:$0x1F650] =	vst v2;
	v2 =	vld [tilespmem:s21+$0x440];
	_ =	sdelay $0x2  }
0x1e7: {  	[tilespmem:$0x1F250] =	vst v0;
	v0 =	vld [tilespmem:s21+$0x570];
	_ =	sdelay $0x1  }
0x1e8: {  	[tilespmem:$0x1F660] =	vst v2;
	v2 =	vld [tilespmem:s21+$0x4440];
	_ =	sdelay $0x2  }
0x1e9: {  	[tilespmem:$0x1F300] =	vst v0;
	v0 =	vld [tilespmem:s21+$0x4570];
	_ =	sdelay $0x1  }
0x1ea: {  	[tilespmem:$0x1F670] =	vst v2;
	v2 =	vld [tilespmem:s21+$0x4B0];
	_ =	sdelay $0x2  }
0x1eb: {  	[tilespmem:$0x1F310] =	vst v0;
	v0 =	vld [tilespmem:s21+$0x5E0];
	_ =	sdelay $0x1  }
0x1ec: {  	[tilespmem:$0x1F6B0] =	vst v2;
	v2 =	vld [tilespmem:s21+$0x44B0];
	_ =	sdelay $0x2  }
0x1ed: {  	[tilespmem:$0x1F320] =	vst v0;
	v0 =	vld [tilespmem:s21+$0x45E0];
	_ =	sdelay $0x1  }
0x1ee: {  	[tilespmem:$0x1F6C0] =	vst v2;
	v2 =	vld [tilespmem:s21+$0x520];
	_ =	sdelay $0x2  }
0x1ef: {  	[tilespmem:$0x1F330] =	vst v0;
	v0 =	vld [tilespmem:s21+$0x650];
	_ =	sdelay $0x1  }
0x1f0: {  	[tilespmem:$0x1F680] =	vst v2;
	v2 =	vld [tilespmem:s21+$0x4520];
	_ =	sdelay $0x2  }
0x1f1: {  	[tilespmem:$0x1F8E0] =	vst v0;
	v0 =	vld [tilespmem:s21+$0x4650];
	_ =	sdelay $0x1  }
0x1f2: {  	[tilespmem:$0x1F690] =	vst v2;
	v2 =	vld [tilespmem:s21+$0x270];
	_ =	sdelay $0x2  }
0x1f3: {  	[tilespmem:$0x1F8F0] =	vst v0;
	v0 =	vld [tilespmem:s21+$0x6C0];
	_ =	sdelay $0x1  }
0x1f4: {  	[tilespmem:$0x1F6A0] =	vst v2;
	v2 =	vld [tilespmem:s21+$0x2E0];
	_ =	sdelay $0x2  }
0x1f5: {  	[tilespmem:$0x1F340] =	vst v0;
	v0 =	vld [tilespmem:s21+$0x46C0];
	_ =	sdelay $0x1  }
0x1f6: {  	[tilespmem:$0x1F6D0] =	vst v2;
	v2 =	vld [tilespmem:s21+$0x42E0];
	_ =	sdelay $0x2  }
0x1f7: {  	[tilespmem:$0x1F350] =	vst v0;
	v0 =	vld [tilespmem:s21+$0x730];
	_ =	sdelay $0x1  }
0x1f8: {  	[tilespmem:$0x1F6E0] =	vst v2;
	v2 =	vld [tilespmem:s21+$0x350];
	_ =	sdelay $0x2  }
0x1f9: {  	[tilespmem:$0x1F360] =	vst v0;
	v0 =	vld [tilespmem:s21+$0x4730];
	_ =	sdelay $0x1  }
0x1fa: {  	[tilespmem:$0x1F940] =	vst v2;
	v2 =	vld [tilespmem:s21+$0x4350];
	_ =	sdelay $0x2  }
0x1fb: {  	[tilespmem:$0x1F370] =	vst v0;
	v0 =	vld [tilespmem:s21+$0x7A0];
	_ =	sdelay $0x1  }
0x1fc: {  	[tilespmem:$0x1F950] =	vst v2;
	v2 =	vld [tilespmem:s21+$0x3C0];
	_ =	sdelay $0x2  }
0x1fd: {  	[tilespmem:$0x1F3A0] =	vst v0;
	v0 =	vld [tilespmem:s21+$0x47A0];
	_ =	sdelay $0x1  }
0x1fe: {  	[tilespmem:$0x1F6F0] =	vst v2;
	v2 =	vld [tilespmem:s21+$0x430];
	_ =	sdelay $0x2  }
0x1ff: {  	[tilespmem:$0x1F3B0] =	vst v0;
	v0 =	vld [tilespmem:s21+$0x560];
	_ =	sdelay $0x1  }
0x200: {  	[tilespmem:$0x1F700] =	vst v2;
	v2 =	vld [tilespmem:s21+$0x4A0];
	_ =	sdelay $0x2  }
0x201: {  	[tilespmem:$0x1F380] =	vst v0;
	v0 =	vld [tilespmem:s21+$0x4560];
	_ =	sdelay $0x1  }
0x202: {  	[tilespmem:$0x1F710] =	vst v2;
	v2 =	vld [tilespmem:s21+$0x44A0];
	_ =	sdelay $0x2  }
0x203: {  	[tilespmem:$0x1F390] =	vst v0;
	v0 =	vld [tilespmem:s21+$0x5D0];
	_ =	sdelay $0x1  }
0x204: {  	[tilespmem:$0x1F720] =	vst v2;
	v2 =	vld [tilespmem:s21+$0x170];
	_ =	sdelay $0x2  }
0x205: {  	[tilespmem:$0x1F3C0] =	vst v0;
	v0 =	vld [tilespmem:s21+$0x45D0];
	_ =	sdelay $0x1  }
0x206: {  	[tilespmem:$0x1F730] =	vst v2;
	v2 =	vld [tilespmem:s21+$0x260];
	_ =	sdelay $0x2  }
0x207: {  	[tilespmem:$0x1F3D0] =	vst v0;
	v0 =	vld [tilespmem:s21+$0x640];
	_ =	sdelay $0x1  }
0x208: {  	[tilespmem:$0x1F740] =	vst v2;
	v2 =	vld [tilespmem:s21+$0x4260];
	_ =	sdelay $0x2  }
0x209: {  	[tilespmem:$0x1F3F0] =	vst v0;
	v0 =	vld [tilespmem:s21+$0x4640];
	_ =	sdelay $0x1  }
0x20a: {  	[tilespmem:$0x1F750] =	vst v2;
	v2 =	vld [tilespmem:s21+$0x2D0];
	_ =	sdelay $0x2  }
0x20b: {  	[tilespmem:$0x1F400] =	vst v0;
	v0 =	vld [tilespmem:s21+$0x6B0];
	_ =	sdelay $0x1  }
0x20c: {  	[tilespmem:$0x1F760] =	vst v2;
	v2 =	vld [tilespmem:s21+$0x42D0];
	_ =	sdelay $0x2  }
0x20d: {  	[tilespmem:$0x1F410] =	vst v0;
	v0 =	vld [tilespmem:s21+$0x46B0];
	_ =	sdelay $0x1  }
0x20e: {  	[tilespmem:$0x1F770] =	vst v2;
	v2 =	vld [tilespmem:s21+$0x340];
	_ =	sdelay $0x2  }
0x20f: {  	[tilespmem:$0x1F420] =	vst v0;
	v0 =	vld [tilespmem:s21+$0x720];
	_ =	sdelay $0x1  }
0x210: {  	[tilespmem:$0x1F960] =	vst v2;
	v2 =	vld [tilespmem:s21+$0x4340];
	_ =	sdelay $0x2  }
0x211: {  	[tilespmem:$0x1F3E0] =	vst v0;
	v0 =	vld [tilespmem:s21+$0x790];
	_ =	sdelay $0x1  }
0x212: {  	[tilespmem:$0x1F970] =	vst v2;
	v2 =	vld [tilespmem:s21+$0x3B0];
	_ =	sdelay $0x2  }
0x213: {  	[tilespmem:$0x1F430] =	vst v0;
	v0 =	vld [tilespmem:s21+$0x4790];
	_ =	sdelay $0x1  }
0x214: {  	[tilespmem:$0x1F780] =	vst v2;
	v2 =	vld [tilespmem:s21+$0x43B0];
	_ =	sdelay $0x2  }
0x215: {  	[tilespmem:$0x1F440] =	vst v0;
	v0 =	vld [tilespmem:s21+$0x470];
	_ =	sdelay $0x1  }
0x216: {  	[tilespmem:$0x1F790] =	vst v2;
	v2 =	vld [tilespmem:s21+$0x490];
	_ =	sdelay $0x2  }
0x217: {  	[tilespmem:$0x1F450] =	vst v0;
	v0 =	vld [tilespmem:s21+$0x4470];
	_ =	sdelay $0x1  }
0x218: {  	[tilespmem:$0x1F7A0] =	vst v2;
	v2 =	vld [tilespmem:s21+$0x4490];
	_ =	sdelay $0x2  }
0x219: {  	[tilespmem:$0x1F460] =	vst v0;
	v0 =	vld [tilespmem:s21+$0x4E0];
	_ =	sdelay $0x1  }
0x21a: {  	[tilespmem:$0x1F7B0] =	vst v2;
	v2 =	vld [tilespmem:s21+$0x160];
	_ =	sdelay $0x2  }
0x21b: {  	[tilespmem:$0x1F900] =	vst v0;
	v0 =	vld [tilespmem:s21+$0x550];
	_ =	sdelay $0x1  }
0x21c: {  	[tilespmem:$0x1F7C0] =	vst v2;
	v2 =	vld [tilespmem:s21+$0x4160];
	_ =	sdelay $0x2  }
0x21d: {  	[tilespmem:$0x1F470] =	vst v0;
	v0 =	vld [tilespmem:s21+$0x4550];
	_ =	sdelay $0x1  }
0x21e: {  	[tilespmem:$0x1F7D0] =	vst v2;
	v2 =	vld [tilespmem:s21+$0x250];
	_ =	sdelay $0x2  }
0x21f: {  	[tilespmem:$0x1F480] =	vst v0;
	v0 =	vld [tilespmem:s21+$0x5C0];
	_ =	sdelay $0x1  }
0x220: {  	[tilespmem:$0x1F7E0] =	vst v2;
	v2 =	vld [tilespmem:s21+$0x4250];
	_ =	sdelay $0x2  }
0x221: {  	[tilespmem:$0x1F490] =	vst v0;
	v0 =	vld [tilespmem:s21+$0x45C0];
	_ =	sdelay $0x1  }
0x222: {  	[tilespmem:$0x1F7F0] =	vst v2;
	v2 =	vld [tilespmem:s21+$0x2C0]  }
0x223: {  	v11 =	vld [tilespmem:s21+$0x8B0]  }
0x224: {  	v14 =	vld [tilespmem:s21+$0x48B0]  }
0x225: {  	[tilespmem:$0x1F4A0] =	vst v0;
	v0 =	vld [tilespmem:s21+$0x630]  }
0x226: {  	v27 =	vld [tilespmem:s21+$0x8A0]  }
0x227: {  	[tilespmem:$0x1F800] =	vst v2;
	v2 =	vld [tilespmem:s21+$0x42C0]  }
0x228: {  	v53 =	vld [tilespmem:s21+$0x48A0]  }
0x229: {  	v1 =	vld [tilespmem:s21+$0x800]  }
0x22a: {  	[tilespmem:$0x1F4E0] =	vst v0;
	v0 =	vld [tilespmem:s21+$0x4630]  }
0x22b: {  	v4 =	vld [tilespmem:s21+$0x4800]  }
0x22c: {  	[tilespmem:$0x1F810] =	vst v2;
	v2 =	vmul.f32 v14, v11  }
0x22d: {  	v6 =	vld [tilespmem:s21+$0x860]  }
0x22e: {  	[tilespmem:$0x1F9E0] =	vst v2;
	v2 =	vld [tilespmem:s21+$0x330]  }
0x22f: {  	[tilespmem:$0x1F4F0] =	vst v0;
	v0 =	vld [tilespmem:s21+$0x6A0]  }
0x230: {  	v7 =	vld [tilespmem:s21+$0x4860];
	v4 =	vmul.f32 v4, v1;
	v1 =	vmul.f32 v53, v27  }
0x231: {  	v56 =	vld [tilespmem:s21+$0x750]  }
0x232: {  	[tilespmem:$0x1FA30] =	vst v1;
	v1 =	vld [tilespmem:$0x1F1F0]  }
0x233: {  	[tilespmem:$0x1FA10] =	vst v2;
	v2 =	vld [tilespmem:s21+$0x4330]  }
0x234: {  	[tilespmem:$0x1F4B0] =	vst v0;
	v0 =	vld [tilespmem:s21+$0x46A0];
	_ =	sdelay $0x2  }
0x235: {  	v43 =	vmul.f32 v7, v6;
	v6 =	vmul.f32 v1, v56;
	v1 =	vld [tilespmem:$0x1F200]  }
0x236: {  	[tilespmem:$0x1FA40] =	vst v2;
	v2 =	vld [tilespmem:$0x1F210]  }
0x237: {  	[tilespmem:$0x1F4C0] =	vst v0;
	v0 =	vld [tilespmem:s21+$0x3F0];
	_ =	sdelay $0x1  }
0x238: {  	v3 =	vld [tilespmem:s21+$0x870]  }
0x239: {  	v5 =	vld [tilespmem:s21+$0x4870]  }
0x23a: {  	v1 =	vmul.f32 v2, v1;
	v2 =	vld [tilespmem:$0x1F230]  }
0x23b: {  	[tilespmem:$0x1F4D0] =	vst v0;
	v0 =	vld [tilespmem:s21+$0x460]  }
0x23c: {  	[tilespmem:$0x1FA50] =	vst v1;
	v1 =	vld [tilespmem:$0x1F220];
	_ =	sdelay $0x1  }
0x23d: {  	v30 =	vld [tilespmem:s21+$0x810]  }
0x23e: {  	v29 =	vld [tilespmem:s21+$0x4810]  }
0x23f: {  	[tilespmem:$0x1F500] =	vst v0;
	v0 =	vld [tilespmem:s21+$0x4460]  }
0x240: {  	v50 =	vmul.f32 v5, v3;
	v3 =	vmul.f32 v2, v1;
	v1 =	vld [tilespmem:$0x1F240]  }
0x241: {  	v2 =	vld [tilespmem:$0x1F250];
	_ =	sdelay $0x1  }
0x242: {  	v32 =	vld [tilespmem:s21+$0x6E0]  }
0x243: {  	[tilespmem:$0x1F510] =	vst v0;
	v0 =	vld [tilespmem:s21+$0x4D0]  }
0x244: {  	v54 =	vld [tilespmem:s21+$0x46E0]  }
0x245: {  	v29 =	vmul.f32 v29, v30;
	v30 =	vmul.f32 v2, v1;
	v1 =	vld [tilespmem:$0x1F260]  }
0x246: {  	v2 =	vld [tilespmem:$0x1F270];
	_ =	sdelay $0x1  }
0x247: {  	[tilespmem:$0x1F910] =	vst v0;
	v0 =	vld [tilespmem:s21+$0x44D0];
	_ =	sdelay $0x1  }
0x248: {  	v60 =	vld [tilespmem:s21+$0x890]  }
0x249: {  	v11 =	vmul.f32 v54, v32;
	v54 =	vmul.f32 v2, v1;
	v1 =	vld [tilespmem:$0x1F280];
	_ =	sdelay $0x1  }
0x24a: {  	[tilespmem:$0x1F920] =	vst v0;
	v0 =	vld [tilespmem:s21+$0x540];
	_ =	sdelay $0x1  }
0x24b: {  	v62 =	vld [tilespmem:s21+$0x5F0]  }
0x24c: {  	v2 =	vmul.f32 v1, v60;
	v1 =	vld [tilespmem:$0x1F290];
	_ =	sdelay $0x1  }
0x24d: {  	[tilespmem:$0x1F520] =	vst v0;
	v0 =	vld [tilespmem:s21+$0x4540]  }
0x24e: {  	v53 =	vadd.f32 $0.0e+00, v4  }
0x24f: {  	v4 =	vld [tilespmem:$0x1F2B0]  }
0x250: {  	v29 =	vadd.f32 v29, v53;
	v53 =	vmul.f32 v1, v62;
	v1 =	vld [tilespmem:$0x1F2A0];
	_ =	sdelay $0x1  }
0x251: {  	[tilespmem:$0x1F530] =	vst v0;
	v0 =	vld [tilespmem:s21+$0x5B0];
	_ =	sdelay $0x2  }
0x252: {  	v7 =	vmul.f32 v4, v1;
	v1 =	vld [tilespmem:$0x1F2C0]  }
0x253: {  	v4 =	vld [tilespmem:$0x1F2D0]  }
0x254: {  	[tilespmem:$0x1F540] =	vst v0;
	v0 =	vld [tilespmem:s21+$0x45B0]  }
0x255: {  	v8 =	vld [tilespmem:s21+$0x770]  }
0x256: {  	v9 =	vld [tilespmem:s21+$0x4770]  }
0x257: {  	v5 =	vld [tilespmem:$0x1F2F0]  }
0x258: {  	v4 =	vmul.f32 v4, v1;
	v1 =	vld [tilespmem:$0x1F2E0]  }
0x259: {  	[tilespmem:$0x1F550] =	vst v0;
	v0 =	vld [tilespmem:s21+$0x620];
	_ =	sdelay $0x2  }
0x25a: {  	v44 =	vmul.f32 v9, v8;
	v8 =	vld [tilespmem:$0x1F310]  }
0x25b: {  	v30 =	vadd.f32 $0.0e+00, v30;
	v1 =	vmul.f32 v5, v1;
	v5 =	vld [tilespmem:$0x1F300]  }
0x25c: {  	[tilespmem:$0x1F560] =	vst v0;
	v0 =	vld [tilespmem:s21+$0x4620]  }
0x25d: {  	v2 =	vadd.f32 v2, v30  }
0x25e: {  	v57 =	vld [tilespmem:s21+$0x700]  }
0x25f: {  	[tilespmem:$0x1FB20] =	vst v2;
	v2 =	vld [tilespmem:$0x1F320]  }
0x260: {  	[tilespmem:$0x1FB10] =	vst v1;
	v1 =	vadd.f32 v54, v29;
	v54 =	vmul.f32 v8, v5;
	v5 =	vld [tilespmem:$0x1F330]  }
0x261: {  	[tilespmem:$0x1F570] =	vst v0;
	v0 =	vld [tilespmem:s21+$0x4700];
	_ =	sdelay $0x4  }
0x262: {  	v0 =	vmul.f32 v0, v57;
	v57 =	vmul.f32 v5, v2;
	v2 =	vld [tilespmem:$0x1F340]  }
0x263: {  	v5 =	vld [tilespmem:$0x1F350]  }
0x264: {  	v48 =	vld [tilespmem:s21+$0x710]  }
0x265: {  	v19 =	vld [tilespmem:s21+$0x4710]  }
0x266: {  	v1 =	vadd.f32 v3, v1;
	v3 =	vld [tilespmem:$0x1F360]  }
0x267: {  	v8 =	vld [tilespmem:$0x1F370]  }
0x268: {  	v5 =	vmul.f32 v5, v2;
	v2 =	vld [tilespmem:s21+$0x240];
	_ =	sdelay $0x4  }
0x269: {  	[tilespmem:$0x1F820] =	vst v2;
	v2 =	vadd.f32 $0.0e+00, v0;
	v0 =	vmul.f32 v19, v48;
	v19 =	vmul.f32 v8, v3;
	v3 =	vld [tilespmem:$0x1F380]  }
0x26a: {  	v8 =	vld [tilespmem:$0x1F390];
	_ =	sdelay $0x3  }
0x26b: {  	v10 =	vld [tilespmem:s21+$0x850]  }
0x26c: {  	v48 =	vmul.f32 v8, v3;
	v3 =	vld [tilespmem:$0x1F3A0]  }
0x26d: {  	v8 =	vld [tilespmem:$0x1F3B0]  }
0x26e: {  	v13 =	vld [tilespmem:s21+$0x4850]  }
0x26f: {  	v16 =	vld [tilespmem:s21+$0x6F0]  }
0x270: {  	v21 =	vld [tilespmem:s21+$0x46F0]  }
0x271: {  	v18 =	vld [tilespmem:s21+$0x760]  }
0x272: {  	v22 =	vld [tilespmem:s21+$0x4760];
	v3 =	vmul.f32 v8, v3  }
0x273: {  	v24 =	vld [tilespmem:s21+$0x840]  }
0x274: {  	[tilespmem:$0x1F840] =	vst v3;
	v3 =	vld [tilespmem:s21+$0x2B0]  }
0x275: {  	v42 =	vld [tilespmem:s21+$0x4840]  }
0x276: {  	v59 =	vld [tilespmem:s21+$0x4720]  }
0x277: {  	v34 =	vld [tilespmem:s21+$0x780]  }
0x278: {  	v8 =	vld [tilespmem:$0x1F3D0]  }
0x279: {  	[tilespmem:$0x1F830] =	vst v3;
	v3 =	vld [tilespmem:$0x1F3C0]  }
0x27a: {  	v33 =	vld [tilespmem:s21+$0x4780]  }
0x27b: {  	v39 =	vld [tilespmem:s21+$0x43F0]  }
0x27c: {  	v46 =	vld [tilespmem:s21+$0x690]  }
0x27d: {  	v58 =	vmul.f32 v13, v10;
	v10 =	vld [tilespmem:$0x1F400]  }
0x27e: {  	v8 =	vmul.f32 v8, v3;
	v3 =	vld [tilespmem:$0x1F3F0]  }
0x27f: {  	v47 =	vld [tilespmem:s21+$0x4690]  }
0x280: {  	v45 =	vld [tilespmem:s21+$0x45A0]  }
0x281: {  	v0 =	vadd.f32 v0, v2;
	v2 =	vld [tilespmem:$0x1F3E0]  }
0x282: {  	v63 =	vld [tilespmem:s21+$0x680]  }
0x283: {  	v9 =	vmul.f32 v22, v18;
	v18 =	vmul.f32 v10, v3;
	v3 =	vld [tilespmem:$0x1F410]  }
0x284: {  	v10 =	vld [tilespmem:$0x1F420]  }
0x285: {  	v31 =	vld [tilespmem:s21+$0x4680]  }
0x286: {  	v37 =	vld [tilespmem:s21+$0x42F0];
	v2 =	vmul.f32 v59, v2  }
0x287: {  	v23 =	vld [tilespmem:s21+$0x590]  }
0x288: {  	v0 =	vadd.f32 v2, v0;
	v2 =	vld [tilespmem:$0x1F430]  }
0x289: {  	v3 =	vmul.f32 v10, v3;
	v10 =	vld [tilespmem:$0x1F440]  }
0x28a: {  	v17 =	vld [tilespmem:s21+$0x4590]  }
0x28b: {  	v35 =	vld [tilespmem:s21+$0x600]  }
0x28c: {  	v28 =	vld [tilespmem:s21+$0x4600]  }
0x28d: {  	v38 =	vld [tilespmem:s21+$0x4270]  }
0x28e: {  	v2 =	vmul.f32 v10, v2;
	v10 =	vld [tilespmem:s21+$0x4320]  }
0x28f: {  	v36 =	vld [tilespmem:s21+$0x43C0]  }
0x290: {  	v40 =	vld [tilespmem:s21+$0x4430]  }
0x291: {  	v20 =	vld [tilespmem:s21+$0x510]  }
0x292: {  	v49 =	vmul.f32 v21, v16;
	v16 =	vld [tilespmem:$0x1F460]  }
0x293: {  	[tilespmem:$0x1FBA0] =	vst v10;
	v10 =	vld [tilespmem:$0x1F450]  }
0x294: {  	v15 =	vld [tilespmem:s21+$0x4510]  }
0x295: {  	v12 =	vld [tilespmem:s21+$0x580]  }
0x296: {  	v52 =	vld [tilespmem:s21+$0x4580]  }
0x297: {  	v41 =	vld [tilespmem:s21+$0x4170]  }
0x298: {  	v26 =	vld [tilespmem:s21+$0x420];
	v10 =	vmul.f32 v16, v10  }
0x299: {  	v16 =	vld [tilespmem:$0x1F480]  }
0x29a: {  	[tilespmem:$0x1F850] =	vst v10;
	v10 =	vld [tilespmem:$0x1F470]  }
0x29b: {  	v25 =	vld [tilespmem:s21+$0x4420];
	v61 =	vmul.f32 v42, v24  }
0x29c: {  	v51 =	vld [tilespmem:s21+$0x500]  }
0x29d: {  	v55 =	vld [tilespmem:s21+$0x4500];
	v1 =	vadd.f32 v61, v1  }
0x29e: {  	v0 =	vadd.f32 v19, v0;
	v19 =	vld [tilespmem:$0x1F4A0]  }
0x29f: {  	v63 =	vmul.f32 v31, v63;
	v1 =	vadd.f32 v58, v1;
	v31 =	vmul.f32 v16, v10;
	v16 =	vld [tilespmem:$0x1F490]  }
0x2a0: {  	v42 =	vld [tilespmem:s21+$0x3A0]  }
0x2a1: {  	v22 =	vld [tilespmem:s21+$0x43A0];
	v1 =	vadd.f32 v43, v1  }
0x2a2: {  	v13 =	vld [tilespmem:s21+$0x410]  }
0x2a3: {  	v47 =	vmul.f32 v47, v46;
	v46 =	vadd.f32 v50, v1;
	v50 =	vld [tilespmem:$0x1F4C0]  }
0x2a4: {  	v19 =	vmul.f32 v19, v16;
	v16 =	vld [tilespmem:$0x1F4B0]  }
0x2a5: {  	v21 =	vld [tilespmem:s21+$0x480]  }
0x2a6: {  	v56 =	vld [tilespmem:s21+$0x4410]  }
0x2a7: {  	v27 =	vld [tilespmem:s21+$0x150];
	v59 =	vadd.f32 $0.0e+00, v63  }
0x2a8: {  	v24 =	vld [tilespmem:s21+$0x42B0];
	v0 =	vadd.f32 v4, v0  }
0x2a9: {  	v33 =	vmul.f32 v33, v34;
	v34 =	vld [tilespmem:s21+$0x400];
	v1 =	vadd.f32 v47, v59;
	v32 =	vmul.f32 v50, v16  }
0x2aa: {  	v25 =	vmul.f32 v25, v26;
	v26 =	vld [tilespmem:s21+$0x280];
	v0 =	vadd.f32 v6, v0  }
0x2ab: {  	v13 =	vmul.f32 v56, v13;
	v56 =	vld [tilespmem:s21+$0x200];
	v1 =	vadd.f32 v32, v1  }
0x2ac: {  	v61 =	vld [tilespmem:$0x1F500];
	v0 =	vadd.f32 v9, v0  }
0x2ad: {  	v62 =	vld [tilespmem:$0x1F510];
	v1 =	vadd.f32 v3, v1  }
0x2ae: {  	v44 =	vadd.f32 v44, v0;
	v0 =	vld [tilespmem:$0x1F5A0]  }
0x2af: {  	v1 =	vadd.f32 v5, v1;
	v5 =	vld [tilespmem:$0x1F5B0]  }
0x2b0: {  	v58 =	vld [tilespmem:$0x1F4F0]  }
0x2b1: {  	v16 =	vld [tilespmem:$0x1F4E0]  }
0x2b2: {  	v14 =	vld [tilespmem:s21+$0x320]  }
0x2b3: {  	v60 =	vld [tilespmem:s21+$0x4480]  }
0x2b4: {  	v43 =	vadd.f32 $0.0e+00, v33;
	v50 =	vmul.f32 v62, v61;
	v61 =	vmul.f32 v5, v0;
	v5 =	vld [tilespmem:$0x1F5C0]  }
0x2b5: {  	v12 =	vmul.f32 v52, v12;
	v52 =	vld [tilespmem:$0x1F550]  }
0x2b6: {  	v16 =	vmul.f32 v58, v16;
	v58 =	vadd.f32 v2, v43;
	v2 =	vld [tilespmem:$0x1F540]  }
0x2b7: {  	v30 =	vld [tilespmem:s21+$0x4150];
	v9 =	vadd.f32 $0.0e+00, v12;
	v12 =	vmul.f32 v17, v23  }
0x2b8: {  	v29 =	vld [tilespmem:s21+$0x4240]  }
0x2b9: {  	v33 =	vld [tilespmem:s21+$0x4230];
	v0 =	vadd.f32 v12, v9;
	v5 =	vmul.f32 v45, v5  }
0x2ba: {  	v23 =	vld [tilespmem:$0x1F640];
	v1 =	vadd.f32 v7, v1  }
0x2bb: {  	v7 =	vmul.f32 v55, v51;
	v55 =	vld [tilespmem:$0x1F650];
	v2 =	vmul.f32 v52, v2;
	v0 =	vadd.f32 v5, v0  }
0x2bc: {  	v1 =	vadd.f32 v11, v1;
	v11 =	vmul.f32 v15, v20;
	v20 =	vld [tilespmem:$0x1F670]  }
0x2bd: {  	v15 =	vadd.f32 v2, v0;
	v2 =	vld [tilespmem:$0x1F660]  }
0x2be: {  	v63 =	vld [tilespmem:s21+$0x4390]  }
0x2bf: {  	v59 =	vld [tilespmem:s21+$0x140]  }
0x2c0: {  	v47 =	vld [tilespmem:$0x1F530];
	v7 =	vadd.f32 $0.0e+00, v7  }
0x2c1: {  	v62 =	vadd.f32 v49, v1;
	v1 =	vld [tilespmem:$0x1F680];
	v51 =	vmul.f32 v55, v23  }
0x2c2: {  	v55 =	vmul.f32 v20, v2;
	v20 =	vmul.f32 v28, v35;
	v28 =	vadd.f32 v11, v7;
	v7 =	vld [tilespmem:$0x1F690]  }
0x2c3: {  	v4 =	vld [tilespmem:$0x1F4D0]  }
0x2c4: {  	v9 =	vld [tilespmem:$0x1F5D0]  }
0x2c5: {  	v12 =	vld [tilespmem:$0x1F5E0]  }
0x2c6: {  	[tilespmem:$0x1FC30] =	vst v59;
	v59 =	vld [tilespmem:s21+$0x4140]  }
0x2c7: {  	v49 =	vmul.f32 v7, v1;
	v1 =	vld [tilespmem:$0x1F6A0]  }
0x2c8: {  	v6 =	vld [tilespmem:$0x1F520]  }
0x2c9: {  	v39 =	vmul.f32 v39, v4;
	v4 =	vld [tilespmem:s21+$0x4400]  }
0x2ca: {  	v9 =	vmul.f32 v12, v9;
	v12 =	vld [tilespmem:$0x1F600]  }
0x2cb: {  	v7 =	vld [tilespmem:$0x1F6C0]  }
0x2cc: {  	v38 =	vmul.f32 v38, v1;
	v1 =	vld [tilespmem:$0x1F6B0]  }
0x2cd: {  	[tilespmem:$0x1FD30] =	vst v9;
	v9 =	vld [tilespmem:$0x1F5F0]  }
0x2ce: {  	v17 =	vld [tilespmem:$0x1F570]  }
0x2cf: {  	v5 =	vld [tilespmem:$0x1F610]  }
0x2d0: {  	v4 =	vmul.f32 v4, v34;
	v15 =	vadd.f32 v19, v15;
	v19 =	vadd.f32 $0.0e+00, v20;
	v20 =	vld [tilespmem:$0x1F6E0]  }
0x2d1: {  	v35 =	vmul.f32 v7, v1;
	v1 =	vld [tilespmem:$0x1F6D0]  }
0x2d2: {  	v4 =	vadd.f32 $0.0e+00, v4;
	v9 =	vmul.f32 v12, v9;
	v12 =	vld [tilespmem:$0x1F620]  }
0x2d3: {  	v6 =	vmul.f32 v47, v6;
	v47 =	vld [tilespmem:s21+$0x230]  }
0x2d4: {  	v34 =	vld [tilespmem:s21+$0x4290];
	v13 =	vadd.f32 v13, v4  }
0x2d5: {  	v4 =	vld [tilespmem:$0x1F740]  }
0x2d6: {  	v13 =	vadd.f32 v25, v13;
	v25 =	vld [tilespmem:$0x1F810];
	v1 =	vmul.f32 v20, v1;
	v20 =	vadd.f32 v49, v28  }
0x2d7: {  	v5 =	vmul.f32 v12, v5;
	v12 =	vld [tilespmem:$0x1F630]  }
0x2d8: {  	v10 =	vld [tilespmem:s21+$0x390];
	v9 =	vadd.f32 v9, v20  }
0x2d9: {  	v23 =	vld [tilespmem:s21+$0x4380]  }
0x2da: {  	v6 =	vadd.f32 v6, v9;
	v9 =	vld [tilespmem:$0x1F730]  }
0x2db: {  	v8 =	vadd.f32 v8, v15;
	v15 =	vld [tilespmem:$0x1F6F0]  }
0x2dc: {  	v37 =	vmul.f32 v37, v12;
	v12 =	vld [tilespmem:s21+$0x380]  }
0x2dd: {  	v10 =	vmul.f32 v63, v10;
	v63 =	vmov v14;
	v14 =	vld [tilespmem:$0x1F770]  }
0x2de: {  	v3 =	vld [tilespmem:$0x1F560]  }
0x2df: {  	v41 =	vmul.f32 v41, v9;
	v9 =	vld [tilespmem:$0x1F750]  }
0x2e0: {  	v32 =	vld [tilespmem:s21+$0x290]  }
0x2e1: {  	v12 =	vmul.f32 v23, v12;
	v49 =	vmul.f32 v36, v15;
	v36 =	vadd.f32 v5, v19;
	v5 =	vld [tilespmem:$0x1F700]  }
0x2e2: {  	v43 =	vld [tilespmem:s21+$0x42A0]  }
0x2e3: {  	v3 =	vmul.f32 v17, v3;
	v17 =	vld [tilespmem:$0x1F590];
	v12 =	vadd.f32 $0.0e+00, v12  }
0x2e4: {  	v4 =	vmul.f32 v9, v4;
	v9 =	vld [tilespmem:$0x1F760]  }
0x2e5: {  	[tilespmem:$0x1FCA0] =	vst v3;
	v3 =	vld [tilespmem:$0x1F580];
	v10 =	vadd.f32 v10, v12;
	v12 =	vmul.f32 v22, v42  }
0x2e6: {  	v22 =	vld [tilespmem:$0x1F790];
	v5 =	vmul.f32 v40, v5  }
0x2e7: {  	v10 =	vadd.f32 v12, v10;
	v12 =	vld [tilespmem:$0x1F7B0]  }
0x2e8: {  	v13 =	vadd.f32 v5, v13;
	v5 =	vld [tilespmem:$0x1F7A0]  }
0x2e9: {  	v9 =	vmul.f32 v14, v9;
	v14 =	vld [tilespmem:$0x1F780]  }
0x2ea: {  	v52 =	vld [tilespmem:s21+$0x2A0];
	v6 =	vadd.f32 v31, v6  }
0x2eb: {  	v3 =	vmul.f32 v17, v3;
	v17 =	vld [tilespmem:s21+$0x310]  }
0x2ec: {  	v45 =	vld [tilespmem:s21+$0x4310];
	v6 =	vadd.f32 v48, v6  }
0x2ed: {  	v48 =	vmul.f32 v12, v5;
	v5 =	vld [tilespmem:$0x1F7C0]  }
0x2ee: {  	v22 =	vmul.f32 v22, v14;
	v14 =	vmul.f32 v60, v21;
	v21 =	vadd.f32 v54, v6;
	v6 =	vld [tilespmem:$0x1F7D0]  }
0x2ef: {  	v0 =	vld [tilespmem:s21+$0x130]  }
0x2f0: {  	v2 =	vld [tilespmem:s21+$0x4130]  }
0x2f1: {  	v11 =	vld [tilespmem:s21+$0x220]  }
0x2f2: {  	v12 =	vld [tilespmem:$0x1F7E0]  }
0x2f3: {  	v5 =	vmul.f32 v6, v5;
	v6 =	vadd.f32 v55, v13;
	v13 =	vadd.f32 $0.0e+00, v14;
	v14 =	vld [tilespmem:$0x1F7F0]  }
0x2f4: {  	v8 =	vadd.f32 v57, v8;
	v57 =	vld [tilespmem:s21+$0x4200]  }
0x2f5: {  	v23 =	vld [tilespmem:s21+$0x4120]  }
0x2f6: {  	v7 =	vld [tilespmem:s21+$0x4220]  }
0x2f7: {  	v42 =	vld [tilespmem:s21+$0x4210]  }
0x2f8: {  	v14 =	vmul.f32 v14, v12;
	v12 =	vld [tilespmem:$0x1F800]  }
0x2f9: {  	v15 =	vld [tilespmem:$0x1F710]  }
0x2fa: {  	v20 =	vld [tilespmem:$0x1F720]  }
0x2fb: {  	v19 =	vld [tilespmem:s21+$0x300]  }
0x2fc: {  	v28 =	vld [tilespmem:s21+$0x210]  }
0x2fd: {  	v31 =	vld [tilespmem:s21+$0x4280];
	v10 =	vadd.f32 v22, v10;
	v25 =	vmul.f32 v25, v12  }
0x2fe: {  	v12 =	vmul.f32 v30, v27;
	v30 =	vadd.f32 v61, v6;
	v6 =	vadd.f32 v48, v13;
	v13 =	vld [tilespmem:$0x1F820]  }
0x2ff: {  	v40 =	vmul.f32 v20, v15;
	v20 =	vld [tilespmem:s21+$0x4300]  }
0x300: {  	v15 =	vld [tilespmem:s21+$0x120];
	v10 =	vadd.f32 v49, v10  }
0x301: {  	(xrf2) =	vadd.scan.msk.f32 $0xffff, v46;
	v22 =	vld [tilespmem:s21+$0x110]  }
0x302: {  	(xrf2) =	vadd.scan.msk.f32 $0xffff, v44;
	v44 =	vmov v18;
	v18 =	vmul.f32 v33, v47;
	v47 =	vadd.f32 v51, v10;
	v10 =	vld [tilespmem:$0x1F850]  }
0x303: {  	p0 =	sne.s32 s22, $0x7;
	v61 =	vmov v16;
	v16 =	vmul.f32 v29, v13;
	v13 =	vmul.f32 v31, v26;
	v26 =	vld [tilespmem:$0x1F830]  }
.Ltmp0:
0x304: {  	v27 =	vld [tilespmem:s21+$0x4100];
	(pc) =	sbr.rel @p0 .LBB2_3-.Ltmp0, $4  }
0x305: {  	v48 =	vmul.f32 v34, v32;
	v34 =	vld [tilespmem:$0x1F840]  }
0x306: {  	v29 =	vld [tilespmem:s21+$0x100];
	v31 =	vadd.f32 v50, v30  }
0x307: {  	(xrf2) =	vadd.scan.msk.f32 $0xffff, v62;
	v8 =	vadd.f32 v53, v8;
	v46 =	vmul.f32 v57, v56;
	v49 =	vadd.f32 $0.0e+00, v13;
	v13 =	vld [tilespmem:s21+$0x180]  }
0x308: {  	s20 =	smov.u32 s22;
	s22 =	sadd.s32 $0x1, s22;
	v62 =	vmovc v58;
	v30 =	vmul.f32 v43, v52;
	v10 =	vadd.f32 v10, v31;
	v24 =	vmul.f32 v24, v26;
	v26 =	vld [tilespmem:s21+$0x4110]  }
0x309: {  	v32 =	vld [tilespmem:s21+$0x4180]  }
0x30a: {  	v33 =	vld [tilespmem:s21+$0x190]  }
0x30b: {  	v28 =	vmul.f32 v42, v28;
	v42 =	vld [tilespmem:s21+$0x4190]  }
0x30c: {  	v17 =	vmul.f32 v45, v17;
	v45 =	vld [tilespmem:s21+$0x1A0]  }
0x30d: {  	v3 =	vadd.f32 v3, v47;
	v47 =	vld [tilespmem:s21+$0x41A0]  }
0x30e: {  	v31 =	vadd.f32 v48, v49;
	v48 =	vld [tilespmem:s21+$0x1B0]  }
0x30f: {  	v51 =	vld [tilespmem:s21+$0x41B0]  }
0x310: {  	v53 =	vld [tilespmem:s21+$0x1C0]  }
0x311: {  	v55 =	vld [tilespmem:s21+$0x41C0]  }
0x312: {  	v56 =	vld [tilespmem:s21+$0x1D0]  }
0x313: {  	v57 =	vld [tilespmem:$0x1FC30]  }
0x314: {  	v58 =	vadd.f32 $0.0e+00, v46;
	v15 =	vmul.f32 v23, v15;
	v23 =	vld [tilespmem:$0x1FA40];
	(xrf2) =	vadd.scan.msk.f32 $0xffff, v8  }
0x315: {  	(xrf2) =	vadd.scan.msk.f32 $0xffff, v21;
	v21 =	vld [tilespmem:$0x1FA30]  }
0x316: {  	v19 =	vmul.f32 v20, v19;
	v20 =	vadd.f32 v28, v58;
	v58 =	vld [tilespmem:s21+$0x41D0]  }
0x317: {  	v28 =	vld [tilespmem:$0x1F970]  }
0x318: {  	v27 =	vmul.f32 v27, v29;
	v29 =	vld [tilespmem:s21+$0x370]  }
0x319: {  	v6 =	vadd.f32 v40, v6;
	v60 =	vadd.f32 v30, v31;
	v31 =	vld [tilespmem:s21+$0x4370]  }
0x31a: {  	v3 =	vadd.f32 v39, v3;
	v39 =	vld [tilespmem:s21+$0x4F0]  }
0x31b: {  	v7 =	vmul.f32 v7, v11;
	v6 =	vadd.f32 v35, v6;
	v35 =	vld [tilespmem:$0x1F9E0]  }
0x31c: {  	v24 =	vadd.f32 v24, v60;
	v60 =	vld [tilespmem:$0x1FBA0]  }
0x31d: {  	v43 =	vadd.f32 $0.0e+00, v19;
	v7 =	vadd.f32 v7, v20;
	v20 =	vld [tilespmem:s21+$0x1F0]  }
0x31e: {  	v46 =	vadd.f32 $0.0e+00, v27;
	v27 =	vld [tilespmem:$0x1F960]  }
0x31f: {  	v11 =	vadd.f32 v17, v43;
	v43 =	vld [tilespmem:s21+$0x44F0]  }
0x320: {  	v13 =	vmul.f32 v32, v13;
	v32 =	vld [tilespmem:$0x1F940]  }
0x321: {  	v52 =	vmul.f32 v42, v33;
	v33 =	vld [tilespmem:$0x1F950]  }
0x322: {  	v42 =	vld [tilespmem:$0x1FCA0]  }
0x323: {  	v19 =	vmul.f32 v47, v45;
	v45 =	vld [tilespmem:$0x1FD30]  }
0x324: {  	v22 =	vmul.f32 v26, v22;
	v47 =	vld [tilespmem:$0x1F920]  }
0x325: {  	v17 =	vmul.f32 v51, v48;
	v48 =	vld [tilespmem:s21+$0x4660]  }
0x326: {  	v49 =	vadd.f32 v22, v46;
	v22 =	vld [tilespmem:$0x1FA10]  }
0x327: {  	v50 =	vadd.f32 v25, v24;
	v24 =	vld [tilespmem:s21+$0x41F0]  }
0x328: {  	v25 =	vld [tilespmem:s21+$0x4360]  }
0x329: {  	v46 =	vld [tilespmem:$0x1F910]  }
0x32a: {  	v0 =	vmul.f32 v2, v0;
	v2 =	vmul.f32 v58, v56;
	v58 =	vld [tilespmem:$0x1F8F0]  }
0x32b: {  	v15 =	vadd.f32 v15, v49;
	v54 =	vadd.f32 v9, v50;
	v9 =	vmul.f32 v55, v53;
	v53 =	vld [tilespmem:$0x1F900]  }
0x32c: {  	v7 =	vadd.f32 v18, v7;
	v13 =	vadd.f32 $0.0e+00, v13;
	v55 =	vld [tilespmem:s21+$0x4670]  }
0x32d: {  	v50 =	vmul.f32 v31, v29;
	v31 =	vld [tilespmem:$0x1F880];
	v0 =	vadd.f32 v0, v15;
	v15 =	vmul.f32 v59, v57  }
0x32e: {  	v7 =	vadd.f32 v16, v7;
	v13 =	vadd.f32 v52, v13;
	v52 =	vld [tilespmem:s21+$0x670]  }
0x32f: {  	v8 =	vmul.f32 v28, v27;
	v27 =	vld [tilespmem:$0x1F8B0];
	v0 =	vadd.f32 v15, v0  }
0x330: {  	v28 =	vld [tilespmem:$0x1F8C0];
	v1 =	vadd.f32 v1, v54;
	v7 =	vadd.f32 v14, v7  }
0x331: {  	(xrf2) =	vadd.scan.msk.f32 $0xffff, v10;
	v59 =	vld [tilespmem:s21+$0x1E0];
	v13 =	vadd.f32 v19, v13;
	v0 =	vadd.f32 v12, v0  }
0x332: {  	(xrf2) =	vadd.scan.msk.f32 $0xffff, v3;
	v3 =	vadd.f32 v45, v6;
	v54 =	vadd.f32 v34, v62;
	v15 =	vmul.f32 v60, v63;
	v63 =	vld [tilespmem:s21+$0x41E0]  }
0x333: {  	v57 =	vld [tilespmem:$0x1F8E0];
	v13 =	vadd.f32 v17, v13;
	v0 =	vadd.f32 v5, v0  }
0x334: {  	v62 =	vld [tilespmem:$0x1FB10];
	v4 =	vadd.f32 v4, v7;
	v11 =	vadd.f32 v15, v11;
	v12 =	vmul.f32 v23, v22  }
0x335: {  	v9 =	vadd.f32 v9, v13;
	v0 =	vadd.f32 v41, v0;
	v41 =	vld [tilespmem:$0x1F930]  }
0x336: {  	v1 =	vadd.f32 v37, v1;
	v37 =	vld [tilespmem:s21+$0x44E0];
	v26 =	vadd.f32 v12, v11  }
0x337: {  	v34 =	vld [tilespmem:$0x1F8A0];
	v4 =	vadd.f32 v38, v4;
	v2 =	vadd.f32 v2, v9;
	v30 =	vmul.f32 v63, v59  }
0x338: {  	v60 =	vmul.f32 v43, v39;
	v39 =	vld [tilespmem:$0x1F860];
	(xrf2) =	vadd.scan.msk.f32 $0xffff, v1;
	v5 =	vadd.f32 v8, v26;
	v8 =	vmul.f32 v33, v32  }
0x339: {  	v38 =	vmul.f32 v24, v20;
	v20 =	vld [tilespmem:$0x1F8D0];
	(xrf2) =	vadd.scan.msk.f32 $0xffff, v4;
	v4 =	vmul.f32 v47, v46;
	v2 =	vadd.f32 v30, v2  }
0x33a: {  	v22 =	vld [tilespmem:$0x1FB20];
	v40 =	vadd.f32 v8, v5;
	v8 =	vadd.f32 v42, v36;
	v5 =	vmul.f32 v25, v41  }
0x33b: {  	v24 =	vld [tilespmem:s21+$0x47F0];
	v3 =	vadd.f32 v4, v3;
	v4 =	vmul.f32 v37, v53;
	v2 =	vadd.f32 v38, v2  }
0x33c: {  	(xrf2) =	vadd.scan.msk.f32 $0xffff, v0;
	v51 =	vadd.f32 v61, v8;
	v25 =	vld [tilespmem:$0x1FA50];
	v49 =	vadd.f32 v5, v40  }
0x33d: {  	v59 =	vld [tilespmem:s21+$0x47E0];
	v11, _, _ =	vpop (xrf2);
	v3 =	vadd.f32 v4, v3;
	(xrf2) =	vadd.scan.msk.f32 $0xffff, v2  }
0x33e: {  	v12 =	vmul.f32 v58, v57;
	v32 =	vld [tilespmem:$0x1F890];
	v56 =	vadd.f32 v44, v51;
	v0 =	vadd.f32 v50, v49;
	v5, _, _ =	vpop (xrf2)  }
0x33f: {  	v9 =	vadd.f32 v62, v54;
	v63 =	vld [tilespmem:s21+$0x7F0];
	v61, _, _ =	vpop (xrf2)  }
0x340: {  	v6 =	vmul.f32 v48, v20;
	v3 =	vadd.f32 v60, v3;
	v40 =	vld [tilespmem:$0x1F870];
	v1 =	vadd.f32 v12, v56;
	v23, _, _ =	vpop (xrf2);
	(xrf2) =	vadd.scan.msk.f32 $0xffff, v0  }
0x341: {  	v29 =	vld [tilespmem:s21+$0x8E0];
	v15 =	vmul.f32 v28, v27;
	v12 =	vadd.f32 v21, v22;
	v4 =	vadd.f32 v25, v9;
	v26, _, _ =	vpop (xrf2)  }
0x342: {  	v33 =	vld [tilespmem:s21+$0x48E0];
	v13 =	vmul.f32 v59, v34;
	v2 =	vmul.f32 v55, v52;
	v1 =	vadd.f32 v6, v1;
	v30, _, _ =	vpop (xrf2)  }
0x343: {  	v37 =	vld [tilespmem:s21+$0x8F0];
	v8 =	vmul.f32 v32, v31;
	v12 =	vadd.f32 v35, v12;
	v4 =	vadd.f32 v15, v4;
	(xrf2) =	vadd.scan.msk.f32 $0xffff, v3;
	v36, _, _ =	vpop (xrf2)  }
0x344: {  	v41 =	vld [tilespmem:s21+$0x48F0];
	v0 =	vmul.f32 v24, v63;
	v1 =	vadd.f32 v2, v1;
	v38, _, _ =	vpop (xrf2)  }
0x345: {  	v18 =	vmul.f32 v40, v39;
	v8 =	vadd.f32 v8, v12;
	v4 =	vadd.f32 v13, v4;
	v42, _, _ =	vpop (xrf2)  }
0x346: {  	(xrf2) =	vadd.scan.msk.f32 $0xffff, v1;
	v43, _, _ =	vpop (xrf2)  }
0x347: {  	v45 =	vmul.f32 v33, v29;
	v44 =	vadd.f32 v18, v8;
	v0 =	vadd.f32 v0, v4;
	v46, _, _ =	vpop (xrf2)  }
0x348: {  	v1 =	vbroadcast v43, $0xF;
	v12 =	vbroadcast v46, $0xF  }
0x349: {  	v3 =	vmul.f32 v41, v37;
	v4 =	vadd.f32 v45, v44;
	v47 =	vbroadcast v42, $0xF;
	(xrf2) =	vadd.scan.msk.f32 $0xffff, v0  }
0x34a: {  	v2 =	vbroadcast v38, $0xF;
	v1 =	vsel vm0, v1, v12;
	v48, _, _ =	vpop (xrf2)  }
0x34b: {  	v49 =	vadd.f32 v3, v4;
	v0 =	vsel vm1, v1, v47;
	v50 =	vbroadcast v48, $0xF  }
0x34c: {  	v51 =	vbroadcast v36, $0xF;
	v0 =	vsel vm2, v0, v2  }
0x34d: {  	v52 =	vbroadcast v30, $0xF;
	(xrf2) =	vadd.scan.msk.f32 $0xffff, v49;
	v53, _, _ =	vpop (xrf2);
	v0 =	vsel vm3, v0, v50  }
0x34e: {  	v1 =	vbroadcast v53, $0xF;
	v0 =	vsel vm4, v0, v51  }
0x34f: {  	v54 =	vbroadcast v26, $0xF;
	v0 =	vsel vm5, v0, v52  }
0x350: {  	v55 =	vbroadcast v23, $0xF;
	v56, _, _ =	vpop (xrf2);
	v0 =	vsel vm6, v0, v1  }
0x351: {  	v57 =	vbroadcast v56, $0xF;
	v0 =	vsel vm7, v0, v54  }
0x352: {  	v58 =	vbroadcast v61, $0xF;
	v0 =	vsel vm8, v0, v55  }
0x353: {  	v59 =	vbroadcast v5, $0xF;
	v60, _, _ =	vpop (xrf2);
	v0 =	vsel vm9, v0, v57  }
0x354: {  	v61 =	vbroadcast v60, $0xF;
	v0 =	vsel vm10, v0, v58  }
0x355: {  	v62 =	vbroadcast v11, $0xF;
	v0 =	vsel vm11, v0, v59  }
0x356: {  	v0 =	vsel vm12, v0, v61  }
0x357: {  	s20 =	sshll.u32 s20, $0x4;
	s18 =	sadd.s32 $0x1, s18;
	v63, _, _ =	vpop (xrf2);
	v0 =	vsel vm13, v0, v62  }
0x358: {  	s20 =	sand.u32 $0x3FFFFFF0, s20;
	p0 =	sne.s32 s18, $0x19;
	v0 =	vsel vm14, v0, v63  }
.Ltmp1:
0x359: {  	s19 =	sadd.s32 s7, s19;
	[tilespmem:s20+$0x8100] =	vst v0;
	(pc) =	sbr.rel @p0 .LBB2_2-.Ltmp1, $4  }
0x35a: {  	[hbm4b:s19+s1] =	stream.linear.scatter [tilespmem:s16], [sflag:$0x3], $0x80, $0x38;
	[tilespmem:$0x8180] =	vst v63  }
0x35b: {  	_ =	swait.ge [sflag:s10], $0x80  }
0x35c: {  	[sflag:s10] =	ssyncset.done $0x0  }
0x35d: {  	[sflag:s10] =	ssyncadd.s32 $0xFFFFFF80  }
0x35e: {  	s17 =	sadd.s32 $0x1, s17  }
0x35f: {  	p0 =	sne.s32 s17, s9  }
.Ltmp2:
0x360: {  	_ = 	snop;
	(pc) =	sbr.rel @p0 .LBB2_1-.Ltmp2, $1  }
0x361: {  	_ =	sdelay $0x3  }
0x362: {  	_ =	sfence.sel $0x180000  }
0x363: {  	[bflag:$0x0] =	sbarrier.arrive $0xFFFF  }
0x364: {  	p0 =	sne.s32 s3, $0x0;
	_ =	strace $0x9000004D  }
0x365: {  	s0 =	sadd.s32 @!p0 $0x100000, s0;
	[bflag:$0x2] =	sbarrier.arrive $0xFFFF  }
0x366: {  	[sflag:s0] =	ssyncadd.tile.s32 @!p0 $0x1;
	_ =	shalt  }
.Lfunc_end2:
_tile_overlayer_lowered:
.L_overlay_start_2:
0x367: {  	(tag) =	ssettag $0x2  }
0x368: {  	s0 =	rddreg [dreg:$0x0];
	s2 =	stileid.u32  }
0x369: {  	s1 =	rddreg [dreg:$0x1];
	p0 =	sne.s32 s2, $0x0  }
0x36a: {  	s3 =	rddreg [dreg:$0x2];
	[bflag:$0x3] =	sbarrier.arrive $0xFFFF;
	s2 =	simm.s32 @!p0 $0x1C03  }
0x36b: {  	[timem:s3], [sflag:s2] =	dma.local @!p0 [hbm:s0], s1  }
0x36c: {  	s0 =	simm.s32 @!p0 $0x3  }
0x36d: {  	_ =	swait.ge @!p0 [sflag:s0], s1  }
0x36e: {  	s1 =	ssub.s32 @!p0 $0x0, s1;
	[sflag:s0] =	ssyncset.done @!p0 $0x0  }
0x36f: {  	[sflag:s0] =	ssyncadd.s32 @!p0 s1  }
0x370: {  	[bflag:$0x3] =	sbarrier.arrive $0xFFFF  }
0x371: {  	_ =	shalt  }

// kernel: kernel.7.cloned.1.call-start
scs
__scs_entry_jumppad:
0x0: {  	(pc) =	sbr.rel $0x88, $3  }
0x1: {  	(tag) =	ssettag $0x0;
	lr =	simm.s32 $0x1  }
0x2: {  	[smem:$0x3F94] =	sst lr;
	_ =	strace $0xD0000000  }
0x3: {  	_ = 	snop  }
0x4: {  	_ = 	snop  }
0x5: {  	_ = 	snop  }
0x6: {  	_ = 	snop  }
0x7: {  	_ = 	snop  }
__scs_overlays_trampoline_lowered:
0x8: {  	[smem:$0x3FA3] =	sst s0  }
0x9: {  	[smem:$0x3FA4] =	sst s1  }
0xa: {  	[smem:$0x3FA5] =	sst s2  }
0xb: {  	[smem:$0x3FA6] =	sst s3  }
0xc: {  	[smem:$0x3FA7] =	sst s4  }
0xd: {  	[smem:$0x3FA8] =	sst s5  }
0xe: {  	[smem:$0x3FA9] =	sst s6  }
0xf: {  	[smem:$0x3FAA] =	sst s7  }
0x10: {  	[smem:$0x3FAB] =	sst s8  }
0x11: {  	[smem:$0x3FAC] =	sst s9;
	s0 =	simm.s32 @!p0 $0x0  }
0x12: {  	s1 =	sld [smem:$0x3F92];
	s0 =	simm.s32 @p0 $0x1  }
0x13: {  	[smem:$0x3FAD] =	sst s0;
	s0 =	simm.s32 @!p1 $0x0  }
0x14: {  	s2 =	sld [smem:$0x3F91];
	s0 =	simm.s32 @p1 $0x1  }
0x15: {  	[smem:$0x3FAE] =	sst s0;
	s0 =	simm.s32 @!p2 $0x0  }
0x16: {  	s3 =	sld [smem:$0x3FDB];
	s0 =	simm.s32 @p2 $0x1  }
0x17: {  	s4 =	simm.s32 $0x1BF5;
	[smem:$0x3FB0] =	sst s0  }
0x18: {  	s0 =	sld [smem:$0x3F93];
	_ =	swait.ge [sflag:s4], $0x0  }
0x19: {  	s7 =	sld [smem:$0x3F94]  }
0x1a: {  	s8 =	sadd.s32 $0xFFFFE003, lr  }
0x1b: {  	s9 =	sadd.s32 $0xFFFFFEF7, lr;
	s5 =	simm.s32 $0xFFFFFFFF;
	p2 =	slt.u32 s8, $0xFFFFF086  }
0x1c: {  	p1 =	slt.u32 s9, $0xF7A;
	s5 =	simm.s32 @!p2 $0x0  }
0x1d: {  	s5 =	simm.s32 @p1 $0x1;
	p0 =	seq.s32 s7, s2  }
0x1e: {  	s7 =	smul.u32 @!p0 $0xF7A, s2;
	p2 =	seq.s32 @!p0 s5, $0x0  }
0x1f: {  	s9 =	smul.u32 $0xF7A, s1;
	s8 =	simm.s32 @!p0 $0x1BF5;
	p2 =	por !p2, p0  }
0x20: {  	[sflag:s8] =	ssyncset.s32 @!p0 $0xFFFFF086;
	s6 =	sadd.s32 @!p0 s3, s7;
	s7 =	simm.s32 @!p0 $0x108  }
0x21: {  	s3 =	sadd.s32 s3, s9;
	s6 =	sadd.s32 @!p0 $0x88, s6;
	s7 =	simm.s32 @p2 $0x1082  }
0x22: {  	[simem:s7], [sflag:s8] =	dma.local @!p0 [hbm:s6], $0xF7A  }
0x23: {  	s9 =	sor.u32 $0xD0000000, s2;
	s6 =	simm.s32 $0x108;
	_ =	swait.ge @!p0 [sflag:s8], $0x0  }
0x24: {  	s3 =	sadd.s32 $0x88, s3;
	s6 =	simm.s32 @!p1 $0x1082;
	[sflag:s4] =	ssyncset.s32 $0xFFFFF086  }
0x25: {  	[simem:s6], [sflag:s4] =	dma.local [hbm:s3], $0xF7A  }
0x26: {  	[smem:$0x3F94] =	sst s1;
	(tag) =	ssettag s2;
	_ =	strace s9  }
0x27: {  	s1 =	sld [smem:$0x3FA4]  }
0x28: {  	s2 =	sld [smem:$0x3FA5]  }
0x29: {  	s4 =	sld [smem:$0x3FA7]  }
0x2a: {  	p0 =	seq.s32 s5, $0x0;
	s5 =	sld [smem:$0x3FA8]  }
0x2b: {  	s6 =	sld [smem:$0x3FA9]  }
0x2c: {  	s7 =	sld [smem:$0x3FAA]  }
0x2d: {  	s3 =	simm.s32 $0x108;
	s8 =	sld [smem:$0x3FAB]  }
0x2e: {  	s3 =	simm.s32 @!p0 $0x1082;
	s9 =	sld [smem:$0x3FAC]  }
0x2f: {  	lr =	sadd.s32 s0, s3;
	s0 =	sld [smem:$0x3FA3]  }
0x30: {  	s3 =	sld [smem:$0x3FA6]  }
0x31: {  	[smem:$0x3FAF] =	sst s10  }
0x32: {  	s10 =	sld [smem:$0x3FAD];
	_ =	sdelay $0x3  }
0x33: {  	p0 =	seq.s32 s10, $0x1;
	s10 =	sld [smem:$0x3FAF];
	_ =	sdelay $0x3  }
0x34: {  	[smem:$0x3FAF] =	sst s10  }
0x35: {  	s10 =	sld [smem:$0x3FAE];
	_ =	sdelay $0x3  }
0x36: {  	p1 =	seq.s32 s10, $0x1;
	s10 =	sld [smem:$0x3FAF];
	_ =	sdelay $0x3  }
0x37: {  	[smem:$0x3FAF] =	sst s10  }
0x38: {  	s10 =	sld [smem:$0x3FB0]  }
0x39: {  	_ = 	snop;
	(pc) =	sbr.ind lr, $3  }
0x3a: {  	_ = 	snop  }
0x3b: {  	_ = 	snop  }
0x3c: {  	p2 =	seq.s32 s10, $0x1;
	s10 =	sld [smem:$0x3FAF]  }
0x3d: {  	_ =	shalt  }
0x3e: {  	_ =	shalt  }
0x3f: {  	_ =	shalt  }
0x40: {  	_ =	shalt  }
0x41: {  	_ =	shalt  }
0x42: {  	_ =	shalt  }
0x43: {  	_ =	shalt  }
0x44: {  	_ =	shalt  }
0x45: {  	_ =	shalt  }
0x46: {  	_ =	shalt  }
0x47: {  	_ =	shalt  }
0x48: {  	_ =	shalt  }
0x49: {  	_ =	shalt  }
0x4a: {  	_ =	shalt  }
0x4b: {  	_ =	shalt  }
0x4c: {  	_ =	shalt  }
0x4d: {  	_ =	shalt  }
0x4e: {  	_ =	shalt  }
0x4f: {  	_ =	shalt  }
0x50: {  	_ =	shalt  }
0x51: {  	_ =	shalt  }
0x52: {  	_ =	shalt  }
0x53: {  	_ =	shalt  }
0x54: {  	_ =	shalt  }
0x55: {  	_ =	shalt  }
0x56: {  	_ =	shalt  }
0x57: {  	_ =	shalt  }
0x58: {  	_ =	shalt  }
0x59: {  	_ =	shalt  }
0x5a: {  	_ =	shalt  }
0x5b: {  	_ =	shalt  }
0x5c: {  	_ =	shalt  }
0x5d: {  	_ =	shalt  }
0x5e: {  	_ =	shalt  }
0x5f: {  	_ =	shalt  }
0x60: {  	_ =	shalt  }
0x61: {  	_ =	shalt  }
0x62: {  	_ =	shalt  }
0x63: {  	_ =	shalt  }
0x64: {  	_ =	shalt  }
0x65: {  	_ =	shalt  }
0x66: {  	_ =	shalt  }
0x67: {  	_ =	shalt  }
0x68: {  	_ =	shalt  }
0x69: {  	_ =	shalt  }
0x6a: {  	_ =	shalt  }
0x6b: {  	_ =	shalt  }
0x6c: {  	_ =	shalt  }
0x6d: {  	_ =	shalt  }
0x6e: {  	_ =	shalt  }
0x6f: {  	_ =	shalt  }
0x70: {  	_ =	shalt  }
0x71: {  	_ =	shalt  }
0x72: {  	_ =	shalt  }
0x73: {  	_ =	shalt  }
0x74: {  	_ =	shalt  }
0x75: {  	_ =	shalt  }
0x76: {  	_ =	shalt  }
0x77: {  	_ =	shalt  }
0x78: {  	_ =	shalt  }
0x79: {  	_ =	shalt  }
0x7a: {  	_ =	shalt  }
0x7b: {  	_ =	shalt  }
0x7c: {  	_ =	shalt  }
0x7d: {  	_ =	shalt  }
0x7e: {  	_ =	shalt  }
0x7f: {  	_ =	shalt  }
0x80: {  	_ =	shalt  }
0x81: {  	_ =	shalt  }
0x82: {  	_ =	shalt  }
0x83: {  	_ =	shalt  }
0x84: {  	_ =	shalt  }
0x85: {  	_ =	shalt  }
0x86: {  	_ =	shalt  }
0x87: {  	_ =	shalt  }
.Lfunc_end0:
.L_simem_size_0:
called_computation_lowered:
.L_overlay_start_0:
0x88: {  	s2 =	sld [smem:$0x3FD9]  }
0x89: {  	s3 =	sld [smem:$0x3FFE];
	_ =	sdelay $0x1  }
0x8a: {  	s1 =	srdreg.scid  }
0x8b: {  	s0 =	sand.u32 $0x1, s1  }
0x8c: {  	s17 =	sshll.u32 s0, $0xA;
	s2 =	sadd.s32 s3, s2  }
0x8d: {  	s2 =	sadd.s32 s2, s17  }
0x8e: {  	[smem:$0x3FBB] =	sst s2  }
0x8f: {  	_ = 	snop  }
0x90: {  	s18 =	sld [smem:$0x3FC3]  }
0x91: {  	s4 =	sld [smem:$0x3FD0];
	(tm) =	ssettm $0x1  }
0x92: {  	s19 =	sld [smem:$0x3FFB];
	_ =	sdelay $0x3  }
0x93: {  	_ =	strace s19  }
0x94: {  	s2 =	sld [smem:$0x3FFC];
	_ =	sdelay $0x3  }
0x95: {  	_ =	strace s2  }
0x96: {  	s2 =	sld [smem:$0x3FFD];
	_ =	sdelay $0x3  }
0x97: {  	_ =	strace s2  }
0x98: {  	_ =	strace $0x8FFFFFFF  }
0x99: {  	s20 =	sld [smem:$0x3FDB];
	_ =	sdelay $0x1  }
0x9a: {  	s5 =	simm.s32 $_scs_section_size  }
0x9b: {  	s6 =	simm.s32 $_size__tile_overlayer_lowered;
	s7 =	simm.s32 $_tile_overlayer_lowered  }
0x9c: {  	s8 =	simm.s32 $0x1BFF;
	s21 =	sshll.u32 s7, $0x1;
	s5 =	sadd.s32 s5, s20  }
0x9d: {  	s22 =	simm.s32 $0x0;
	s6 =	sshll.u32 s6, $0x1;
	s7 =	sadd.s32 s21, s5  }
0x9e: {  	[timem:s22], [sflag:s8] =	dma.local [hbm:s7], s6  }
0x9f: {  	_ =	swait.ge [sflag:s8], s6  }
0xa0: {  	s6 =	ssub.s32 $0x0, s6;
	[sflag:s8] =	ssyncset.done $0x0  }
0xa1: {  	[sflag:s8] =	ssyncadd.s32 s6;
	_ =	sdelay $0x1  }
0xa2: {  	s23 =	simm.s32 $0x1B8B  }
0xa3: {  	_ =	swait.ge [sflag:s23], $0x1  }
0xa4: {  	[sflag:s23] =	ssyncset.done $0x0  }
0xa5: {  	[sflag:s23] =	ssyncadd.s32 $0xFFFFFFFF  }
0xa6: {  	s6 =	sld [smem:$0x0]  }
0xa7: {  	s7 =	sand.u32 $0xFFFFFFFE, s1  }
0xa8: {  	p0 =	sne.s32 s1, s7  }
0xa9: {  	s7 =	sshll.u32 @p0 s7, $0xE  }
0xaa: {  	s7 =	sadd.s32 @p0 $0x11B8D, s7;
	s8 =	sshll.u32 @p0 s6, $0x11  }
0xab: {  	s7 =	sor.u32 @p0 s8, s7  }
0xac: {  	[sflag:s7] =	ssyncadd.remote.s32 @p0 $0x1;
	_ =	sdelay $0x1  }
0xad: {  	s7 =	simm.s32 @p0 $0x1B8D  }
0xae: {  	_ =	swait.eq @p0 [sflag:s7], $0x1  }
0xaf: {  	[sflag:s7] =	ssyncadd.s32 @p0 $0xFFFFFFFF  }
0xb0: {  	s8 =	sshll.u32 @!p0 s1, $0xE  }
0xb1: {  	s8 =	sor.u32 @!p0 $0x4000, s8;
	s7 =	simm.s32 @!p0 $0x1B8D  }
0xb2: {  	s6 =	sshll.u32 @!p0 s6, $0x11;
	s8 =	sadd.s32 @!p0 $0x11B8D, s8;
	_ =	swait.eq @!p0 [sflag:s7], $0x1  }
0xb3: {  	s6 =	sor.u32 @!p0 s6, s8;
	[sflag:s7] =	ssyncadd.s32 @!p0 $0xFFFFFFFF  }
0xb4: {  	s25 =	simm.s32 $0x1B8E;
	s24 =	sld [smem:$0x3FFE];
	[sflag:s6] =	ssyncadd.remote.s32 @!p0 $0x1  }
0xb5: {  	s26 =	simm.s32 $execute0_lowered;
	[smem:$0x3FD2] =	sst s25  }
0xb6: {  	s7 =	sshll.u32 s26, $0x1;
	_ =	strace $0x80000049;
	[dreg:$0x1] =	wrdreg $0xFFFFFFFF  }
0xb7: {  	s28 =	simm.s32 $_size_execute0_lowered;
	s5 =	sadd.s32 s5, s7;
	[dreg:$0x0] =	wrdreg $0x0  }
0xb8: {  	s7 =	sshll.u32 s28, $0x1;
	[dreg:$0x2] =	wrdreg s5  }
0xb9: {  	[dreg:$0x3] =	wrdreg s7  }
0xba: {  	[dreg:$0x4] =	wrdreg $0xC0  }
0xbb: {  	_ =	task [dreg:s22], $0x5FFFF  }
0xbc: {  	[dreg:$0x1] =	wrdreg $0xFFFFFFFF  }
0xbd: {  	[dreg:$0x0] =	wrdreg $0x60  }
0xbe: {  	[dreg:$0x2] =	wrdreg s24  }
0xbf: {  	[dreg:$0x3] =	wrdreg s4  }
0xc0: {  	[dreg:$0x4] =	wrdreg s18  }
0xc1: {  	[dreg:$0x5] =	wrdreg $0x0  }
0xc2: {  	[dreg:$0x6] =	wrdreg $0x9  }
0xc3: {  	_ =	task.clear_ibuf [dreg:s22], $0x7FFFF;
	_ =	strace $0x90000049  }
0xc4: {  	s29 =	simm.s32 $0x9;
	_ =	strace $0x8000004B  }
0xc5: {  	_ =	swait.ge [sflag:s29], $0x1  }
0xc6: {  	[sflag:s29] =	ssyncadd.s32 $0xFFFFFFFF  }
0xc7: {  	_ =	strace $0x9000004B  }
0xc8: {  	_ =	sfence  }
0xc9: {  	s30 =	sld [smem:$0x0];
	_ =	sdelay $0x2  }
0xca: {  	s31 =	sshll.u32 s1, $0xD;
	s1 =	sshrl.u32 s1, $0x2  }
0xcb: {  	s4 =	sand.u32 $0x4000, s31;
	s1 =	sadd.s32 s1, s30  }
0xcc: {  	s0 =	sor.u32 s4, s0;
	s1 =	sshll.u32 s1, $0x11  }
0xcd: {  	s0 =	sor.u32 s1, s0  }
0xce: {  	s0 =	sadd.s32 $0x8F2B, s0  }
0xcf: {  	[sflag:s0] =	ssyncadd.remote.s32 $0x1  }
0xd0: {  	_ =	sfence.sel $0xFFFF  }
0xd1: {  	[dreg:$0x0] =	wrdreg $0xFFFFFFFF;
	(pc) =	sbr.abs _section_cstart, $3  }
0xd2: {  	[dreg:$0x1] =	wrdreg $0xFFFFFFFF  }
0xd3: {  	_ =	task.clear_ibuf [dreg:s22], $0x2FFFF;
	_ =	strace $0x9FFFFFFF  }
0xd4: {  	(tm) =	ssettm $0x7FFFFFFF  }
0xd5: {  	_ =	shalt  }
tec
execute0_lowered:
.L_overlay_start_1:
0x0: {  	(tag) =	ssettag $0x1  }
0x1: {  	s9 =	rddreg [dreg:$0x0]  }
0x2: {  	s11 =	rddreg [dreg:$0x1]  }
0x3: {  	s1 =	rddreg [dreg:$0x2]  }
0x4: {  	s2 =	rddreg [dreg:$0x3]  }
0x5: {  	s0 =	rddreg [dreg:$0x4];
	s3 =	simm.s32 $0x0  }
0x6: {  	s10 =	srdreg.scid;
	s5 =	stileid.u32;
	s17 =	simm.s32 $0x4000  }
0x7: {  	s18 =	simm.s32 $0x4080;
	s19 =	simm.s32 $0x4100;
	s20 =	simm.s32 $0x80  }
0x8: {  	s21 =	simm.s32 $0x1;
	s22 =	simm.s32 $0x8180;
	s23 =	simm.s32 $0x40  }
0x9: {  	s24 =	simm.s32 $0x81C0;
	s25 =	simm.s32 $0x0;
	[smem:$0x7FF] =	sst s3  }
0xa: {  	s4 =	sadd.s32 $0x15800, s9;
	s6 =	sadd.s32 $0x96A00, s9;
	s7 =	sadd.s32 $0xAAA00, s9  }
0xb: {  	s8 =	sadd.s32 $0xA0A00, s9;
	s10 =	sand.u32 $0x1, s10;
	s12 =	sshll.u32 s5, $0xE  }
0xc: {  	_ =	strace $0x8000004A;
	s13 =	sshll.u32 s10, $0x12;
	s14 =	sshll.u32 s10, $0x4  }
0xd: {  	s10 =	ssub.s32 $0x2, s10;
	s13 =	sor.u32 s12, s13;
	s14 =	sor.u32 s5, s14  }
0xe: {  	s16 =	sshrl.u32 s10, $0x1;
	s13 =	sshrl.u32 s13, $0x3;
	s15 =	sshll.u32 s14, $0xA  }
0xf: {  	s16 =	ssub.s32 s10, s16;
	s10 =	smul.u32 $0x2800, s14;
	s31 =	sshll.u32 s14, $0x3  }
0x10: {  	s13 =	sadd.s32 s13, s9;
	s15 =	sadd.s32 s15, s9;
	s9 =	sadd.s32 s12, s2  }
0x11: {  	s11 =	sadd.s32 s11, s31;
	s14 =	smax.u32 s16, $0x1;
	s16 =	simm.s32 $0x2  }
0x12: {  	v0 =	vimm.f32 $0.0e+00;
	s12 =	sadd.s32 $0xC4A00, s15;
	s13 =	sadd.s32 $0xB4A00, s13;
	s15 =	simm.s32 $0x4180  }
.LBB2_1:
0x13: {  	s26 =	simm.s32 $0x0;
	s28 =	simm.s32 $0x200  }
.LBB2_2:
0x14: {  	p0 =	sne.s32 s28, $0xFE00;
	[tilespmem:s26+$0x41F0] =	vst v0  }
0x15: {  	[tilespmem:s26+$0x4180] =	vst v0  }
0x16: {  	[tilespmem:s26+$0x4190] =	vst v0  }
.Ltmp0:
0x17: {  	[tilespmem:s26+$0x41A0] =	vst v0;
	(pc) =	sbr.rel @p0 .LBB2_2-.Ltmp0, $4  }
0x18: {  	[tilespmem:s26+$0x41B0] =	vst v0  }
0x19: {  	[tilespmem:s26+$0x41C0] =	vst v0  }
0x1a: {  	[tilespmem:s26+$0x41D0] =	vst v0  }
0x1b: {  	[tilespmem:s26+$0x41E0] =	vst v0;
	s26 =	sshra.s32 s28, $0x2;
	s28 =	sadd.s32 $0x200, s28  }
0x1c: {  	[tilespmem:s26+$0x41F0] =	vst v0  }
0x1d: {  	[tilespmem:s26+$0x4180] =	vst v0  }
0x1e: {  	[tilespmem:s26+$0x4190] =	vst v0  }
0x1f: {  	[tilespmem:s26+$0x41A0] =	vst v0  }
0x20: {  	[tilespmem:s26+$0x41B0] =	vst v0  }
0x21: {  	[tilespmem:s26+$0x41C0] =	vst v0  }
0x22: {  	[tilespmem:s26+$0x41D0] =	vst v0  }
0x23: {  	[tilespmem:s26+$0x41E0] =	vst v0  }
0x24: {  	[spmem:s9] =	stream.linear.scatter [tilespmem:s15], [sflag:$0x2], $0x4000, $0x38;
	[tilespmem:$0xA1C0] =	vst v63  }
0x25: {  	_ =	swait.ge [sflag:s16], $0x4000  }
0x26: {  	[sflag:s16] =	ssyncset.done $0x0  }
0x27: {  	[sflag:s16] =	ssyncadd.s32 $0xFFFFC000  }
0x28: {  	s26 =	simm.s32 $0x0;
	s28 =	simm.s32 $0x0;
	[bflag:$0x0] =	sbarrier.arrive $0xFFFF  }
.LBB2_4:
0x29: {  	s29 =	sshll.u32 s28, $0x7  }
0x2a: {  	s29 =	sadd.s32 s10, s29  }
0x2b: {  	s29 =	sshrl.u32 s29, $0x3  }
0x2c: {  	s30 =	sadd.s32 s6, s29  }
0x2d: {  	[tilespmem:s17], [sflag:$0x2] =	stream.linear.gather [hbm4b:s30+s26], $0x80, $0x38;
	[tilespmem:$0xA1C0] =	vst v63  }
0x2e: {  	_ =	swait.ge [sflag:s16], $0x80  }
0x2f: {  	[sflag:s16] =	ssyncset.done $0x0  }
0x30: {  	s31 =	sadd.s32 s7, s29;
	[sflag:s16] =	ssyncadd.s32 $0xFFFFFF80  }
0x31: {  	[tilespmem:s18], [sflag:$0x2] =	stream.linear.gather [hbm4b:s31+s26], $0x80, $0x38;
	[tilespmem:$0xA1C0] =	vst v63  }
0x32: {  	_ =	swait.ge [sflag:s16], $0x80  }
0x33: {  	[sflag:s16] =	ssyncset.done $0x0  }
0x34: {  	s29 =	sadd.s32 s8, s29;
	[sflag:s16] =	ssyncadd.s32 $0xFFFFFF80  }
0x35: {  	[tilespmem:s19], [sflag:$0x2] =	stream.linear.gather [hbm4b:s29+s26], $0x80, $0x38;
	[tilespmem:$0xA1C0] =	vst v63  }
0x36: {  	_ =	swait.ge [sflag:s16], $0x80  }
0x37: {  	[sflag:s16] =	ssyncset.done $0x0  }
0x38: {  	[sflag:s16] =	ssyncadd.s32 $0xFFFFFF80  }
0x39: {  	[tilespmem:s15], [sflag:$0x1] =	stream.indirect.gather [hbm4b:s4+s20], $0x80, s17, s20, $0xb8;
	[tilespmem:$0xA1C0] =	vst v63  }
0x3a: {  	_ =	swait.ge [sflag:s21], $0x4000  }
0x3b: {  	[sflag:s21] =	ssyncset.done $0x0  }
0x3c: {  	s29 =	simm.s32 $0x0;
	[sflag:s21] =	ssyncadd.s32 $0xFFFFC000  }
.LBB2_5:
0x3d: {  	s30 =	sshll.u32 s29, $0x4  }
0x3e: {  	s30 =	sand.u32 $0x3FFFFFF0, s30  }
0x3f: {  	s31 =	sshll.u32 s29, $0xB;
	v1 =	vld [tilespmem:s30+$0x4100]  }
0x40: {  	s30 =	sand.u32 $0x3FFFF800, s31  }
0x41: {  	v2 =	vld [tilespmem:s30+$0x4180]  }
0x42: {  	v3 =	vld [tilespmem:s30+$0x4190]  }
0x43: {  	v4 =	vld [tilespmem:s30+$0x41A0]  }
0x44: {  	v6 =	vld [tilespmem:s30+$0x41B0];
	v5 =	vbroadcast v1, $0x0  }
0x45: {  	v7 =	vld [tilespmem:s30+$0x41C0]  }
0x46: {  	v8 =	vld [tilespmem:s30+$0x41D0];
	v2 =	vmul.f32 v5, v2  }
0x47: {  	v9 =	vld [tilespmem:s30+$0x41E0];
	v3 =	vmul.f32 v3, v5  }
0x48: {  	v34 =	vld [tilespmem:s30+$0x41F0];
	[tilespmem:s30+$0x4180] =	vst v2;
	v2 =	vmul.f32 v4, v5  }
0x49: {  	v35 =	vld [tilespmem:s30+$0x4200];
	[tilespmem:s30+$0x4190] =	vst v3;
	v3 =	vmul.f32 v6, v5  }
0x4a: {  	v36 =	vld [tilespmem:s30+$0x4210];
	[tilespmem:s30+$0x41A0] =	vst v2;
	v2 =	vmul.f32 v7, v5  }
0x4b: {  	v37 =	vld [tilespmem:s30+$0x4220];
	[tilespmem:s30+$0x41B0] =	vst v3;
	v3 =	vmul.f32 v8, v5  }
0x4c: {  	v10 =	vld [tilespmem:s30+$0x4230];
	v38 =	vbroadcast v1, $0x1;
	[tilespmem:s30+$0x41C0] =	vst v2;
	v2 =	vmul.f32 v9, v5  }
0x4d: {  	v39 =	vld [tilespmem:s30+$0x4240];
	[tilespmem:s30+$0x41D0] =	vst v3;
	v3 =	vmul.f32 v34, v5  }
0x4e: {  	v40 =	vld [tilespmem:s30+$0x4250];
	[tilespmem:s30+$0x41E0] =	vst v2;
	v2 =	vmul.f32 v35, v38  }
0x4f: {  	v41 =	vld [tilespmem:s30+$0x4260];
	[tilespmem:s30+$0x41F0] =	vst v3;
	v3 =	vmul.f32 v36, v38  }
0x50: {  	v42 =	vld [tilespmem:s30+$0x4270];
	[tilespmem:s30+$0x4200] =	vst v2;
	v2 =	vmul.f32 v37, v38  }
0x51: {  	v43 =	vld [tilespmem:s30+$0x4280];
	[tilespmem:s30+$0x4210] =	vst v3;
	v3 =	vmul.f32 v10, v38  }
0x52: {  	v44 =	vld [tilespmem:s30+$0x4290];
	[tilespmem:s30+$0x4220] =	vst v2;
	v2 =	vmul.f32 v39, v38  }
0x53: {  	v45 =	vld [tilespmem:s30+$0x42A0];
	[tilespmem:s30+$0x4230] =	vst v3;
	v3 =	vmul.f32 v40, v38  }
0x54: {  	v47 =	vld [tilespmem:s30+$0x42B0];
	v46 =	vbroadcast v1, $0x2;
	[tilespmem:s30+$0x4240] =	vst v2;
	v2 =	vmul.f32 v41, v38  }
0x55: {  	v48 =	vld [tilespmem:s30+$0x42C0];
	[tilespmem:s30+$0x4250] =	vst v3;
	v3 =	vmul.f32 v42, v38  }
0x56: {  	v49 =	vld [tilespmem:s30+$0x42D0];
	[tilespmem:s30+$0x4260] =	vst v2;
	v2 =	vmul.f32 v43, v46  }
0x57: {  	v50 =	vld [tilespmem:s30+$0x42E0];
	[tilespmem:s30+$0x4270] =	vst v3;
	v3 =	vmul.f32 v44, v46  }
0x58: {  	v51 =	vld [tilespmem:s30+$0x42F0];
	[tilespmem:s30+$0x4280] =	vst v2;
	v2 =	vmul.f32 v45, v46  }
0x59: {  	v52 =	vld [tilespmem:s30+$0x4300];
	[tilespmem:s30+$0x4290] =	vst v3;
	v3 =	vmul.f32 v47, v46  }
0x5a: {  	v53 =	vld [tilespmem:s30+$0x4310];
	[tilespmem:s30+$0x42A0] =	vst v2;
	v2 =	vmul.f32 v48, v46  }
0x5b: {  	v54 =	vld [tilespmem:s30+$0x4320];
	[tilespmem:s30+$0x42B0] =	vst v3;
	v3 =	vmul.f32 v49, v46  }
0x5c: {  	v56 =	vld [tilespmem:s30+$0x4330];
	v55 =	vbroadcast v1, $0x3;
	[tilespmem:s30+$0x42C0] =	vst v2;
	v2 =	vmul.f32 v50, v46  }
0x5d: {  	v57 =	vld [tilespmem:s30+$0x4340];
	[tilespmem:s30+$0x42D0] =	vst v3;
	v3 =	vmul.f32 v51, v46  }
0x5e: {  	v58 =	vld [tilespmem:s30+$0x4350];
	[tilespmem:s30+$0x42E0] =	vst v2;
	v2 =	vmul.f32 v52, v55  }
0x5f: {  	v59 =	vld [tilespmem:s30+$0x4360];
	[tilespmem:s30+$0x42F0] =	vst v3;
	v3 =	vmul.f32 v53, v55  }
0x60: {  	v60 =	vld [tilespmem:s30+$0x4370];
	[tilespmem:s30+$0x4300] =	vst v2;
	v2 =	vmul.f32 v54, v55  }
0x61: {  	v61 =	vld [tilespmem:s30+$0x4380];
	[tilespmem:s30+$0x4310] =	vst v3;
	v3 =	vmul.f32 v56, v55  }
0x62: {  	v62 =	vld [tilespmem:s30+$0x4390];
	[tilespmem:s30+$0x4320] =	vst v2;
	v2 =	vmul.f32 v57, v55  }
0x63: {  	v63 =	vld [tilespmem:s30+$0x43A0];
	[tilespmem:s30+$0x4330] =	vst v3;
	v3 =	vmul.f32 v58, v55  }
0x64: {  	v13 =	vld [tilespmem:s30+$0x43B0];
	v12 =	vbroadcast v1, $0x4;
	[tilespmem:s30+$0x4340] =	vst v2;
	v2 =	vmul.f32 v59, v55  }
0x65: {  	v14 =	vld [tilespmem:s30+$0x43C0];
	[tilespmem:s30+$0x4350] =	vst v3;
	v3 =	vmul.f32 v60, v55  }
0x66: {  	v15 =	vld [tilespmem:s30+$0x43D0];
	[tilespmem:s30+$0x4360] =	vst v2;
	v2 =	vmul.f32 v61, v12  }
0x67: {  	v16 =	vld [tilespmem:s30+$0x43E0];
	[tilespmem:s30+$0x4370] =	vst v3;
	v3 =	vmul.f32 v62, v12  }
0x68: {  	v17 =	vld [tilespmem:s30+$0x43F0];
	[tilespmem:s30+$0x4380] =	vst v2;
	v2 =	vmul.f32 v63, v12  }
0x69: {  	v18 =	vld [tilespmem:s30+$0x4400];
	[tilespmem:s30+$0x4390] =	vst v3;
	v3 =	vmul.f32 v13, v12  }
0x6a: {  	v19 =	vld [tilespmem:s30+$0x4410];
	[tilespmem:s30+$0x43A0] =	vst v2;
	v2 =	vmul.f32 v14, v12  }
0x6b: {  	v20 =	vld [tilespmem:s30+$0x4420];
	[tilespmem:s30+$0x43B0] =	vst v3;
	v3 =	vmul.f32 v15, v12  }
0x6c: {  	v22 =	vld [tilespmem:s30+$0x4430];
	v21 =	vbroadcast v1, $0x5;
	[tilespmem:s30+$0x43C0] =	vst v2;
	v2 =	vmul.f32 v16, v12  }
0x6d: {  	v23 =	vld [tilespmem:s30+$0x4440];
	[tilespmem:s30+$0x43D0] =	vst v3;
	v3 =	vmul.f32 v17, v12  }
0x6e: {  	v24 =	vld [tilespmem:s30+$0x4450];
	[tilespmem:s30+$0x43E0] =	vst v2;
	v2 =	vmul.f32 v18, v21  }
0x6f: {  	v25 =	vld [tilespmem:s30+$0x4460];
	[tilespmem:s30+$0x43F0] =	vst v3;
	v3 =	vmul.f32 v19, v21  }
0x70: {  	v26 =	vld [tilespmem:s30+$0x4470];
	[tilespmem:s30+$0x4400] =	vst v2;
	v2 =	vmul.f32 v20, v21  }
0x71: {  	v27 =	vld [tilespmem:s30+$0x4480];
	[tilespmem:s30+$0x4410] =	vst v3;
	v3 =	vmul.f32 v22, v21  }
0x72: {  	v28 =	vld [tilespmem:s30+$0x4490];
	[tilespmem:s30+$0x4420] =	vst v2;
	v2 =	vmul.f32 v23, v21  }
0x73: {  	v29 =	vld [tilespmem:s30+$0x44A0];
	[tilespmem:s30+$0x4430] =	vst v3;
	v3 =	vmul.f32 v24, v21  }
0x74: {  	v31 =	vld [tilespmem:s30+$0x44B0];
	v30 =	vbroadcast v1, $0x6;
	[tilespmem:s30+$0x4440] =	vst v2;
	v2 =	vmul.f32 v25, v21  }
0x75: {  	v32 =	vld [tilespmem:s30+$0x44C0];
	[tilespmem:s30+$0x4450] =	vst v3;
	v3 =	vmul.f32 v26, v21  }
0x76: {  	v33 =	vld [tilespmem:s30+$0x44D0];
	[tilespmem:s30+$0x4460] =	vst v2;
	v2 =	vmul.f32 v27, v30  }
0x77: {  	v34 =	vld [tilespmem:s30+$0x44E0];
	[tilespmem:s30+$0x4470] =	vst v3;
	v3 =	vmul.f32 v28, v30  }
0x78: {  	v35 =	vld [tilespmem:s30+$0x44F0];
	[tilespmem:s30+$0x4480] =	vst v2;
	v2 =	vmul.f32 v29, v30  }
0x79: {  	v36 =	vld [tilespmem:s30+$0x4500];
	[tilespmem:s30+$0x4490] =	vst v3;
	v3 =	vmul.f32 v31, v30  }
0x7a: {  	v37 =	vld [tilespmem:s30+$0x4510];
	[tilespmem:s30+$0x44A0] =	vst v2;
	v2 =	vmul.f32 v32, v30  }
0x7b: {  	v38 =	vld [tilespmem:s30+$0x4520];
	[tilespmem:s30+$0x44B0] =	vst v3;
	v3 =	vmul.f32 v33, v30  }
0x7c: {  	v39 =	vbroadcast v1, $0x7;
	v40 =	vld [tilespmem:s30+$0x4530];
	[tilespmem:s30+$0x44C0] =	vst v2;
	v2 =	vmul.f32 v34, v30  }
0x7d: {  	v41 =	vld [tilespmem:s30+$0x4540];
	[tilespmem:s30+$0x44D0] =	vst v3;
	v3 =	vmul.f32 v35, v30  }
0x7e: {  	v42 =	vld [tilespmem:s30+$0x4550];
	[tilespmem:s30+$0x44E0] =	vst v2;
	v2 =	vmul.f32 v36, v39  }
0x7f: {  	v43 =	vld [tilespmem:s30+$0x4560];
	[tilespmem:s30+$0x44F0] =	vst v3;
	v3 =	vmul.f32 v37, v39  }
0x80: {  	v44 =	vld [tilespmem:s30+$0x4570];
	[tilespmem:s30+$0x4500] =	vst v2;
	v2 =	vmul.f32 v38, v39  }
0x81: {  	v45 =	vld [tilespmem:s30+$0x4580];
	[tilespmem:s30+$0x4510] =	vst v3;
	v3 =	vmul.f32 v40, v39  }
0x82: {  	v46 =	vld [tilespmem:s30+$0x4590];
	[tilespmem:s30+$0x4520] =	vst v2;
	v2 =	vmul.f32 v41, v39  }
0x83: {  	v47 =	vld [tilespmem:s30+$0x45A0];
	[tilespmem:s30+$0x4530] =	vst v3;
	v3 =	vmul.f32 v42, v39  }
0x84: {  	v48 =	vbroadcast v1, $0x8;
	v49 =	vld [tilespmem:s30+$0x45B0];
	[tilespmem:s30+$0x4540] =	vst v2;
	v2 =	vmul.f32 v43, v39  }
0x85: {  	v50 =	vld [tilespmem:s30+$0x45C0];
	[tilespmem:s30+$0x4550] =	vst v3;
	v3 =	vmul.f32 v44, v39  }
0x86: {  	v51 =	vld [tilespmem:s30+$0x45D0];
	[tilespmem:s30+$0x4560] =	vst v2;
	v2 =	vmul.f32 v45, v48  }
0x87: {  	v52 =	vld [tilespmem:s30+$0x45E0];
	[tilespmem:s30+$0x4570] =	vst v3;
	v3 =	vmul.f32 v46, v48  }
0x88: {  	v53 =	vld [tilespmem:s30+$0x45F0];
	[tilespmem:s30+$0x4580] =	vst v2;
	v2 =	vmul.f32 v47, v48  }
0x89: {  	v54 =	vld [tilespmem:s30+$0x4600];
	[tilespmem:s30+$0x4590] =	vst v3;
	v3 =	vmul.f32 v49, v48  }
0x8a: {  	v55 =	vld [tilespmem:s30+$0x4610];
	[tilespmem:s30+$0x45A0] =	vst v2;
	v2 =	vmul.f32 v50, v48  }
0x8b: {  	v56 =	vld [tilespmem:s30+$0x4620];
	[tilespmem:s30+$0x45B0] =	vst v3;
	v3 =	vmul.f32 v51, v48  }
0x8c: {  	v57 =	vbroadcast v1, $0x9;
	v58 =	vld [tilespmem:s30+$0x4630];
	[tilespmem:s30+$0x45C0] =	vst v2;
	v2 =	vmul.f32 v52, v48  }
0x8d: {  	v59 =	vld [tilespmem:s30+$0x4640];
	[tilespmem:s30+$0x45D0] =	vst v3;
	v3 =	vmul.f32 v53, v48  }
0x8e: {  	v60 =	vld [tilespmem:s30+$0x4650];
	[tilespmem:s30+$0x45E0] =	vst v2;
	v2 =	vmul.f32 v54, v57  }
0x8f: {  	v61 =	vld [tilespmem:s30+$0x4660];
	[tilespmem:s30+$0x45F0] =	vst v3;
	v3 =	vmul.f32 v55, v57  }
0x90: {  	v62 =	vld [tilespmem:s30+$0x4670];
	[tilespmem:s30+$0x4600] =	vst v2;
	v2 =	vmul.f32 v56, v57  }
0x91: {  	v63 =	vld [tilespmem:s30+$0x4680];
	[tilespmem:s30+$0x4610] =	vst v3;
	v3 =	vmul.f32 v58, v57  }
0x92: {  	v12 =	vld [tilespmem:s30+$0x4690];
	[tilespmem:s30+$0x4620] =	vst v2;
	v2 =	vmul.f32 v59, v57  }
0x93: {  	v13 =	vld [tilespmem:s30+$0x46A0];
	[tilespmem:s30+$0x4630] =	vst v3;
	v3 =	vmul.f32 v60, v57  }
0x94: {  	v14 =	vbroadcast v1, $0xA;
	v15 =	vld [tilespmem:s30+$0x46B0];
	[tilespmem:s30+$0x4640] =	vst v2;
	v2 =	vmul.f32 v61, v57  }
0x95: {  	v16 =	vld [tilespmem:s30+$0x46C0];
	[tilespmem:s30+$0x4650] =	vst v3;
	v3 =	vmul.f32 v62, v57  }
0x96: {  	v17 =	vld [tilespmem:s30+$0x46D0];
	[tilespmem:s30+$0x4660] =	vst v2;
	v2 =	vmul.f32 v63, v14  }
0x97: {  	v18 =	vld [tilespmem:s30+$0x46E0];
	[tilespmem:s30+$0x4670] =	vst v3;
	v3 =	vmul.f32 v12, v14  }
0x98: {  	v19 =	vld [tilespmem:s30+$0x46F0];
	[tilespmem:s30+$0x4680] =	vst v2;
	v2 =	vmul.f32 v13, v14  }
0x99: {  	v20 =	vld [tilespmem:s30+$0x4700];
	[tilespmem:s30+$0x4690] =	vst v3;
	v3 =	vmul.f32 v15, v14  }
0x9a: {  	v21 =	vld [tilespmem:s30+$0x4710];
	[tilespmem:s30+$0x46A0] =	vst v2;
	v2 =	vmul.f32 v16, v14  }
0x9b: {  	v22 =	vld [tilespmem:s30+$0x4720];
	[tilespmem:s30+$0x46B0] =	vst v3;
	v3 =	vmul.f32 v17, v14  }
0x9c: {  	v23 =	vbroadcast v1, $0xB;
	v24 =	vld [tilespmem:s30+$0x4730];
	[tilespmem:s30+$0x46C0] =	vst v2;
	v2 =	vmul.f32 v18, v14  }
0x9d: {  	v25 =	vld [tilespmem:s30+$0x4740];
	[tilespmem:s30+$0x46D0] =	vst v3;
	v3 =	vmul.f32 v19, v14  }
0x9e: {  	v26 =	vld [tilespmem:s30+$0x4750];
	[tilespmem:s30+$0x46E0] =	vst v2;
	v2 =	vmul.f32 v20, v23  }
0x9f: {  	v27 =	vld [tilespmem:s30+$0x4760];
	[tilespmem:s30+$0x46F0] =	vst v3;
	v3 =	vmul.f32 v21, v23  }
0xa0: {  	v28 =	vld [tilespmem:s30+$0x4770];
	[tilespmem:s30+$0x4700] =	vst v2;
	v2 =	vmul.f32 v22, v23  }
0xa1: {  	v29 =	vld [tilespmem:s30+$0x4780];
	[tilespmem:s30+$0x4710] =	vst v3;
	v3 =	vmul.f32 v24, v23  }
0xa2: {  	v30 =	vld [tilespmem:s30+$0x4790];
	[tilespmem:s30+$0x4720] =	vst v2;
	v2 =	vmul.f32 v25, v23  }
0xa3: {  	v31 =	vld [tilespmem:s30+$0x47A0];
	[tilespmem:s30+$0x4730] =	vst v3;
	v3 =	vmul.f32 v26, v23  }
0xa4: {  	v32 =	vbroadcast v1, $0xC;
	v33 =	vld [tilespmem:s30+$0x47B0];
	[tilespmem:s30+$0x4740] =	vst v2;
	v2 =	vmul.f32 v27, v23  }
0xa5: {  	v34 =	vld [tilespmem:s30+$0x47C0];
	[tilespmem:s30+$0x4750] =	vst v3;
	v3 =	vmul.f32 v28, v23  }
0xa6: {  	v35 =	vld [tilespmem:s30+$0x47D0];
	[tilespmem:s30+$0x4760] =	vst v2;
	v2 =	vmul.f32 v29, v32  }
0xa7: {  	v36 =	vld [tilespmem:s30+$0x47E0];
	[tilespmem:s30+$0x4770] =	vst v3;
	v3 =	vmul.f32 v30, v32  }
0xa8: {  	v37 =	vld [tilespmem:s30+$0x47F0];
	[tilespmem:s30+$0x4780] =	vst v2;
	v2 =	vmul.f32 v31, v32  }
0xa9: {  	v38 =	vld [tilespmem:s30+$0x4800];
	[tilespmem:s30+$0x4790] =	vst v3;
	v3 =	vmul.f32 v33, v32  }
0xaa: {  	v39 =	vld [tilespmem:s30+$0x4810];
	[tilespmem:s30+$0x47A0] =	vst v2;
	v2 =	vmul.f32 v34, v32  }
0xab: {  	v40 =	vld [tilespmem:s30+$0x4820];
	[tilespmem:s30+$0x47B0] =	vst v3;
	v3 =	vmul.f32 v35, v32  }
0xac: {  	v41 =	vbroadcast v1, $0xD;
	v42 =	vld [tilespmem:s30+$0x4830];
	[tilespmem:s30+$0x47C0] =	vst v2;
	v2 =	vmul.f32 v36, v32  }
0xad: {  	v43 =	vld [tilespmem:s30+$0x4840];
	[tilespmem:s30+$0x47D0] =	vst v3;
	v3 =	vmul.f32 v37, v32  }
0xae: {  	v44 =	vld [tilespmem:s30+$0x4850];
	[tilespmem:s30+$0x47E0] =	vst v2;
	v2 =	vmul.f32 v38, v41  }
0xaf: {  	v45 =	vld [tilespmem:s30+$0x4860];
	[tilespmem:s30+$0x47F0] =	vst v3;
	v3 =	vmul.f32 v39, v41  }
0xb0: {  	v46 =	vld [tilespmem:s30+$0x4870];
	[tilespmem:s30+$0x4800] =	vst v2;
	v2 =	vmul.f32 v40, v41  }
0xb1: {  	v47 =	vld [tilespmem:s30+$0x4880];
	[tilespmem:s30+$0x4810] =	vst v3;
	v3 =	vmul.f32 v42, v41  }
0xb2: {  	v48 =	vld [tilespmem:s30+$0x4890];
	[tilespmem:s30+$0x4820] =	vst v2;
	v2 =	vmul.f32 v43, v41  }
0xb3: {  	v49 =	vld [tilespmem:s30+$0x48A0];
	[tilespmem:s30+$0x4830] =	vst v3;
	v3 =	vmul.f32 v44, v41  }
0xb4: {  	v50 =	vbroadcast v1, $0xE;
	v51 =	vld [tilespmem:s30+$0x48B0];
	[tilespmem:s30+$0x4840] =	vst v2;
	v2 =	vmul.f32 v45, v41  }
0xb5: {  	v52 =	vld [tilespmem:s30+$0x48C0];
	[tilespmem:s30+$0x4850] =	vst v3;
	v3 =	vmul.f32 v46, v41  }
0xb6: {  	v53 =	vld [tilespmem:s30+$0x48D0];
	[tilespmem:s30+$0x4860] =	vst v2;
	v2 =	vmul.f32 v47, v50  }
0xb7: {  	v54 =	vld [tilespmem:s30+$0x48E0];
	[tilespmem:s30+$0x4870] =	vst v3;
	v3 =	vmul.f32 v48, v50  }
0xb8: {  	v55 =	vld [tilespmem:s30+$0x48F0];
	[tilespmem:s30+$0x4880] =	vst v2;
	v2 =	vmul.f32 v49, v50  }
0xb9: {  	v56 =	vld [tilespmem:s30+$0x4900];
	[tilespmem:s30+$0x4890] =	vst v3;
	v3 =	vmul.f32 v51, v50  }
0xba: {  	v57 =	vld [tilespmem:s30+$0x4910];
	[tilespmem:s30+$0x48A0] =	vst v2;
	v2 =	vmul.f32 v52, v50  }
0xbb: {  	v58 =	vld [tilespmem:s30+$0x4920];
	[tilespmem:s30+$0x48B0] =	vst v3;
	v3 =	vmul.f32 v53, v50  }
0xbc: {  	v1 =	vbroadcast v1, $0xF;
	v59 =	vld [tilespmem:s30+$0x4930];
	[tilespmem:s30+$0x48C0] =	vst v2;
	v2 =	vmul.f32 v54, v50  }
0xbd: {  	v60 =	vld [tilespmem:s30+$0x4940];
	[tilespmem:s30+$0x48D0] =	vst v3;
	v3 =	vmul.f32 v55, v50  }
0xbe: {  	v61 =	vld [tilespmem:s30+$0x4950];
	[tilespmem:s30+$0x48E0] =	vst v2;
	v2 =	vmul.f32 v56, v1  }
0xbf: {  	v62 =	vld [tilespmem:s30+$0x4960];
	[tilespmem:s30+$0x48F0] =	vst v3;
	v3 =	vmul.f32 v57, v1  }
0xc0: {  	v63 =	vld [tilespmem:s30+$0x4970];
	[tilespmem:s30+$0x4900] =	vst v2;
	v2 =	vmul.f32 v58, v1  }
0xc1: {  	[tilespmem:s30+$0x4910] =	vst v3;
	v3 =	vmul.f32 v59, v1  }
0xc2: {  	p0 =	sne.s32 s29, $0x7;
	[tilespmem:s30+$0x4920] =	vst v2;
	v2 =	vmul.f32 v60, v1  }
.Ltmp1:
0xc3: {  	[tilespmem:s30+$0x4930] =	vst v3;
	v3 =	vmul.f32 v61, v1;
	(pc) =	sbr.rel @p0 .LBB2_5-.Ltmp1, $4  }
0xc4: {  	[tilespmem:s30+$0x4940] =	vst v2;
	v2 =	vmul.f32 v62, v1  }
0xc5: {  	[tilespmem:s30+$0x4950] =	vst v3;
	v1 =	vmul.f32 v63, v1  }
0xc6: {  	[tilespmem:s30+$0x4960] =	vst v2  }
0xc7: {  	s29 =	sadd.s32 $0x1, s29;
	[tilespmem:s30+$0x4970] =	vst v1  }
0xc8: {  	s28 =	sadd.s32 $0x1, s28  }
0xc9: {  	p0 =	sne.s32 s28, $0x50  }
.Ltmp2:
0xca: {  	_ = 	snop;
	(pc) =	sbr.rel @p0 .LBB2_4-.Ltmp2, $4  }
0xcb: {  	[spmem:s2] =	stream.indirect.scatter.add.f32 [tilespmem:s15], [sflag:$0x2], $0x80, s18, s20, $0xb8;
	[tilespmem:$0xA1C0] =	vst v63  }
0xcc: {  	_ =	swait.ge [sflag:s16], $0x4000  }
0xcd: {  	[sflag:s16] =	ssyncset.done $0x0  }
0xce: {  	[sflag:s16] =	ssyncadd.s32 $0xFFFFC000  }
0xcf: {  	[tilespmem:s22], [sflag:$0x2] =	stream.linear.gather [hbm4b:s11+s3], $0x40, $0x38;
	[tilespmem:$0xA1C0] =	vst v63  }
0xd0: {  	_ =	swait.ge [sflag:s16], $0x40  }
0xd1: {  	[sflag:s16] =	ssyncset.done $0x0  }
0xd2: {  	[sflag:s16] =	ssyncadd.s32 $0xFFFFFFC0  }
0xd3: {  	[tilespmem:s24], [sflag:$0x1] =	stream.indirect.gather [hbm4b:s1+s23], $0x80, s22, s23, $0xb8;
	[tilespmem:$0xA1C0] =	vst v63  }
0xd4: {  	_ =	swait.ge [sflag:s21], $0x2000  }
0xd5: {  	[sflag:s21] =	ssyncset.done $0x0  }
0xd6: {  	[sflag:s21] =	ssyncadd.s32 $0xFFFFE000  }
0xd7: {  	[hbm4b:s12+s3] =	stream.linear.scatter [tilespmem:s24], [sflag:$0x2], $0x2000, $0x38;
	[tilespmem:$0xA1C0] =	vst v63  }
0xd8: {  	_ =	swait.ge [sflag:s16], $0x2000  }
0xd9: {  	s26 =	sshll.u32 s5, $0x6;
	s25 =	sadd.s32 $0x1, s25;
	[sflag:s16] =	ssyncset.done $0x0  }
0xda: {  	s28 =	sshrl.u32 s9, $0x3;
	p0 =	sne.s32 s25, s14;
	[sflag:s16] =	ssyncadd.s32 $0xFFFFE000  }
.Ltmp3:
0xdb: {  	s26 =	sor.u32 $0x1C02, s26;
	[bflag:$0x0] =	sbarrier.arrive $0xFFFF;
	(pc) =	sbr.rel @p0 .LBB2_1-.Ltmp3, $4  }
0xdc: {  	[hbm:s13], [sflag:s26] =	dma.local [spmem:s28], $0x800  }
0xdd: {  	_ =	swait.ge [sflag:s16], $0x800  }
0xde: {  	[sflag:s16] =	ssyncset.done $0x0  }
0xdf: {  	[sflag:s16] =	ssyncadd.s32 $0xFFFFF800  }
0xe0: {  	_ =	sfence.sel $0x180000  }
0xe1: {  	[bflag:$0x0] =	sbarrier.arrive $0xFFFF  }
0xe2: {  	p0 =	sne.s32 s5, $0x0;
	_ =	strace $0x9000004A  }
0xe3: {  	s0 =	sadd.s32 @!p0 $0x100000, s0;
	[bflag:$0x2] =	sbarrier.arrive $0xFFFF  }
0xe4: {  	[sflag:s0] =	ssyncadd.tile.s32 @!p0 $0x1;
	_ =	shalt  }
.Lfunc_end2:
_tile_overlayer_lowered:
.L_overlay_start_2:
0xe5: {  	(tag) =	ssettag $0x2  }
0xe6: {  	s0 =	rddreg [dreg:$0x0];
	s2 =	stileid.u32  }
0xe7: {  	s1 =	rddreg [dreg:$0x1];
	p0 =	sne.s32 s2, $0x0  }
0xe8: {  	s3 =	rddreg [dreg:$0x2];
	[bflag:$0x3] =	sbarrier.arrive $0xFFFF;
	s2 =	simm.s32 @!p0 $0x1C02  }
0xe9: {  	[timem:s3], [sflag:s2] =	dma.local @!p0 [hbm:s0], s1  }
0xea: {  	s0 =	simm.s32 @!p0 $0x2  }
0xeb: {  	_ =	swait.ge @!p0 [sflag:s0], s1  }
0xec: {  	s1 =	ssub.s32 @!p0 $0x0, s1;
	[sflag:s0] =	ssyncset.done @!p0 $0x0  }
0xed: {  	[sflag:s0] =	ssyncadd.s32 @!p0 s1  }
0xee: {  	[bflag:$0x3] =	sbarrier.arrive $0xFFFF  }
0xef: {  	_ =	shalt  }

</sc_bundles>
